<compile_context>
chip_gen: v7x
topology: tpu7x:2x2x1
jax: 0.10.2.dev20260603
libtpu: 0.0.44.dev20260713+nightly
codegen_flags: <defaults>
</compile_context>

<pallas_src>
import functools

import jax
import jax.numpy as jnp
from jax import lax
from jax.experimental import pallas as pl
from jax.experimental.pallas import tpu as pltpu
from jax.experimental.pallas import tpu_sc as plsc

_INFO = plsc.get_sparse_core_info()
_NC, _NS, _L = _INFO.num_cores, _INFO.num_subcores, _INFO.num_lanes
_NW = _NC * _NS

_B = 16384
_D = 64
_BPW = _B // _NW
_NBUF = 8
_NGRP = _BPW // _NBUF
_ENT = 1000000
_PREP_BLK = 16384


def _tc_prep(e1t, e2t):

    def prep_kernel(a_ref, b_ref, o_ref):
        au = jax.lax.bitcast_convert_type(a_ref[...], jnp.uint32)
        bu = jax.lax.bitcast_convert_type(b_ref[...], jnp.uint32)
        half = jnp.uint32(0x8000)
        hi = jnp.uint32(0xFFFF0000)
        w = ((bu + half) & hi) | ((au + half) >> jnp.uint32(16))
        hb = _PREP_BLK // 2
        o_ref[...] = jnp.concatenate((w[:, :hb].T, w[:, hb:].T), axis=1)

    return pl.pallas_call(
        prep_kernel,
        grid=(pl.cdiv(_ENT, _PREP_BLK),),
        in_specs=[
            pl.BlockSpec((_D, _PREP_BLK), lambda j: (0, j)),
            pl.BlockSpec((_D, _PREP_BLK), lambda j: (0, j)),
        ],
        out_specs=pl.BlockSpec((_PREP_BLK // 2, 2 * _D), lambda j: (j, 0)),
        out_shape=jax.ShapeDtypeStruct(
            (pl.cdiv(_ENT, _PREP_BLK) * (_PREP_BLK // 2), 2 * _D), jnp.uint32),
    )(e1t, e2t)


def _unpack_pair(w):
    lo = jax.lax.bitcast_convert_type(w << jnp.uint32(16), jnp.float32)
    hi = jax.lax.bitcast_convert_type(w & jnp.uint32(0xFFFF0000), jnp.float32)
    return lo, hi


def _sc_partials(ctab, rtab, h, t, r):

    mesh = plsc.VectorSubcoreMesh(core_axis_name="c", subcore_axis_name="s")

    @functools.partial(
        pl.kernel,
        out_type=jax.ShapeDtypeStruct((_B // _NBUF, _NBUF * _L), jnp.float32),
        mesh=mesh,
        scratch_types=[
            pltpu.VMEM((_BPW + _L,), jnp.int32),
            pltpu.VMEM((_BPW + _L,), jnp.int32),
            pltpu.VMEM((_BPW + _L,), jnp.int32),
            pltpu.VMEM((_NBUF, 3, 2 * _D), jnp.uint32),
            pltpu.VMEM((500, 2 * _D), jnp.uint32),
            pltpu.VMEM((_NGRP, _NBUF * _L), jnp.float32),
            pltpu.SemaphoreType.DMA((_NBUF,)),
        ],
        compiler_params=pltpu.CompilerParams(use_tc_tiling_on_sc=True),
    )
    def sc_kernel(ctab_h, rtab_h, h_h, t_h, r_h, out_h,
                  hv, tv, rv, ring, rtv, ps, sem):
        wid = lax.axis_index("s") * _NC + lax.axis_index("c")
        base = wid * _BPW

        pltpu.sync_copy(h_h.at[pl.ds(base, _BPW)], hv.at[pl.ds(0, _BPW)])
        pltpu.sync_copy(t_h.at[pl.ds(base, _BPW)], tv.at[pl.ds(0, _BPW)])
        pltpu.sync_copy(r_h.at[pl.ds(base, _BPW)], rv.at[pl.ds(0, _BPW)])
        pltpu.sync_copy(rtab_h, rtv)

        def issue(slot, hs, ts):
            hrow = ((hs >> 14) << 13) | (hs & 8191)
            trow = ((ts >> 14) << 13) | (ts & 8191)
            pltpu.async_copy(ctab_h.at[hrow], ring.at[slot, 0], sem.at[slot])
            pltpu.async_copy(ctab_h.at[trow], ring.at[slot, 1], sem.at[slot])

        def drain(slot):
            for i in range(2):
                pltpu.make_async_copy(
                    ctab_h.at[0], ring.at[slot, i], sem.at[slot]).wait()

        def fold(slot, g, ho, to, rrow, ro):
            acc = jnp.zeros((_L,), jnp.float32)
            for k in range(_D // _L):
                x1, x2 = _unpack_pair(ring[slot, 0, pl.ds(ho + k * _L, _L)])
                y1, y2 = _unpack_pair(ring[slot, 1, pl.ds(to + k * _L, _L)])
                w1, w2 = _unpack_pair(rtv[rrow, pl.ds(ro + k * _L, _L)])
                acc = acc + y1 * (x1 * w1 - x2 * w2) + y2 * (x2 * w1 + x1 * w2)
            ps[g, pl.ds(slot * _L, _L)] = acc

        h0 = hv[pl.ds(0, _L)]
        t0 = tv[pl.ds(0, _L)]
        r0 = rv[pl.ds(0, _L)]
        for b in range(_NBUF):
            issue(b, h0[b], t0[b])

        def group(g, carry):
            hn = hv[pl.ds((g + 1) * _NBUF, _L)]
            tn = tv[pl.ds((g + 1) * _NBUF, _L)]
            hc = hv[pl.ds(g * _NBUF, _L)]
            tc_ = tv[pl.ds(g * _NBUF, _L)]
            rc = rv[pl.ds(g * _NBUF, _L)]
            for b in range(_NBUF):
                drain(b)
                fold(b, g, ((hc[b] >> 13) & 1) * _D,
                     ((tc_[b] >> 13) & 1) * _D, rc[b] >> 1, (rc[b] & 1) * _D)

                @pl.when(g < _NGRP - 1)
                def _():
                    issue(b, hn[b], tn[b])
            return carry

        lax.fori_loop(0, _NGRP, group, 0)
        pltpu.sync_copy(ps, out_h.at[pl.ds(wid * _NGRP, _NGRP)])

    return sc_kernel(ctab, rtab, h, t, r)


def _tc_loss(p2, yneg_rep):

    def tc_kernel(p_ref, y_ref, o_ref):
        t = p_ref[...] * y_ref[...]
        li = lax.broadcasted_iota(jnp.int32, (128, 128), 0)
        ci = lax.broadcasted_iota(jnp.int32, (128, 128), 1)
        fold = (li // _L == ci // _L).astype(jnp.float32)
        z = jnp.dot(t, fold, preferred_element_type=jnp.float32)
        sp = jnp.maximum(z, 0.0) + jnp.log1p(jnp.exp(-jnp.abs(z)))
        o_ref[0, 0] = jnp.sum(sp) * (1.0 / (_L * _B))

    return pl.pallas_call(
        tc_kernel,
        out_shape=jax.ShapeDtypeStruct((1, 1), jnp.float32),
        out_specs=pl.BlockSpec(memory_space=pltpu.SMEM),
    )(p2, yneg_rep)


def kernel(ent1, ent2, rel1, rel2, h, t, r, y):
    ctab = _tc_prep(ent1.T, ent2.T)
    ru1 = jax.lax.bitcast_convert_type(rel1, jnp.uint32)
    ru2 = jax.lax.bitcast_convert_type(rel2, jnp.uint32)
    half, hi = jnp.uint32(0x8000), jnp.uint32(0xFFFF0000)
    rtab = (((ru2 + half) & hi) | ((ru1 + half) >> jnp.uint32(16))).reshape(500, 128)
    partials = _sc_partials(ctab, rtab, h, t, r)
    yneg_rep = jnp.repeat(-y, _L).reshape(_B // 8, 8 * _L)
    loss = _tc_loss(partials, yneg_rep)
    return loss[0, 0]

# --- scband reference (transcript-rebuilt; emitter-appended) ---
"""Pipeline reference for scband-compl-ex-57526791962737 (READ-ONLY COPY).

The authoritative reference and input builder live on the scoring server;
editing this copy changes nothing except your own understanding.
"""

import jax, jax.numpy as jnp
import numpy as np

ENT = 1000000
REL = 1000
D = 64
B = 16384
LMBDA = 0.0


def setup_inputs(seed: int = 0) -> dict:
    key = jax.random.key(seed)
    k1, k2, k3, k4, k5, k6, k7, k8 = jax.random.split(key, 8)
    # xavier/glorot uniform initialization
    lim_e = float(np.sqrt(6.0 / (ENT + D)))
    lim_r = float(np.sqrt(6.0 / (REL + D)))
    ent1 = jax.random.uniform(k1, (ENT, D), minval=-lim_e, maxval=lim_e, dtype=jnp.float32)
    ent2 = jax.random.uniform(k2, (ENT, D), minval=-lim_e, maxval=lim_e, dtype=jnp.float32)
    rel1 = jax.random.uniform(k3, (REL, D), minval=-lim_r, maxval=lim_r, dtype=jnp.float32)
    rel2 = jax.random.uniform(k4, (REL, D), minval=-lim_r, maxval=lim_r, dtype=jnp.float32)
    h = jax.random.randint(k5, (B,), 0, ENT, dtype=jnp.int32)
    t = jax.random.randint(k6, (B,), 0, ENT, dtype=jnp.int32)
    r = jax.random.randint(k7, (B,), 0, REL, dtype=jnp.int32)
    # +/-1 labels as in margin-free logistic KGE training
    y = jnp.where(jax.random.normal(k8, (B,), dtype=jnp.float32) >= 0.0, 1.0, -1.0).astype(jnp.float32)
    return {"ent1": ent1, "ent2": ent2, "rel1": rel1, "rel2": rel2, "h": h, "t": t, "r": r, "y": y}


def reference(ent1, ent2, rel1, rel2, h, t, r, y):
    # embedding lookups (SparseCore gathers)
    e1_h = jnp.take(ent1, h, axis=0)
    e2_h = jnp.take(ent2, h, axis=0)
    e1_t = jnp.take(ent1, t, axis=0)
    e2_t = jnp.take(ent2, t, axis=0)
    r1 = jnp.take(rel1, r, axis=0)
    r2 = jnp.take(rel2, r, axis=0)
    # ComplEx trilinear score
    calc = e1_h * e1_t * r1 + e2_h * e2_t * r1 + e1_h * e2_t * r2 - e2_h * e1_t * r2
    res = jnp.sum(calc, axis=1)
    loss_func = jnp.mean(jax.nn.softplus(-y * res))
    regul_func = (jnp.mean(e1_h ** 2) + jnp.mean(e1_t ** 2) + jnp.mean(e2_h ** 2)
                  + jnp.mean(e2_t ** 2) + jnp.mean(r1 ** 2) + jnp.mean(r2 ** 2))
    return loss_func + LMBDA * regul_func

if __name__ == "__main__":
    import jax
    _d = setup_inputs()
    print(jax.jit(kernel)(*tuple(_d.values())))

</pallas_src>

<mosaic_0001>
#map = affine_map<(d0, d1) -> (0, 0)>
#map1 = affine_map<(d0, d1) -> (0)>
module attributes {stable_mosaic.version = 14 : i64} {
  func.func @sc_kernel(%arg0: i32, %arg1: i32, %arg2: memref<507904x128xi32, #tpu.memory_space<hbm>>, %arg3: memref<500x128xi32, #tpu.memory_space<hbm>>, %arg4: memref<16384xi32, #tpu.memory_space<hbm>>, %arg5: memref<16384xi32, #tpu.memory_space<hbm>>, %arg6: memref<16384xi32, #tpu.memory_space<hbm>>, %arg7: memref<2048x128xf32, #tpu.memory_space<hbm>>, %arg8: memref<528xi32, #tpu.memory_space<vmem>>, %arg9: memref<528xi32, #tpu.memory_space<vmem>>, %arg10: memref<528xi32, #tpu.memory_space<vmem>>, %arg11: memref<8x3x128xi32, #tpu.memory_space<vmem>>, %arg12: memref<500x128xi32, #tpu.memory_space<vmem>>, %arg13: memref<64x128xf32, #tpu.memory_space<vmem>>, %arg14: memref<8x!tpu.dma_semaphore, #tpu.memory_space<semaphore_mem>>) attributes {dimension_semantics = [#tpu.dimension_semantics<core_parallel>, #tpu.dimension_semantics<subcore_parallel>], iteration_bounds = array<i64: 2, 16>, scalar_prefetch = 0 : i64, scratch_operands = 7 : i64, tpu.core_type = #tpu.core_type<sc_vector_subcore>, window_params = [{transform_indices = #map}, {transform_indices = #map}, {transform_indices = #map1}, {transform_indices = #map1}, {transform_indices = #map1}, {transform_indices = #map}]} {
    %mul3A = arith.constant 2 : i32
    %mul3A_0 = arith.muli %arg1, %mul3A : i32
    %add3A = arith.addi %mul3A_0, %arg0 : i32
    %mul3A_1 = arith.constant 512 : i32
    %mul3A_2 = arith.muli %add3A, %mul3A_1 : i32
    "tpu.region"() ({
      %run_scoped3A = tpu.sem_alloc : memref<!tpu.dma_semaphore, #tpu.memory_space<semaphore_mem>>
      %dma_start3A_427 = arith.constant 0 : i32
      %dma_start3A_428 = tpu.memref_slice %arg8[%dma_start3A_427] : memref<528xi32, #tpu.memory_space<vmem>> -> memref<512xi32, #tpu.memory_space<vmem>>
      %dma_start3A_429 = tpu.memref_slice %arg4[%mul3A_2] : memref<16384xi32, #tpu.memory_space<hbm>> -> memref<512xi32, #tpu.memory_space<hbm>>
      %dma_start3A_430 = arith.constant 0 : i32
      %dma_start3A_431 = tpu.memref_slice %arg8[%dma_start3A_430] : memref<528xi32, #tpu.memory_space<vmem>> -> memref<512xi32, #tpu.memory_space<vmem>>
      %dma_start3A_432 = tpu.memref_slice %arg4[%mul3A_2] : memref<16384xi32, #tpu.memory_space<hbm>> -> memref<512xi32, #tpu.memory_space<hbm>>
      tpu.enqueue_dma source(%dma_start3A_432 : memref<512xi32, #tpu.memory_space<hbm>>) target(%dma_start3A_431 : memref<512xi32, #tpu.memory_space<vmem>>) target_semaphore(%run_scoped3A : memref<!tpu.dma_semaphore, #tpu.memory_space<semaphore_mem>>)
      %dma_wait3A = arith.constant 0 : i32
      %dma_wait3A_433 = tpu.memref_slice %arg8[%dma_wait3A] : memref<528xi32, #tpu.memory_space<vmem>> -> memref<512xi32, #tpu.memory_space<vmem>>
      %dma_wait3A_434 = tpu.memref_slice %arg4[%mul3A_2] : memref<16384xi32, #tpu.memory_space<hbm>> -> memref<512xi32, #tpu.memory_space<hbm>>
      %dma_wait3A_435 = arith.constant 0 : i32
      %dma_wait3A_436 = tpu.memref_slice %arg8[%dma_wait3A_435] : memref<528xi32, #tpu.memory_space<vmem>> -> memref<512xi32, #tpu.memory_space<vmem>>
      %dma_wait3A_437 = tpu.memref_slice %arg4[%mul3A_2] : memref<16384xi32, #tpu.memory_space<hbm>> -> memref<512xi32, #tpu.memory_space<hbm>>
      tpu.wait_dma2 semaphore(%run_scoped3A : memref<!tpu.dma_semaphore, #tpu.memory_space<semaphore_mem>>) src(%dma_wait3A_437 : memref<512xi32, #tpu.memory_space<hbm>>) dst(%dma_wait3A_436 : memref<512xi32, #tpu.memory_space<vmem>>)
      tpu.yield
    }) : () -> ()
    "tpu.region"() ({
      %run_scoped3A = tpu.sem_alloc : memref<!tpu.dma_semaphore, #tpu.memory_space<semaphore_mem>>
      %dma_start3A_427 = arith.constant 0 : i32
      %dma_start3A_428 = tpu.memref_slice %arg9[%dma_start3A_427] : memref<528xi32, #tpu.memory_space<vmem>> -> memref<512xi32, #tpu.memory_space<vmem>>
      %dma_start3A_429 = tpu.memref_slice %arg5[%mul3A_2] : memref<16384xi32, #tpu.memory_space<hbm>> -> memref<512xi32, #tpu.memory_space<hbm>>
      %dma_start3A_430 = arith.constant 0 : i32
      %dma_start3A_431 = tpu.memref_slice %arg9[%dma_start3A_430] : memref<528xi32, #tpu.memory_space<vmem>> -> memref<512xi32, #tpu.memory_space<vmem>>
      %dma_start3A_432 = tpu.memref_slice %arg5[%mul3A_2] : memref<16384xi32, #tpu.memory_space<hbm>> -> memref<512xi32, #tpu.memory_space<hbm>>
      tpu.enqueue_dma source(%dma_start3A_432 : memref<512xi32, #tpu.memory_space<hbm>>) target(%dma_start3A_431 : memref<512xi32, #tpu.memory_space<vmem>>) target_semaphore(%run_scoped3A : memref<!tpu.dma_semaphore, #tpu.memory_space<semaphore_mem>>)
      %dma_wait3A = arith.constant 0 : i32
      %dma_wait3A_433 = tpu.memref_slice %arg9[%dma_wait3A] : memref<528xi32, #tpu.memory_space<vmem>> -> memref<512xi32, #tpu.memory_space<vmem>>
      %dma_wait3A_434 = tpu.memref_slice %arg5[%mul3A_2] : memref<16384xi32, #tpu.memory_space<hbm>> -> memref<512xi32, #tpu.memory_space<hbm>>
      %dma_wait3A_435 = arith.constant 0 : i32
      %dma_wait3A_436 = tpu.memref_slice %arg9[%dma_wait3A_435] : memref<528xi32, #tpu.memory_space<vmem>> -> memref<512xi32, #tpu.memory_space<vmem>>
      %dma_wait3A_437 = tpu.memref_slice %arg5[%mul3A_2] : memref<16384xi32, #tpu.memory_space<hbm>> -> memref<512xi32, #tpu.memory_space<hbm>>
      tpu.wait_dma2 semaphore(%run_scoped3A : memref<!tpu.dma_semaphore, #tpu.memory_space<semaphore_mem>>) src(%dma_wait3A_437 : memref<512xi32, #tpu.memory_space<hbm>>) dst(%dma_wait3A_436 : memref<512xi32, #tpu.memory_space<vmem>>)
      tpu.yield
    }) : () -> ()
    "tpu.region"() ({
      %run_scoped3A = tpu.sem_alloc : memref<!tpu.dma_semaphore, #tpu.memory_space<semaphore_mem>>
      %dma_start3A_427 = arith.constant 0 : i32
      %dma_start3A_428 = tpu.memref_slice %arg10[%dma_start3A_427] : memref<528xi32, #tpu.memory_space<vmem>> -> memref<512xi32, #tpu.memory_space<vmem>>
      %dma_start3A_429 = tpu.memref_slice %arg6[%mul3A_2] : memref<16384xi32, #tpu.memory_space<hbm>> -> memref<512xi32, #tpu.memory_space<hbm>>
      %dma_start3A_430 = arith.constant 0 : i32
      %dma_start3A_431 = tpu.memref_slice %arg10[%dma_start3A_430] : memref<528xi32, #tpu.memory_space<vmem>> -> memref<512xi32, #tpu.memory_space<vmem>>
      %dma_start3A_432 = tpu.memref_slice %arg6[%mul3A_2] : memref<16384xi32, #tpu.memory_space<hbm>> -> memref<512xi32, #tpu.memory_space<hbm>>
      tpu.enqueue_dma source(%dma_start3A_432 : memref<512xi32, #tpu.memory_space<hbm>>) target(%dma_start3A_431 : memref<512xi32, #tpu.memory_space<vmem>>) target_semaphore(%run_scoped3A : memref<!tpu.dma_semaphore, #tpu.memory_space<semaphore_mem>>)
      %dma_wait3A = arith.constant 0 : i32
      %dma_wait3A_433 = tpu.memref_slice %arg10[%dma_wait3A] : memref<528xi32, #tpu.memory_space<vmem>> -> memref<512xi32, #tpu.memory_space<vmem>>
      %dma_wait3A_434 = tpu.memref_slice %arg6[%mul3A_2] : memref<16384xi32, #tpu.memory_space<hbm>> -> memref<512xi32, #tpu.memory_space<hbm>>
      %dma_wait3A_435 = arith.constant 0 : i32
      %dma_wait3A_436 = tpu.memref_slice %arg10[%dma_wait3A_435] : memref<528xi32, #tpu.memory_space<vmem>> -> memref<512xi32, #tpu.memory_space<vmem>>
      %dma_wait3A_437 = tpu.memref_slice %arg6[%mul3A_2] : memref<16384xi32, #tpu.memory_space<hbm>> -> memref<512xi32, #tpu.memory_space<hbm>>
      tpu.wait_dma2 semaphore(%run_scoped3A : memref<!tpu.dma_semaphore, #tpu.memory_space<semaphore_mem>>) src(%dma_wait3A_437 : memref<512xi32, #tpu.memory_space<hbm>>) dst(%dma_wait3A_436 : memref<512xi32, #tpu.memory_space<vmem>>)
      tpu.yield
    }) : () -> ()
    "tpu.region"() ({
      %run_scoped3A = tpu.sem_alloc : memref<!tpu.dma_semaphore, #tpu.memory_space<semaphore_mem>>
      tpu.enqueue_dma source(%arg3 : memref<500x128xi32, #tpu.memory_space<hbm>>) target(%arg12 : memref<500x128xi32, #tpu.memory_space<vmem>>) target_semaphore(%run_scoped3A : memref<!tpu.dma_semaphore, #tpu.memory_space<semaphore_mem>>)
      tpu.wait_dma2 semaphore(%run_scoped3A : memref<!tpu.dma_semaphore, #tpu.memory_space<semaphore_mem>>) src(%arg3 : memref<500x128xi32, #tpu.memory_space<hbm>>) dst(%arg12 : memref<500x128xi32, #tpu.memory_space<vmem>>)
      tpu.yield
    }) : () -> ()
    %get3A = arith.constant 0 : index
    %get3A_3 = tpu.vector_load %arg8[%get3A] {strides = array<i32>} : memref<528xi32, #tpu.memory_space<vmem>>, vector<16xi32>,
    %get3A_4 = vector.shape_cast %get3A_3 : vector<16xi32> to vector<16xi32>
    %get3A_5 = arith.constant 0 : index
    %get3A_6 = tpu.vector_load %arg9[%get3A_5] {strides = array<i32>} : memref<528xi32, #tpu.memory_space<vmem>>, vector<16xi32>,
    %get3A_7 = vector.shape_cast %get3A_6 : vector<16xi32> to vector<16xi32>
    %get3A_8 = arith.constant 0 : index
    %get3A_9 = tpu.vector_load %arg10[%get3A_8] {strides = array<i32>} : memref<528xi32, #tpu.memory_space<vmem>>, vector<16xi32>,
    %get3A_10 = vector.shape_cast %get3A_9 : vector<16xi32> to vector<16xi32>
    %slice3A = vector.extract_strided_slice %get3A_4 {offsets = [0], sizes = [1], strides = [1]} : vector<16xi32> to vector<1xi32>
    %squeeze3A = vector.extract %slice3A[0] : i32 from vector<1xi32>
    %slice3A_11 = vector.extract_strided_slice %get3A_7 {offsets = [0], sizes = [1], strides = [1]} : vector<16xi32> to vector<1xi32>
    %squeeze3A_12 = vector.extract %slice3A_11[0] : i32 from vector<1xi32>
    %shift_right_arithmetic3A = arith.constant 14 : i32
    %shift_right_arithmetic3A_13 = arith.shrsi %squeeze3A, %shift_right_arithmetic3A : i32
    %shift_left3A = arith.constant 13 : i32
    %shift_left3A_14 = arith.shli %shift_right_arithmetic3A_13, %shift_left3A : i32
    %and3A = arith.constant 8191 : i32
    %and3A_15 = arith.andi %squeeze3A, %and3A : i32
    %or3A = arith.ori %shift_left3A_14, %and3A_15 : i32
    %shift_right_arithmetic3A_16 = arith.constant 14 : i32
    %shift_right_arithmetic3A_17 = arith.shrsi %squeeze3A_12, %shift_right_arithmetic3A_16 : i32
    %shift_left3A_18 = arith.constant 13 : i32
    %shift_left3A_19 = arith.shli %shift_right_arithmetic3A_17, %shift_left3A_18 : i32
    %and3A_20 = arith.constant 8191 : i32
    %and3A_21 = arith.andi %squeeze3A_12, %and3A_20 : i32
    %or3A_22 = arith.ori %shift_left3A_19, %and3A_21 : i32
    %dma_start3A = arith.constant 0 : i32
    %dma_start3A_23 = arith.constant 0 : i32
    %dma_start3A_24 = arith.constant 0 : i32
    %dma_start3A_25 = arith.constant 0 : i32
    %dma_start3A_26 = tpu.memref_slice %arg11[%dma_start3A, %dma_start3A_23, %dma_start3A_25] : memref<8x3x128xi32, #tpu.memory_space<vmem>> -> memref<1x1x128xi32, #tpu.memory_space<vmem>>
    %dma_start3A_27 = tpu.memref_squeeze %dma_start3A_26 : memref<1x1x128xi32, #tpu.memory_space<vmem>> -> memref<128xi32, #tpu.memory_space<vmem>>
    %dma_start3A_28 = arith.constant 0 : i32
    %dma_start3A_29 = tpu.memref_slice %arg2[%or3A, %dma_start3A_28] : memref<507904x128xi32, #tpu.memory_space<hbm>> -> memref<1x128xi32, #tpu.memory_space<hbm>>
    %dma_start3A_30 = tpu.memref_squeeze %dma_start3A_29 : memref<1x128xi32, #tpu.memory_space<hbm>> -> memref<128xi32, #tpu.memory_space<hbm>>
    %dma_start3A_31 = tpu.memref_slice %arg14[%dma_start3A_24] : memref<8x!tpu.dma_semaphore, #tpu.memory_space<semaphore_mem>> -> memref<1x!tpu.dma_semaphore, #tpu.memory_space<semaphore_mem>>
    %dma_start3A_32 = tpu.memref_squeeze %dma_start3A_31 : memref<1x!tpu.dma_semaphore, #tpu.memory_space<semaphore_mem>> -> memref<!tpu.dma_semaphore, #tpu.memory_space<semaphore_mem>>
    %dma_start3A_33 = arith.constant 0 : i32
    %dma_start3A_34 = tpu.memref_slice %arg11[%dma_start3A, %dma_start3A_23, %dma_start3A_33] : memref<8x3x128xi32, #tpu.memory_space<vmem>> -> memref<1x1x128xi32, #tpu.memory_space<vmem>>
    %dma_start3A_35 = tpu.memref_squeeze %dma_start3A_34 : memref<1x1x128xi32, #tpu.memory_space<vmem>> -> memref<128xi32, #tpu.memory_space<vmem>>
    %dma_start3A_36 = arith.constant 0 : i32
    %dma_start3A_37 = tpu.memref_slice %arg2[%or3A, %dma_start3A_36] : memref<507904x128xi32, #tpu.memory_space<hbm>> -> memref<1x128xi32, #tpu.memory_space<hbm>>
    %dma_start3A_38 = tpu.memref_squeeze %dma_start3A_37 : memref<1x128xi32, #tpu.memory_space<hbm>> -> memref<128xi32, #tpu.memory_space<hbm>>
    tpu.enqueue_dma source(%dma_start3A_38 : memref<128xi32, #tpu.memory_space<hbm>>) target(%dma_start3A_35 : memref<128xi32, #tpu.memory_space<vmem>>) target_semaphore(%dma_start3A_32 : memref<!tpu.dma_semaphore, #tpu.memory_space<semaphore_mem>>)
    %dma_start3A_39 = arith.constant 0 : i32
    %dma_start3A_40 = arith.constant 1 : i32
    %dma_start3A_41 = arith.constant 0 : i32
    %dma_start3A_42 = arith.constant 0 : i32
    %dma_start3A_43 = tpu.memref_slice %arg11[%dma_start3A_39, %dma_start3A_40, %dma_start3A_42] : memref<8x3x128xi32, #tpu.memory_space<vmem>> -> memref<1x1x128xi32, #tpu.memory_space<vmem>>
    %dma_start3A_44 = tpu.memref_squeeze %dma_start3A_43 : memref<1x1x128xi32, #tpu.memory_space<vmem>> -> memref<128xi32, #tpu.memory_space<vmem>>
    %dma_start3A_45 = arith.constant 0 : i32
    %dma_start3A_46 = tpu.memref_slice %arg2[%or3A_22, %dma_start3A_45] : memref<507904x128xi32, #tpu.memory_space<hbm>> -> memref<1x128xi32, #tpu.memory_space<hbm>>
    %dma_start3A_47 = tpu.memref_squeeze %dma_start3A_46 : memref<1x128xi32, #tpu.memory_space<hbm>> -> memref<128xi32, #tpu.memory_space<hbm>>
    %dma_start3A_48 = tpu.memref_slice %arg14[%dma_start3A_41] : memref<8x!tpu.dma_semaphore, #tpu.memory_space<semaphore_mem>> -> memref<1x!tpu.dma_semaphore, #tpu.memory_space<semaphore_mem>>
    %dma_start3A_49 = tpu.memref_squeeze %dma_start3A_48 : memref<1x!tpu.dma_semaphore, #tpu.memory_space<semaphore_mem>> -> memref<!tpu.dma_semaphore, #tpu.memory_space<semaphore_mem>>
    %dma_start3A_50 = arith.constant 0 : i32
    %dma_start3A_51 = tpu.memref_slice %arg11[%dma_start3A_39, %dma_start3A_40, %dma_start3A_50] : memref<8x3x128xi32, #tpu.memory_space<vmem>> -> memref<1x1x128xi32, #tpu.memory_space<vmem>>
    %dma_start3A_52 = tpu.memref_squeeze %dma_start3A_51 : memref<1x1x128xi32, #tpu.memory_space<vmem>> -> memref<128xi32, #tpu.memory_space<vmem>>
    %dma_start3A_53 = arith.constant 0 : i32
    %dma_start3A_54 = tpu.memref_slice %arg2[%or3A_22, %dma_start3A_53] : memref<507904x128xi32, #tpu.memory_space<hbm>> -> memref<1x128xi32, #tpu.memory_space<hbm>>
    %dma_start3A_55 = tpu.memref_squeeze %dma_start3A_54 : memref<1x128xi32, #tpu.memory_space<hbm>> -> memref<128xi32, #tpu.memory_space<hbm>>
    tpu.enqueue_dma source(%dma_start3A_55 : memref<128xi32, #tpu.memory_space<hbm>>) target(%dma_start3A_52 : memref<128xi32, #tpu.memory_space<vmem>>) target_semaphore(%dma_start3A_49 : memref<!tpu.dma_semaphore, #tpu.memory_space<semaphore_mem>>)
    %slice3A_56 = vector.extract_strided_slice %get3A_4 {offsets = [1], sizes = [1], strides = [1]} : vector<16xi32> to vector<1xi32>
    %squeeze3A_57 = vector.extract %slice3A_56[0] : i32 from vector<1xi32>
    %slice3A_58 = vector.extract_strided_slice %get3A_7 {offsets = [1], sizes = [1], strides = [1]} : vector<16xi32> to vector<1xi32>
    %squeeze3A_59 = vector.extract %slice3A_58[0] : i32 from vector<1xi32>
    %shift_right_arithmetic3A_60 = arith.constant 14 : i32
    %shift_right_arithmetic3A_61 = arith.shrsi %squeeze3A_57, %shift_right_arithmetic3A_60 : i32
    %shift_left3A_62 = arith.constant 13 : i32
    %shift_left3A_63 = arith.shli %shift_right_arithmetic3A_61, %shift_left3A_62 : i32
    %and3A_64 = arith.constant 8191 : i32
    %and3A_65 = arith.andi %squeeze3A_57, %and3A_64 : i32
    %or3A_66 = arith.ori %shift_left3A_63, %and3A_65 : i32
    %shift_right_arithmetic3A_67 = arith.constant 14 : i32
    %shift_right_arithmetic3A_68 = arith.shrsi %squeeze3A_59, %shift_right_arithmetic3A_67 : i32
    %shift_left3A_69 = arith.constant 13 : i32
    %shift_left3A_70 = arith.shli %shift_right_arithmetic3A_68, %shift_left3A_69 : i32
    %and3A_71 = arith.constant 8191 : i32
    %and3A_72 = arith.andi %squeeze3A_59, %and3A_71 : i32
    %or3A_73 = arith.ori %shift_left3A_70, %and3A_72 : i32
    %dma_start3A_74 = arith.constant 1 : i32
    %dma_start3A_75 = arith.constant 0 : i32
    %dma_start3A_76 = arith.constant 1 : i32
    %dma_start3A_77 = arith.constant 0 : i32
    %dma_start3A_78 = tpu.memref_slice %arg11[%dma_start3A_74, %dma_start3A_75, %dma_start3A_77] : memref<8x3x128xi32, #tpu.memory_space<vmem>> -> memref<1x1x128xi32, #tpu.memory_space<vmem>>
    %dma_start3A_79 = tpu.memref_squeeze %dma_start3A_78 : memref<1x1x128xi32, #tpu.memory_space<vmem>> -> memref<128xi32, #tpu.memory_space<vmem>>
    %dma_start3A_80 = arith.constant 0 : i32
    %dma_start3A_81 = tpu.memref_slice %arg2[%or3A_66, %dma_start3A_80] : memref<507904x128xi32, #tpu.memory_space<hbm>> -> memref<1x128xi32, #tpu.memory_space<hbm>>
    %dma_start3A_82 = tpu.memref_squeeze %dma_start3A_81 : memref<1x128xi32, #tpu.memory_space<hbm>> -> memref<128xi32, #tpu.memory_space<hbm>>
    %dma_start3A_83 = tpu.memref_slice %arg14[%dma_start3A_76] : memref<8x!tpu.dma_semaphore, #tpu.memory_space<semaphore_mem>> -> memref<1x!tpu.dma_semaphore, #tpu.memory_space<semaphore_mem>>
    %dma_start3A_84 = tpu.memref_squeeze %dma_start3A_83 : memref<1x!tpu.dma_semaphore, #tpu.memory_space<semaphore_mem>> -> memref<!tpu.dma_semaphore, #tpu.memory_space<semaphore_mem>>
    %dma_start3A_85 = arith.constant 0 : i32
    %dma_start3A_86 = tpu.memref_slice %arg11[%dma_start3A_74, %dma_start3A_75, %dma_start3A_85] : memref<8x3x128xi32, #tpu.memory_space<vmem>> -> memref<1x1x128xi32, #tpu.memory_space<vmem>>
    %dma_start3A_87 = tpu.memref_squeeze %dma_start3A_86 : memref<1x1x128xi32, #tpu.memory_space<vmem>> -> memref<128xi32, #tpu.memory_space<vmem>>
    %dma_start3A_88 = arith.constant 0 : i32
    %dma_start3A_89 = tpu.memref_slice %arg2[%or3A_66, %dma_start3A_88] : memref<507904x128xi32, #tpu.memory_space<hbm>> -> memref<1x128xi32, #tpu.memory_space<hbm>>
    %dma_start3A_90 = tpu.memref_squeeze %dma_start3A_89 : memref<1x128xi32, #tpu.memory_space<hbm>> -> memref<128xi32, #tpu.memory_space<hbm>>
    tpu.enqueue_dma source(%dma_start3A_90 : memref<128xi32, #tpu.memory_space<hbm>>) target(%dma_start3A_87 : memref<128xi32, #tpu.memory_space<vmem>>) target_semaphore(%dma_start3A_84 : memref<!tpu.dma_semaphore, #tpu.memory_space<semaphore_mem>>)
    %dma_start3A_91 = arith.constant 1 : i32
    %dma_start3A_92 = arith.constant 1 : i32
    %dma_start3A_93 = arith.constant 1 : i32
    %dma_start3A_94 = arith.constant 0 : i32
    %dma_start3A_95 = tpu.memref_slice %arg11[%dma_start3A_91, %dma_start3A_92, %dma_start3A_94] : memref<8x3x128xi32, #tpu.memory_space<vmem>> -> memref<1x1x128xi32, #tpu.memory_space<vmem>>
    %dma_start3A_96 = tpu.memref_squeeze %dma_start3A_95 : memref<1x1x128xi32, #tpu.memory_space<vmem>> -> memref<128xi32, #tpu.memory_space<vmem>>
    %dma_start3A_97 = arith.constant 0 : i32
    %dma_start3A_98 = tpu.memref_slice %arg2[%or3A_73, %dma_start3A_97] : memref<507904x128xi32, #tpu.memory_space<hbm>> -> memref<1x128xi32, #tpu.memory_space<hbm>>
    %dma_start3A_99 = tpu.memref_squeeze %dma_start3A_98 : memref<1x128xi32, #tpu.memory_space<hbm>> -> memref<128xi32, #tpu.memory_space<hbm>>
    %dma_start3A_100 = tpu.memref_slice %arg14[%dma_start3A_93] : memref<8x!tpu.dma_semaphore, #tpu.memory_space<semaphore_mem>> -> memref<1x!tpu.dma_semaphore, #tpu.memory_space<semaphore_mem>>
    %dma_start3A_101 = tpu.memref_squeeze %dma_start3A_100 : memref<1x!tpu.dma_semaphore, #tpu.memory_space<semaphore_mem>> -> memref<!tpu.dma_semaphore, #tpu.memory_space<semaphore_mem>>
    %dma_start3A_102 = arith.constant 0 : i32
    %dma_start3A_103 = tpu.memref_slice %arg11[%dma_start3A_91, %dma_start3A_92, %dma_start3A_102] : memref<8x3x128xi32, #tpu.memory_space<vmem>> -> memref<1x1x128xi32, #tpu.memory_space<vmem>>
    %dma_start3A_104 = tpu.memref_squeeze %dma_start3A_103 : memref<1x1x128xi32, #tpu.memory_space<vmem>> -> memref<128xi32, #tpu.memory_space<vmem>>
    %dma_start3A_105 = arith.constant 0 : i32
    %dma_start3A_106 = tpu.memref_slice %arg2[%or3A_73, %dma_start3A_105] : memref<507904x128xi32, #tpu.memory_space<hbm>> -> memref<1x128xi32, #tpu.memory_space<hbm>>
    %dma_start3A_107 = tpu.memref_squeeze %dma_start3A_106 : memref<1x128xi32, #tpu.memory_space<hbm>> -> memref<128xi32, #tpu.memory_space<hbm>>
    tpu.enqueue_dma source(%dma_start3A_107 : memref<128xi32, #tpu.memory_space<hbm>>) target(%dma_start3A_104 : memref<128xi32, #tpu.memory_space<vmem>>) target_semaphore(%dma_start3A_101 : memref<!tpu.dma_semaphore, #tpu.memory_space<semaphore_mem>>)
    %slice3A_108 = vector.extract_strided_slice %get3A_4 {offsets = [2], sizes = [1], strides = [1]} : vector<16xi32> to vector<1xi32>
    %squeeze3A_109 = vector.extract %slice3A_108[0] : i32 from vector<1xi32>
    %slice3A_110 = vector.extract_strided_slice %get3A_7 {offsets = [2], sizes = [1], strides = [1]} : vector<16xi32> to vector<1xi32>
    %squeeze3A_111 = vector.extract %slice3A_110[0] : i32 from vector<1xi32>
    %shift_right_arithmetic3A_112 = arith.constant 14 : i32
    %shift_right_arithmetic3A_113 = arith.shrsi %squeeze3A_109, %shift_right_arithmetic3A_112 : i32
    %shift_left3A_114 = arith.constant 13 : i32
    %shift_left3A_115 = arith.shli %shift_right_arithmetic3A_113, %shift_left3A_114 : i32
    %and3A_116 = arith.constant 8191 : i32
    %and3A_117 = arith.andi %squeeze3A_109, %and3A_116 : i32
    %or3A_118 = arith.ori %shift_left3A_115, %and3A_117 : i32
    %shift_right_arithmetic3A_119 = arith.constant 14 : i32
    %shift_right_arithmetic3A_120 = arith.shrsi %squeeze3A_111, %shift_right_arithmetic3A_119 : i32
    %shift_left3A_121 = arith.constant 13 : i32
    %shift_left3A_122 = arith.shli %shift_right_arithmetic3A_120, %shift_left3A_121 : i32
    %and3A_123 = arith.constant 8191 : i32
    %and3A_124 = arith.andi %squeeze3A_111, %and3A_123 : i32
    %or3A_125 = arith.ori %shift_left3A_122, %and3A_124 : i32
    %dma_start3A_126 = arith.constant 2 : i32
    %dma_start3A_127 = arith.constant 0 : i32
    %dma_start3A_128 = arith.constant 2 : i32
    %dma_start3A_129 = arith.constant 0 : i32
    %dma_start3A_130 = tpu.memref_slice %arg11[%dma_start3A_126, %dma_start3A_127, %dma_start3A_129] : memref<8x3x128xi32, #tpu.memory_space<vmem>> -> memref<1x1x128xi32, #tpu.memory_space<vmem>>
    %dma_start3A_131 = tpu.memref_squeeze %dma_start3A_130 : memref<1x1x128xi32, #tpu.memory_space<vmem>> -> memref<128xi32, #tpu.memory_space<vmem>>
    %dma_start3A_132 = arith.constant 0 : i32
    %dma_start3A_133 = tpu.memref_slice %arg2[%or3A_118, %dma_start3A_132] : memref<507904x128xi32, #tpu.memory_space<hbm>> -> memref<1x128xi32, #tpu.memory_space<hbm>>
    %dma_start3A_134 = tpu.memref_squeeze %dma_start3A_133 : memref<1x128xi32, #tpu.memory_space<hbm>> -> memref<128xi32, #tpu.memory_space<hbm>>
    %dma_start3A_135 = tpu.memref_slice %arg14[%dma_start3A_128] : memref<8x!tpu.dma_semaphore, #tpu.memory_space<semaphore_mem>> -> memref<1x!tpu.dma_semaphore, #tpu.memory_space<semaphore_mem>>
    %dma_start3A_136 = tpu.memref_squeeze %dma_start3A_135 : memref<1x!tpu.dma_semaphore, #tpu.memory_space<semaphore_mem>> -> memref<!tpu.dma_semaphore, #tpu.memory_space<semaphore_mem>>
    %dma_start3A_137 = arith.constant 0 : i32
    %dma_start3A_138 = tpu.memref_slice %arg11[%dma_start3A_126, %dma_start3A_127, %dma_start3A_137] : memref<8x3x128xi32, #tpu.memory_space<vmem>> -> memref<1x1x128xi32, #tpu.memory_space<vmem>>
    %dma_start3A_139 = tpu.memref_squeeze %dma_start3A_138 : memref<1x1x128xi32, #tpu.memory_space<vmem>> -> memref<128xi32, #tpu.memory_space<vmem>>
    %dma_start3A_140 = arith.constant 0 : i32
    %dma_start3A_141 = tpu.memref_slice %arg2[%or3A_118, %dma_start3A_140] : memref<507904x128xi32, #tpu.memory_space<hbm>> -> memref<1x128xi32, #tpu.memory_space<hbm>>
    %dma_start3A_142 = tpu.memref_squeeze %dma_start3A_141 : memref<1x128xi32, #tpu.memory_space<hbm>> -> memref<128xi32, #tpu.memory_space<hbm>>
    tpu.enqueue_dma source(%dma_start3A_142 : memref<128xi32, #tpu.memory_space<hbm>>) target(%dma_start3A_139 : memref<128xi32, #tpu.memory_space<vmem>>) target_semaphore(%dma_start3A_136 : memref<!tpu.dma_semaphore, #tpu.memory_space<semaphore_mem>>)
    %dma_start3A_143 = arith.constant 2 : i32
    %dma_start3A_144 = arith.constant 1 : i32
    %dma_start3A_145 = arith.constant 2 : i32
    %dma_start3A_146 = arith.constant 0 : i32
    %dma_start3A_147 = tpu.memref_slice %arg11[%dma_start3A_143, %dma_start3A_144, %dma_start3A_146] : memref<8x3x128xi32, #tpu.memory_space<vmem>> -> memref<1x1x128xi32, #tpu.memory_space<vmem>>
    %dma_start3A_148 = tpu.memref_squeeze %dma_start3A_147 : memref<1x1x128xi32, #tpu.memory_space<vmem>> -> memref<128xi32, #tpu.memory_space<vmem>>
    %dma_start3A_149 = arith.constant 0 : i32
    %dma_start3A_150 = tpu.memref_slice %arg2[%or3A_125, %dma_start3A_149] : memref<507904x128xi32, #tpu.memory_space<hbm>> -> memref<1x128xi32, #tpu.memory_space<hbm>>
    %dma_start3A_151 = tpu.memref_squeeze %dma_start3A_150 : memref<1x128xi32, #tpu.memory_space<hbm>> -> memref<128xi32, #tpu.memory_space<hbm>>
    %dma_start3A_152 = tpu.memref_slice %arg14[%dma_start3A_145] : memref<8x!tpu.dma_semaphore, #tpu.memory_space<semaphore_mem>> -> memref<1x!tpu.dma_semaphore, #tpu.memory_space<semaphore_mem>>
    %dma_start3A_153 = tpu.memref_squeeze %dma_start3A_152 : memref<1x!tpu.dma_semaphore, #tpu.memory_space<semaphore_mem>> -> memref<!tpu.dma_semaphore, #tpu.memory_space<semaphore_mem>>
    %dma_start3A_154 = arith.constant 0 : i32
    %dma_start3A_155 = tpu.memref_slice %arg11[%dma_start3A_143, %dma_start3A_144, %dma_start3A_154] : memref<8x3x128xi32, #tpu.memory_space<vmem>> -> memref<1x1x128xi32, #tpu.memory_space<vmem>>
    %dma_start3A_156 = tpu.memref_squeeze %dma_start3A_155 : memref<1x1x128xi32, #tpu.memory_space<vmem>> -> memref<128xi32, #tpu.memory_space<vmem>>
    %dma_start3A_157 = arith.constant 0 : i32
    %dma_start3A_158 = tpu.memref_slice %arg2[%or3A_125, %dma_start3A_157] : memref<507904x128xi32, #tpu.memory_space<hbm>> -> memref<1x128xi32, #tpu.memory_space<hbm>>
    %dma_start3A_159 = tpu.memref_squeeze %dma_start3A_158 : memref<1x128xi32, #tpu.memory_space<hbm>> -> memref<128xi32, #tpu.memory_space<hbm>>
    tpu.enqueue_dma source(%dma_start3A_159 : memref<128xi32, #tpu.memory_space<hbm>>) target(%dma_start3A_156 : memref<128xi32, #tpu.memory_space<vmem>>) target_semaphore(%dma_start3A_153 : memref<!tpu.dma_semaphore, #tpu.memory_space<semaphore_mem>>)
    %slice3A_160 = vector.extract_strided_slice %get3A_4 {offsets = [3], sizes = [1], strides = [1]} : vector<16xi32> to vector<1xi32>
    %squeeze3A_161 = vector.extract %slice3A_160[0] : i32 from vector<1xi32>
    %slice3A_162 = vector.extract_strided_slice %get3A_7 {offsets = [3], sizes = [1], strides = [1]} : vector<16xi32> to vector<1xi32>
    %squeeze3A_163 = vector.extract %slice3A_162[0] : i32 from vector<1xi32>
    %shift_right_arithmetic3A_164 = arith.constant 14 : i32
    %shift_right_arithmetic3A_165 = arith.shrsi %squeeze3A_161, %shift_right_arithmetic3A_164 : i32
    %shift_left3A_166 = arith.constant 13 : i32
    %shift_left3A_167 = arith.shli %shift_right_arithmetic3A_165, %shift_left3A_166 : i32
    %and3A_168 = arith.constant 8191 : i32
    %and3A_169 = arith.andi %squeeze3A_161, %and3A_168 : i32
    %or3A_170 = arith.ori %shift_left3A_167, %and3A_169 : i32
    %shift_right_arithmetic3A_171 = arith.constant 14 : i32
    %shift_right_arithmetic3A_172 = arith.shrsi %squeeze3A_163, %shift_right_arithmetic3A_171 : i32
    %shift_left3A_173 = arith.constant 13 : i32
    %shift_left3A_174 = arith.shli %shift_right_arithmetic3A_172, %shift_left3A_173 : i32
    %and3A_175 = arith.constant 8191 : i32
    %and3A_176 = arith.andi %squeeze3A_163, %and3A_175 : i32
    %or3A_177 = arith.ori %shift_left3A_174, %and3A_176 : i32
    %dma_start3A_178 = arith.constant 3 : i32
    %dma_start3A_179 = arith.constant 0 : i32
    %dma_start3A_180 = arith.constant 3 : i32
    %dma_start3A_181 = arith.constant 0 : i32
    %dma_start3A_182 = tpu.memref_slice %arg11[%dma_start3A_178, %dma_start3A_179, %dma_start3A_181] : memref<8x3x128xi32, #tpu.memory_space<vmem>> -> memref<1x1x128xi32, #tpu.memory_space<vmem>>
    %dma_start3A_183 = tpu.memref_squeeze %dma_start3A_182 : memref<1x1x128xi32, #tpu.memory_space<vmem>> -> memref<128xi32, #tpu.memory_space<vmem>>
    %dma_start3A_184 = arith.constant 0 : i32
    %dma_start3A_185 = tpu.memref_slice %arg2[%or3A_170, %dma_start3A_184] : memref<507904x128xi32, #tpu.memory_space<hbm>> -> memref<1x128xi32, #tpu.memory_space<hbm>>
    %dma_start3A_186 = tpu.memref_squeeze %dma_start3A_185 : memref<1x128xi32, #tpu.memory_space<hbm>> -> memref<128xi32, #tpu.memory_space<hbm>>
    %dma_start3A_187 = tpu.memref_slice %arg14[%dma_start3A_180] : memref<8x!tpu.dma_semaphore, #tpu.memory_space<semaphore_mem>> -> memref<1x!tpu.dma_semaphore, #tpu.memory_space<semaphore_mem>>
    %dma_start3A_188 = tpu.memref_squeeze %dma_start3A_187 : memref<1x!tpu.dma_semaphore, #tpu.memory_space<semaphore_mem>> -> memref<!tpu.dma_semaphore, #tpu.memory_space<semaphore_mem>>
    %dma_start3A_189 = arith.constant 0 : i32
    %dma_start3A_190 = tpu.memref_slice %arg11[%dma_start3A_178, %dma_start3A_179, %dma_start3A_189] : memref<8x3x128xi32, #tpu.memory_space<vmem>> -> memref<1x1x128xi32, #tpu.memory_space<vmem>>
    %dma_start3A_191 = tpu.memref_squeeze %dma_start3A_190 : memref<1x1x128xi32, #tpu.memory_space<vmem>> -> memref<128xi32, #tpu.memory_space<vmem>>
    %dma_start3A_192 = arith.constant 0 : i32
    %dma_start3A_193 = tpu.memref_slice %arg2[%or3A_170, %dma_start3A_192] : memref<507904x128xi32, #tpu.memory_space<hbm>> -> memref<1x128xi32, #tpu.memory_space<hbm>>
    %dma_start3A_194 = tpu.memref_squeeze %dma_start3A_193 : memref<1x128xi32, #tpu.memory_space<hbm>> -> memref<128xi32, #tpu.memory_space<hbm>>
    tpu.enqueue_dma source(%dma_start3A_194 : memref<128xi32, #tpu.memory_space<hbm>>) target(%dma_start3A_191 : memref<128xi32, #tpu.memory_space<vmem>>) target_semaphore(%dma_start3A_188 : memref<!tpu.dma_semaphore, #tpu.memory_space<semaphore_mem>>)
    %dma_start3A_195 = arith.constant 3 : i32
    %dma_start3A_196 = arith.constant 1 : i32
    %dma_start3A_197 = arith.constant 3 : i32
    %dma_start3A_198 = arith.constant 0 : i32
    %dma_start3A_199 = tpu.memref_slice %arg11[%dma_start3A_195, %dma_start3A_196, %dma_start3A_198] : memref<8x3x128xi32, #tpu.memory_space<vmem>> -> memref<1x1x128xi32, #tpu.memory_space<vmem>>
    %dma_start3A_200 = tpu.memref_squeeze %dma_start3A_199 : memref<1x1x128xi32, #tpu.memory_space<vmem>> -> memref<128xi32, #tpu.memory_space<vmem>>
    %dma_start3A_201 = arith.constant 0 : i32
    %dma_start3A_202 = tpu.memref_slice %arg2[%or3A_177, %dma_start3A_201] : memref<507904x128xi32, #tpu.memory_space<hbm>> -> memref<1x128xi32, #tpu.memory_space<hbm>>
    %dma_start3A_203 = tpu.memref_squeeze %dma_start3A_202 : memref<1x128xi32, #tpu.memory_space<hbm>> -> memref<128xi32, #tpu.memory_space<hbm>>
    %dma_start3A_204 = tpu.memref_slice %arg14[%dma_start3A_197] : memref<8x!tpu.dma_semaphore, #tpu.memory_space<semaphore_mem>> -> memref<1x!tpu.dma_semaphore, #tpu.memory_space<semaphore_mem>>
    %dma_start3A_205 = tpu.memref_squeeze %dma_start3A_204 : memref<1x!tpu.dma_semaphore, #tpu.memory_space<semaphore_mem>> -> memref<!tpu.dma_semaphore, #tpu.memory_space<semaphore_mem>>
    %dma_start3A_206 = arith.constant 0 : i32
    %dma_start3A_207 = tpu.memref_slice %arg11[%dma_start3A_195, %dma_start3A_196, %dma_start3A_206] : memref<8x3x128xi32, #tpu.memory_space<vmem>> -> memref<1x1x128xi32, #tpu.memory_space<vmem>>
    %dma_start3A_208 = tpu.memref_squeeze %dma_start3A_207 : memref<1x1x128xi32, #tpu.memory_space<vmem>> -> memref<128xi32, #tpu.memory_space<vmem>>
    %dma_start3A_209 = arith.constant 0 : i32
    %dma_start3A_210 = tpu.memref_slice %arg2[%or3A_177, %dma_start3A_209] : memref<507904x128xi32, #tpu.memory_space<hbm>> -> memref<1x128xi32, #tpu.memory_space<hbm>>
    %dma_start3A_211 = tpu.memref_squeeze %dma_start3A_210 : memref<1x128xi32, #tpu.memory_space<hbm>> -> memref<128xi32, #tpu.memory_space<hbm>>
    tpu.enqueue_dma source(%dma_start3A_211 : memref<128xi32, #tpu.memory_space<hbm>>) target(%dma_start3A_208 : memref<128xi32, #tpu.memory_space<vmem>>) target_semaphore(%dma_start3A_205 : memref<!tpu.dma_semaphore, #tpu.memory_space<semaphore_mem>>)
    %slice3A_212 = vector.extract_strided_slice %get3A_4 {offsets = [4], sizes = [1], strides = [1]} : vector<16xi32> to vector<1xi32>
    %squeeze3A_213 = vector.extract %slice3A_212[0] : i32 from vector<1xi32>
    %slice3A_214 = vector.extract_strided_slice %get3A_7 {offsets = [4], sizes = [1], strides = [1]} : vector<16xi32> to vector<1xi32>
    %squeeze3A_215 = vector.extract %slice3A_214[0] : i32 from vector<1xi32>
    %shift_right_arithmetic3A_216 = arith.constant 14 : i32
    %shift_right_arithmetic3A_217 = arith.shrsi %squeeze3A_213, %shift_right_arithmetic3A_216 : i32
    %shift_left3A_218 = arith.constant 13 : i32
    %shift_left3A_219 = arith.shli %shift_right_arithmetic3A_217, %shift_left3A_218 : i32
    %and3A_220 = arith.constant 8191 : i32
    %and3A_221 = arith.andi %squeeze3A_213, %and3A_220 : i32
    %or3A_222 = arith.ori %shift_left3A_219, %and3A_221 : i32
    %shift_right_arithmetic3A_223 = arith.constant 14 : i32
    %shift_right_arithmetic3A_224 = arith.shrsi %squeeze3A_215, %shift_right_arithmetic3A_223 : i32
    %shift_left3A_225 = arith.constant 13 : i32
    %shift_left3A_226 = arith.shli %shift_right_arithmetic3A_224, %shift_left3A_225 : i32
    %and3A_227 = arith.constant 8191 : i32
    %and3A_228 = arith.andi %squeeze3A_215, %and3A_227 : i32
    %or3A_229 = arith.ori %shift_left3A_226, %and3A_228 : i32
    %dma_start3A_230 = arith.constant 4 : i32
    %dma_start3A_231 = arith.constant 0 : i32
    %dma_start3A_232 = arith.constant 4 : i32
    %dma_start3A_233 = arith.constant 0 : i32
    %dma_start3A_234 = tpu.memref_slice %arg11[%dma_start3A_230, %dma_start3A_231, %dma_start3A_233] : memref<8x3x128xi32, #tpu.memory_space<vmem>> -> memref<1x1x128xi32, #tpu.memory_space<vmem>>
    %dma_start3A_235 = tpu.memref_squeeze %dma_start3A_234 : memref<1x1x128xi32, #tpu.memory_space<vmem>> -> memref<128xi32, #tpu.memory_space<vmem>>
    %dma_start3A_236 = arith.constant 0 : i32
    %dma_start3A_237 = tpu.memref_slice %arg2[%or3A_222, %dma_start3A_236] : memref<507904x128xi32, #tpu.memory_space<hbm>> -> memref<1x128xi32, #tpu.memory_space<hbm>>
    %dma_start3A_238 = tpu.memref_squeeze %dma_start3A_237 : memref<1x128xi32, #tpu.memory_space<hbm>> -> memref<128xi32, #tpu.memory_space<hbm>>
    %dma_start3A_239 = tpu.memref_slice %arg14[%dma_start3A_232] : memref<8x!tpu.dma_semaphore, #tpu.memory_space<semaphore_mem>> -> memref<1x!tpu.dma_semaphore, #tpu.memory_space<semaphore_mem>>
    %dma_start3A_240 = tpu.memref_squeeze %dma_start3A_239 : memref<1x!tpu.dma_semaphore, #tpu.memory_space<semaphore_mem>> -> memref<!tpu.dma_semaphore, #tpu.memory_space<semaphore_mem>>
    %dma_start3A_241 = arith.constant 0 : i32
    %dma_start3A_242 = tpu.memref_slice %arg11[%dma_start3A_230, %dma_start3A_231, %dma_start3A_241] : memref<8x3x128xi32, #tpu.memory_space<vmem>> -> memref<1x1x128xi32, #tpu.memory_space<vmem>>
    %dma_start3A_243 = tpu.memref_squeeze %dma_start3A_242 : memref<1x1x128xi32, #tpu.memory_space<vmem>> -> memref<128xi32, #tpu.memory_space<vmem>>
    %dma_start3A_244 = arith.constant 0 : i32
    %dma_start3A_245 = tpu.memref_slice %arg2[%or3A_222, %dma_start3A_244] : memref<507904x128xi32, #tpu.memory_space<hbm>> -> memref<1x128xi32, #tpu.memory_space<hbm>>
    %dma_start3A_246 = tpu.memref_squeeze %dma_start3A_245 : memref<1x128xi32, #tpu.memory_space<hbm>> -> memref<128xi32, #tpu.memory_space<hbm>>
    tpu.enqueue_dma source(%dma_start3A_246 : memref<128xi32, #tpu.memory_space<hbm>>) target(%dma_start3A_243 : memref<128xi32, #tpu.memory_space<vmem>>) target_semaphore(%dma_start3A_240 : memref<!tpu.dma_semaphore, #tpu.memory_space<semaphore_mem>>)
    %dma_start3A_247 = arith.constant 4 : i32
    %dma_start3A_248 = arith.constant 1 : i32
    %dma_start3A_249 = arith.constant 4 : i32
    %dma_start3A_250 = arith.constant 0 : i32
    %dma_start3A_251 = tpu.memref_slice %arg11[%dma_start3A_247, %dma_start3A_248, %dma_start3A_250] : memref<8x3x128xi32, #tpu.memory_space<vmem>> -> memref<1x1x128xi32, #tpu.memory_space<vmem>>
    %dma_start3A_252 = tpu.memref_squeeze %dma_start3A_251 : memref<1x1x128xi32, #tpu.memory_space<vmem>> -> memref<128xi32, #tpu.memory_space<vmem>>
    %dma_start3A_253 = arith.constant 0 : i32
    %dma_start3A_254 = tpu.memref_slice %arg2[%or3A_229, %dma_start3A_253] : memref<507904x128xi32, #tpu.memory_space<hbm>> -> memref<1x128xi32, #tpu.memory_space<hbm>>
    %dma_start3A_255 = tpu.memref_squeeze %dma_start3A_254 : memref<1x128xi32, #tpu.memory_space<hbm>> -> memref<128xi32, #tpu.memory_space<hbm>>
    %dma_start3A_256 = tpu.memref_slice %arg14[%dma_start3A_249] : memref<8x!tpu.dma_semaphore, #tpu.memory_space<semaphore_mem>> -> memref<1x!tpu.dma_semaphore, #tpu.memory_space<semaphore_mem>>
    %dma_start3A_257 = tpu.memref_squeeze %dma_start3A_256 : memref<1x!tpu.dma_semaphore, #tpu.memory_space<semaphore_mem>> -> memref<!tpu.dma_semaphore, #tpu.memory_space<semaphore_mem>>
    %dma_start3A_258 = arith.constant 0 : i32
    %dma_start3A_259 = tpu.memref_slice %arg11[%dma_start3A_247, %dma_start3A_248, %dma_start3A_258] : memref<8x3x128xi32, #tpu.memory_space<vmem>> -> memref<1x1x128xi32, #tpu.memory_space<vmem>>
    %dma_start3A_260 = tpu.memref_squeeze %dma_start3A_259 : memref<1x1x128xi32, #tpu.memory_space<vmem>> -> memref<128xi32, #tpu.memory_space<vmem>>
    %dma_start3A_261 = arith.constant 0 : i32
    %dma_start3A_262 = tpu.memref_slice %arg2[%or3A_229, %dma_start3A_261] : memref<507904x128xi32, #tpu.memory_space<hbm>> -> memref<1x128xi32, #tpu.memory_space<hbm>>
    %dma_start3A_263 = tpu.memref_squeeze %dma_start3A_262 : memref<1x128xi32, #tpu.memory_space<hbm>> -> memref<128xi32, #tpu.memory_space<hbm>>
    tpu.enqueue_dma source(%dma_start3A_263 : memref<128xi32, #tpu.memory_space<hbm>>) target(%dma_start3A_260 : memref<128xi32, #tpu.memory_space<vmem>>) target_semaphore(%dma_start3A_257 : memref<!tpu.dma_semaphore, #tpu.memory_space<semaphore_mem>>)
    %slice3A_264 = vector.extract_strided_slice %get3A_4 {offsets = [5], sizes = [1], strides = [1]} : vector<16xi32> to vector<1xi32>
    %squeeze3A_265 = vector.extract %slice3A_264[0] : i32 from vector<1xi32>
    %slice3A_266 = vector.extract_strided_slice %get3A_7 {offsets = [5], sizes = [1], strides = [1]} : vector<16xi32> to vector<1xi32>
    %squeeze3A_267 = vector.extract %slice3A_266[0] : i32 from vector<1xi32>
    %shift_right_arithmetic3A_268 = arith.constant 14 : i32
    %shift_right_arithmetic3A_269 = arith.shrsi %squeeze3A_265, %shift_right_arithmetic3A_268 : i32
    %shift_left3A_270 = arith.constant 13 : i32
    %shift_left3A_271 = arith.shli %shift_right_arithmetic3A_269, %shift_left3A_270 : i32
    %and3A_272 = arith.constant 8191 : i32
    %and3A_273 = arith.andi %squeeze3A_265, %and3A_272 : i32
    %or3A_274 = arith.ori %shift_left3A_271, %and3A_273 : i32
    %shift_right_arithmetic3A_275 = arith.constant 14 : i32
    %shift_right_arithmetic3A_276 = arith.shrsi %squeeze3A_267, %shift_right_arithmetic3A_275 : i32
    %shift_left3A_277 = arith.constant 13 : i32
    %shift_left3A_278 = arith.shli %shift_right_arithmetic3A_276, %shift_left3A_277 : i32
    %and3A_279 = arith.constant 8191 : i32
    %and3A_280 = arith.andi %squeeze3A_267, %and3A_279 : i32
    %or3A_281 = arith.ori %shift_left3A_278, %and3A_280 : i32
    %dma_start3A_282 = arith.constant 5 : i32
    %dma_start3A_283 = arith.constant 0 : i32
    %dma_start3A_284 = arith.constant 5 : i32
    %dma_start3A_285 = arith.constant 0 : i32
    %dma_start3A_286 = tpu.memref_slice %arg11[%dma_start3A_282, %dma_start3A_283, %dma_start3A_285] : memref<8x3x128xi32, #tpu.memory_space<vmem>> -> memref<1x1x128xi32, #tpu.memory_space<vmem>>
    %dma_start3A_287 = tpu.memref_squeeze %dma_start3A_286 : memref<1x1x128xi32, #tpu.memory_space<vmem>> -> memref<128xi32, #tpu.memory_space<vmem>>
    %dma_start3A_288 = arith.constant 0 : i32
    %dma_start3A_289 = tpu.memref_slice %arg2[%or3A_274, %dma_start3A_288] : memref<507904x128xi32, #tpu.memory_space<hbm>> -> memref<1x128xi32, #tpu.memory_space<hbm>>
    %dma_start3A_290 = tpu.memref_squeeze %dma_start3A_289 : memref<1x128xi32, #tpu.memory_space<hbm>> -> memref<128xi32, #tpu.memory_space<hbm>>
    %dma_start3A_291 = tpu.memref_slice %arg14[%dma_start3A_284] : memref<8x!tpu.dma_semaphore, #tpu.memory_space<semaphore_mem>> -> memref<1x!tpu.dma_semaphore, #tpu.memory_space<semaphore_mem>>
    %dma_start3A_292 = tpu.memref_squeeze %dma_start3A_291 : memref<1x!tpu.dma_semaphore, #tpu.memory_space<semaphore_mem>> -> memref<!tpu.dma_semaphore, #tpu.memory_space<semaphore_mem>>
    %dma_start3A_293 = arith.constant 0 : i32
    %dma_start3A_294 = tpu.memref_slice %arg11[%dma_start3A_282, %dma_start3A_283, %dma_start3A_293] : memref<8x3x128xi32, #tpu.memory_space<vmem>> -> memref<1x1x128xi32, #tpu.memory_space<vmem>>
    %dma_start3A_295 = tpu.memref_squeeze %dma_start3A_294 : memref<1x1x128xi32, #tpu.memory_space<vmem>> -> memref<128xi32, #tpu.memory_space<vmem>>
    %dma_start3A_296 = arith.constant 0 : i32
    %dma_start3A_297 = tpu.memref_slice %arg2[%or3A_274, %dma_start3A_296] : memref<507904x128xi32, #tpu.memory_space<hbm>> -> memref<1x128xi32, #tpu.memory_space<hbm>>
    %dma_start3A_298 = tpu.memref_squeeze %dma_start3A_297 : memref<1x128xi32, #tpu.memory_space<hbm>> -> memref<128xi32, #tpu.memory_space<hbm>>
    tpu.enqueue_dma source(%dma_start3A_298 : memref<128xi32, #tpu.memory_space<hbm>>) target(%dma_start3A_295 : memref<128xi32, #tpu.memory_space<vmem>>) target_semaphore(%dma_start3A_292 : memref<!tpu.dma_semaphore, #tpu.memory_space<semaphore_mem>>)
    %dma_start3A_299 = arith.constant 5 : i32
    %dma_start3A_300 = arith.constant 1 : i32
    %dma_start3A_301 = arith.constant 5 : i32
    %dma_start3A_302 = arith.constant 0 : i32
    %dma_start3A_303 = tpu.memref_slice %arg11[%dma_start3A_299, %dma_start3A_300, %dma_start3A_302] : memref<8x3x128xi32, #tpu.memory_space<vmem>> -> memref<1x1x128xi32, #tpu.memory_space<vmem>>
    %dma_start3A_304 = tpu.memref_squeeze %dma_start3A_303 : memref<1x1x128xi32, #tpu.memory_space<vmem>> -> memref<128xi32, #tpu.memory_space<vmem>>
    %dma_start3A_305 = arith.constant 0 : i32
    %dma_start3A_306 = tpu.memref_slice %arg2[%or3A_281, %dma_start3A_305] : memref<507904x128xi32, #tpu.memory_space<hbm>> -> memref<1x128xi32, #tpu.memory_space<hbm>>
    %dma_start3A_307 = tpu.memref_squeeze %dma_start3A_306 : memref<1x128xi32, #tpu.memory_space<hbm>> -> memref<128xi32, #tpu.memory_space<hbm>>
    %dma_start3A_308 = tpu.memref_slice %arg14[%dma_start3A_301] : memref<8x!tpu.dma_semaphore, #tpu.memory_space<semaphore_mem>> -> memref<1x!tpu.dma_semaphore, #tpu.memory_space<semaphore_mem>>
    %dma_start3A_309 = tpu.memref_squeeze %dma_start3A_308 : memref<1x!tpu.dma_semaphore, #tpu.memory_space<semaphore_mem>> -> memref<!tpu.dma_semaphore, #tpu.memory_space<semaphore_mem>>
    %dma_start3A_310 = arith.constant 0 : i32
    %dma_start3A_311 = tpu.memref_slice %arg11[%dma_start3A_299, %dma_start3A_300, %dma_start3A_310] : memref<8x3x128xi32, #tpu.memory_space<vmem>> -> memref<1x1x128xi32, #tpu.memory_space<vmem>>
    %dma_start3A_312 = tpu.memref_squeeze %dma_start3A_311 : memref<1x1x128xi32, #tpu.memory_space<vmem>> -> memref<128xi32, #tpu.memory_space<vmem>>
    %dma_start3A_313 = arith.constant 0 : i32
    %dma_start3A_314 = tpu.memref_slice %arg2[%or3A_281, %dma_start3A_313] : memref<507904x128xi32, #tpu.memory_space<hbm>> -> memref<1x128xi32, #tpu.memory_space<hbm>>
    %dma_start3A_315 = tpu.memref_squeeze %dma_start3A_314 : memref<1x128xi32, #tpu.memory_space<hbm>> -> memref<128xi32, #tpu.memory_space<hbm>>
    tpu.enqueue_dma source(%dma_start3A_315 : memref<128xi32, #tpu.memory_space<hbm>>) target(%dma_start3A_312 : memref<128xi32, #tpu.memory_space<vmem>>) target_semaphore(%dma_start3A_309 : memref<!tpu.dma_semaphore, #tpu.memory_space<semaphore_mem>>)
    %slice3A_316 = vector.extract_strided_slice %get3A_4 {offsets = [6], sizes = [1], strides = [1]} : vector<16xi32> to vector<1xi32>
    %squeeze3A_317 = vector.extract %slice3A_316[0] : i32 from vector<1xi32>
    %slice3A_318 = vector.extract_strided_slice %get3A_7 {offsets = [6], sizes = [1], strides = [1]} : vector<16xi32> to vector<1xi32>
    %squeeze3A_319 = vector.extract %slice3A_318[0] : i32 from vector<1xi32>
    %shift_right_arithmetic3A_320 = arith.constant 14 : i32
    %shift_right_arithmetic3A_321 = arith.shrsi %squeeze3A_317, %shift_right_arithmetic3A_320 : i32
    %shift_left3A_322 = arith.constant 13 : i32
    %shift_left3A_323 = arith.shli %shift_right_arithmetic3A_321, %shift_left3A_322 : i32
    %and3A_324 = arith.constant 8191 : i32
    %and3A_325 = arith.andi %squeeze3A_317, %and3A_324 : i32
    %or3A_326 = arith.ori %shift_left3A_323, %and3A_325 : i32
    %shift_right_arithmetic3A_327 = arith.constant 14 : i32
    %shift_right_arithmetic3A_328 = arith.shrsi %squeeze3A_319, %shift_right_arithmetic3A_327 : i32
    %shift_left3A_329 = arith.constant 13 : i32
    %shift_left3A_330 = arith.shli %shift_right_arithmetic3A_328, %shift_left3A_329 : i32
    %and3A_331 = arith.constant 8191 : i32
    %and3A_332 = arith.andi %squeeze3A_319, %and3A_331 : i32
    %or3A_333 = arith.ori %shift_left3A_330, %and3A_332 : i32
    %dma_start3A_334 = arith.constant 6 : i32
    %dma_start3A_335 = arith.constant 0 : i32
    %dma_start3A_336 = arith.constant 6 : i32
    %dma_start3A_337 = arith.constant 0 : i32
    %dma_start3A_338 = tpu.memref_slice %arg11[%dma_start3A_334, %dma_start3A_335, %dma_start3A_337] : memref<8x3x128xi32, #tpu.memory_space<vmem>> -> memref<1x1x128xi32, #tpu.memory_space<vmem>>
    %dma_start3A_339 = tpu.memref_squeeze %dma_start3A_338 : memref<1x1x128xi32, #tpu.memory_space<vmem>> -> memref<128xi32, #tpu.memory_space<vmem>>
    %dma_start3A_340 = arith.constant 0 : i32
    %dma_start3A_341 = tpu.memref_slice %arg2[%or3A_326, %dma_start3A_340] : memref<507904x128xi32, #tpu.memory_space<hbm>> -> memref<1x128xi32, #tpu.memory_space<hbm>>
    %dma_start3A_342 = tpu.memref_squeeze %dma_start3A_341 : memref<1x128xi32, #tpu.memory_space<hbm>> -> memref<128xi32, #tpu.memory_space<hbm>>
    %dma_start3A_343 = tpu.memref_slice %arg14[%dma_start3A_336] : memref<8x!tpu.dma_semaphore, #tpu.memory_space<semaphore_mem>> -> memref<1x!tpu.dma_semaphore, #tpu.memory_space<semaphore_mem>>
    %dma_start3A_344 = tpu.memref_squeeze %dma_start3A_343 : memref<1x!tpu.dma_semaphore, #tpu.memory_space<semaphore_mem>> -> memref<!tpu.dma_semaphore, #tpu.memory_space<semaphore_mem>>
    %dma_start3A_345 = arith.constant 0 : i32
    %dma_start3A_346 = tpu.memref_slice %arg11[%dma_start3A_334, %dma_start3A_335, %dma_start3A_345] : memref<8x3x128xi32, #tpu.memory_space<vmem>> -> memref<1x1x128xi32, #tpu.memory_space<vmem>>
    %dma_start3A_347 = tpu.memref_squeeze %dma_start3A_346 : memref<1x1x128xi32, #tpu.memory_space<vmem>> -> memref<128xi32, #tpu.memory_space<vmem>>
    %dma_start3A_348 = arith.constant 0 : i32
    %dma_start3A_349 = tpu.memref_slice %arg2[%or3A_326, %dma_start3A_348] : memref<507904x128xi32, #tpu.memory_space<hbm>> -> memref<1x128xi32, #tpu.memory_space<hbm>>
    %dma_start3A_350 = tpu.memref_squeeze %dma_start3A_349 : memref<1x128xi32, #tpu.memory_space<hbm>> -> memref<128xi32, #tpu.memory_space<hbm>>
    tpu.enqueue_dma source(%dma_start3A_350 : memref<128xi32, #tpu.memory_space<hbm>>) target(%dma_start3A_347 : memref<128xi32, #tpu.memory_space<vmem>>) target_semaphore(%dma_start3A_344 : memref<!tpu.dma_semaphore, #tpu.memory_space<semaphore_mem>>)
    %dma_start3A_351 = arith.constant 6 : i32
    %dma_start3A_352 = arith.constant 1 : i32
    %dma_start3A_353 = arith.constant 6 : i32
    %dma_start3A_354 = arith.constant 0 : i32
    %dma_start3A_355 = tpu.memref_slice %arg11[%dma_start3A_351, %dma_start3A_352, %dma_start3A_354] : memref<8x3x128xi32, #tpu.memory_space<vmem>> -> memref<1x1x128xi32, #tpu.memory_space<vmem>>
    %dma_start3A_356 = tpu.memref_squeeze %dma_start3A_355 : memref<1x1x128xi32, #tpu.memory_space<vmem>> -> memref<128xi32, #tpu.memory_space<vmem>>
    %dma_start3A_357 = arith.constant 0 : i32
    %dma_start3A_358 = tpu.memref_slice %arg2[%or3A_333, %dma_start3A_357] : memref<507904x128xi32, #tpu.memory_space<hbm>> -> memref<1x128xi32, #tpu.memory_space<hbm>>
    %dma_start3A_359 = tpu.memref_squeeze %dma_start3A_358 : memref<1x128xi32, #tpu.memory_space<hbm>> -> memref<128xi32, #tpu.memory_space<hbm>>
    %dma_start3A_360 = tpu.memref_slice %arg14[%dma_start3A_353] : memref<8x!tpu.dma_semaphore, #tpu.memory_space<semaphore_mem>> -> memref<1x!tpu.dma_semaphore, #tpu.memory_space<semaphore_mem>>
    %dma_start3A_361 = tpu.memref_squeeze %dma_start3A_360 : memref<1x!tpu.dma_semaphore, #tpu.memory_space<semaphore_mem>> -> memref<!tpu.dma_semaphore, #tpu.memory_space<semaphore_mem>>
    %dma_start3A_362 = arith.constant 0 : i32
    %dma_start3A_363 = tpu.memref_slice %arg11[%dma_start3A_351, %dma_start3A_352, %dma_start3A_362] : memref<8x3x128xi32, #tpu.memory_space<vmem>> -> memref<1x1x128xi32, #tpu.memory_space<vmem>>
    %dma_start3A_364 = tpu.memref_squeeze %dma_start3A_363 : memref<1x1x128xi32, #tpu.memory_space<vmem>> -> memref<128xi32, #tpu.memory_space<vmem>>
    %dma_start3A_365 = arith.constant 0 : i32
    %dma_start3A_366 = tpu.memref_slice %arg2[%or3A_333, %dma_start3A_365] : memref<507904x128xi32, #tpu.memory_space<hbm>> -> memref<1x128xi32, #tpu.memory_space<hbm>>
    %dma_start3A_367 = tpu.memref_squeeze %dma_start3A_366 : memref<1x128xi32, #tpu.memory_space<hbm>> -> memref<128xi32, #tpu.memory_space<hbm>>
    tpu.enqueue_dma source(%dma_start3A_367 : memref<128xi32, #tpu.memory_space<hbm>>) target(%dma_start3A_364 : memref<128xi32, #tpu.memory_space<vmem>>) target_semaphore(%dma_start3A_361 : memref<!tpu.dma_semaphore, #tpu.memory_space<semaphore_mem>>)
    %slice3A_368 = vector.extract_strided_slice %get3A_4 {offsets = [7], sizes = [1], strides = [1]} : vector<16xi32> to vector<1xi32>
    %squeeze3A_369 = vector.extract %slice3A_368[0] : i32 from vector<1xi32>
    %slice3A_370 = vector.extract_strided_slice %get3A_7 {offsets = [7], sizes = [1], strides = [1]} : vector<16xi32> to vector<1xi32>
    %squeeze3A_371 = vector.extract %slice3A_370[0] : i32 from vector<1xi32>
    %shift_right_arithmetic3A_372 = arith.constant 14 : i32
    %shift_right_arithmetic3A_373 = arith.shrsi %squeeze3A_369, %shift_right_arithmetic3A_372 : i32
    %shift_left3A_374 = arith.constant 13 : i32
    %shift_left3A_375 = arith.shli %shift_right_arithmetic3A_373, %shift_left3A_374 : i32
    %and3A_376 = arith.constant 8191 : i32
    %and3A_377 = arith.andi %squeeze3A_369, %and3A_376 : i32
    %or3A_378 = arith.ori %shift_left3A_375, %and3A_377 : i32
    %shift_right_arithmetic3A_379 = arith.constant 14 : i32
    %shift_right_arithmetic3A_380 = arith.shrsi %squeeze3A_371, %shift_right_arithmetic3A_379 : i32
    %shift_left3A_381 = arith.constant 13 : i32
    %shift_left3A_382 = arith.shli %shift_right_arithmetic3A_380, %shift_left3A_381 : i32
    %and3A_383 = arith.constant 8191 : i32
    %and3A_384 = arith.andi %squeeze3A_371, %and3A_383 : i32
    %or3A_385 = arith.ori %shift_left3A_382, %and3A_384 : i32
    %dma_start3A_386 = arith.constant 7 : i32
    %dma_start3A_387 = arith.constant 0 : i32
    %dma_start3A_388 = arith.constant 7 : i32
    %dma_start3A_389 = arith.constant 0 : i32
    %dma_start3A_390 = tpu.memref_slice %arg11[%dma_start3A_386, %dma_start3A_387, %dma_start3A_389] : memref<8x3x128xi32, #tpu.memory_space<vmem>> -> memref<1x1x128xi32, #tpu.memory_space<vmem>>
    %dma_start3A_391 = tpu.memref_squeeze %dma_start3A_390 : memref<1x1x128xi32, #tpu.memory_space<vmem>> -> memref<128xi32, #tpu.memory_space<vmem>>
    %dma_start3A_392 = arith.constant 0 : i32
    %dma_start3A_393 = tpu.memref_slice %arg2[%or3A_378, %dma_start3A_392] : memref<507904x128xi32, #tpu.memory_space<hbm>> -> memref<1x128xi32, #tpu.memory_space<hbm>>
    %dma_start3A_394 = tpu.memref_squeeze %dma_start3A_393 : memref<1x128xi32, #tpu.memory_space<hbm>> -> memref<128xi32, #tpu.memory_space<hbm>>
    %dma_start3A_395 = tpu.memref_slice %arg14[%dma_start3A_388] : memref<8x!tpu.dma_semaphore, #tpu.memory_space<semaphore_mem>> -> memref<1x!tpu.dma_semaphore, #tpu.memory_space<semaphore_mem>>
    %dma_start3A_396 = tpu.memref_squeeze %dma_start3A_395 : memref<1x!tpu.dma_semaphore, #tpu.memory_space<semaphore_mem>> -> memref<!tpu.dma_semaphore, #tpu.memory_space<semaphore_mem>>
    %dma_start3A_397 = arith.constant 0 : i32
    %dma_start3A_398 = tpu.memref_slice %arg11[%dma_start3A_386, %dma_start3A_387, %dma_start3A_397] : memref<8x3x128xi32, #tpu.memory_space<vmem>> -> memref<1x1x128xi32, #tpu.memory_space<vmem>>
    %dma_start3A_399 = tpu.memref_squeeze %dma_start3A_398 : memref<1x1x128xi32, #tpu.memory_space<vmem>> -> memref<128xi32, #tpu.memory_space<vmem>>
    %dma_start3A_400 = arith.constant 0 : i32
    %dma_start3A_401 = tpu.memref_slice %arg2[%or3A_378, %dma_start3A_400] : memref<507904x128xi32, #tpu.memory_space<hbm>> -> memref<1x128xi32, #tpu.memory_space<hbm>>
    %dma_start3A_402 = tpu.memref_squeeze %dma_start3A_401 : memref<1x128xi32, #tpu.memory_space<hbm>> -> memref<128xi32, #tpu.memory_space<hbm>>
    tpu.enqueue_dma source(%dma_start3A_402 : memref<128xi32, #tpu.memory_space<hbm>>) target(%dma_start3A_399 : memref<128xi32, #tpu.memory_space<vmem>>) target_semaphore(%dma_start3A_396 : memref<!tpu.dma_semaphore, #tpu.memory_space<semaphore_mem>>)
    %dma_start3A_403 = arith.constant 7 : i32
    %dma_start3A_404 = arith.constant 1 : i32
    %dma_start3A_405 = arith.constant 7 : i32
    %dma_start3A_406 = arith.constant 0 : i32
    %dma_start3A_407 = tpu.memref_slice %arg11[%dma_start3A_403, %dma_start3A_404, %dma_start3A_406] : memref<8x3x128xi32, #tpu.memory_space<vmem>> -> memref<1x1x128xi32, #tpu.memory_space<vmem>>
    %dma_start3A_408 = tpu.memref_squeeze %dma_start3A_407 : memref<1x1x128xi32, #tpu.memory_space<vmem>> -> memref<128xi32, #tpu.memory_space<vmem>>
    %dma_start3A_409 = arith.constant 0 : i32
    %dma_start3A_410 = tpu.memref_slice %arg2[%or3A_385, %dma_start3A_409] : memref<507904x128xi32, #tpu.memory_space<hbm>> -> memref<1x128xi32, #tpu.memory_space<hbm>>
    %dma_start3A_411 = tpu.memref_squeeze %dma_start3A_410 : memref<1x128xi32, #tpu.memory_space<hbm>> -> memref<128xi32, #tpu.memory_space<hbm>>
    %dma_start3A_412 = tpu.memref_slice %arg14[%dma_start3A_405] : memref<8x!tpu.dma_semaphore, #tpu.memory_space<semaphore_mem>> -> memref<1x!tpu.dma_semaphore, #tpu.memory_space<semaphore_mem>>
    %dma_start3A_413 = tpu.memref_squeeze %dma_start3A_412 : memref<1x!tpu.dma_semaphore, #tpu.memory_space<semaphore_mem>> -> memref<!tpu.dma_semaphore, #tpu.memory_space<semaphore_mem>>
    %dma_start3A_414 = arith.constant 0 : i32
    %dma_start3A_415 = tpu.memref_slice %arg11[%dma_start3A_403, %dma_start3A_404, %dma_start3A_414] : memref<8x3x128xi32, #tpu.memory_space<vmem>> -> memref<1x1x128xi32, #tpu.memory_space<vmem>>
    %dma_start3A_416 = tpu.memref_squeeze %dma_start3A_415 : memref<1x1x128xi32, #tpu.memory_space<vmem>> -> memref<128xi32, #tpu.memory_space<vmem>>
    %dma_start3A_417 = arith.constant 0 : i32
    %dma_start3A_418 = tpu.memref_slice %arg2[%or3A_385, %dma_start3A_417] : memref<507904x128xi32, #tpu.memory_space<hbm>> -> memref<1x128xi32, #tpu.memory_space<hbm>>
    %dma_start3A_419 = tpu.memref_squeeze %dma_start3A_418 : memref<1x128xi32, #tpu.memory_space<hbm>> -> memref<128xi32, #tpu.memory_space<hbm>>
    tpu.enqueue_dma source(%dma_start3A_419 : memref<128xi32, #tpu.memory_space<hbm>>) target(%dma_start3A_416 : memref<128xi32, #tpu.memory_space<vmem>>) target_semaphore(%dma_start3A_413 : memref<!tpu.dma_semaphore, #tpu.memory_space<semaphore_mem>>)
    %scan3A = arith.constant 0 : i32
    %scan3A_420 = arith.constant 0 : i32
    %scan3A_421 = arith.constant 64 : i32
    %scan3A_422 = arith.addi %scan3A_420, %scan3A_421 : i32
    %scan3A_423 = arith.constant 1 : i32
    scf.for %scan3A_427 = %scan3A_420 to %scan3A_422 step %scan3A_423  : i32 {
      %add3A_428 = arith.constant 1 : i32
      %add3A_429 = arith.addi %scan3A_427, %add3A_428 : i32
      %mul3A_430 = arith.constant 8 : i32
      %mul3A_431 = arith.muli %add3A_429, %mul3A_430 : i32
      %get3A_432 = arith.index_cast %mul3A_431 : i32 to index
      %get3A_433 = tpu.vector_load %arg8[%get3A_432] {strides = array<i32>} : memref<528xi32, #tpu.memory_space<vmem>>, vector<16xi32>,
      %get3A_434 = vector.shape_cast %get3A_433 : vector<16xi32> to vector<16xi32>
      %add3A_435 = arith.constant 1 : i32
      %add3A_436 = arith.addi %scan3A_427, %add3A_435 : i32
      %mul3A_437 = arith.constant 8 : i32
      %mul3A_438 = arith.muli %add3A_436, %mul3A_437 : i32
      %get3A_439 = arith.index_cast %mul3A_438 : i32 to index
      %get3A_440 = tpu.vector_load %arg9[%get3A_439] {strides = array<i32>} : memref<528xi32, #tpu.memory_space<vmem>>, vector<16xi32>,
      %get3A_441 = vector.shape_cast %get3A_440 : vector<16xi32> to vector<16xi32>
      %mul3A_442 = arith.constant 8 : i32
      %mul3A_443 = arith.muli %scan3A_427, %mul3A_442 : i32
      %get3A_444 = arith.index_cast %mul3A_443 : i32 to index
      %get3A_445 = tpu.vector_load %arg8[%get3A_444] {strides = array<i32>} : memref<528xi32, #tpu.memory_space<vmem>>, vector<16xi32>,
      %get3A_446 = vector.shape_cast %get3A_445 : vector<16xi32> to vector<16xi32>
      %mul3A_447 = arith.constant 8 : i32
      %mul3A_448 = arith.muli %scan3A_427, %mul3A_447 : i32
      %get3A_449 = arith.index_cast %mul3A_448 : i32 to index
      %get3A_450 = tpu.vector_load %arg9[%get3A_449] {strides = array<i32>} : memref<528xi32, #tpu.memory_space<vmem>>, vector<16xi32>,
      %get3A_451 = vector.shape_cast %get3A_450 : vector<16xi32> to vector<16xi32>
      %mul3A_452 = arith.constant 8 : i32
      %mul3A_453 = arith.muli %scan3A_427, %mul3A_452 : i32
      %get3A_454 = arith.index_cast %mul3A_453 : i32 to index
      %get3A_455 = tpu.vector_load %arg10[%get3A_454] {strides = array<i32>} : memref<528xi32, #tpu.memory_space<vmem>>, vector<16xi32>,
      %get3A_456 = vector.shape_cast %get3A_455 : vector<16xi32> to vector<16xi32>
      %dma_wait3A = arith.constant 0 : i32
      %dma_wait3A_457 = arith.constant 0 : i32
      %dma_wait3A_458 = arith.constant 0 : i32
      %dma_wait3A_459 = arith.constant 0 : i32
      %dma_wait3A_460 = arith.constant 0 : i32
      %dma_wait3A_461 = tpu.memref_slice %arg11[%dma_wait3A_457, %dma_wait3A_458, %dma_wait3A_460] : memref<8x3x128xi32, #tpu.memory_space<vmem>> -> memref<1x1x128xi32, #tpu.memory_space<vmem>>
      %dma_wait3A_462 = tpu.memref_squeeze %dma_wait3A_461 : memref<1x1x128xi32, #tpu.memory_space<vmem>> -> memref<128xi32, #tpu.memory_space<vmem>>
      %dma_wait3A_463 = arith.constant 0 : i32
      %dma_wait3A_464 = tpu.memref_slice %arg2[%dma_wait3A, %dma_wait3A_463] : memref<507904x128xi32, #tpu.memory_space<hbm>> -> memref<1x128xi32, #tpu.memory_space<hbm>>
      %dma_wait3A_465 = tpu.memref_squeeze %dma_wait3A_464 : memref<1x128xi32, #tpu.memory_space<hbm>> -> memref<128xi32, #tpu.memory_space<hbm>>
      %dma_wait3A_466 = tpu.memref_slice %arg14[%dma_wait3A_459] : memref<8x!tpu.dma_semaphore, #tpu.memory_space<semaphore_mem>> -> memref<1x!tpu.dma_semaphore, #tpu.memory_space<semaphore_mem>>
      %dma_wait3A_467 = tpu.memref_squeeze %dma_wait3A_466 : memref<1x!tpu.dma_semaphore, #tpu.memory_space<semaphore_mem>> -> memref<!tpu.dma_semaphore, #tpu.memory_space<semaphore_mem>>
      %dma_wait3A_468 = arith.constant 0 : i32
      %dma_wait3A_469 = tpu.memref_slice %arg11[%dma_wait3A_457, %dma_wait3A_458, %dma_wait3A_468] : memref<8x3x128xi32, #tpu.memory_space<vmem>> -> memref<1x1x128xi32, #tpu.memory_space<vmem>>
      %dma_wait3A_470 = tpu.memref_squeeze %dma_wait3A_469 : memref<1x1x128xi32, #tpu.memory_space<vmem>> -> memref<128xi32, #tpu.memory_space<vmem>>
      %dma_wait3A_471 = arith.constant 0 : i32
      %dma_wait3A_472 = tpu.memref_slice %arg2[%dma_wait3A, %dma_wait3A_471] : memref<507904x128xi32, #tpu.memory_space<hbm>> -> memref<1x128xi32, #tpu.memory_space<hbm>>
      %dma_wait3A_473 = tpu.memref_squeeze %dma_wait3A_472 : memref<1x128xi32, #tpu.memory_space<hbm>> -> memref<128xi32, #tpu.memory_space<hbm>>
      tpu.wait_dma2 semaphore(%dma_wait3A_467 : memref<!tpu.dma_semaphore, #tpu.memory_space<semaphore_mem>>) src(%dma_wait3A_473 : memref<128xi32, #tpu.memory_space<hbm>>) dst(%dma_wait3A_470 : memref<128xi32, #tpu.memory_space<vmem>>)
      %dma_wait3A_474 = arith.constant 0 : i32
      %dma_wait3A_475 = arith.constant 0 : i32
      %dma_wait3A_476 = arith.constant 1 : i32
      %dma_wait3A_477 = arith.constant 0 : i32
      %dma_wait3A_478 = arith.constant 0 : i32
      %dma_wait3A_479 = tpu.memref_slice %arg11[%dma_wait3A_475, %dma_wait3A_476, %dma_wait3A_478] : memref<8x3x128xi32, #tpu.memory_space<vmem>> -> memref<1x1x128xi32, #tpu.memory_space<vmem>>
      %dma_wait3A_480 = tpu.memref_squeeze %dma_wait3A_479 : memref<1x1x128xi32, #tpu.memory_space<vmem>> -> memref<128xi32, #tpu.memory_space<vmem>>
      %dma_wait3A_481 = arith.constant 0 : i32
      %dma_wait3A_482 = tpu.memref_slice %arg2[%dma_wait3A_474, %dma_wait3A_481] : memref<507904x128xi32, #tpu.memory_space<hbm>> -> memref<1x128xi32, #tpu.memory_space<hbm>>
      %dma_wait3A_483 = tpu.memref_squeeze %dma_wait3A_482 : memref<1x128xi32, #tpu.memory_space<hbm>> -> memref<128xi32, #tpu.memory_space<hbm>>
      %dma_wait3A_484 = tpu.memref_slice %arg14[%dma_wait3A_477] : memref<8x!tpu.dma_semaphore, #tpu.memory_space<semaphore_mem>> -> memref<1x!tpu.dma_semaphore, #tpu.memory_space<semaphore_mem>>
      %dma_wait3A_485 = tpu.memref_squeeze %dma_wait3A_484 : memref<1x!tpu.dma_semaphore, #tpu.memory_space<semaphore_mem>> -> memref<!tpu.dma_semaphore, #tpu.memory_space<semaphore_mem>>
      %dma_wait3A_486 = arith.constant 0 : i32
      %dma_wait3A_487 = tpu.memref_slice %arg11[%dma_wait3A_475, %dma_wait3A_476, %dma_wait3A_486] : memref<8x3x128xi32, #tpu.memory_space<vmem>> -> memref<1x1x128xi32, #tpu.memory_space<vmem>>
      %dma_wait3A_488 = tpu.memref_squeeze %dma_wait3A_487 : memref<1x1x128xi32, #tpu.memory_space<vmem>> -> memref<128xi32, #tpu.memory_space<vmem>>
      %dma_wait3A_489 = arith.constant 0 : i32
      %dma_wait3A_490 = tpu.memref_slice %arg2[%dma_wait3A_474, %dma_wait3A_489] : memref<507904x128xi32, #tpu.memory_space<hbm>> -> memref<1x128xi32, #tpu.memory_space<hbm>>
      %dma_wait3A_491 = tpu.memref_squeeze %dma_wait3A_490 : memref<1x128xi32, #tpu.memory_space<hbm>> -> memref<128xi32, #tpu.memory_space<hbm>>
      tpu.wait_dma2 semaphore(%dma_wait3A_485 : memref<!tpu.dma_semaphore, #tpu.memory_space<semaphore_mem>>) src(%dma_wait3A_491 : memref<128xi32, #tpu.memory_space<hbm>>) dst(%dma_wait3A_488 : memref<128xi32, #tpu.memory_space<vmem>>)
      %slice3A_492 = vector.extract_strided_slice %get3A_446 {offsets = [0], sizes = [1], strides = [1]} : vector<16xi32> to vector<1xi32>
      %squeeze3A_493 = vector.extract %slice3A_492[0] : i32 from vector<1xi32>
      %shift_right_arithmetic3A_494 = arith.constant 13 : i32
      %shift_right_arithmetic3A_495 = arith.shrsi %squeeze3A_493, %shift_right_arithmetic3A_494 : i32
      %and3A_496 = arith.constant 1 : i32
      %and3A_497 = arith.andi %shift_right_arithmetic3A_495, %and3A_496 : i32
      %mul3A_498 = arith.constant 64 : i32
      %mul3A_499 = arith.muli %and3A_497, %mul3A_498 : i32
      %slice3A_500 = vector.extract_strided_slice %get3A_451 {offsets = [0], sizes = [1], strides = [1]} : vector<16xi32> to vector<1xi32>
      %squeeze3A_501 = vector.extract %slice3A_500[0] : i32 from vector<1xi32>
      %shift_right_arithmetic3A_502 = arith.constant 13 : i32
      %shift_right_arithmetic3A_503 = arith.shrsi %squeeze3A_501, %shift_right_arithmetic3A_502 : i32
      %and3A_504 = arith.constant 1 : i32
      %and3A_505 = arith.andi %shift_right_arithmetic3A_503, %and3A_504 : i32
      %mul3A_506 = arith.constant 64 : i32
      %mul3A_507 = arith.muli %and3A_505, %mul3A_506 : i32
      %slice3A_508 = vector.extract_strided_slice %get3A_456 {offsets = [0], sizes = [1], strides = [1]} : vector<16xi32> to vector<1xi32>
      %squeeze3A_509 = vector.extract %slice3A_508[0] : i32 from vector<1xi32>
      %shift_right_arithmetic3A_510 = arith.constant 1 : i32
      %shift_right_arithmetic3A_511 = arith.shrsi %squeeze3A_509, %shift_right_arithmetic3A_510 : i32
      %slice3A_512 = vector.extract_strided_slice %get3A_456 {offsets = [0], sizes = [1], strides = [1]} : vector<16xi32> to vector<1xi32>
      %squeeze3A_513 = vector.extract %slice3A_512[0] : i32 from vector<1xi32>
      %and3A_514 = arith.constant 1 : i32
      %and3A_515 = arith.andi %squeeze3A_513, %and3A_514 : i32
      %mul3A_516 = arith.constant 64 : i32
      %mul3A_517 = arith.muli %and3A_515, %mul3A_516 : i32
      %broadcast_in_dim3A = arith.constant 0.000000e+00 : f32
      %broadcast_in_dim3A_518 = vector.broadcast %broadcast_in_dim3A : f32 to vector<16xf32>
      %add3A_519 = arith.constant 0 : i32
      %add3A_520 = arith.addi %mul3A_499, %add3A_519 : i32
      %get3A_521 = arith.constant 0 : i32
      %get3A_522 = arith.constant 0 : i32
      %get3A_523 = arith.index_cast %get3A_521 : i32 to index
      %get3A_524 = arith.index_cast %get3A_522 : i32 to index
      %get3A_525 = arith.index_cast %add3A_520 : i32 to index
      %get3A_526 = tpu.vector_load %arg11[%get3A_523, %get3A_524, %get3A_525] {strides = array<i32>} : memref<8x3x128xi32, #tpu.memory_space<vmem>>, vector<1x1x16xi32>,
      %get3A_527 = vector.shape_cast %get3A_526 : vector<1x1x16xi32> to vector<16xi32>
      %shift_left3A_528 = arith.constant 16 : i32
      %shift_left3A_529 = vector.broadcast %shift_left3A_528 : i32 to vector<16xi32>
      %shift_left3A_530 = arith.shli %get3A_527, %shift_left3A_529 : vector<16xi32>
      %bitcast_convert_type3A = tpu.bitcast %shift_left3A_530 : vector<16xi32> -> vector<16xf32>
      %and3A_531 = arith.constant -65536 : i32
      %and3A_532 = vector.broadcast %and3A_531 : i32 to vector<16xi32>
      %and3A_533 = arith.andi %get3A_527, %and3A_532 : vector<16xi32>
      %bitcast_convert_type3A_534 = tpu.bitcast %and3A_533 : vector<16xi32> -> vector<16xf32>
      %add3A_535 = arith.constant 0 : i32
      %add3A_536 = arith.addi %mul3A_507, %add3A_535 : i32
      %get3A_537 = arith.constant 0 : i32
      %get3A_538 = arith.constant 1 : i32
      %get3A_539 = arith.index_cast %get3A_537 : i32 to index
      %get3A_540 = arith.index_cast %get3A_538 : i32 to index
      %get3A_541 = arith.index_cast %add3A_536 : i32 to index
      %get3A_542 = tpu.vector_load %arg11[%get3A_539, %get3A_540, %get3A_541] {strides = array<i32>} : memref<8x3x128xi32, #tpu.memory_space<vmem>>, vector<1x1x16xi32>,
      %get3A_543 = vector.shape_cast %get3A_542 : vector<1x1x16xi32> to vector<16xi32>
      %shift_left3A_544 = arith.constant 16 : i32
      %shift_left3A_545 = vector.broadcast %shift_left3A_544 : i32 to vector<16xi32>
      %shift_left3A_546 = arith.shli %get3A_543, %shift_left3A_545 : vector<16xi32>
      %bitcast_convert_type3A_547 = tpu.bitcast %shift_left3A_546 : vector<16xi32> -> vector<16xf32>
      %and3A_548 = arith.constant -65536 : i32
      %and3A_549 = vector.broadcast %and3A_548 : i32 to vector<16xi32>
      %and3A_550 = arith.andi %get3A_543, %and3A_549 : vector<16xi32>
      %bitcast_convert_type3A_551 = tpu.bitcast %and3A_550 : vector<16xi32> -> vector<16xf32>
      %add3A_552 = arith.constant 0 : i32
      %add3A_553 = arith.addi %mul3A_517, %add3A_552 : i32
      %get3A_554 = arith.index_cast %shift_right_arithmetic3A_511 : i32 to index
      %get3A_555 = arith.index_cast %add3A_553 : i32 to index
      %get3A_556 = tpu.vector_load %arg12[%get3A_554, %get3A_555] {strides = array<i32>} : memref<500x128xi32, #tpu.memory_space<vmem>>, vector<1x16xi32>,
      %get3A_557 = vector.shape_cast %get3A_556 : vector<1x16xi32> to vector<16xi32>
      %shift_left3A_558 = arith.constant 16 : i32
      %shift_left3A_559 = vector.broadcast %shift_left3A_558 : i32 to vector<16xi32>
      %shift_left3A_560 = arith.shli %get3A_557, %shift_left3A_559 : vector<16xi32>
      %bitcast_convert_type3A_561 = tpu.bitcast %shift_left3A_560 : vector<16xi32> -> vector<16xf32>
      %and3A_562 = arith.constant -65536 : i32
      %and3A_563 = vector.broadcast %and3A_562 : i32 to vector<16xi32>
      %and3A_564 = arith.andi %get3A_557, %and3A_563 : vector<16xi32>
      %bitcast_convert_type3A_565 = tpu.bitcast %and3A_564 : vector<16xi32> -> vector<16xf32>
      %mul3A_566 = arith.mulf %bitcast_convert_type3A, %bitcast_convert_type3A_561 : vector<16xf32>
      %mul3A_567 = arith.mulf %bitcast_convert_type3A_534, %bitcast_convert_type3A_565 : vector<16xf32>
      %sub3A = arith.subf %mul3A_566, %mul3A_567 : vector<16xf32>
      %mul3A_568 = arith.mulf %bitcast_convert_type3A_547, %sub3A : vector<16xf32>
      %add3A_569 = arith.addf %broadcast_in_dim3A_518, %mul3A_568 : vector<16xf32>
      %mul3A_570 = arith.mulf %bitcast_convert_type3A_534, %bitcast_convert_type3A_561 : vector<16xf32>
      %mul3A_571 = arith.mulf %bitcast_convert_type3A, %bitcast_convert_type3A_565 : vector<16xf32>
      %add3A_572 = arith.addf %mul3A_570, %mul3A_571 : vector<16xf32>
      %mul3A_573 = arith.mulf %bitcast_convert_type3A_551, %add3A_572 : vector<16xf32>
      %add3A_574 = arith.addf %add3A_569, %mul3A_573 : vector<16xf32>
      %add3A_575 = arith.constant 16 : i32
      %add3A_576 = arith.addi %mul3A_499, %add3A_575 : i32
      %get3A_577 = arith.constant 0 : i32
      %get3A_578 = arith.constant 0 : i32
      %get3A_579 = arith.index_cast %get3A_577 : i32 to index
      %get3A_580 = arith.index_cast %get3A_578 : i32 to index
      %get3A_581 = arith.index_cast %add3A_576 : i32 to index
      %get3A_582 = tpu.vector_load %arg11[%get3A_579, %get3A_580, %get3A_581] {strides = array<i32>} : memref<8x3x128xi32, #tpu.memory_space<vmem>>, vector<1x1x16xi32>,
      %get3A_583 = vector.shape_cast %get3A_582 : vector<1x1x16xi32> to vector<16xi32>
      %shift_left3A_584 = arith.constant 16 : i32
      %shift_left3A_585 = vector.broadcast %shift_left3A_584 : i32 to vector<16xi32>
      %shift_left3A_586 = arith.shli %get3A_583, %shift_left3A_585 : vector<16xi32>
      %bitcast_convert_type3A_587 = tpu.bitcast %shift_left3A_586 : vector<16xi32> -> vector<16xf32>
      %and3A_588 = arith.constant -65536 : i32
      %and3A_589 = vector.broadcast %and3A_588 : i32 to vector<16xi32>
      %and3A_590 = arith.andi %get3A_583, %and3A_589 : vector<16xi32>
      %bitcast_convert_type3A_591 = tpu.bitcast %and3A_590 : vector<16xi32> -> vector<16xf32>
      %add3A_592 = arith.constant 16 : i32
      %add3A_593 = arith.addi %mul3A_507, %add3A_592 : i32
      %get3A_594 = arith.constant 0 : i32
      %get3A_595 = arith.constant 1 : i32
      %get3A_596 = arith.index_cast %get3A_594 : i32 to index
      %get3A_597 = arith.index_cast %get3A_595 : i32 to index
      %get3A_598 = arith.index_cast %add3A_593 : i32 to index
      %get3A_599 = tpu.vector_load %arg11[%get3A_596, %get3A_597, %get3A_598] {strides = array<i32>} : memref<8x3x128xi32, #tpu.memory_space<vmem>>, vector<1x1x16xi32>,
      %get3A_600 = vector.shape_cast %get3A_599 : vector<1x1x16xi32> to vector<16xi32>
      %shift_left3A_601 = arith.constant 16 : i32
      %shift_left3A_602 = vector.broadcast %shift_left3A_601 : i32 to vector<16xi32>
      %shift_left3A_603 = arith.shli %get3A_600, %shift_left3A_602 : vector<16xi32>
      %bitcast_convert_type3A_604 = tpu.bitcast %shift_left3A_603 : vector<16xi32> -> vector<16xf32>
      %and3A_605 = arith.constant -65536 : i32
      %and3A_606 = vector.broadcast %and3A_605 : i32 to vector<16xi32>
      %and3A_607 = arith.andi %get3A_600, %and3A_606 : vector<16xi32>
      %bitcast_convert_type3A_608 = tpu.bitcast %and3A_607 : vector<16xi32> -> vector<16xf32>
      %add3A_609 = arith.constant 16 : i32
      %add3A_610 = arith.addi %mul3A_517, %add3A_609 : i32
      %get3A_611 = arith.index_cast %shift_right_arithmetic3A_511 : i32 to index
      %get3A_612 = arith.index_cast %add3A_610 : i32 to index
      %get3A_613 = tpu.vector_load %arg12[%get3A_611, %get3A_612] {strides = array<i32>} : memref<500x128xi32, #tpu.memory_space<vmem>>, vector<1x16xi32>,
      %get3A_614 = vector.shape_cast %get3A_613 : vector<1x16xi32> to vector<16xi32>
      %shift_left3A_615 = arith.constant 16 : i32
      %shift_left3A_616 = vector.broadcast %shift_left3A_615 : i32 to vector<16xi32>
      %shift_left3A_617 = arith.shli %get3A_614, %shift_left3A_616 : vector<16xi32>
      %bitcast_convert_type3A_618 = tpu.bitcast %shift_left3A_617 : vector<16xi32> -> vector<16xf32>
      %and3A_619 = arith.constant -65536 : i32
      %and3A_620 = vector.broadcast %and3A_619 : i32 to vector<16xi32>
      %and3A_621 = arith.andi %get3A_614, %and3A_620 : vector<16xi32>
      %bitcast_convert_type3A_622 = tpu.bitcast %and3A_621 : vector<16xi32> -> vector<16xf32>
      %mul3A_623 = arith.mulf %bitcast_convert_type3A_587, %bitcast_convert_type3A_618 : vector<16xf32>
      %mul3A_624 = arith.mulf %bitcast_convert_type3A_591, %bitcast_convert_type3A_622 : vector<16xf32>
      %sub3A_625 = arith.subf %mul3A_623, %mul3A_624 : vector<16xf32>
      %mul3A_626 = arith.mulf %bitcast_convert_type3A_604, %sub3A_625 : vector<16xf32>
      %add3A_627 = arith.addf %add3A_574, %mul3A_626 : vector<16xf32>
      %mul3A_628 = arith.mulf %bitcast_convert_type3A_591, %bitcast_convert_type3A_618 : vector<16xf32>
      %mul3A_629 = arith.mulf %bitcast_convert_type3A_587, %bitcast_convert_type3A_622 : vector<16xf32>
      %add3A_630 = arith.addf %mul3A_628, %mul3A_629 : vector<16xf32>
      %mul3A_631 = arith.mulf %bitcast_convert_type3A_608, %add3A_630 : vector<16xf32>
      %add3A_632 = arith.addf %add3A_627, %mul3A_631 : vector<16xf32>
      %add3A_633 = arith.constant 32 : i32
      %add3A_634 = arith.addi %mul3A_499, %add3A_633 : i32
      %get3A_635 = arith.constant 0 : i32
      %get3A_636 = arith.constant 0 : i32
      %get3A_637 = arith.index_cast %get3A_635 : i32 to index
      %get3A_638 = arith.index_cast %get3A_636 : i32 to index
      %get3A_639 = arith.index_cast %add3A_634 : i32 to index
      %get3A_640 = tpu.vector_load %arg11[%get3A_637, %get3A_638, %get3A_639] {strides = array<i32>} : memref<8x3x128xi32, #tpu.memory_space<vmem>>, vector<1x1x16xi32>,
      %get3A_641 = vector.shape_cast %get3A_640 : vector<1x1x16xi32> to vector<16xi32>
      %shift_left3A_642 = arith.constant 16 : i32
      %shift_left3A_643 = vector.broadcast %shift_left3A_642 : i32 to vector<16xi32>
      %shift_left3A_644 = arith.shli %get3A_641, %shift_left3A_643 : vector<16xi32>
      %bitcast_convert_type3A_645 = tpu.bitcast %shift_left3A_644 : vector<16xi32> -> vector<16xf32>
      %and3A_646 = arith.constant -65536 : i32
      %and3A_647 = vector.broadcast %and3A_646 : i32 to vector<16xi32>
      %and3A_648 = arith.andi %get3A_641, %and3A_647 : vector<16xi32>
      %bitcast_convert_type3A_649 = tpu.bitcast %and3A_648 : vector<16xi32> -> vector<16xf32>
      %add3A_650 = arith.constant 32 : i32
      %add3A_651 = arith.addi %mul3A_507, %add3A_650 : i32
      %get3A_652 = arith.constant 0 : i32
      %get3A_653 = arith.constant 1 : i32
      %get3A_654 = arith.index_cast %get3A_652 : i32 to index
      %get3A_655 = arith.index_cast %get3A_653 : i32 to index
      %get3A_656 = arith.index_cast %add3A_651 : i32 to index
      %get3A_657 = tpu.vector_load %arg11[%get3A_654, %get3A_655, %get3A_656] {strides = array<i32>} : memref<8x3x128xi32, #tpu.memory_space<vmem>>, vector<1x1x16xi32>,
      %get3A_658 = vector.shape_cast %get3A_657 : vector<1x1x16xi32> to vector<16xi32>
      %shift_left3A_659 = arith.constant 16 : i32
      %shift_left3A_660 = vector.broadcast %shift_left3A_659 : i32 to vector<16xi32>
      %shift_left3A_661 = arith.shli %get3A_658, %shift_left3A_660 : vector<16xi32>
      %bitcast_convert_type3A_662 = tpu.bitcast %shift_left3A_661 : vector<16xi32> -> vector<16xf32>
      %and3A_663 = arith.constant -65536 : i32
      %and3A_664 = vector.broadcast %and3A_663 : i32 to vector<16xi32>
      %and3A_665 = arith.andi %get3A_658, %and3A_664 : vector<16xi32>
      %bitcast_convert_type3A_666 = tpu.bitcast %and3A_665 : vector<16xi32> -> vector<16xf32>
      %add3A_667 = arith.constant 32 : i32
      %add3A_668 = arith.addi %mul3A_517, %add3A_667 : i32
      %get3A_669 = arith.index_cast %shift_right_arithmetic3A_511 : i32 to index
      %get3A_670 = arith.index_cast %add3A_668 : i32 to index
      %get3A_671 = tpu.vector_load %arg12[%get3A_669, %get3A_670] {strides = array<i32>} : memref<500x128xi32, #tpu.memory_space<vmem>>, vector<1x16xi32>,
      %get3A_672 = vector.shape_cast %get3A_671 : vector<1x16xi32> to vector<16xi32>
      %shift_left3A_673 = arith.constant 16 : i32
      %shift_left3A_674 = vector.broadcast %shift_left3A_673 : i32 to vector<16xi32>
      %shift_left3A_675 = arith.shli %get3A_672, %shift_left3A_674 : vector<16xi32>
      %bitcast_convert_type3A_676 = tpu.bitcast %shift_left3A_675 : vector<16xi32> -> vector<16xf32>
      %and3A_677 = arith.constant -65536 : i32
      %and3A_678 = vector.broadcast %and3A_677 : i32 to vector<16xi32>
      %and3A_679 = arith.andi %get3A_672, %and3A_678 : vector<16xi32>
      %bitcast_convert_type3A_680 = tpu.bitcast %and3A_679 : vector<16xi32> -> vector<16xf32>
      %mul3A_681 = arith.mulf %bitcast_convert_type3A_645, %bitcast_convert_type3A_676 : vector<16xf32>
      %mul3A_682 = arith.mulf %bitcast_convert_type3A_649, %bitcast_convert_type3A_680 : vector<16xf32>
      %sub3A_683 = arith.subf %mul3A_681, %mul3A_682 : vector<16xf32>
      %mul3A_684 = arith.mulf %bitcast_convert_type3A_662, %sub3A_683 : vector<16xf32>
      %add3A_685 = arith.addf %add3A_632, %mul3A_684 : vector<16xf32>
      %mul3A_686 = arith.mulf %bitcast_convert_type3A_649, %bitcast_convert_type3A_676 : vector<16xf32>
      %mul3A_687 = arith.mulf %bitcast_convert_type3A_645, %bitcast_convert_type3A_680 : vector<16xf32>
      %add3A_688 = arith.addf %mul3A_686, %mul3A_687 : vector<16xf32>
      %mul3A_689 = arith.mulf %bitcast_convert_type3A_666, %add3A_688 : vector<16xf32>
      %add3A_690 = arith.addf %add3A_685, %mul3A_689 : vector<16xf32>
      %add3A_691 = arith.constant 48 : i32
      %add3A_692 = arith.addi %mul3A_499, %add3A_691 : i32
      %get3A_693 = arith.constant 0 : i32
      %get3A_694 = arith.constant 0 : i32
      %get3A_695 = arith.index_cast %get3A_693 : i32 to index
      %get3A_696 = arith.index_cast %get3A_694 : i32 to index
      %get3A_697 = arith.index_cast %add3A_692 : i32 to index
      %get3A_698 = tpu.vector_load %arg11[%get3A_695, %get3A_696, %get3A_697] {strides = array<i32>} : memref<8x3x128xi32, #tpu.memory_space<vmem>>, vector<1x1x16xi32>,
      %get3A_699 = vector.shape_cast %get3A_698 : vector<1x1x16xi32> to vector<16xi32>
      %shift_left3A_700 = arith.constant 16 : i32
      %shift_left3A_701 = vector.broadcast %shift_left3A_700 : i32 to vector<16xi32>
      %shift_left3A_702 = arith.shli %get3A_699, %shift_left3A_701 : vector<16xi32>
      %bitcast_convert_type3A_703 = tpu.bitcast %shift_left3A_702 : vector<16xi32> -> vector<16xf32>
      %and3A_704 = arith.constant -65536 : i32
      %and3A_705 = vector.broadcast %and3A_704 : i32 to vector<16xi32>
      %and3A_706 = arith.andi %get3A_699, %and3A_705 : vector<16xi32>
      %bitcast_convert_type3A_707 = tpu.bitcast %and3A_706 : vector<16xi32> -> vector<16xf32>
      %add3A_708 = arith.constant 48 : i32
      %add3A_709 = arith.addi %mul3A_507, %add3A_708 : i32
      %get3A_710 = arith.constant 0 : i32
      %get3A_711 = arith.constant 1 : i32
      %get3A_712 = arith.index_cast %get3A_710 : i32 to index
      %get3A_713 = arith.index_cast %get3A_711 : i32 to index
      %get3A_714 = arith.index_cast %add3A_709 : i32 to index
      %get3A_715 = tpu.vector_load %arg11[%get3A_712, %get3A_713, %get3A_714] {strides = array<i32>} : memref<8x3x128xi32, #tpu.memory_space<vmem>>, vector<1x1x16xi32>,
      %get3A_716 = vector.shape_cast %get3A_715 : vector<1x1x16xi32> to vector<16xi32>
      %shift_left3A_717 = arith.constant 16 : i32
      %shift_left3A_718 = vector.broadcast %shift_left3A_717 : i32 to vector<16xi32>
      %shift_left3A_719 = arith.shli %get3A_716, %shift_left3A_718 : vector<16xi32>
      %bitcast_convert_type3A_720 = tpu.bitcast %shift_left3A_719 : vector<16xi32> -> vector<16xf32>
      %and3A_721 = arith.constant -65536 : i32
      %and3A_722 = vector.broadcast %and3A_721 : i32 to vector<16xi32>
      %and3A_723 = arith.andi %get3A_716, %and3A_722 : vector<16xi32>
      %bitcast_convert_type3A_724 = tpu.bitcast %and3A_723 : vector<16xi32> -> vector<16xf32>
      %add3A_725 = arith.constant 48 : i32
      %add3A_726 = arith.addi %mul3A_517, %add3A_725 : i32
      %get3A_727 = arith.index_cast %shift_right_arithmetic3A_511 : i32 to index
      %get3A_728 = arith.index_cast %add3A_726 : i32 to index
      %get3A_729 = tpu.vector_load %arg12[%get3A_727, %get3A_728] {strides = array<i32>} : memref<500x128xi32, #tpu.memory_space<vmem>>, vector<1x16xi32>,
      %get3A_730 = vector.shape_cast %get3A_729 : vector<1x16xi32> to vector<16xi32>
      %shift_left3A_731 = arith.constant 16 : i32
      %shift_left3A_732 = vector.broadcast %shift_left3A_731 : i32 to vector<16xi32>
      %shift_left3A_733 = arith.shli %get3A_730, %shift_left3A_732 : vector<16xi32>
      %bitcast_convert_type3A_734 = tpu.bitcast %shift_left3A_733 : vector<16xi32> -> vector<16xf32>
      %and3A_735 = arith.constant -65536 : i32
      %and3A_736 = vector.broadcast %and3A_735 : i32 to vector<16xi32>
      %and3A_737 = arith.andi %get3A_730, %and3A_736 : vector<16xi32>
      %bitcast_convert_type3A_738 = tpu.bitcast %and3A_737 : vector<16xi32> -> vector<16xf32>
      %mul3A_739 = arith.mulf %bitcast_convert_type3A_703, %bitcast_convert_type3A_734 : vector<16xf32>
      %mul3A_740 = arith.mulf %bitcast_convert_type3A_707, %bitcast_convert_type3A_738 : vector<16xf32>
      %sub3A_741 = arith.subf %mul3A_739, %mul3A_740 : vector<16xf32>
      %mul3A_742 = arith.mulf %bitcast_convert_type3A_720, %sub3A_741 : vector<16xf32>
      %add3A_743 = arith.addf %add3A_690, %mul3A_742 : vector<16xf32>
      %mul3A_744 = arith.mulf %bitcast_convert_type3A_707, %bitcast_convert_type3A_734 : vector<16xf32>
      %mul3A_745 = arith.mulf %bitcast_convert_type3A_703, %bitcast_convert_type3A_738 : vector<16xf32>
      %add3A_746 = arith.addf %mul3A_744, %mul3A_745 : vector<16xf32>
      %mul3A_747 = arith.mulf %bitcast_convert_type3A_724, %add3A_746 : vector<16xf32>
      %add3A_748 = arith.addf %add3A_743, %mul3A_747 : vector<16xf32>
      %swap3A = arith.index_cast %scan3A_427 : i32 to index
      %swap3A_749 = arith.constant 0 : index
      %swap3A_750 = tpu.vector_load %arg13[%swap3A, %swap3A_749] {strides = array<i32>} : memref<64x128xf32, #tpu.memory_space<vmem>>, vector<1x16xf32>,
      %swap3A_751 = vector.shape_cast %swap3A_750 : vector<1x16xf32> to vector<16xf32>
      %swap3A_752 = vector.shape_cast %add3A_748 : vector<16xf32> to vector<1x16xf32>
      tpu.vector_store %arg13[%swap3A, %swap3A_749], %swap3A_752 {strides = array<i32>} : memref<64x128xf32, #tpu.memory_space<vmem>>, vector<1x16xf32>,
      %lt3A = arith.constant 63 : i32
      %lt3A_753 = arith.cmpi slt, %scan3A_427, %lt3A : i32
      %convert_element_type3A = arith.extui %lt3A_753 : i1 to i32
      %cond3A = arith.constant 0 : i32
      %cond3A_754 = arith.cmpi ne, %convert_element_type3A, %cond3A : i32
      scf.if %cond3A_754 {
        %slice3A_2897 = vector.extract_strided_slice %get3A_434 {offsets = [0], sizes = [1], strides = [1]} : vector<16xi32> to vector<1xi32>
        %squeeze3A_2898 = vector.extract %slice3A_2897[0] : i32 from vector<1xi32>
        %slice3A_2899 = vector.extract_strided_slice %get3A_441 {offsets = [0], sizes = [1], strides = [1]} : vector<16xi32> to vector<1xi32>
        %squeeze3A_2900 = vector.extract %slice3A_2899[0] : i32 from vector<1xi32>
        %shift_right_arithmetic3A_2901 = arith.constant 14 : i32
        %shift_right_arithmetic3A_2902 = arith.shrsi %squeeze3A_2898, %shift_right_arithmetic3A_2901 : i32
        %shift_left3A_2903 = arith.constant 13 : i32
        %shift_left3A_2904 = arith.shli %shift_right_arithmetic3A_2902, %shift_left3A_2903 : i32
        %and3A_2905 = arith.constant 8191 : i32
        %and3A_2906 = arith.andi %squeeze3A_2898, %and3A_2905 : i32
        %or3A_2907 = arith.ori %shift_left3A_2904, %and3A_2906 : i32
        %shift_right_arithmetic3A_2908 = arith.constant 14 : i32
        %shift_right_arithmetic3A_2909 = arith.shrsi %squeeze3A_2900, %shift_right_arithmetic3A_2908 : i32
        %shift_left3A_2910 = arith.constant 13 : i32
        %shift_left3A_2911 = arith.shli %shift_right_arithmetic3A_2909, %shift_left3A_2910 : i32
        %and3A_2912 = arith.constant 8191 : i32
        %and3A_2913 = arith.andi %squeeze3A_2900, %and3A_2912 : i32
        %or3A_2914 = arith.ori %shift_left3A_2911, %and3A_2913 : i32
        %dma_start3A_2915 = arith.constant 0 : i32
        %dma_start3A_2916 = arith.constant 0 : i32
        %dma_start3A_2917 = arith.constant 0 : i32
        %dma_start3A_2918 = arith.constant 0 : i32
        %dma_start3A_2919 = tpu.memref_slice %arg11[%dma_start3A_2915, %dma_start3A_2916, %dma_start3A_2918] : memref<8x3x128xi32, #tpu.memory_space<vmem>> -> memref<1x1x128xi32, #tpu.memory_space<vmem>>
        %dma_start3A_2920 = tpu.memref_squeeze %dma_start3A_2919 : memref<1x1x128xi32, #tpu.memory_space<vmem>> -> memref<128xi32, #tpu.memory_space<vmem>>
        %dma_start3A_2921 = arith.constant 0 : i32
        %dma_start3A_2922 = tpu.memref_slice %arg2[%or3A_2907, %dma_start3A_2921] : memref<507904x128xi32, #tpu.memory_space<hbm>> -> memref<1x128xi32, #tpu.memory_space<hbm>>
        %dma_start3A_2923 = tpu.memref_squeeze %dma_start3A_2922 : memref<1x128xi32, #tpu.memory_space<hbm>> -> memref<128xi32, #tpu.memory_space<hbm>>
        %dma_start3A_2924 = tpu.memref_slice %arg14[%dma_start3A_2917] : memref<8x!tpu.dma_semaphore, #tpu.memory_space<semaphore_mem>> -> memref<1x!tpu.dma_semaphore, #tpu.memory_space<semaphore_mem>>
        %dma_start3A_2925 = tpu.memref_squeeze %dma_start3A_2924 : memref<1x!tpu.dma_semaphore, #tpu.memory_space<semaphore_mem>> -> memref<!tpu.dma_semaphore, #tpu.memory_space<semaphore_mem>>
        %dma_start3A_2926 = arith.constant 0 : i32
        %dma_start3A_2927 = tpu.memref_slice %arg11[%dma_start3A_2915, %dma_start3A_2916, %dma_start3A_2926] : memref<8x3x128xi32, #tpu.memory_space<vmem>> -> memref<1x1x128xi32, #tpu.memory_space<vmem>>
        %dma_start3A_2928 = tpu.memref_squeeze %dma_start3A_2927 : memref<1x1x128xi32, #tpu.memory_space<vmem>> -> memref<128xi32, #tpu.memory_space<vmem>>
        %dma_start3A_2929 = arith.constant 0 : i32
        %dma_start3A_2930 = tpu.memref_slice %arg2[%or3A_2907, %dma_start3A_2929] : memref<507904x128xi32, #tpu.memory_space<hbm>> -> memref<1x128xi32, #tpu.memory_space<hbm>>
        %dma_start3A_2931 = tpu.memref_squeeze %dma_start3A_2930 : memref<1x128xi32, #tpu.memory_space<hbm>> -> memref<128xi32, #tpu.memory_space<hbm>>
        tpu.enqueue_dma source(%dma_start3A_2931 : memref<128xi32, #tpu.memory_space<hbm>>) target(%dma_start3A_2928 : memref<128xi32, #tpu.memory_space<vmem>>) target_semaphore(%dma_start3A_2925 : memref<!tpu.dma_semaphore, #tpu.memory_space<semaphore_mem>>)
        %dma_start3A_2932 = arith.constant 0 : i32
        %dma_start3A_2933 = arith.constant 1 : i32
        %dma_start3A_2934 = arith.constant 0 : i32
        %dma_start3A_2935 = arith.constant 0 : i32
        %dma_start3A_2936 = tpu.memref_slice %arg11[%dma_start3A_2932, %dma_start3A_2933, %dma_start3A_2935] : memref<8x3x128xi32, #tpu.memory_space<vmem>> -> memref<1x1x128xi32, #tpu.memory_space<vmem>>
        %dma_start3A_2937 = tpu.memref_squeeze %dma_start3A_2936 : memref<1x1x128xi32, #tpu.memory_space<vmem>> -> memref<128xi32, #tpu.memory_space<vmem>>
        %dma_start3A_2938 = arith.constant 0 : i32
        %dma_start3A_2939 = tpu.memref_slice %arg2[%or3A_2914, %dma_start3A_2938] : memref<507904x128xi32, #tpu.memory_space<hbm>> -> memref<1x128xi32, #tpu.memory_space<hbm>>
        %dma_start3A_2940 = tpu.memref_squeeze %dma_start3A_2939 : memref<1x128xi32, #tpu.memory_space<hbm>> -> memref<128xi32, #tpu.memory_space<hbm>>
        %dma_start3A_2941 = tpu.memref_slice %arg14[%dma_start3A_2934] : memref<8x!tpu.dma_semaphore, #tpu.memory_space<semaphore_mem>> -> memref<1x!tpu.dma_semaphore, #tpu.memory_space<semaphore_mem>>
        %dma_start3A_2942 = tpu.memref_squeeze %dma_start3A_2941 : memref<1x!tpu.dma_semaphore, #tpu.memory_space<semaphore_mem>> -> memref<!tpu.dma_semaphore, #tpu.memory_space<semaphore_mem>>
        %dma_start3A_2943 = arith.constant 0 : i32
        %dma_start3A_2944 = tpu.memref_slice %arg11[%dma_start3A_2932, %dma_start3A_2933, %dma_start3A_2943] : memref<8x3x128xi32, #tpu.memory_space<vmem>> -> memref<1x1x128xi32, #tpu.memory_space<vmem>>
        %dma_start3A_2945 = tpu.memref_squeeze %dma_start3A_2944 : memref<1x1x128xi32, #tpu.memory_space<vmem>> -> memref<128xi32, #tpu.memory_space<vmem>>
        %dma_start3A_2946 = arith.constant 0 : i32
        %dma_start3A_2947 = tpu.memref_slice %arg2[%or3A_2914, %dma_start3A_2946] : memref<507904x128xi32, #tpu.memory_space<hbm>> -> memref<1x128xi32, #tpu.memory_space<hbm>>
        %dma_start3A_2948 = tpu.memref_squeeze %dma_start3A_2947 : memref<1x128xi32, #tpu.memory_space<hbm>> -> memref<128xi32, #tpu.memory_space<hbm>>
        tpu.enqueue_dma source(%dma_start3A_2948 : memref<128xi32, #tpu.memory_space<hbm>>) target(%dma_start3A_2945 : memref<128xi32, #tpu.memory_space<vmem>>) target_semaphore(%dma_start3A_2942 : memref<!tpu.dma_semaphore, #tpu.memory_space<semaphore_mem>>)
      } else {
      }
      %dma_wait3A_755 = arith.constant 0 : i32
      %dma_wait3A_756 = arith.constant 1 : i32
      %dma_wait3A_757 = arith.constant 0 : i32
      %dma_wait3A_758 = arith.constant 1 : i32
      %dma_wait3A_759 = arith.constant 0 : i32
      %dma_wait3A_760 = tpu.memref_slice %arg11[%dma_wait3A_756, %dma_wait3A_757, %dma_wait3A_759] : memref<8x3x128xi32, #tpu.memory_space<vmem>> -> memref<1x1x128xi32, #tpu.memory_space<vmem>>
      %dma_wait3A_761 = tpu.memref_squeeze %dma_wait3A_760 : memref<1x1x128xi32, #tpu.memory_space<vmem>> -> memref<128xi32, #tpu.memory_space<vmem>>
      %dma_wait3A_762 = arith.constant 0 : i32
      %dma_wait3A_763 = tpu.memref_slice %arg2[%dma_wait3A_755, %dma_wait3A_762] : memref<507904x128xi32, #tpu.memory_space<hbm>> -> memref<1x128xi32, #tpu.memory_space<hbm>>
      %dma_wait3A_764 = tpu.memref_squeeze %dma_wait3A_763 : memref<1x128xi32, #tpu.memory_space<hbm>> -> memref<128xi32, #tpu.memory_space<hbm>>
      %dma_wait3A_765 = tpu.memref_slice %arg14[%dma_wait3A_758] : memref<8x!tpu.dma_semaphore, #tpu.memory_space<semaphore_mem>> -> memref<1x!tpu.dma_semaphore, #tpu.memory_space<semaphore_mem>>
      %dma_wait3A_766 = tpu.memref_squeeze %dma_wait3A_765 : memref<1x!tpu.dma_semaphore, #tpu.memory_space<semaphore_mem>> -> memref<!tpu.dma_semaphore, #tpu.memory_space<semaphore_mem>>
      %dma_wait3A_767 = arith.constant 0 : i32
      %dma_wait3A_768 = tpu.memref_slice %arg11[%dma_wait3A_756, %dma_wait3A_757, %dma_wait3A_767] : memref<8x3x128xi32, #tpu.memory_space<vmem>> -> memref<1x1x128xi32, #tpu.memory_space<vmem>>
      %dma_wait3A_769 = tpu.memref_squeeze %dma_wait3A_768 : memref<1x1x128xi32, #tpu.memory_space<vmem>> -> memref<128xi32, #tpu.memory_space<vmem>>
      %dma_wait3A_770 = arith.constant 0 : i32
      %dma_wait3A_771 = tpu.memref_slice %arg2[%dma_wait3A_755, %dma_wait3A_770] : memref<507904x128xi32, #tpu.memory_space<hbm>> -> memref<1x128xi32, #tpu.memory_space<hbm>>
      %dma_wait3A_772 = tpu.memref_squeeze %dma_wait3A_771 : memref<1x128xi32, #tpu.memory_space<hbm>> -> memref<128xi32, #tpu.memory_space<hbm>>
      tpu.wait_dma2 semaphore(%dma_wait3A_766 : memref<!tpu.dma_semaphore, #tpu.memory_space<semaphore_mem>>) src(%dma_wait3A_772 : memref<128xi32, #tpu.memory_space<hbm>>) dst(%dma_wait3A_769 : memref<128xi32, #tpu.memory_space<vmem>>)
      %dma_wait3A_773 = arith.constant 0 : i32
      %dma_wait3A_774 = arith.constant 1 : i32
      %dma_wait3A_775 = arith.constant 1 : i32
      %dma_wait3A_776 = arith.constant 1 : i32
      %dma_wait3A_777 = arith.constant 0 : i32
      %dma_wait3A_778 = tpu.memref_slice %arg11[%dma_wait3A_774, %dma_wait3A_775, %dma_wait3A_777] : memref<8x3x128xi32, #tpu.memory_space<vmem>> -> memref<1x1x128xi32, #tpu.memory_space<vmem>>
      %dma_wait3A_779 = tpu.memref_squeeze %dma_wait3A_778 : memref<1x1x128xi32, #tpu.memory_space<vmem>> -> memref<128xi32, #tpu.memory_space<vmem>>
      %dma_wait3A_780 = arith.constant 0 : i32
      %dma_wait3A_781 = tpu.memref_slice %arg2[%dma_wait3A_773, %dma_wait3A_780] : memref<507904x128xi32, #tpu.memory_space<hbm>> -> memref<1x128xi32, #tpu.memory_space<hbm>>
      %dma_wait3A_782 = tpu.memref_squeeze %dma_wait3A_781 : memref<1x128xi32, #tpu.memory_space<hbm>> -> memref<128xi32, #tpu.memory_space<hbm>>
      %dma_wait3A_783 = tpu.memref_slice %arg14[%dma_wait3A_776] : memref<8x!tpu.dma_semaphore, #tpu.memory_space<semaphore_mem>> -> memref<1x!tpu.dma_semaphore, #tpu.memory_space<semaphore_mem>>
      %dma_wait3A_784 = tpu.memref_squeeze %dma_wait3A_783 : memref<1x!tpu.dma_semaphore, #tpu.memory_space<semaphore_mem>> -> memref<!tpu.dma_semaphore, #tpu.memory_space<semaphore_mem>>
      %dma_wait3A_785 = arith.constant 0 : i32
      %dma_wait3A_786 = tpu.memref_slice %arg11[%dma_wait3A_774, %dma_wait3A_775, %dma_wait3A_785] : memref<8x3x128xi32, #tpu.memory_space<vmem>> -> memref<1x1x128xi32, #tpu.memory_space<vmem>>
      %dma_wait3A_787 = tpu.memref_squeeze %dma_wait3A_786 : memref<1x1x128xi32, #tpu.memory_space<vmem>> -> memref<128xi32, #tpu.memory_space<vmem>>
      %dma_wait3A_788 = arith.constant 0 : i32
      %dma_wait3A_789 = tpu.memref_slice %arg2[%dma_wait3A_773, %dma_wait3A_788] : memref<507904x128xi32, #tpu.memory_space<hbm>> -> memref<1x128xi32, #tpu.memory_space<hbm>>
      %dma_wait3A_790 = tpu.memref_squeeze %dma_wait3A_789 : memref<1x128xi32, #tpu.memory_space<hbm>> -> memref<128xi32, #tpu.memory_space<hbm>>
      tpu.wait_dma2 semaphore(%dma_wait3A_784 : memref<!tpu.dma_semaphore, #tpu.memory_space<semaphore_mem>>) src(%dma_wait3A_790 : memref<128xi32, #tpu.memory_space<hbm>>) dst(%dma_wait3A_787 : memref<128xi32, #tpu.memory_space<vmem>>)
      %slice3A_791 = vector.extract_strided_slice %get3A_446 {offsets = [1], sizes = [1], strides = [1]} : vector<16xi32> to vector<1xi32>
      %squeeze3A_792 = vector.extract %slice3A_791[0] : i32 from vector<1xi32>
      %shift_right_arithmetic3A_793 = arith.constant 13 : i32
      %shift_right_arithmetic3A_794 = arith.shrsi %squeeze3A_792, %shift_right_arithmetic3A_793 : i32
      %and3A_795 = arith.constant 1 : i32
      %and3A_796 = arith.andi %shift_right_arithmetic3A_794, %and3A_795 : i32
      %mul3A_797 = arith.constant 64 : i32
      %mul3A_798 = arith.muli %and3A_796, %mul3A_797 : i32
      %slice3A_799 = vector.extract_strided_slice %get3A_451 {offsets = [1], sizes = [1], strides = [1]} : vector<16xi32> to vector<1xi32>
      %squeeze3A_800 = vector.extract %slice3A_799[0] : i32 from vector<1xi32>
      %shift_right_arithmetic3A_801 = arith.constant 13 : i32
      %shift_right_arithmetic3A_802 = arith.shrsi %squeeze3A_800, %shift_right_arithmetic3A_801 : i32
      %and3A_803 = arith.constant 1 : i32
      %and3A_804 = arith.andi %shift_right_arithmetic3A_802, %and3A_803 : i32
      %mul3A_805 = arith.constant 64 : i32
      %mul3A_806 = arith.muli %and3A_804, %mul3A_805 : i32
      %slice3A_807 = vector.extract_strided_slice %get3A_456 {offsets = [1], sizes = [1], strides = [1]} : vector<16xi32> to vector<1xi32>
      %squeeze3A_808 = vector.extract %slice3A_807[0] : i32 from vector<1xi32>
      %shift_right_arithmetic3A_809 = arith.constant 1 : i32
      %shift_right_arithmetic3A_810 = arith.shrsi %squeeze3A_808, %shift_right_arithmetic3A_809 : i32
      %slice3A_811 = vector.extract_strided_slice %get3A_456 {offsets = [1], sizes = [1], strides = [1]} : vector<16xi32> to vector<1xi32>
      %squeeze3A_812 = vector.extract %slice3A_811[0] : i32 from vector<1xi32>
      %and3A_813 = arith.constant 1 : i32
      %and3A_814 = arith.andi %squeeze3A_812, %and3A_813 : i32
      %mul3A_815 = arith.constant 64 : i32
      %mul3A_816 = arith.muli %and3A_814, %mul3A_815 : i32
      %broadcast_in_dim3A_817 = arith.constant 0.000000e+00 : f32
      %broadcast_in_dim3A_818 = vector.broadcast %broadcast_in_dim3A_817 : f32 to vector<16xf32>
      %add3A_819 = arith.constant 0 : i32
      %add3A_820 = arith.addi %mul3A_798, %add3A_819 : i32
      %get3A_821 = arith.constant 1 : i32
      %get3A_822 = arith.constant 0 : i32
      %get3A_823 = arith.index_cast %get3A_821 : i32 to index
      %get3A_824 = arith.index_cast %get3A_822 : i32 to index
      %get3A_825 = arith.index_cast %add3A_820 : i32 to index
      %get3A_826 = tpu.vector_load %arg11[%get3A_823, %get3A_824, %get3A_825] {strides = array<i32>} : memref<8x3x128xi32, #tpu.memory_space<vmem>>, vector<1x1x16xi32>,
      %get3A_827 = vector.shape_cast %get3A_826 : vector<1x1x16xi32> to vector<16xi32>
      %shift_left3A_828 = arith.constant 16 : i32
      %shift_left3A_829 = vector.broadcast %shift_left3A_828 : i32 to vector<16xi32>
      %shift_left3A_830 = arith.shli %get3A_827, %shift_left3A_829 : vector<16xi32>
      %bitcast_convert_type3A_831 = tpu.bitcast %shift_left3A_830 : vector<16xi32> -> vector<16xf32>
      %and3A_832 = arith.constant -65536 : i32
      %and3A_833 = vector.broadcast %and3A_832 : i32 to vector<16xi32>
      %and3A_834 = arith.andi %get3A_827, %and3A_833 : vector<16xi32>
      %bitcast_convert_type3A_835 = tpu.bitcast %and3A_834 : vector<16xi32> -> vector<16xf32>
      %add3A_836 = arith.constant 0 : i32
      %add3A_837 = arith.addi %mul3A_806, %add3A_836 : i32
      %get3A_838 = arith.constant 1 : i32
      %get3A_839 = arith.constant 1 : i32
      %get3A_840 = arith.index_cast %get3A_838 : i32 to index
      %get3A_841 = arith.index_cast %get3A_839 : i32 to index
      %get3A_842 = arith.index_cast %add3A_837 : i32 to index
      %get3A_843 = tpu.vector_load %arg11[%get3A_840, %get3A_841, %get3A_842] {strides = array<i32>} : memref<8x3x128xi32, #tpu.memory_space<vmem>>, vector<1x1x16xi32>,
      %get3A_844 = vector.shape_cast %get3A_843 : vector<1x1x16xi32> to vector<16xi32>
      %shift_left3A_845 = arith.constant 16 : i32
      %shift_left3A_846 = vector.broadcast %shift_left3A_845 : i32 to vector<16xi32>
      %shift_left3A_847 = arith.shli %get3A_844, %shift_left3A_846 : vector<16xi32>
      %bitcast_convert_type3A_848 = tpu.bitcast %shift_left3A_847 : vector<16xi32> -> vector<16xf32>
      %and3A_849 = arith.constant -65536 : i32
      %and3A_850 = vector.broadcast %and3A_849 : i32 to vector<16xi32>
      %and3A_851 = arith.andi %get3A_844, %and3A_850 : vector<16xi32>
      %bitcast_convert_type3A_852 = tpu.bitcast %and3A_851 : vector<16xi32> -> vector<16xf32>
      %add3A_853 = arith.constant 0 : i32
      %add3A_854 = arith.addi %mul3A_816, %add3A_853 : i32
      %get3A_855 = arith.index_cast %shift_right_arithmetic3A_810 : i32 to index
      %get3A_856 = arith.index_cast %add3A_854 : i32 to index
      %get3A_857 = tpu.vector_load %arg12[%get3A_855, %get3A_856] {strides = array<i32>} : memref<500x128xi32, #tpu.memory_space<vmem>>, vector<1x16xi32>,
      %get3A_858 = vector.shape_cast %get3A_857 : vector<1x16xi32> to vector<16xi32>
      %shift_left3A_859 = arith.constant 16 : i32
      %shift_left3A_860 = vector.broadcast %shift_left3A_859 : i32 to vector<16xi32>
      %shift_left3A_861 = arith.shli %get3A_858, %shift_left3A_860 : vector<16xi32>
      %bitcast_convert_type3A_862 = tpu.bitcast %shift_left3A_861 : vector<16xi32> -> vector<16xf32>
      %and3A_863 = arith.constant -65536 : i32
      %and3A_864 = vector.broadcast %and3A_863 : i32 to vector<16xi32>
      %and3A_865 = arith.andi %get3A_858, %and3A_864 : vector<16xi32>
      %bitcast_convert_type3A_866 = tpu.bitcast %and3A_865 : vector<16xi32> -> vector<16xf32>
      %mul3A_867 = arith.mulf %bitcast_convert_type3A_831, %bitcast_convert_type3A_862 : vector<16xf32>
      %mul3A_868 = arith.mulf %bitcast_convert_type3A_835, %bitcast_convert_type3A_866 : vector<16xf32>
      %sub3A_869 = arith.subf %mul3A_867, %mul3A_868 : vector<16xf32>
      %mul3A_870 = arith.mulf %bitcast_convert_type3A_848, %sub3A_869 : vector<16xf32>
      %add3A_871 = arith.addf %broadcast_in_dim3A_818, %mul3A_870 : vector<16xf32>
      %mul3A_872 = arith.mulf %bitcast_convert_type3A_835, %bitcast_convert_type3A_862 : vector<16xf32>
      %mul3A_873 = arith.mulf %bitcast_convert_type3A_831, %bitcast_convert_type3A_866 : vector<16xf32>
      %add3A_874 = arith.addf %mul3A_872, %mul3A_873 : vector<16xf32>
      %mul3A_875 = arith.mulf %bitcast_convert_type3A_852, %add3A_874 : vector<16xf32>
      %add3A_876 = arith.addf %add3A_871, %mul3A_875 : vector<16xf32>
      %add3A_877 = arith.constant 16 : i32
      %add3A_878 = arith.addi %mul3A_798, %add3A_877 : i32
      %get3A_879 = arith.constant 1 : i32
      %get3A_880 = arith.constant 0 : i32
      %get3A_881 = arith.index_cast %get3A_879 : i32 to index
      %get3A_882 = arith.index_cast %get3A_880 : i32 to index
      %get3A_883 = arith.index_cast %add3A_878 : i32 to index
      %get3A_884 = tpu.vector_load %arg11[%get3A_881, %get3A_882, %get3A_883] {strides = array<i32>} : memref<8x3x128xi32, #tpu.memory_space<vmem>>, vector<1x1x16xi32>,
      %get3A_885 = vector.shape_cast %get3A_884 : vector<1x1x16xi32> to vector<16xi32>
      %shift_left3A_886 = arith.constant 16 : i32
      %shift_left3A_887 = vector.broadcast %shift_left3A_886 : i32 to vector<16xi32>
      %shift_left3A_888 = arith.shli %get3A_885, %shift_left3A_887 : vector<16xi32>
      %bitcast_convert_type3A_889 = tpu.bitcast %shift_left3A_888 : vector<16xi32> -> vector<16xf32>
      %and3A_890 = arith.constant -65536 : i32
      %and3A_891 = vector.broadcast %and3A_890 : i32 to vector<16xi32>
      %and3A_892 = arith.andi %get3A_885, %and3A_891 : vector<16xi32>
      %bitcast_convert_type3A_893 = tpu.bitcast %and3A_892 : vector<16xi32> -> vector<16xf32>
      %add3A_894 = arith.constant 16 : i32
      %add3A_895 = arith.addi %mul3A_806, %add3A_894 : i32
      %get3A_896 = arith.constant 1 : i32
      %get3A_897 = arith.constant 1 : i32
      %get3A_898 = arith.index_cast %get3A_896 : i32 to index
      %get3A_899 = arith.index_cast %get3A_897 : i32 to index
      %get3A_900 = arith.index_cast %add3A_895 : i32 to index
      %get3A_901 = tpu.vector_load %arg11[%get3A_898, %get3A_899, %get3A_900] {strides = array<i32>} : memref<8x3x128xi32, #tpu.memory_space<vmem>>, vector<1x1x16xi32>,
      %get3A_902 = vector.shape_cast %get3A_901 : vector<1x1x16xi32> to vector<16xi32>
      %shift_left3A_903 = arith.constant 16 : i32
      %shift_left3A_904 = vector.broadcast %shift_left3A_903 : i32 to vector<16xi32>
      %shift_left3A_905 = arith.shli %get3A_902, %shift_left3A_904 : vector<16xi32>
      %bitcast_convert_type3A_906 = tpu.bitcast %shift_left3A_905 : vector<16xi32> -> vector<16xf32>
      %and3A_907 = arith.constant -65536 : i32
      %and3A_908 = vector.broadcast %and3A_907 : i32 to vector<16xi32>
      %and3A_909 = arith.andi %get3A_902, %and3A_908 : vector<16xi32>
      %bitcast_convert_type3A_910 = tpu.bitcast %and3A_909 : vector<16xi32> -> vector<16xf32>
      %add3A_911 = arith.constant 16 : i32
      %add3A_912 = arith.addi %mul3A_816, %add3A_911 : i32
      %get3A_913 = arith.index_cast %shift_right_arithmetic3A_810 : i32 to index
      %get3A_914 = arith.index_cast %add3A_912 : i32 to index
      %get3A_915 = tpu.vector_load %arg12[%get3A_913, %get3A_914] {strides = array<i32>} : memref<500x128xi32, #tpu.memory_space<vmem>>, vector<1x16xi32>,
      %get3A_916 = vector.shape_cast %get3A_915 : vector<1x16xi32> to vector<16xi32>
      %shift_left3A_917 = arith.constant 16 : i32
      %shift_left3A_918 = vector.broadcast %shift_left3A_917 : i32 to vector<16xi32>
      %shift_left3A_919 = arith.shli %get3A_916, %shift_left3A_918 : vector<16xi32>
      %bitcast_convert_type3A_920 = tpu.bitcast %shift_left3A_919 : vector<16xi32> -> vector<16xf32>
      %and3A_921 = arith.constant -65536 : i32
      %and3A_922 = vector.broadcast %and3A_921 : i32 to vector<16xi32>
      %and3A_923 = arith.andi %get3A_916, %and3A_922 : vector<16xi32>
      %bitcast_convert_type3A_924 = tpu.bitcast %and3A_923 : vector<16xi32> -> vector<16xf32>
      %mul3A_925 = arith.mulf %bitcast_convert_type3A_889, %bitcast_convert_type3A_920 : vector<16xf32>
      %mul3A_926 = arith.mulf %bitcast_convert_type3A_893, %bitcast_convert_type3A_924 : vector<16xf32>
      %sub3A_927 = arith.subf %mul3A_925, %mul3A_926 : vector<16xf32>
      %mul3A_928 = arith.mulf %bitcast_convert_type3A_906, %sub3A_927 : vector<16xf32>
      %add3A_929 = arith.addf %add3A_876, %mul3A_928 : vector<16xf32>
      %mul3A_930 = arith.mulf %bitcast_convert_type3A_893, %bitcast_convert_type3A_920 : vector<16xf32>
      %mul3A_931 = arith.mulf %bitcast_convert_type3A_889, %bitcast_convert_type3A_924 : vector<16xf32>
      %add3A_932 = arith.addf %mul3A_930, %mul3A_931 : vector<16xf32>
      %mul3A_933 = arith.mulf %bitcast_convert_type3A_910, %add3A_932 : vector<16xf32>
      %add3A_934 = arith.addf %add3A_929, %mul3A_933 : vector<16xf32>
      %add3A_935 = arith.constant 32 : i32
      %add3A_936 = arith.addi %mul3A_798, %add3A_935 : i32
      %get3A_937 = arith.constant 1 : i32
      %get3A_938 = arith.constant 0 : i32
      %get3A_939 = arith.index_cast %get3A_937 : i32 to index
      %get3A_940 = arith.index_cast %get3A_938 : i32 to index
      %get3A_941 = arith.index_cast %add3A_936 : i32 to index
      %get3A_942 = tpu.vector_load %arg11[%get3A_939, %get3A_940, %get3A_941] {strides = array<i32>} : memref<8x3x128xi32, #tpu.memory_space<vmem>>, vector<1x1x16xi32>,
      %get3A_943 = vector.shape_cast %get3A_942 : vector<1x1x16xi32> to vector<16xi32>
      %shift_left3A_944 = arith.constant 16 : i32
      %shift_left3A_945 = vector.broadcast %shift_left3A_944 : i32 to vector<16xi32>
      %shift_left3A_946 = arith.shli %get3A_943, %shift_left3A_945 : vector<16xi32>
      %bitcast_convert_type3A_947 = tpu.bitcast %shift_left3A_946 : vector<16xi32> -> vector<16xf32>
      %and3A_948 = arith.constant -65536 : i32
      %and3A_949 = vector.broadcast %and3A_948 : i32 to vector<16xi32>
      %and3A_950 = arith.andi %get3A_943, %and3A_949 : vector<16xi32>
      %bitcast_convert_type3A_951 = tpu.bitcast %and3A_950 : vector<16xi32> -> vector<16xf32>
      %add3A_952 = arith.constant 32 : i32
      %add3A_953 = arith.addi %mul3A_806, %add3A_952 : i32
      %get3A_954 = arith.constant 1 : i32
      %get3A_955 = arith.constant 1 : i32
      %get3A_956 = arith.index_cast %get3A_954 : i32 to index
      %get3A_957 = arith.index_cast %get3A_955 : i32 to index
      %get3A_958 = arith.index_cast %add3A_953 : i32 to index
      %get3A_959 = tpu.vector_load %arg11[%get3A_956, %get3A_957, %get3A_958] {strides = array<i32>} : memref<8x3x128xi32, #tpu.memory_space<vmem>>, vector<1x1x16xi32>,
      %get3A_960 = vector.shape_cast %get3A_959 : vector<1x1x16xi32> to vector<16xi32>
      %shift_left3A_961 = arith.constant 16 : i32
      %shift_left3A_962 = vector.broadcast %shift_left3A_961 : i32 to vector<16xi32>
      %shift_left3A_963 = arith.shli %get3A_960, %shift_left3A_962 : vector<16xi32>
      %bitcast_convert_type3A_964 = tpu.bitcast %shift_left3A_963 : vector<16xi32> -> vector<16xf32>
      %and3A_965 = arith.constant -65536 : i32
      %and3A_966 = vector.broadcast %and3A_965 : i32 to vector<16xi32>
      %and3A_967 = arith.andi %get3A_960, %and3A_966 : vector<16xi32>
      %bitcast_convert_type3A_968 = tpu.bitcast %and3A_967 : vector<16xi32> -> vector<16xf32>
      %add3A_969 = arith.constant 32 : i32
      %add3A_970 = arith.addi %mul3A_816, %add3A_969 : i32
      %get3A_971 = arith.index_cast %shift_right_arithmetic3A_810 : i32 to index
      %get3A_972 = arith.index_cast %add3A_970 : i32 to index
      %get3A_973 = tpu.vector_load %arg12[%get3A_971, %get3A_972] {strides = array<i32>} : memref<500x128xi32, #tpu.memory_space<vmem>>, vector<1x16xi32>,
      %get3A_974 = vector.shape_cast %get3A_973 : vector<1x16xi32> to vector<16xi32>
      %shift_left3A_975 = arith.constant 16 : i32
      %shift_left3A_976 = vector.broadcast %shift_left3A_975 : i32 to vector<16xi32>
      %shift_left3A_977 = arith.shli %get3A_974, %shift_left3A_976 : vector<16xi32>
      %bitcast_convert_type3A_978 = tpu.bitcast %shift_left3A_977 : vector<16xi32> -> vector<16xf32>
      %and3A_979 = arith.constant -65536 : i32
      %and3A_980 = vector.broadcast %and3A_979 : i32 to vector<16xi32>
      %and3A_981 = arith.andi %get3A_974, %and3A_980 : vector<16xi32>
      %bitcast_convert_type3A_982 = tpu.bitcast %and3A_981 : vector<16xi32> -> vector<16xf32>
      %mul3A_983 = arith.mulf %bitcast_convert_type3A_947, %bitcast_convert_type3A_978 : vector<16xf32>
      %mul3A_984 = arith.mulf %bitcast_convert_type3A_951, %bitcast_convert_type3A_982 : vector<16xf32>
      %sub3A_985 = arith.subf %mul3A_983, %mul3A_984 : vector<16xf32>
      %mul3A_986 = arith.mulf %bitcast_convert_type3A_964, %sub3A_985 : vector<16xf32>
      %add3A_987 = arith.addf %add3A_934, %mul3A_986 : vector<16xf32>
      %mul3A_988 = arith.mulf %bitcast_convert_type3A_951, %bitcast_convert_type3A_978 : vector<16xf32>
      %mul3A_989 = arith.mulf %bitcast_convert_type3A_947, %bitcast_convert_type3A_982 : vector<16xf32>
      %add3A_990 = arith.addf %mul3A_988, %mul3A_989 : vector<16xf32>
      %mul3A_991 = arith.mulf %bitcast_convert_type3A_968, %add3A_990 : vector<16xf32>
      %add3A_992 = arith.addf %add3A_987, %mul3A_991 : vector<16xf32>
      %add3A_993 = arith.constant 48 : i32
      %add3A_994 = arith.addi %mul3A_798, %add3A_993 : i32
      %get3A_995 = arith.constant 1 : i32
      %get3A_996 = arith.constant 0 : i32
      %get3A_997 = arith.index_cast %get3A_995 : i32 to index
      %get3A_998 = arith.index_cast %get3A_996 : i32 to index
      %get3A_999 = arith.index_cast %add3A_994 : i32 to index
      %get3A_1000 = tpu.vector_load %arg11[%get3A_997, %get3A_998, %get3A_999] {strides = array<i32>} : memref<8x3x128xi32, #tpu.memory_space<vmem>>, vector<1x1x16xi32>,
      %get3A_1001 = vector.shape_cast %get3A_1000 : vector<1x1x16xi32> to vector<16xi32>
      %shift_left3A_1002 = arith.constant 16 : i32
      %shift_left3A_1003 = vector.broadcast %shift_left3A_1002 : i32 to vector<16xi32>
      %shift_left3A_1004 = arith.shli %get3A_1001, %shift_left3A_1003 : vector<16xi32>
      %bitcast_convert_type3A_1005 = tpu.bitcast %shift_left3A_1004 : vector<16xi32> -> vector<16xf32>
      %and3A_1006 = arith.constant -65536 : i32
      %and3A_1007 = vector.broadcast %and3A_1006 : i32 to vector<16xi32>
      %and3A_1008 = arith.andi %get3A_1001, %and3A_1007 : vector<16xi32>
      %bitcast_convert_type3A_1009 = tpu.bitcast %and3A_1008 : vector<16xi32> -> vector<16xf32>
      %add3A_1010 = arith.constant 48 : i32
      %add3A_1011 = arith.addi %mul3A_806, %add3A_1010 : i32
      %get3A_1012 = arith.constant 1 : i32
      %get3A_1013 = arith.constant 1 : i32
      %get3A_1014 = arith.index_cast %get3A_1012 : i32 to index
      %get3A_1015 = arith.index_cast %get3A_1013 : i32 to index
      %get3A_1016 = arith.index_cast %add3A_1011 : i32 to index
      %get3A_1017 = tpu.vector_load %arg11[%get3A_1014, %get3A_1015, %get3A_1016] {strides = array<i32>} : memref<8x3x128xi32, #tpu.memory_space<vmem>>, vector<1x1x16xi32>,
      %get3A_1018 = vector.shape_cast %get3A_1017 : vector<1x1x16xi32> to vector<16xi32>
      %shift_left3A_1019 = arith.constant 16 : i32
      %shift_left3A_1020 = vector.broadcast %shift_left3A_1019 : i32 to vector<16xi32>
      %shift_left3A_1021 = arith.shli %get3A_1018, %shift_left3A_1020 : vector<16xi32>
      %bitcast_convert_type3A_1022 = tpu.bitcast %shift_left3A_1021 : vector<16xi32> -> vector<16xf32>
      %and3A_1023 = arith.constant -65536 : i32
      %and3A_1024 = vector.broadcast %and3A_1023 : i32 to vector<16xi32>
      %and3A_1025 = arith.andi %get3A_1018, %and3A_1024 : vector<16xi32>
      %bitcast_convert_type3A_1026 = tpu.bitcast %and3A_1025 : vector<16xi32> -> vector<16xf32>
      %add3A_1027 = arith.constant 48 : i32
      %add3A_1028 = arith.addi %mul3A_816, %add3A_1027 : i32
      %get3A_1029 = arith.index_cast %shift_right_arithmetic3A_810 : i32 to index
      %get3A_1030 = arith.index_cast %add3A_1028 : i32 to index
      %get3A_1031 = tpu.vector_load %arg12[%get3A_1029, %get3A_1030] {strides = array<i32>} : memref<500x128xi32, #tpu.memory_space<vmem>>, vector<1x16xi32>,
      %get3A_1032 = vector.shape_cast %get3A_1031 : vector<1x16xi32> to vector<16xi32>
      %shift_left3A_1033 = arith.constant 16 : i32
      %shift_left3A_1034 = vector.broadcast %shift_left3A_1033 : i32 to vector<16xi32>
      %shift_left3A_1035 = arith.shli %get3A_1032, %shift_left3A_1034 : vector<16xi32>
      %bitcast_convert_type3A_1036 = tpu.bitcast %shift_left3A_1035 : vector<16xi32> -> vector<16xf32>
      %and3A_1037 = arith.constant -65536 : i32
      %and3A_1038 = vector.broadcast %and3A_1037 : i32 to vector<16xi32>
      %and3A_1039 = arith.andi %get3A_1032, %and3A_1038 : vector<16xi32>
      %bitcast_convert_type3A_1040 = tpu.bitcast %and3A_1039 : vector<16xi32> -> vector<16xf32>
      %mul3A_1041 = arith.mulf %bitcast_convert_type3A_1005, %bitcast_convert_type3A_1036 : vector<16xf32>
      %mul3A_1042 = arith.mulf %bitcast_convert_type3A_1009, %bitcast_convert_type3A_1040 : vector<16xf32>
      %sub3A_1043 = arith.subf %mul3A_1041, %mul3A_1042 : vector<16xf32>
      %mul3A_1044 = arith.mulf %bitcast_convert_type3A_1022, %sub3A_1043 : vector<16xf32>
      %add3A_1045 = arith.addf %add3A_992, %mul3A_1044 : vector<16xf32>
      %mul3A_1046 = arith.mulf %bitcast_convert_type3A_1009, %bitcast_convert_type3A_1036 : vector<16xf32>
      %mul3A_1047 = arith.mulf %bitcast_convert_type3A_1005, %bitcast_convert_type3A_1040 : vector<16xf32>
      %add3A_1048 = arith.addf %mul3A_1046, %mul3A_1047 : vector<16xf32>
      %mul3A_1049 = arith.mulf %bitcast_convert_type3A_1026, %add3A_1048 : vector<16xf32>
      %add3A_1050 = arith.addf %add3A_1045, %mul3A_1049 : vector<16xf32>
      %swap3A_1051 = arith.index_cast %scan3A_427 : i32 to index
      %swap3A_1052 = arith.constant 16 : index
      %swap3A_1053 = tpu.vector_load %arg13[%swap3A_1051, %swap3A_1052] {strides = array<i32>} : memref<64x128xf32, #tpu.memory_space<vmem>>, vector<1x16xf32>,
      %swap3A_1054 = vector.shape_cast %swap3A_1053 : vector<1x16xf32> to vector<16xf32>
      %swap3A_1055 = vector.shape_cast %add3A_1050 : vector<16xf32> to vector<1x16xf32>
      tpu.vector_store %arg13[%swap3A_1051, %swap3A_1052], %swap3A_1055 {strides = array<i32>} : memref<64x128xf32, #tpu.memory_space<vmem>>, vector<1x16xf32>,
      %lt3A_1056 = arith.constant 63 : i32
      %lt3A_1057 = arith.cmpi slt, %scan3A_427, %lt3A_1056 : i32
      %convert_element_type3A_1058 = arith.extui %lt3A_1057 : i1 to i32
      %cond3A_1059 = arith.constant 0 : i32
      %cond3A_1060 = arith.cmpi ne, %convert_element_type3A_1058, %cond3A_1059 : i32
      scf.if %cond3A_1060 {
        %slice3A_2897 = vector.extract_strided_slice %get3A_434 {offsets = [1], sizes = [1], strides = [1]} : vector<16xi32> to vector<1xi32>
        %squeeze3A_2898 = vector.extract %slice3A_2897[0] : i32 from vector<1xi32>
        %slice3A_2899 = vector.extract_strided_slice %get3A_441 {offsets = [1], sizes = [1], strides = [1]} : vector<16xi32> to vector<1xi32>
        %squeeze3A_2900 = vector.extract %slice3A_2899[0] : i32 from vector<1xi32>
        %shift_right_arithmetic3A_2901 = arith.constant 14 : i32
        %shift_right_arithmetic3A_2902 = arith.shrsi %squeeze3A_2898, %shift_right_arithmetic3A_2901 : i32
        %shift_left3A_2903 = arith.constant 13 : i32
        %shift_left3A_2904 = arith.shli %shift_right_arithmetic3A_2902, %shift_left3A_2903 : i32
        %and3A_2905 = arith.constant 8191 : i32
        %and3A_2906 = arith.andi %squeeze3A_2898, %and3A_2905 : i32
        %or3A_2907 = arith.ori %shift_left3A_2904, %and3A_2906 : i32
        %shift_right_arithmetic3A_2908 = arith.constant 14 : i32
        %shift_right_arithmetic3A_2909 = arith.shrsi %squeeze3A_2900, %shift_right_arithmetic3A_2908 : i32
        %shift_left3A_2910 = arith.constant 13 : i32
        %shift_left3A_2911 = arith.shli %shift_right_arithmetic3A_2909, %shift_left3A_2910 : i32
        %and3A_2912 = arith.constant 8191 : i32
        %and3A_2913 = arith.andi %squeeze3A_2900, %and3A_2912 : i32
        %or3A_2914 = arith.ori %shift_left3A_2911, %and3A_2913 : i32
        %dma_start3A_2915 = arith.constant 1 : i32
        %dma_start3A_2916 = arith.constant 0 : i32
        %dma_start3A_2917 = arith.constant 1 : i32
        %dma_start3A_2918 = arith.constant 0 : i32
        %dma_start3A_2919 = tpu.memref_slice %arg11[%dma_start3A_2915, %dma_start3A_2916, %dma_start3A_2918] : memref<8x3x128xi32, #tpu.memory_space<vmem>> -> memref<1x1x128xi32, #tpu.memory_space<vmem>>
        %dma_start3A_2920 = tpu.memref_squeeze %dma_start3A_2919 : memref<1x1x128xi32, #tpu.memory_space<vmem>> -> memref<128xi32, #tpu.memory_space<vmem>>
        %dma_start3A_2921 = arith.constant 0 : i32
        %dma_start3A_2922 = tpu.memref_slice %arg2[%or3A_2907, %dma_start3A_2921] : memref<507904x128xi32, #tpu.memory_space<hbm>> -> memref<1x128xi32, #tpu.memory_space<hbm>>
        %dma_start3A_2923 = tpu.memref_squeeze %dma_start3A_2922 : memref<1x128xi32, #tpu.memory_space<hbm>> -> memref<128xi32, #tpu.memory_space<hbm>>
        %dma_start3A_2924 = tpu.memref_slice %arg14[%dma_start3A_2917] : memref<8x!tpu.dma_semaphore, #tpu.memory_space<semaphore_mem>> -> memref<1x!tpu.dma_semaphore, #tpu.memory_space<semaphore_mem>>
        %dma_start3A_2925 = tpu.memref_squeeze %dma_start3A_2924 : memref<1x!tpu.dma_semaphore, #tpu.memory_space<semaphore_mem>> -> memref<!tpu.dma_semaphore, #tpu.memory_space<semaphore_mem>>
        %dma_start3A_2926 = arith.constant 0 : i32
        %dma_start3A_2927 = tpu.memref_slice %arg11[%dma_start3A_2915, %dma_start3A_2916, %dma_start3A_2926] : memref<8x3x128xi32, #tpu.memory_space<vmem>> -> memref<1x1x128xi32, #tpu.memory_space<vmem>>
        %dma_start3A_2928 = tpu.memref_squeeze %dma_start3A_2927 : memref<1x1x128xi32, #tpu.memory_space<vmem>> -> memref<128xi32, #tpu.memory_space<vmem>>
        %dma_start3A_2929 = arith.constant 0 : i32
        %dma_start3A_2930 = tpu.memref_slice %arg2[%or3A_2907, %dma_start3A_2929] : memref<507904x128xi32, #tpu.memory_space<hbm>> -> memref<1x128xi32, #tpu.memory_space<hbm>>
        %dma_start3A_2931 = tpu.memref_squeeze %dma_start3A_2930 : memref<1x128xi32, #tpu.memory_space<hbm>> -> memref<128xi32, #tpu.memory_space<hbm>>
        tpu.enqueue_dma source(%dma_start3A_2931 : memref<128xi32, #tpu.memory_space<hbm>>) target(%dma_start3A_2928 : memref<128xi32, #tpu.memory_space<vmem>>) target_semaphore(%dma_start3A_2925 : memref<!tpu.dma_semaphore, #tpu.memory_space<semaphore_mem>>)
        %dma_start3A_2932 = arith.constant 1 : i32
        %dma_start3A_2933 = arith.constant 1 : i32
        %dma_start3A_2934 = arith.constant 1 : i32
        %dma_start3A_2935 = arith.constant 0 : i32
        %dma_start3A_2936 = tpu.memref_slice %arg11[%dma_start3A_2932, %dma_start3A_2933, %dma_start3A_2935] : memref<8x3x128xi32, #tpu.memory_space<vmem>> -> memref<1x1x128xi32, #tpu.memory_space<vmem>>
        %dma_start3A_2937 = tpu.memref_squeeze %dma_start3A_2936 : memref<1x1x128xi32, #tpu.memory_space<vmem>> -> memref<128xi32, #tpu.memory_space<vmem>>
        %dma_start3A_2938 = arith.constant 0 : i32
        %dma_start3A_2939 = tpu.memref_slice %arg2[%or3A_2914, %dma_start3A_2938] : memref<507904x128xi32, #tpu.memory_space<hbm>> -> memref<1x128xi32, #tpu.memory_space<hbm>>
        %dma_start3A_2940 = tpu.memref_squeeze %dma_start3A_2939 : memref<1x128xi32, #tpu.memory_space<hbm>> -> memref<128xi32, #tpu.memory_space<hbm>>
        %dma_start3A_2941 = tpu.memref_slice %arg14[%dma_start3A_2934] : memref<8x!tpu.dma_semaphore, #tpu.memory_space<semaphore_mem>> -> memref<1x!tpu.dma_semaphore, #tpu.memory_space<semaphore_mem>>
        %dma_start3A_2942 = tpu.memref_squeeze %dma_start3A_2941 : memref<1x!tpu.dma_semaphore, #tpu.memory_space<semaphore_mem>> -> memref<!tpu.dma_semaphore, #tpu.memory_space<semaphore_mem>>
        %dma_start3A_2943 = arith.constant 0 : i32
        %dma_start3A_2944 = tpu.memref_slice %arg11[%dma_start3A_2932, %dma_start3A_2933, %dma_start3A_2943] : memref<8x3x128xi32, #tpu.memory_space<vmem>> -> memref<1x1x128xi32, #tpu.memory_space<vmem>>
        %dma_start3A_2945 = tpu.memref_squeeze %dma_start3A_2944 : memref<1x1x128xi32, #tpu.memory_space<vmem>> -> memref<128xi32, #tpu.memory_space<vmem>>
        %dma_start3A_2946 = arith.constant 0 : i32
        %dma_start3A_2947 = tpu.memref_slice %arg2[%or3A_2914, %dma_start3A_2946] : memref<507904x128xi32, #tpu.memory_space<hbm>> -> memref<1x128xi32, #tpu.memory_space<hbm>>
        %dma_start3A_2948 = tpu.memref_squeeze %dma_start3A_2947 : memref<1x128xi32, #tpu.memory_space<hbm>> -> memref<128xi32, #tpu.memory_space<hbm>>
        tpu.enqueue_dma source(%dma_start3A_2948 : memref<128xi32, #tpu.memory_space<hbm>>) target(%dma_start3A_2945 : memref<128xi32, #tpu.memory_space<vmem>>) target_semaphore(%dma_start3A_2942 : memref<!tpu.dma_semaphore, #tpu.memory_space<semaphore_mem>>)
      } else {
      }
      %dma_wait3A_1061 = arith.constant 0 : i32
      %dma_wait3A_1062 = arith.constant 2 : i32
      %dma_wait3A_1063 = arith.constant 0 : i32
      %dma_wait3A_1064 = arith.constant 2 : i32
      %dma_wait3A_1065 = arith.constant 0 : i32
      %dma_wait3A_1066 = tpu.memref_slice %arg11[%dma_wait3A_1062, %dma_wait3A_1063, %dma_wait3A_1065] : memref<8x3x128xi32, #tpu.memory_space<vmem>> -> memref<1x1x128xi32, #tpu.memory_space<vmem>>
      %dma_wait3A_1067 = tpu.memref_squeeze %dma_wait3A_1066 : memref<1x1x128xi32, #tpu.memory_space<vmem>> -> memref<128xi32, #tpu.memory_space<vmem>>
      %dma_wait3A_1068 = arith.constant 0 : i32
      %dma_wait3A_1069 = tpu.memref_slice %arg2[%dma_wait3A_1061, %dma_wait3A_1068] : memref<507904x128xi32, #tpu.memory_space<hbm>> -> memref<1x128xi32, #tpu.memory_space<hbm>>
      %dma_wait3A_1070 = tpu.memref_squeeze %dma_wait3A_1069 : memref<1x128xi32, #tpu.memory_space<hbm>> -> memref<128xi32, #tpu.memory_space<hbm>>
      %dma_wait3A_1071 = tpu.memref_slice %arg14[%dma_wait3A_1064] : memref<8x!tpu.dma_semaphore, #tpu.memory_space<semaphore_mem>> -> memref<1x!tpu.dma_semaphore, #tpu.memory_space<semaphore_mem>>
      %dma_wait3A_1072 = tpu.memref_squeeze %dma_wait3A_1071 : memref<1x!tpu.dma_semaphore, #tpu.memory_space<semaphore_mem>> -> memref<!tpu.dma_semaphore, #tpu.memory_space<semaphore_mem>>
      %dma_wait3A_1073 = arith.constant 0 : i32
      %dma_wait3A_1074 = tpu.memref_slice %arg11[%dma_wait3A_1062, %dma_wait3A_1063, %dma_wait3A_1073] : memref<8x3x128xi32, #tpu.memory_space<vmem>> -> memref<1x1x128xi32, #tpu.memory_space<vmem>>
      %dma_wait3A_1075 = tpu.memref_squeeze %dma_wait3A_1074 : memref<1x1x128xi32, #tpu.memory_space<vmem>> -> memref<128xi32, #tpu.memory_space<vmem>>
      %dma_wait3A_1076 = arith.constant 0 : i32
      %dma_wait3A_1077 = tpu.memref_slice %arg2[%dma_wait3A_1061, %dma_wait3A_1076] : memref<507904x128xi32, #tpu.memory_space<hbm>> -> memref<1x128xi32, #tpu.memory_space<hbm>>
      %dma_wait3A_1078 = tpu.memref_squeeze %dma_wait3A_1077 : memref<1x128xi32, #tpu.memory_space<hbm>> -> memref<128xi32, #tpu.memory_space<hbm>>
      tpu.wait_dma2 semaphore(%dma_wait3A_1072 : memref<!tpu.dma_semaphore, #tpu.memory_space<semaphore_mem>>) src(%dma_wait3A_1078 : memref<128xi32, #tpu.memory_space<hbm>>) dst(%dma_wait3A_1075 : memref<128xi32, #tpu.memory_space<vmem>>)
      %dma_wait3A_1079 = arith.constant 0 : i32
      %dma_wait3A_1080 = arith.constant 2 : i32
      %dma_wait3A_1081 = arith.constant 1 : i32
      %dma_wait3A_1082 = arith.constant 2 : i32
      %dma_wait3A_1083 = arith.constant 0 : i32
      %dma_wait3A_1084 = tpu.memref_slice %arg11[%dma_wait3A_1080, %dma_wait3A_1081, %dma_wait3A_1083] : memref<8x3x128xi32, #tpu.memory_space<vmem>> -> memref<1x1x128xi32, #tpu.memory_space<vmem>>
      %dma_wait3A_1085 = tpu.memref_squeeze %dma_wait3A_1084 : memref<1x1x128xi32, #tpu.memory_space<vmem>> -> memref<128xi32, #tpu.memory_space<vmem>>
      %dma_wait3A_1086 = arith.constant 0 : i32
      %dma_wait3A_1087 = tpu.memref_slice %arg2[%dma_wait3A_1079, %dma_wait3A_1086] : memref<507904x128xi32, #tpu.memory_space<hbm>> -> memref<1x128xi32, #tpu.memory_space<hbm>>
      %dma_wait3A_1088 = tpu.memref_squeeze %dma_wait3A_1087 : memref<1x128xi32, #tpu.memory_space<hbm>> -> memref<128xi32, #tpu.memory_space<hbm>>
      %dma_wait3A_1089 = tpu.memref_slice %arg14[%dma_wait3A_1082] : memref<8x!tpu.dma_semaphore, #tpu.memory_space<semaphore_mem>> -> memref<1x!tpu.dma_semaphore, #tpu.memory_space<semaphore_mem>>
      %dma_wait3A_1090 = tpu.memref_squeeze %dma_wait3A_1089 : memref<1x!tpu.dma_semaphore, #tpu.memory_space<semaphore_mem>> -> memref<!tpu.dma_semaphore, #tpu.memory_space<semaphore_mem>>
      %dma_wait3A_1091 = arith.constant 0 : i32
      %dma_wait3A_1092 = tpu.memref_slice %arg11[%dma_wait3A_1080, %dma_wait3A_1081, %dma_wait3A_1091] : memref<8x3x128xi32, #tpu.memory_space<vmem>> -> memref<1x1x128xi32, #tpu.memory_space<vmem>>
      %dma_wait3A_1093 = tpu.memref_squeeze %dma_wait3A_1092 : memref<1x1x128xi32, #tpu.memory_space<vmem>> -> memref<128xi32, #tpu.memory_space<vmem>>
      %dma_wait3A_1094 = arith.constant 0 : i32
      %dma_wait3A_1095 = tpu.memref_slice %arg2[%dma_wait3A_1079, %dma_wait3A_1094] : memref<507904x128xi32, #tpu.memory_space<hbm>> -> memref<1x128xi32, #tpu.memory_space<hbm>>
      %dma_wait3A_1096 = tpu.memref_squeeze %dma_wait3A_1095 : memref<1x128xi32, #tpu.memory_space<hbm>> -> memref<128xi32, #tpu.memory_space<hbm>>
      tpu.wait_dma2 semaphore(%dma_wait3A_1090 : memref<!tpu.dma_semaphore, #tpu.memory_space<semaphore_mem>>) src(%dma_wait3A_1096 : memref<128xi32, #tpu.memory_space<hbm>>) dst(%dma_wait3A_1093 : memref<128xi32, #tpu.memory_space<vmem>>)
      %slice3A_1097 = vector.extract_strided_slice %get3A_446 {offsets = [2], sizes = [1], strides = [1]} : vector<16xi32> to vector<1xi32>
      %squeeze3A_1098 = vector.extract %slice3A_1097[0] : i32 from vector<1xi32>
      %shift_right_arithmetic3A_1099 = arith.constant 13 : i32
      %shift_right_arithmetic3A_1100 = arith.shrsi %squeeze3A_1098, %shift_right_arithmetic3A_1099 : i32
      %and3A_1101 = arith.constant 1 : i32
      %and3A_1102 = arith.andi %shift_right_arithmetic3A_1100, %and3A_1101 : i32
      %mul3A_1103 = arith.constant 64 : i32
      %mul3A_1104 = arith.muli %and3A_1102, %mul3A_1103 : i32
      %slice3A_1105 = vector.extract_strided_slice %get3A_451 {offsets = [2], sizes = [1], strides = [1]} : vector<16xi32> to vector<1xi32>
      %squeeze3A_1106 = vector.extract %slice3A_1105[0] : i32 from vector<1xi32>
      %shift_right_arithmetic3A_1107 = arith.constant 13 : i32
      %shift_right_arithmetic3A_1108 = arith.shrsi %squeeze3A_1106, %shift_right_arithmetic3A_1107 : i32
      %and3A_1109 = arith.constant 1 : i32
      %and3A_1110 = arith.andi %shift_right_arithmetic3A_1108, %and3A_1109 : i32
      %mul3A_1111 = arith.constant 64 : i32
      %mul3A_1112 = arith.muli %and3A_1110, %mul3A_1111 : i32
      %slice3A_1113 = vector.extract_strided_slice %get3A_456 {offsets = [2], sizes = [1], strides = [1]} : vector<16xi32> to vector<1xi32>
      %squeeze3A_1114 = vector.extract %slice3A_1113[0] : i32 from vector<1xi32>
      %shift_right_arithmetic3A_1115 = arith.constant 1 : i32
      %shift_right_arithmetic3A_1116 = arith.shrsi %squeeze3A_1114, %shift_right_arithmetic3A_1115 : i32
      %slice3A_1117 = vector.extract_strided_slice %get3A_456 {offsets = [2], sizes = [1], strides = [1]} : vector<16xi32> to vector<1xi32>
      %squeeze3A_1118 = vector.extract %slice3A_1117[0] : i32 from vector<1xi32>
      %and3A_1119 = arith.constant 1 : i32
      %and3A_1120 = arith.andi %squeeze3A_1118, %and3A_1119 : i32
      %mul3A_1121 = arith.constant 64 : i32
      %mul3A_1122 = arith.muli %and3A_1120, %mul3A_1121 : i32
      %broadcast_in_dim3A_1123 = arith.constant 0.000000e+00 : f32
      %broadcast_in_dim3A_1124 = vector.broadcast %broadcast_in_dim3A_1123 : f32 to vector<16xf32>
      %add3A_1125 = arith.constant 0 : i32
      %add3A_1126 = arith.addi %mul3A_1104, %add3A_1125 : i32
      %get3A_1127 = arith.constant 2 : i32
      %get3A_1128 = arith.constant 0 : i32
      %get3A_1129 = arith.index_cast %get3A_1127 : i32 to index
      %get3A_1130 = arith.index_cast %get3A_1128 : i32 to index
      %get3A_1131 = arith.index_cast %add3A_1126 : i32 to index
      %get3A_1132 = tpu.vector_load %arg11[%get3A_1129, %get3A_1130, %get3A_1131] {strides = array<i32>} : memref<8x3x128xi32, #tpu.memory_space<vmem>>, vector<1x1x16xi32>,
      %get3A_1133 = vector.shape_cast %get3A_1132 : vector<1x1x16xi32> to vector<16xi32>
      %shift_left3A_1134 = arith.constant 16 : i32
      %shift_left3A_1135 = vector.broadcast %shift_left3A_1134 : i32 to vector<16xi32>
      %shift_left3A_1136 = arith.shli %get3A_1133, %shift_left3A_1135 : vector<16xi32>
      %bitcast_convert_type3A_1137 = tpu.bitcast %shift_left3A_1136 : vector<16xi32> -> vector<16xf32>
      %and3A_1138 = arith.constant -65536 : i32
      %and3A_1139 = vector.broadcast %and3A_1138 : i32 to vector<16xi32>
      %and3A_1140 = arith.andi %get3A_1133, %and3A_1139 : vector<16xi32>
      %bitcast_convert_type3A_1141 = tpu.bitcast %and3A_1140 : vector<16xi32> -> vector<16xf32>
      %add3A_1142 = arith.constant 0 : i32
      %add3A_1143 = arith.addi %mul3A_1112, %add3A_1142 : i32
      %get3A_1144 = arith.constant 2 : i32
      %get3A_1145 = arith.constant 1 : i32
      %get3A_1146 = arith.index_cast %get3A_1144 : i32 to index
      %get3A_1147 = arith.index_cast %get3A_1145 : i32 to index
      %get3A_1148 = arith.index_cast %add3A_1143 : i32 to index
      %get3A_1149 = tpu.vector_load %arg11[%get3A_1146, %get3A_1147, %get3A_1148] {strides = array<i32>} : memref<8x3x128xi32, #tpu.memory_space<vmem>>, vector<1x1x16xi32>,
      %get3A_1150 = vector.shape_cast %get3A_1149 : vector<1x1x16xi32> to vector<16xi32>
      %shift_left3A_1151 = arith.constant 16 : i32
      %shift_left3A_1152 = vector.broadcast %shift_left3A_1151 : i32 to vector<16xi32>
      %shift_left3A_1153 = arith.shli %get3A_1150, %shift_left3A_1152 : vector<16xi32>
      %bitcast_convert_type3A_1154 = tpu.bitcast %shift_left3A_1153 : vector<16xi32> -> vector<16xf32>
      %and3A_1155 = arith.constant -65536 : i32
      %and3A_1156 = vector.broadcast %and3A_1155 : i32 to vector<16xi32>
      %and3A_1157 = arith.andi %get3A_1150, %and3A_1156 : vector<16xi32>
      %bitcast_convert_type3A_1158 = tpu.bitcast %and3A_1157 : vector<16xi32> -> vector<16xf32>
      %add3A_1159 = arith.constant 0 : i32
      %add3A_1160 = arith.addi %mul3A_1122, %add3A_1159 : i32
      %get3A_1161 = arith.index_cast %shift_right_arithmetic3A_1116 : i32 to index
      %get3A_1162 = arith.index_cast %add3A_1160 : i32 to index
      %get3A_1163 = tpu.vector_load %arg12[%get3A_1161, %get3A_1162] {strides = array<i32>} : memref<500x128xi32, #tpu.memory_space<vmem>>, vector<1x16xi32>,
      %get3A_1164 = vector.shape_cast %get3A_1163 : vector<1x16xi32> to vector<16xi32>
      %shift_left3A_1165 = arith.constant 16 : i32
      %shift_left3A_1166 = vector.broadcast %shift_left3A_1165 : i32 to vector<16xi32>
      %shift_left3A_1167 = arith.shli %get3A_1164, %shift_left3A_1166 : vector<16xi32>
      %bitcast_convert_type3A_1168 = tpu.bitcast %shift_left3A_1167 : vector<16xi32> -> vector<16xf32>
      %and3A_1169 = arith.constant -65536 : i32
      %and3A_1170 = vector.broadcast %and3A_1169 : i32 to vector<16xi32>
      %and3A_1171 = arith.andi %get3A_1164, %and3A_1170 : vector<16xi32>
      %bitcast_convert_type3A_1172 = tpu.bitcast %and3A_1171 : vector<16xi32> -> vector<16xf32>
      %mul3A_1173 = arith.mulf %bitcast_convert_type3A_1137, %bitcast_convert_type3A_1168 : vector<16xf32>
      %mul3A_1174 = arith.mulf %bitcast_convert_type3A_1141, %bitcast_convert_type3A_1172 : vector<16xf32>
      %sub3A_1175 = arith.subf %mul3A_1173, %mul3A_1174 : vector<16xf32>
      %mul3A_1176 = arith.mulf %bitcast_convert_type3A_1154, %sub3A_1175 : vector<16xf32>
      %add3A_1177 = arith.addf %broadcast_in_dim3A_1124, %mul3A_1176 : vector<16xf32>
      %mul3A_1178 = arith.mulf %bitcast_convert_type3A_1141, %bitcast_convert_type3A_1168 : vector<16xf32>
      %mul3A_1179 = arith.mulf %bitcast_convert_type3A_1137, %bitcast_convert_type3A_1172 : vector<16xf32>
      %add3A_1180 = arith.addf %mul3A_1178, %mul3A_1179 : vector<16xf32>
      %mul3A_1181 = arith.mulf %bitcast_convert_type3A_1158, %add3A_1180 : vector<16xf32>
      %add3A_1182 = arith.addf %add3A_1177, %mul3A_1181 : vector<16xf32>
      %add3A_1183 = arith.constant 16 : i32
      %add3A_1184 = arith.addi %mul3A_1104, %add3A_1183 : i32
      %get3A_1185 = arith.constant 2 : i32
      %get3A_1186 = arith.constant 0 : i32
      %get3A_1187 = arith.index_cast %get3A_1185 : i32 to index
      %get3A_1188 = arith.index_cast %get3A_1186 : i32 to index
      %get3A_1189 = arith.index_cast %add3A_1184 : i32 to index
      %get3A_1190 = tpu.vector_load %arg11[%get3A_1187, %get3A_1188, %get3A_1189] {strides = array<i32>} : memref<8x3x128xi32, #tpu.memory_space<vmem>>, vector<1x1x16xi32>,
      %get3A_1191 = vector.shape_cast %get3A_1190 : vector<1x1x16xi32> to vector<16xi32>
      %shift_left3A_1192 = arith.constant 16 : i32
      %shift_left3A_1193 = vector.broadcast %shift_left3A_1192 : i32 to vector<16xi32>
      %shift_left3A_1194 = arith.shli %get3A_1191, %shift_left3A_1193 : vector<16xi32>
      %bitcast_convert_type3A_1195 = tpu.bitcast %shift_left3A_1194 : vector<16xi32> -> vector<16xf32>
      %and3A_1196 = arith.constant -65536 : i32
      %and3A_1197 = vector.broadcast %and3A_1196 : i32 to vector<16xi32>
      %and3A_1198 = arith.andi %get3A_1191, %and3A_1197 : vector<16xi32>
      %bitcast_convert_type3A_1199 = tpu.bitcast %and3A_1198 : vector<16xi32> -> vector<16xf32>
      %add3A_1200 = arith.constant 16 : i32
      %add3A_1201 = arith.addi %mul3A_1112, %add3A_1200 : i32
      %get3A_1202 = arith.constant 2 : i32
      %get3A_1203 = arith.constant 1 : i32
      %get3A_1204 = arith.index_cast %get3A_1202 : i32 to index
      %get3A_1205 = arith.index_cast %get3A_1203 : i32 to index
      %get3A_1206 = arith.index_cast %add3A_1201 : i32 to index
      %get3A_1207 = tpu.vector_load %arg11[%get3A_1204, %get3A_1205, %get3A_1206] {strides = array<i32>} : memref<8x3x128xi32, #tpu.memory_space<vmem>>, vector<1x1x16xi32>,
      %get3A_1208 = vector.shape_cast %get3A_1207 : vector<1x1x16xi32> to vector<16xi32>
      %shift_left3A_1209 = arith.constant 16 : i32
      %shift_left3A_1210 = vector.broadcast %shift_left3A_1209 : i32 to vector<16xi32>
      %shift_left3A_1211 = arith.shli %get3A_1208, %shift_left3A_1210 : vector<16xi32>
      %bitcast_convert_type3A_1212 = tpu.bitcast %shift_left3A_1211 : vector<16xi32> -> vector<16xf32>
      %and3A_1213 = arith.constant -65536 : i32
      %and3A_1214 = vector.broadcast %and3A_1213 : i32 to vector<16xi32>
      %and3A_1215 = arith.andi %get3A_1208, %and3A_1214 : vector<16xi32>
      %bitcast_convert_type3A_1216 = tpu.bitcast %and3A_1215 : vector<16xi32> -> vector<16xf32>
      %add3A_1217 = arith.constant 16 : i32
      %add3A_1218 = arith.addi %mul3A_1122, %add3A_1217 : i32
      %get3A_1219 = arith.index_cast %shift_right_arithmetic3A_1116 : i32 to index
      %get3A_1220 = arith.index_cast %add3A_1218 : i32 to index
      %get3A_1221 = tpu.vector_load %arg12[%get3A_1219, %get3A_1220] {strides = array<i32>} : memref<500x128xi32, #tpu.memory_space<vmem>>, vector<1x16xi32>,
      %get3A_1222 = vector.shape_cast %get3A_1221 : vector<1x16xi32> to vector<16xi32>
      %shift_left3A_1223 = arith.constant 16 : i32
      %shift_left3A_1224 = vector.broadcast %shift_left3A_1223 : i32 to vector<16xi32>
      %shift_left3A_1225 = arith.shli %get3A_1222, %shift_left3A_1224 : vector<16xi32>
      %bitcast_convert_type3A_1226 = tpu.bitcast %shift_left3A_1225 : vector<16xi32> -> vector<16xf32>
      %and3A_1227 = arith.constant -65536 : i32
      %and3A_1228 = vector.broadcast %and3A_1227 : i32 to vector<16xi32>
      %and3A_1229 = arith.andi %get3A_1222, %and3A_1228 : vector<16xi32>
      %bitcast_convert_type3A_1230 = tpu.bitcast %and3A_1229 : vector<16xi32> -> vector<16xf32>
      %mul3A_1231 = arith.mulf %bitcast_convert_type3A_1195, %bitcast_convert_type3A_1226 : vector<16xf32>
      %mul3A_1232 = arith.mulf %bitcast_convert_type3A_1199, %bitcast_convert_type3A_1230 : vector<16xf32>
      %sub3A_1233 = arith.subf %mul3A_1231, %mul3A_1232 : vector<16xf32>
      %mul3A_1234 = arith.mulf %bitcast_convert_type3A_1212, %sub3A_1233 : vector<16xf32>
      %add3A_1235 = arith.addf %add3A_1182, %mul3A_1234 : vector<16xf32>
      %mul3A_1236 = arith.mulf %bitcast_convert_type3A_1199, %bitcast_convert_type3A_1226 : vector<16xf32>
      %mul3A_1237 = arith.mulf %bitcast_convert_type3A_1195, %bitcast_convert_type3A_1230 : vector<16xf32>
      %add3A_1238 = arith.addf %mul3A_1236, %mul3A_1237 : vector<16xf32>
      %mul3A_1239 = arith.mulf %bitcast_convert_type3A_1216, %add3A_1238 : vector<16xf32>
      %add3A_1240 = arith.addf %add3A_1235, %mul3A_1239 : vector<16xf32>
      %add3A_1241 = arith.constant 32 : i32
      %add3A_1242 = arith.addi %mul3A_1104, %add3A_1241 : i32
      %get3A_1243 = arith.constant 2 : i32
      %get3A_1244 = arith.constant 0 : i32
      %get3A_1245 = arith.index_cast %get3A_1243 : i32 to index
      %get3A_1246 = arith.index_cast %get3A_1244 : i32 to index
      %get3A_1247 = arith.index_cast %add3A_1242 : i32 to index
      %get3A_1248 = tpu.vector_load %arg11[%get3A_1245, %get3A_1246, %get3A_1247] {strides = array<i32>} : memref<8x3x128xi32, #tpu.memory_space<vmem>>, vector<1x1x16xi32>,
      %get3A_1249 = vector.shape_cast %get3A_1248 : vector<1x1x16xi32> to vector<16xi32>
      %shift_left3A_1250 = arith.constant 16 : i32
      %shift_left3A_1251 = vector.broadcast %shift_left3A_1250 : i32 to vector<16xi32>
      %shift_left3A_1252 = arith.shli %get3A_1249, %shift_left3A_1251 : vector<16xi32>
      %bitcast_convert_type3A_1253 = tpu.bitcast %shift_left3A_1252 : vector<16xi32> -> vector<16xf32>
      %and3A_1254 = arith.constant -65536 : i32
      %and3A_1255 = vector.broadcast %and3A_1254 : i32 to vector<16xi32>
      %and3A_1256 = arith.andi %get3A_1249, %and3A_1255 : vector<16xi32>
      %bitcast_convert_type3A_1257 = tpu.bitcast %and3A_1256 : vector<16xi32> -> vector<16xf32>
      %add3A_1258 = arith.constant 32 : i32
      %add3A_1259 = arith.addi %mul3A_1112, %add3A_1258 : i32
      %get3A_1260 = arith.constant 2 : i32
      %get3A_1261 = arith.constant 1 : i32
      %get3A_1262 = arith.index_cast %get3A_1260 : i32 to index
      %get3A_1263 = arith.index_cast %get3A_1261 : i32 to index
      %get3A_1264 = arith.index_cast %add3A_1259 : i32 to index
      %get3A_1265 = tpu.vector_load %arg11[%get3A_1262, %get3A_1263, %get3A_1264] {strides = array<i32>} : memref<8x3x128xi32, #tpu.memory_space<vmem>>, vector<1x1x16xi32>,
      %get3A_1266 = vector.shape_cast %get3A_1265 : vector<1x1x16xi32> to vector<16xi32>
      %shift_left3A_1267 = arith.constant 16 : i32
      %shift_left3A_1268 = vector.broadcast %shift_left3A_1267 : i32 to vector<16xi32>
      %shift_left3A_1269 = arith.shli %get3A_1266, %shift_left3A_1268 : vector<16xi32>
      %bitcast_convert_type3A_1270 = tpu.bitcast %shift_left3A_1269 : vector<16xi32> -> vector<16xf32>
      %and3A_1271 = arith.constant -65536 : i32
      %and3A_1272 = vector.broadcast %and3A_1271 : i32 to vector<16xi32>
      %and3A_1273 = arith.andi %get3A_1266, %and3A_1272 : vector<16xi32>
      %bitcast_convert_type3A_1274 = tpu.bitcast %and3A_1273 : vector<16xi32> -> vector<16xf32>
      %add3A_1275 = arith.constant 32 : i32
      %add3A_1276 = arith.addi %mul3A_1122, %add3A_1275 : i32
      %get3A_1277 = arith.index_cast %shift_right_arithmetic3A_1116 : i32 to index
      %get3A_1278 = arith.index_cast %add3A_1276 : i32 to index
      %get3A_1279 = tpu.vector_load %arg12[%get3A_1277, %get3A_1278] {strides = array<i32>} : memref<500x128xi32, #tpu.memory_space<vmem>>, vector<1x16xi32>,
      %get3A_1280 = vector.shape_cast %get3A_1279 : vector<1x16xi32> to vector<16xi32>
      %shift_left3A_1281 = arith.constant 16 : i32
      %shift_left3A_1282 = vector.broadcast %shift_left3A_1281 : i32 to vector<16xi32>
      %shift_left3A_1283 = arith.shli %get3A_1280, %shift_left3A_1282 : vector<16xi32>
      %bitcast_convert_type3A_1284 = tpu.bitcast %shift_left3A_1283 : vector<16xi32> -> vector<16xf32>
      %and3A_1285 = arith.constant -65536 : i32
      %and3A_1286 = vector.broadcast %and3A_1285 : i32 to vector<16xi32>
      %and3A_1287 = arith.andi %get3A_1280, %and3A_1286 : vector<16xi32>
      %bitcast_convert_type3A_1288 = tpu.bitcast %and3A_1287 : vector<16xi32> -> vector<16xf32>
      %mul3A_1289 = arith.mulf %bitcast_convert_type3A_1253, %bitcast_convert_type3A_1284 : vector<16xf32>
      %mul3A_1290 = arith.mulf %bitcast_convert_type3A_1257, %bitcast_convert_type3A_1288 : vector<16xf32>
      %sub3A_1291 = arith.subf %mul3A_1289, %mul3A_1290 : vector<16xf32>
      %mul3A_1292 = arith.mulf %bitcast_convert_type3A_1270, %sub3A_1291 : vector<16xf32>
      %add3A_1293 = arith.addf %add3A_1240, %mul3A_1292 : vector<16xf32>
      %mul3A_1294 = arith.mulf %bitcast_convert_type3A_1257, %bitcast_convert_type3A_1284 : vector<16xf32>
      %mul3A_1295 = arith.mulf %bitcast_convert_type3A_1253, %bitcast_convert_type3A_1288 : vector<16xf32>
      %add3A_1296 = arith.addf %mul3A_1294, %mul3A_1295 : vector<16xf32>
      %mul3A_1297 = arith.mulf %bitcast_convert_type3A_1274, %add3A_1296 : vector<16xf32>
      %add3A_1298 = arith.addf %add3A_1293, %mul3A_1297 : vector<16xf32>
      %add3A_1299 = arith.constant 48 : i32
      %add3A_1300 = arith.addi %mul3A_1104, %add3A_1299 : i32
      %get3A_1301 = arith.constant 2 : i32
      %get3A_1302 = arith.constant 0 : i32
      %get3A_1303 = arith.index_cast %get3A_1301 : i32 to index
      %get3A_1304 = arith.index_cast %get3A_1302 : i32 to index
      %get3A_1305 = arith.index_cast %add3A_1300 : i32 to index
      %get3A_1306 = tpu.vector_load %arg11[%get3A_1303, %get3A_1304, %get3A_1305] {strides = array<i32>} : memref<8x3x128xi32, #tpu.memory_space<vmem>>, vector<1x1x16xi32>,
      %get3A_1307 = vector.shape_cast %get3A_1306 : vector<1x1x16xi32> to vector<16xi32>
      %shift_left3A_1308 = arith.constant 16 : i32
      %shift_left3A_1309 = vector.broadcast %shift_left3A_1308 : i32 to vector<16xi32>
      %shift_left3A_1310 = arith.shli %get3A_1307, %shift_left3A_1309 : vector<16xi32>
      %bitcast_convert_type3A_1311 = tpu.bitcast %shift_left3A_1310 : vector<16xi32> -> vector<16xf32>
      %and3A_1312 = arith.constant -65536 : i32
      %and3A_1313 = vector.broadcast %and3A_1312 : i32 to vector<16xi32>
      %and3A_1314 = arith.andi %get3A_1307, %and3A_1313 : vector<16xi32>
      %bitcast_convert_type3A_1315 = tpu.bitcast %and3A_1314 : vector<16xi32> -> vector<16xf32>
      %add3A_1316 = arith.constant 48 : i32
      %add3A_1317 = arith.addi %mul3A_1112, %add3A_1316 : i32
      %get3A_1318 = arith.constant 2 : i32
      %get3A_1319 = arith.constant 1 : i32
      %get3A_1320 = arith.index_cast %get3A_1318 : i32 to index
      %get3A_1321 = arith.index_cast %get3A_1319 : i32 to index
      %get3A_1322 = arith.index_cast %add3A_1317 : i32 to index
      %get3A_1323 = tpu.vector_load %arg11[%get3A_1320, %get3A_1321, %get3A_1322] {strides = array<i32>} : memref<8x3x128xi32, #tpu.memory_space<vmem>>, vector<1x1x16xi32>,
      %get3A_1324 = vector.shape_cast %get3A_1323 : vector<1x1x16xi32> to vector<16xi32>
      %shift_left3A_1325 = arith.constant 16 : i32
      %shift_left3A_1326 = vector.broadcast %shift_left3A_1325 : i32 to vector<16xi32>
      %shift_left3A_1327 = arith.shli %get3A_1324, %shift_left3A_1326 : vector<16xi32>
      %bitcast_convert_type3A_1328 = tpu.bitcast %shift_left3A_1327 : vector<16xi32> -> vector<16xf32>
      %and3A_1329 = arith.constant -65536 : i32
      %and3A_1330 = vector.broadcast %and3A_1329 : i32 to vector<16xi32>
      %and3A_1331 = arith.andi %get3A_1324, %and3A_1330 : vector<16xi32>
      %bitcast_convert_type3A_1332 = tpu.bitcast %and3A_1331 : vector<16xi32> -> vector<16xf32>
      %add3A_1333 = arith.constant 48 : i32
      %add3A_1334 = arith.addi %mul3A_1122, %add3A_1333 : i32
      %get3A_1335 = arith.index_cast %shift_right_arithmetic3A_1116 : i32 to index
      %get3A_1336 = arith.index_cast %add3A_1334 : i32 to index
      %get3A_1337 = tpu.vector_load %arg12[%get3A_1335, %get3A_1336] {strides = array<i32>} : memref<500x128xi32, #tpu.memory_space<vmem>>, vector<1x16xi32>,
      %get3A_1338 = vector.shape_cast %get3A_1337 : vector<1x16xi32> to vector<16xi32>
      %shift_left3A_1339 = arith.constant 16 : i32
      %shift_left3A_1340 = vector.broadcast %shift_left3A_1339 : i32 to vector<16xi32>
      %shift_left3A_1341 = arith.shli %get3A_1338, %shift_left3A_1340 : vector<16xi32>
      %bitcast_convert_type3A_1342 = tpu.bitcast %shift_left3A_1341 : vector<16xi32> -> vector<16xf32>
      %and3A_1343 = arith.constant -65536 : i32
      %and3A_1344 = vector.broadcast %and3A_1343 : i32 to vector<16xi32>
      %and3A_1345 = arith.andi %get3A_1338, %and3A_1344 : vector<16xi32>
      %bitcast_convert_type3A_1346 = tpu.bitcast %and3A_1345 : vector<16xi32> -> vector<16xf32>
      %mul3A_1347 = arith.mulf %bitcast_convert_type3A_1311, %bitcast_convert_type3A_1342 : vector<16xf32>
      %mul3A_1348 = arith.mulf %bitcast_convert_type3A_1315, %bitcast_convert_type3A_1346 : vector<16xf32>
      %sub3A_1349 = arith.subf %mul3A_1347, %mul3A_1348 : vector<16xf32>
      %mul3A_1350 = arith.mulf %bitcast_convert_type3A_1328, %sub3A_1349 : vector<16xf32>
      %add3A_1351 = arith.addf %add3A_1298, %mul3A_1350 : vector<16xf32>
      %mul3A_1352 = arith.mulf %bitcast_convert_type3A_1315, %bitcast_convert_type3A_1342 : vector<16xf32>
      %mul3A_1353 = arith.mulf %bitcast_convert_type3A_1311, %bitcast_convert_type3A_1346 : vector<16xf32>
      %add3A_1354 = arith.addf %mul3A_1352, %mul3A_1353 : vector<16xf32>
      %mul3A_1355 = arith.mulf %bitcast_convert_type3A_1332, %add3A_1354 : vector<16xf32>
      %add3A_1356 = arith.addf %add3A_1351, %mul3A_1355 : vector<16xf32>
      %swap3A_1357 = arith.index_cast %scan3A_427 : i32 to index
      %swap3A_1358 = arith.constant 32 : index
      %swap3A_1359 = tpu.vector_load %arg13[%swap3A_1357, %swap3A_1358] {strides = array<i32>} : memref<64x128xf32, #tpu.memory_space<vmem>>, vector<1x16xf32>,
      %swap3A_1360 = vector.shape_cast %swap3A_1359 : vector<1x16xf32> to vector<16xf32>
      %swap3A_1361 = vector.shape_cast %add3A_1356 : vector<16xf32> to vector<1x16xf32>
      tpu.vector_store %arg13[%swap3A_1357, %swap3A_1358], %swap3A_1361 {strides = array<i32>} : memref<64x128xf32, #tpu.memory_space<vmem>>, vector<1x16xf32>,
      %lt3A_1362 = arith.constant 63 : i32
      %lt3A_1363 = arith.cmpi slt, %scan3A_427, %lt3A_1362 : i32
      %convert_element_type3A_1364 = arith.extui %lt3A_1363 : i1 to i32
      %cond3A_1365 = arith.constant 0 : i32
      %cond3A_1366 = arith.cmpi ne, %convert_element_type3A_1364, %cond3A_1365 : i32
      scf.if %cond3A_1366 {
        %slice3A_2897 = vector.extract_strided_slice %get3A_434 {offsets = [2], sizes = [1], strides = [1]} : vector<16xi32> to vector<1xi32>
        %squeeze3A_2898 = vector.extract %slice3A_2897[0] : i32 from vector<1xi32>
        %slice3A_2899 = vector.extract_strided_slice %get3A_441 {offsets = [2], sizes = [1], strides = [1]} : vector<16xi32> to vector<1xi32>
        %squeeze3A_2900 = vector.extract %slice3A_2899[0] : i32 from vector<1xi32>
        %shift_right_arithmetic3A_2901 = arith.constant 14 : i32
        %shift_right_arithmetic3A_2902 = arith.shrsi %squeeze3A_2898, %shift_right_arithmetic3A_2901 : i32
        %shift_left3A_2903 = arith.constant 13 : i32
        %shift_left3A_2904 = arith.shli %shift_right_arithmetic3A_2902, %shift_left3A_2903 : i32
        %and3A_2905 = arith.constant 8191 : i32
        %and3A_2906 = arith.andi %squeeze3A_2898, %and3A_2905 : i32
        %or3A_2907 = arith.ori %shift_left3A_2904, %and3A_2906 : i32
        %shift_right_arithmetic3A_2908 = arith.constant 14 : i32
        %shift_right_arithmetic3A_2909 = arith.shrsi %squeeze3A_2900, %shift_right_arithmetic3A_2908 : i32
        %shift_left3A_2910 = arith.constant 13 : i32
        %shift_left3A_2911 = arith.shli %shift_right_arithmetic3A_2909, %shift_left3A_2910 : i32
        %and3A_2912 = arith.constant 8191 : i32
        %and3A_2913 = arith.andi %squeeze3A_2900, %and3A_2912 : i32
        %or3A_2914 = arith.ori %shift_left3A_2911, %and3A_2913 : i32
        %dma_start3A_2915 = arith.constant 2 : i32
        %dma_start3A_2916 = arith.constant 0 : i32
        %dma_start3A_2917 = arith.constant 2 : i32
        %dma_start3A_2918 = arith.constant 0 : i32
        %dma_start3A_2919 = tpu.memref_slice %arg11[%dma_start3A_2915, %dma_start3A_2916, %dma_start3A_2918] : memref<8x3x128xi32, #tpu.memory_space<vmem>> -> memref<1x1x128xi32, #tpu.memory_space<vmem>>
        %dma_start3A_2920 = tpu.memref_squeeze %dma_start3A_2919 : memref<1x1x128xi32, #tpu.memory_space<vmem>> -> memref<128xi32, #tpu.memory_space<vmem>>
        %dma_start3A_2921 = arith.constant 0 : i32
        %dma_start3A_2922 = tpu.memref_slice %arg2[%or3A_2907, %dma_start3A_2921] : memref<507904x128xi32, #tpu.memory_space<hbm>> -> memref<1x128xi32, #tpu.memory_space<hbm>>
        %dma_start3A_2923 = tpu.memref_squeeze %dma_start3A_2922 : memref<1x128xi32, #tpu.memory_space<hbm>> -> memref<128xi32, #tpu.memory_space<hbm>>
        %dma_start3A_2924 = tpu.memref_slice %arg14[%dma_start3A_2917] : memref<8x!tpu.dma_semaphore, #tpu.memory_space<semaphore_mem>> -> memref<1x!tpu.dma_semaphore, #tpu.memory_space<semaphore_mem>>
        %dma_start3A_2925 = tpu.memref_squeeze %dma_start3A_2924 : memref<1x!tpu.dma_semaphore, #tpu.memory_space<semaphore_mem>> -> memref<!tpu.dma_semaphore, #tpu.memory_space<semaphore_mem>>
        %dma_start3A_2926 = arith.constant 0 : i32
        %dma_start3A_2927 = tpu.memref_slice %arg11[%dma_start3A_2915, %dma_start3A_2916, %dma_start3A_2926] : memref<8x3x128xi32, #tpu.memory_space<vmem>> -> memref<1x1x128xi32, #tpu.memory_space<vmem>>
        %dma_start3A_2928 = tpu.memref_squeeze %dma_start3A_2927 : memref<1x1x128xi32, #tpu.memory_space<vmem>> -> memref<128xi32, #tpu.memory_space<vmem>>
        %dma_start3A_2929 = arith.constant 0 : i32
        %dma_start3A_2930 = tpu.memref_slice %arg2[%or3A_2907, %dma_start3A_2929] : memref<507904x128xi32, #tpu.memory_space<hbm>> -> memref<1x128xi32, #tpu.memory_space<hbm>>
        %dma_start3A_2931 = tpu.memref_squeeze %dma_start3A_2930 : memref<1x128xi32, #tpu.memory_space<hbm>> -> memref<128xi32, #tpu.memory_space<hbm>>
        tpu.enqueue_dma source(%dma_start3A_2931 : memref<128xi32, #tpu.memory_space<hbm>>) target(%dma_start3A_2928 : memref<128xi32, #tpu.memory_space<vmem>>) target_semaphore(%dma_start3A_2925 : memref<!tpu.dma_semaphore, #tpu.memory_space<semaphore_mem>>)
        %dma_start3A_2932 = arith.constant 2 : i32
        %dma_start3A_2933 = arith.constant 1 : i32
        %dma_start3A_2934 = arith.constant 2 : i32
        %dma_start3A_2935 = arith.constant 0 : i32
        %dma_start3A_2936 = tpu.memref_slice %arg11[%dma_start3A_2932, %dma_start3A_2933, %dma_start3A_2935] : memref<8x3x128xi32, #tpu.memory_space<vmem>> -> memref<1x1x128xi32, #tpu.memory_space<vmem>>
        %dma_start3A_2937 = tpu.memref_squeeze %dma_start3A_2936 : memref<1x1x128xi32, #tpu.memory_space<vmem>> -> memref<128xi32, #tpu.memory_space<vmem>>
        %dma_start3A_2938 = arith.constant 0 : i32
        %dma_start3A_2939 = tpu.memref_slice %arg2[%or3A_2914, %dma_start3A_2938] : memref<507904x128xi32, #tpu.memory_space<hbm>> -> memref<1x128xi32, #tpu.memory_space<hbm>>
        %dma_start3A_2940 = tpu.memref_squeeze %dma_start3A_2939 : memref<1x128xi32, #tpu.memory_space<hbm>> -> memref<128xi32, #tpu.memory_space<hbm>>
        %dma_start3A_2941 = tpu.memref_slice %arg14[%dma_start3A_2934] : memref<8x!tpu.dma_semaphore, #tpu.memory_space<semaphore_mem>> -> memref<1x!tpu.dma_semaphore, #tpu.memory_space<semaphore_mem>>
        %dma_start3A_2942 = tpu.memref_squeeze %dma_start3A_2941 : memref<1x!tpu.dma_semaphore, #tpu.memory_space<semaphore_mem>> -> memref<!tpu.dma_semaphore, #tpu.memory_space<semaphore_mem>>
        %dma_start3A_2943 = arith.constant 0 : i32
        %dma_start3A_2944 = tpu.memref_slice %arg11[%dma_start3A_2932, %dma_start3A_2933, %dma_start3A_2943] : memref<8x3x128xi32, #tpu.memory_space<vmem>> -> memref<1x1x128xi32, #tpu.memory_space<vmem>>
        %dma_start3A_2945 = tpu.memref_squeeze %dma_start3A_2944 : memref<1x1x128xi32, #tpu.memory_space<vmem>> -> memref<128xi32, #tpu.memory_space<vmem>>
        %dma_start3A_2946 = arith.constant 0 : i32
        %dma_start3A_2947 = tpu.memref_slice %arg2[%or3A_2914, %dma_start3A_2946] : memref<507904x128xi32, #tpu.memory_space<hbm>> -> memref<1x128xi32, #tpu.memory_space<hbm>>
        %dma_start3A_2948 = tpu.memref_squeeze %dma_start3A_2947 : memref<1x128xi32, #tpu.memory_space<hbm>> -> memref<128xi32, #tpu.memory_space<hbm>>
        tpu.enqueue_dma source(%dma_start3A_2948 : memref<128xi32, #tpu.memory_space<hbm>>) target(%dma_start3A_2945 : memref<128xi32, #tpu.memory_space<vmem>>) target_semaphore(%dma_start3A_2942 : memref<!tpu.dma_semaphore, #tpu.memory_space<semaphore_mem>>)
      } else {
      }
      %dma_wait3A_1367 = arith.constant 0 : i32
      %dma_wait3A_1368 = arith.constant 3 : i32
      %dma_wait3A_1369 = arith.constant 0 : i32
      %dma_wait3A_1370 = arith.constant 3 : i32
      %dma_wait3A_1371 = arith.constant 0 : i32
      %dma_wait3A_1372 = tpu.memref_slice %arg11[%dma_wait3A_1368, %dma_wait3A_1369, %dma_wait3A_1371] : memref<8x3x128xi32, #tpu.memory_space<vmem>> -> memref<1x1x128xi32, #tpu.memory_space<vmem>>
      %dma_wait3A_1373 = tpu.memref_squeeze %dma_wait3A_1372 : memref<1x1x128xi32, #tpu.memory_space<vmem>> -> memref<128xi32, #tpu.memory_space<vmem>>
      %dma_wait3A_1374 = arith.constant 0 : i32
      %dma_wait3A_1375 = tpu.memref_slice %arg2[%dma_wait3A_1367, %dma_wait3A_1374] : memref<507904x128xi32, #tpu.memory_space<hbm>> -> memref<1x128xi32, #tpu.memory_space<hbm>>
      %dma_wait3A_1376 = tpu.memref_squeeze %dma_wait3A_1375 : memref<1x128xi32, #tpu.memory_space<hbm>> -> memref<128xi32, #tpu.memory_space<hbm>>
      %dma_wait3A_1377 = tpu.memref_slice %arg14[%dma_wait3A_1370] : memref<8x!tpu.dma_semaphore, #tpu.memory_space<semaphore_mem>> -> memref<1x!tpu.dma_semaphore, #tpu.memory_space<semaphore_mem>>
      %dma_wait3A_1378 = tpu.memref_squeeze %dma_wait3A_1377 : memref<1x!tpu.dma_semaphore, #tpu.memory_space<semaphore_mem>> -> memref<!tpu.dma_semaphore, #tpu.memory_space<semaphore_mem>>
      %dma_wait3A_1379 = arith.constant 0 : i32
      %dma_wait3A_1380 = tpu.memref_slice %arg11[%dma_wait3A_1368, %dma_wait3A_1369, %dma_wait3A_1379] : memref<8x3x128xi32, #tpu.memory_space<vmem>> -> memref<1x1x128xi32, #tpu.memory_space<vmem>>
      %dma_wait3A_1381 = tpu.memref_squeeze %dma_wait3A_1380 : memref<1x1x128xi32, #tpu.memory_space<vmem>> -> memref<128xi32, #tpu.memory_space<vmem>>
      %dma_wait3A_1382 = arith.constant 0 : i32
      %dma_wait3A_1383 = tpu.memref_slice %arg2[%dma_wait3A_1367, %dma_wait3A_1382] : memref<507904x128xi32, #tpu.memory_space<hbm>> -> memref<1x128xi32, #tpu.memory_space<hbm>>
      %dma_wait3A_1384 = tpu.memref_squeeze %dma_wait3A_1383 : memref<1x128xi32, #tpu.memory_space<hbm>> -> memref<128xi32, #tpu.memory_space<hbm>>
      tpu.wait_dma2 semaphore(%dma_wait3A_1378 : memref<!tpu.dma_semaphore, #tpu.memory_space<semaphore_mem>>) src(%dma_wait3A_1384 : memref<128xi32, #tpu.memory_space<hbm>>) dst(%dma_wait3A_1381 : memref<128xi32, #tpu.memory_space<vmem>>)
      %dma_wait3A_1385 = arith.constant 0 : i32
      %dma_wait3A_1386 = arith.constant 3 : i32
      %dma_wait3A_1387 = arith.constant 1 : i32
      %dma_wait3A_1388 = arith.constant 3 : i32
      %dma_wait3A_1389 = arith.constant 0 : i32
      %dma_wait3A_1390 = tpu.memref_slice %arg11[%dma_wait3A_1386, %dma_wait3A_1387, %dma_wait3A_1389] : memref<8x3x128xi32, #tpu.memory_space<vmem>> -> memref<1x1x128xi32, #tpu.memory_space<vmem>>
      %dma_wait3A_1391 = tpu.memref_squeeze %dma_wait3A_1390 : memref<1x1x128xi32, #tpu.memory_space<vmem>> -> memref<128xi32, #tpu.memory_space<vmem>>
      %dma_wait3A_1392 = arith.constant 0 : i32
      %dma_wait3A_1393 = tpu.memref_slice %arg2[%dma_wait3A_1385, %dma_wait3A_1392] : memref<507904x128xi32, #tpu.memory_space<hbm>> -> memref<1x128xi32, #tpu.memory_space<hbm>>
      %dma_wait3A_1394 = tpu.memref_squeeze %dma_wait3A_1393 : memref<1x128xi32, #tpu.memory_space<hbm>> -> memref<128xi32, #tpu.memory_space<hbm>>
      %dma_wait3A_1395 = tpu.memref_slice %arg14[%dma_wait3A_1388] : memref<8x!tpu.dma_semaphore, #tpu.memory_space<semaphore_mem>> -> memref<1x!tpu.dma_semaphore, #tpu.memory_space<semaphore_mem>>
      %dma_wait3A_1396 = tpu.memref_squeeze %dma_wait3A_1395 : memref<1x!tpu.dma_semaphore, #tpu.memory_space<semaphore_mem>> -> memref<!tpu.dma_semaphore, #tpu.memory_space<semaphore_mem>>
      %dma_wait3A_1397 = arith.constant 0 : i32
      %dma_wait3A_1398 = tpu.memref_slice %arg11[%dma_wait3A_1386, %dma_wait3A_1387, %dma_wait3A_1397] : memref<8x3x128xi32, #tpu.memory_space<vmem>> -> memref<1x1x128xi32, #tpu.memory_space<vmem>>
      %dma_wait3A_1399 = tpu.memref_squeeze %dma_wait3A_1398 : memref<1x1x128xi32, #tpu.memory_space<vmem>> -> memref<128xi32, #tpu.memory_space<vmem>>
      %dma_wait3A_1400 = arith.constant 0 : i32
      %dma_wait3A_1401 = tpu.memref_slice %arg2[%dma_wait3A_1385, %dma_wait3A_1400] : memref<507904x128xi32, #tpu.memory_space<hbm>> -> memref<1x128xi32, #tpu.memory_space<hbm>>
      %dma_wait3A_1402 = tpu.memref_squeeze %dma_wait3A_1401 : memref<1x128xi32, #tpu.memory_space<hbm>> -> memref<128xi32, #tpu.memory_space<hbm>>
      tpu.wait_dma2 semaphore(%dma_wait3A_1396 : memref<!tpu.dma_semaphore, #tpu.memory_space<semaphore_mem>>) src(%dma_wait3A_1402 : memref<128xi32, #tpu.memory_space<hbm>>) dst(%dma_wait3A_1399 : memref<128xi32, #tpu.memory_space<vmem>>)
      %slice3A_1403 = vector.extract_strided_slice %get3A_446 {offsets = [3], sizes = [1], strides = [1]} : vector<16xi32> to vector<1xi32>
      %squeeze3A_1404 = vector.extract %slice3A_1403[0] : i32 from vector<1xi32>
      %shift_right_arithmetic3A_1405 = arith.constant 13 : i32
      %shift_right_arithmetic3A_1406 = arith.shrsi %squeeze3A_1404, %shift_right_arithmetic3A_1405 : i32
      %and3A_1407 = arith.constant 1 : i32
      %and3A_1408 = arith.andi %shift_right_arithmetic3A_1406, %and3A_1407 : i32
      %mul3A_1409 = arith.constant 64 : i32
      %mul3A_1410 = arith.muli %and3A_1408, %mul3A_1409 : i32
      %slice3A_1411 = vector.extract_strided_slice %get3A_451 {offsets = [3], sizes = [1], strides = [1]} : vector<16xi32> to vector<1xi32>
      %squeeze3A_1412 = vector.extract %slice3A_1411[0] : i32 from vector<1xi32>
      %shift_right_arithmetic3A_1413 = arith.constant 13 : i32
      %shift_right_arithmetic3A_1414 = arith.shrsi %squeeze3A_1412, %shift_right_arithmetic3A_1413 : i32
      %and3A_1415 = arith.constant 1 : i32
      %and3A_1416 = arith.andi %shift_right_arithmetic3A_1414, %and3A_1415 : i32
      %mul3A_1417 = arith.constant 64 : i32
      %mul3A_1418 = arith.muli %and3A_1416, %mul3A_1417 : i32
      %slice3A_1419 = vector.extract_strided_slice %get3A_456 {offsets = [3], sizes = [1], strides = [1]} : vector<16xi32> to vector<1xi32>
      %squeeze3A_1420 = vector.extract %slice3A_1419[0] : i32 from vector<1xi32>
      %shift_right_arithmetic3A_1421 = arith.constant 1 : i32
      %shift_right_arithmetic3A_1422 = arith.shrsi %squeeze3A_1420, %shift_right_arithmetic3A_1421 : i32
      %slice3A_1423 = vector.extract_strided_slice %get3A_456 {offsets = [3], sizes = [1], strides = [1]} : vector<16xi32> to vector<1xi32>
      %squeeze3A_1424 = vector.extract %slice3A_1423[0] : i32 from vector<1xi32>
      %and3A_1425 = arith.constant 1 : i32
      %and3A_1426 = arith.andi %squeeze3A_1424, %and3A_1425 : i32
      %mul3A_1427 = arith.constant 64 : i32
      %mul3A_1428 = arith.muli %and3A_1426, %mul3A_1427 : i32
      %broadcast_in_dim3A_1429 = arith.constant 0.000000e+00 : f32
      %broadcast_in_dim3A_1430 = vector.broadcast %broadcast_in_dim3A_1429 : f32 to vector<16xf32>
      %add3A_1431 = arith.constant 0 : i32
      %add3A_1432 = arith.addi %mul3A_1410, %add3A_1431 : i32
      %get3A_1433 = arith.constant 3 : i32
      %get3A_1434 = arith.constant 0 : i32
      %get3A_1435 = arith.index_cast %get3A_1433 : i32 to index
      %get3A_1436 = arith.index_cast %get3A_1434 : i32 to index
      %get3A_1437 = arith.index_cast %add3A_1432 : i32 to index
      %get3A_1438 = tpu.vector_load %arg11[%get3A_1435, %get3A_1436, %get3A_1437] {strides = array<i32>} : memref<8x3x128xi32, #tpu.memory_space<vmem>>, vector<1x1x16xi32>,
      %get3A_1439 = vector.shape_cast %get3A_1438 : vector<1x1x16xi32> to vector<16xi32>
      %shift_left3A_1440 = arith.constant 16 : i32
      %shift_left3A_1441 = vector.broadcast %shift_left3A_1440 : i32 to vector<16xi32>
      %shift_left3A_1442 = arith.shli %get3A_1439, %shift_left3A_1441 : vector<16xi32>
      %bitcast_convert_type3A_1443 = tpu.bitcast %shift_left3A_1442 : vector<16xi32> -> vector<16xf32>
      %and3A_1444 = arith.constant -65536 : i32
      %and3A_1445 = vector.broadcast %and3A_1444 : i32 to vector<16xi32>
      %and3A_1446 = arith.andi %get3A_1439, %and3A_1445 : vector<16xi32>
      %bitcast_convert_type3A_1447 = tpu.bitcast %and3A_1446 : vector<16xi32> -> vector<16xf32>
      %add3A_1448 = arith.constant 0 : i32
      %add3A_1449 = arith.addi %mul3A_1418, %add3A_1448 : i32
      %get3A_1450 = arith.constant 3 : i32
      %get3A_1451 = arith.constant 1 : i32
      %get3A_1452 = arith.index_cast %get3A_1450 : i32 to index
      %get3A_1453 = arith.index_cast %get3A_1451 : i32 to index
      %get3A_1454 = arith.index_cast %add3A_1449 : i32 to index
      %get3A_1455 = tpu.vector_load %arg11[%get3A_1452, %get3A_1453, %get3A_1454] {strides = array<i32>} : memref<8x3x128xi32, #tpu.memory_space<vmem>>, vector<1x1x16xi32>,
      %get3A_1456 = vector.shape_cast %get3A_1455 : vector<1x1x16xi32> to vector<16xi32>
      %shift_left3A_1457 = arith.constant 16 : i32
      %shift_left3A_1458 = vector.broadcast %shift_left3A_1457 : i32 to vector<16xi32>
      %shift_left3A_1459 = arith.shli %get3A_1456, %shift_left3A_1458 : vector<16xi32>
      %bitcast_convert_type3A_1460 = tpu.bitcast %shift_left3A_1459 : vector<16xi32> -> vector<16xf32>
      %and3A_1461 = arith.constant -65536 : i32
      %and3A_1462 = vector.broadcast %and3A_1461 : i32 to vector<16xi32>
      %and3A_1463 = arith.andi %get3A_1456, %and3A_1462 : vector<16xi32>
      %bitcast_convert_type3A_1464 = tpu.bitcast %and3A_1463 : vector<16xi32> -> vector<16xf32>
      %add3A_1465 = arith.constant 0 : i32
      %add3A_1466 = arith.addi %mul3A_1428, %add3A_1465 : i32
      %get3A_1467 = arith.index_cast %shift_right_arithmetic3A_1422 : i32 to index
      %get3A_1468 = arith.index_cast %add3A_1466 : i32 to index
      %get3A_1469 = tpu.vector_load %arg12[%get3A_1467, %get3A_1468] {strides = array<i32>} : memref<500x128xi32, #tpu.memory_space<vmem>>, vector<1x16xi32>,
      %get3A_1470 = vector.shape_cast %get3A_1469 : vector<1x16xi32> to vector<16xi32>
      %shift_left3A_1471 = arith.constant 16 : i32
      %shift_left3A_1472 = vector.broadcast %shift_left3A_1471 : i32 to vector<16xi32>
      %shift_left3A_1473 = arith.shli %get3A_1470, %shift_left3A_1472 : vector<16xi32>
      %bitcast_convert_type3A_1474 = tpu.bitcast %shift_left3A_1473 : vector<16xi32> -> vector<16xf32>
      %and3A_1475 = arith.constant -65536 : i32
      %and3A_1476 = vector.broadcast %and3A_1475 : i32 to vector<16xi32>
      %and3A_1477 = arith.andi %get3A_1470, %and3A_1476 : vector<16xi32>
      %bitcast_convert_type3A_1478 = tpu.bitcast %and3A_1477 : vector<16xi32> -> vector<16xf32>
      %mul3A_1479 = arith.mulf %bitcast_convert_type3A_1443, %bitcast_convert_type3A_1474 : vector<16xf32>
      %mul3A_1480 = arith.mulf %bitcast_convert_type3A_1447, %bitcast_convert_type3A_1478 : vector<16xf32>
      %sub3A_1481 = arith.subf %mul3A_1479, %mul3A_1480 : vector<16xf32>
      %mul3A_1482 = arith.mulf %bitcast_convert_type3A_1460, %sub3A_1481 : vector<16xf32>
      %add3A_1483 = arith.addf %broadcast_in_dim3A_1430, %mul3A_1482 : vector<16xf32>
      %mul3A_1484 = arith.mulf %bitcast_convert_type3A_1447, %bitcast_convert_type3A_1474 : vector<16xf32>
      %mul3A_1485 = arith.mulf %bitcast_convert_type3A_1443, %bitcast_convert_type3A_1478 : vector<16xf32>
      %add3A_1486 = arith.addf %mul3A_1484, %mul3A_1485 : vector<16xf32>
      %mul3A_1487 = arith.mulf %bitcast_convert_type3A_1464, %add3A_1486 : vector<16xf32>
      %add3A_1488 = arith.addf %add3A_1483, %mul3A_1487 : vector<16xf32>
      %add3A_1489 = arith.constant 16 : i32
      %add3A_1490 = arith.addi %mul3A_1410, %add3A_1489 : i32
      %get3A_1491 = arith.constant 3 : i32
      %get3A_1492 = arith.constant 0 : i32
      %get3A_1493 = arith.index_cast %get3A_1491 : i32 to index
      %get3A_1494 = arith.index_cast %get3A_1492 : i32 to index
      %get3A_1495 = arith.index_cast %add3A_1490 : i32 to index
      %get3A_1496 = tpu.vector_load %arg11[%get3A_1493, %get3A_1494, %get3A_1495] {strides = array<i32>} : memref<8x3x128xi32, #tpu.memory_space<vmem>>, vector<1x1x16xi32>,
      %get3A_1497 = vector.shape_cast %get3A_1496 : vector<1x1x16xi32> to vector<16xi32>
      %shift_left3A_1498 = arith.constant 16 : i32
      %shift_left3A_1499 = vector.broadcast %shift_left3A_1498 : i32 to vector<16xi32>
      %shift_left3A_1500 = arith.shli %get3A_1497, %shift_left3A_1499 : vector<16xi32>
      %bitcast_convert_type3A_1501 = tpu.bitcast %shift_left3A_1500 : vector<16xi32> -> vector<16xf32>
      %and3A_1502 = arith.constant -65536 : i32
      %and3A_1503 = vector.broadcast %and3A_1502 : i32 to vector<16xi32>
      %and3A_1504 = arith.andi %get3A_1497, %and3A_1503 : vector<16xi32>
      %bitcast_convert_type3A_1505 = tpu.bitcast %and3A_1504 : vector<16xi32> -> vector<16xf32>
      %add3A_1506 = arith.constant 16 : i32
      %add3A_1507 = arith.addi %mul3A_1418, %add3A_1506 : i32
      %get3A_1508 = arith.constant 3 : i32
      %get3A_1509 = arith.constant 1 : i32
      %get3A_1510 = arith.index_cast %get3A_1508 : i32 to index
      %get3A_1511 = arith.index_cast %get3A_1509 : i32 to index
      %get3A_1512 = arith.index_cast %add3A_1507 : i32 to index
      %get3A_1513 = tpu.vector_load %arg11[%get3A_1510, %get3A_1511, %get3A_1512] {strides = array<i32>} : memref<8x3x128xi32, #tpu.memory_space<vmem>>, vector<1x1x16xi32>,
      %get3A_1514 = vector.shape_cast %get3A_1513 : vector<1x1x16xi32> to vector<16xi32>
      %shift_left3A_1515 = arith.constant 16 : i32
      %shift_left3A_1516 = vector.broadcast %shift_left3A_1515 : i32 to vector<16xi32>
      %shift_left3A_1517 = arith.shli %get3A_1514, %shift_left3A_1516 : vector<16xi32>
      %bitcast_convert_type3A_1518 = tpu.bitcast %shift_left3A_1517 : vector<16xi32> -> vector<16xf32>
      %and3A_1519 = arith.constant -65536 : i32
      %and3A_1520 = vector.broadcast %and3A_1519 : i32 to vector<16xi32>
      %and3A_1521 = arith.andi %get3A_1514, %and3A_1520 : vector<16xi32>
      %bitcast_convert_type3A_1522 = tpu.bitcast %and3A_1521 : vector<16xi32> -> vector<16xf32>
      %add3A_1523 = arith.constant 16 : i32
      %add3A_1524 = arith.addi %mul3A_1428, %add3A_1523 : i32
      %get3A_1525 = arith.index_cast %shift_right_arithmetic3A_1422 : i32 to index
      %get3A_1526 = arith.index_cast %add3A_1524 : i32 to index
      %get3A_1527 = tpu.vector_load %arg12[%get3A_1525, %get3A_1526] {strides = array<i32>} : memref<500x128xi32, #tpu.memory_space<vmem>>, vector<1x16xi32>,
      %get3A_1528 = vector.shape_cast %get3A_1527 : vector<1x16xi32> to vector<16xi32>
      %shift_left3A_1529 = arith.constant 16 : i32
      %shift_left3A_1530 = vector.broadcast %shift_left3A_1529 : i32 to vector<16xi32>
      %shift_left3A_1531 = arith.shli %get3A_1528, %shift_left3A_1530 : vector<16xi32>
      %bitcast_convert_type3A_1532 = tpu.bitcast %shift_left3A_1531 : vector<16xi32> -> vector<16xf32>
      %and3A_1533 = arith.constant -65536 : i32
      %and3A_1534 = vector.broadcast %and3A_1533 : i32 to vector<16xi32>
      %and3A_1535 = arith.andi %get3A_1528, %and3A_1534 : vector<16xi32>
      %bitcast_convert_type3A_1536 = tpu.bitcast %and3A_1535 : vector<16xi32> -> vector<16xf32>
      %mul3A_1537 = arith.mulf %bitcast_convert_type3A_1501, %bitcast_convert_type3A_1532 : vector<16xf32>
      %mul3A_1538 = arith.mulf %bitcast_convert_type3A_1505, %bitcast_convert_type3A_1536 : vector<16xf32>
      %sub3A_1539 = arith.subf %mul3A_1537, %mul3A_1538 : vector<16xf32>
      %mul3A_1540 = arith.mulf %bitcast_convert_type3A_1518, %sub3A_1539 : vector<16xf32>
      %add3A_1541 = arith.addf %add3A_1488, %mul3A_1540 : vector<16xf32>
      %mul3A_1542 = arith.mulf %bitcast_convert_type3A_1505, %bitcast_convert_type3A_1532 : vector<16xf32>
      %mul3A_1543 = arith.mulf %bitcast_convert_type3A_1501, %bitcast_convert_type3A_1536 : vector<16xf32>
      %add3A_1544 = arith.addf %mul3A_1542, %mul3A_1543 : vector<16xf32>
      %mul3A_1545 = arith.mulf %bitcast_convert_type3A_1522, %add3A_1544 : vector<16xf32>
      %add3A_1546 = arith.addf %add3A_1541, %mul3A_1545 : vector<16xf32>
      %add3A_1547 = arith.constant 32 : i32
      %add3A_1548 = arith.addi %mul3A_1410, %add3A_1547 : i32
      %get3A_1549 = arith.constant 3 : i32
      %get3A_1550 = arith.constant 0 : i32
      %get3A_1551 = arith.index_cast %get3A_1549 : i32 to index
      %get3A_1552 = arith.index_cast %get3A_1550 : i32 to index
      %get3A_1553 = arith.index_cast %add3A_1548 : i32 to index
      %get3A_1554 = tpu.vector_load %arg11[%get3A_1551, %get3A_1552, %get3A_1553] {strides = array<i32>} : memref<8x3x128xi32, #tpu.memory_space<vmem>>, vector<1x1x16xi32>,
      %get3A_1555 = vector.shape_cast %get3A_1554 : vector<1x1x16xi32> to vector<16xi32>
      %shift_left3A_1556 = arith.constant 16 : i32
      %shift_left3A_1557 = vector.broadcast %shift_left3A_1556 : i32 to vector<16xi32>
      %shift_left3A_1558 = arith.shli %get3A_1555, %shift_left3A_1557 : vector<16xi32>
      %bitcast_convert_type3A_1559 = tpu.bitcast %shift_left3A_1558 : vector<16xi32> -> vector<16xf32>
      %and3A_1560 = arith.constant -65536 : i32
      %and3A_1561 = vector.broadcast %and3A_1560 : i32 to vector<16xi32>
      %and3A_1562 = arith.andi %get3A_1555, %and3A_1561 : vector<16xi32>
      %bitcast_convert_type3A_1563 = tpu.bitcast %and3A_1562 : vector<16xi32> -> vector<16xf32>
      %add3A_1564 = arith.constant 32 : i32
      %add3A_1565 = arith.addi %mul3A_1418, %add3A_1564 : i32
      %get3A_1566 = arith.constant 3 : i32
      %get3A_1567 = arith.constant 1 : i32
      %get3A_1568 = arith.index_cast %get3A_1566 : i32 to index
      %get3A_1569 = arith.index_cast %get3A_1567 : i32 to index
      %get3A_1570 = arith.index_cast %add3A_1565 : i32 to index
      %get3A_1571 = tpu.vector_load %arg11[%get3A_1568, %get3A_1569, %get3A_1570] {strides = array<i32>} : memref<8x3x128xi32, #tpu.memory_space<vmem>>, vector<1x1x16xi32>,
      %get3A_1572 = vector.shape_cast %get3A_1571 : vector<1x1x16xi32> to vector<16xi32>
      %shift_left3A_1573 = arith.constant 16 : i32
      %shift_left3A_1574 = vector.broadcast %shift_left3A_1573 : i32 to vector<16xi32>
      %shift_left3A_1575 = arith.shli %get3A_1572, %shift_left3A_1574 : vector<16xi32>
      %bitcast_convert_type3A_1576 = tpu.bitcast %shift_left3A_1575 : vector<16xi32> -> vector<16xf32>
      %and3A_1577 = arith.constant -65536 : i32
      %and3A_1578 = vector.broadcast %and3A_1577 : i32 to vector<16xi32>
      %and3A_1579 = arith.andi %get3A_1572, %and3A_1578 : vector<16xi32>
      %bitcast_convert_type3A_1580 = tpu.bitcast %and3A_1579 : vector<16xi32> -> vector<16xf32>
      %add3A_1581 = arith.constant 32 : i32
      %add3A_1582 = arith.addi %mul3A_1428, %add3A_1581 : i32
      %get3A_1583 = arith.index_cast %shift_right_arithmetic3A_1422 : i32 to index
      %get3A_1584 = arith.index_cast %add3A_1582 : i32 to index
      %get3A_1585 = tpu.vector_load %arg12[%get3A_1583, %get3A_1584] {strides = array<i32>} : memref<500x128xi32, #tpu.memory_space<vmem>>, vector<1x16xi32>,
      %get3A_1586 = vector.shape_cast %get3A_1585 : vector<1x16xi32> to vector<16xi32>
      %shift_left3A_1587 = arith.constant 16 : i32
      %shift_left3A_1588 = vector.broadcast %shift_left3A_1587 : i32 to vector<16xi32>
      %shift_left3A_1589 = arith.shli %get3A_1586, %shift_left3A_1588 : vector<16xi32>
      %bitcast_convert_type3A_1590 = tpu.bitcast %shift_left3A_1589 : vector<16xi32> -> vector<16xf32>
      %and3A_1591 = arith.constant -65536 : i32
      %and3A_1592 = vector.broadcast %and3A_1591 : i32 to vector<16xi32>
      %and3A_1593 = arith.andi %get3A_1586, %and3A_1592 : vector<16xi32>
      %bitcast_convert_type3A_1594 = tpu.bitcast %and3A_1593 : vector<16xi32> -> vector<16xf32>
      %mul3A_1595 = arith.mulf %bitcast_convert_type3A_1559, %bitcast_convert_type3A_1590 : vector<16xf32>
      %mul3A_1596 = arith.mulf %bitcast_convert_type3A_1563, %bitcast_convert_type3A_1594 : vector<16xf32>
      %sub3A_1597 = arith.subf %mul3A_1595, %mul3A_1596 : vector<16xf32>
      %mul3A_1598 = arith.mulf %bitcast_convert_type3A_1576, %sub3A_1597 : vector<16xf32>
      %add3A_1599 = arith.addf %add3A_1546, %mul3A_1598 : vector<16xf32>
      %mul3A_1600 = arith.mulf %bitcast_convert_type3A_1563, %bitcast_convert_type3A_1590 : vector<16xf32>
      %mul3A_1601 = arith.mulf %bitcast_convert_type3A_1559, %bitcast_convert_type3A_1594 : vector<16xf32>
      %add3A_1602 = arith.addf %mul3A_1600, %mul3A_1601 : vector<16xf32>
      %mul3A_1603 = arith.mulf %bitcast_convert_type3A_1580, %add3A_1602 : vector<16xf32>
      %add3A_1604 = arith.addf %add3A_1599, %mul3A_1603 : vector<16xf32>
      %add3A_1605 = arith.constant 48 : i32
      %add3A_1606 = arith.addi %mul3A_1410, %add3A_1605 : i32
      %get3A_1607 = arith.constant 3 : i32
      %get3A_1608 = arith.constant 0 : i32
      %get3A_1609 = arith.index_cast %get3A_1607 : i32 to index
      %get3A_1610 = arith.index_cast %get3A_1608 : i32 to index
      %get3A_1611 = arith.index_cast %add3A_1606 : i32 to index
      %get3A_1612 = tpu.vector_load %arg11[%get3A_1609, %get3A_1610, %get3A_1611] {strides = array<i32>} : memref<8x3x128xi32, #tpu.memory_space<vmem>>, vector<1x1x16xi32>,
      %get3A_1613 = vector.shape_cast %get3A_1612 : vector<1x1x16xi32> to vector<16xi32>
      %shift_left3A_1614 = arith.constant 16 : i32
      %shift_left3A_1615 = vector.broadcast %shift_left3A_1614 : i32 to vector<16xi32>
      %shift_left3A_1616 = arith.shli %get3A_1613, %shift_left3A_1615 : vector<16xi32>
      %bitcast_convert_type3A_1617 = tpu.bitcast %shift_left3A_1616 : vector<16xi32> -> vector<16xf32>
      %and3A_1618 = arith.constant -65536 : i32
      %and3A_1619 = vector.broadcast %and3A_1618 : i32 to vector<16xi32>
      %and3A_1620 = arith.andi %get3A_1613, %and3A_1619 : vector<16xi32>
      %bitcast_convert_type3A_1621 = tpu.bitcast %and3A_1620 : vector<16xi32> -> vector<16xf32>
      %add3A_1622 = arith.constant 48 : i32
      %add3A_1623 = arith.addi %mul3A_1418, %add3A_1622 : i32
      %get3A_1624 = arith.constant 3 : i32
      %get3A_1625 = arith.constant 1 : i32
      %get3A_1626 = arith.index_cast %get3A_1624 : i32 to index
      %get3A_1627 = arith.index_cast %get3A_1625 : i32 to index
      %get3A_1628 = arith.index_cast %add3A_1623 : i32 to index
      %get3A_1629 = tpu.vector_load %arg11[%get3A_1626, %get3A_1627, %get3A_1628] {strides = array<i32>} : memref<8x3x128xi32, #tpu.memory_space<vmem>>, vector<1x1x16xi32>,
      %get3A_1630 = vector.shape_cast %get3A_1629 : vector<1x1x16xi32> to vector<16xi32>
      %shift_left3A_1631 = arith.constant 16 : i32
      %shift_left3A_1632 = vector.broadcast %shift_left3A_1631 : i32 to vector<16xi32>
      %shift_left3A_1633 = arith.shli %get3A_1630, %shift_left3A_1632 : vector<16xi32>
      %bitcast_convert_type3A_1634 = tpu.bitcast %shift_left3A_1633 : vector<16xi32> -> vector<16xf32>
      %and3A_1635 = arith.constant -65536 : i32
      %and3A_1636 = vector.broadcast %and3A_1635 : i32 to vector<16xi32>
      %and3A_1637 = arith.andi %get3A_1630, %and3A_1636 : vector<16xi32>
      %bitcast_convert_type3A_1638 = tpu.bitcast %and3A_1637 : vector<16xi32> -> vector<16xf32>
      %add3A_1639 = arith.constant 48 : i32
      %add3A_1640 = arith.addi %mul3A_1428, %add3A_1639 : i32
      %get3A_1641 = arith.index_cast %shift_right_arithmetic3A_1422 : i32 to index
      %get3A_1642 = arith.index_cast %add3A_1640 : i32 to index
      %get3A_1643 = tpu.vector_load %arg12[%get3A_1641, %get3A_1642] {strides = array<i32>} : memref<500x128xi32, #tpu.memory_space<vmem>>, vector<1x16xi32>,
      %get3A_1644 = vector.shape_cast %get3A_1643 : vector<1x16xi32> to vector<16xi32>
      %shift_left3A_1645 = arith.constant 16 : i32
      %shift_left3A_1646 = vector.broadcast %shift_left3A_1645 : i32 to vector<16xi32>
      %shift_left3A_1647 = arith.shli %get3A_1644, %shift_left3A_1646 : vector<16xi32>
      %bitcast_convert_type3A_1648 = tpu.bitcast %shift_left3A_1647 : vector<16xi32> -> vector<16xf32>
      %and3A_1649 = arith.constant -65536 : i32
      %and3A_1650 = vector.broadcast %and3A_1649 : i32 to vector<16xi32>
      %and3A_1651 = arith.andi %get3A_1644, %and3A_1650 : vector<16xi32>
      %bitcast_convert_type3A_1652 = tpu.bitcast %and3A_1651 : vector<16xi32> -> vector<16xf32>
      %mul3A_1653 = arith.mulf %bitcast_convert_type3A_1617, %bitcast_convert_type3A_1648 : vector<16xf32>
      %mul3A_1654 = arith.mulf %bitcast_convert_type3A_1621, %bitcast_convert_type3A_1652 : vector<16xf32>
      %sub3A_1655 = arith.subf %mul3A_1653, %mul3A_1654 : vector<16xf32>
      %mul3A_1656 = arith.mulf %bitcast_convert_type3A_1634, %sub3A_1655 : vector<16xf32>
      %add3A_1657 = arith.addf %add3A_1604, %mul3A_1656 : vector<16xf32>
      %mul3A_1658 = arith.mulf %bitcast_convert_type3A_1621, %bitcast_convert_type3A_1648 : vector<16xf32>
      %mul3A_1659 = arith.mulf %bitcast_convert_type3A_1617, %bitcast_convert_type3A_1652 : vector<16xf32>
      %add3A_1660 = arith.addf %mul3A_1658, %mul3A_1659 : vector<16xf32>
      %mul3A_1661 = arith.mulf %bitcast_convert_type3A_1638, %add3A_1660 : vector<16xf32>
      %add3A_1662 = arith.addf %add3A_1657, %mul3A_1661 : vector<16xf32>
      %swap3A_1663 = arith.index_cast %scan3A_427 : i32 to index
      %swap3A_1664 = arith.constant 48 : index
      %swap3A_1665 = tpu.vector_load %arg13[%swap3A_1663, %swap3A_1664] {strides = array<i32>} : memref<64x128xf32, #tpu.memory_space<vmem>>, vector<1x16xf32>,
      %swap3A_1666 = vector.shape_cast %swap3A_1665 : vector<1x16xf32> to vector<16xf32>
      %swap3A_1667 = vector.shape_cast %add3A_1662 : vector<16xf32> to vector<1x16xf32>
      tpu.vector_store %arg13[%swap3A_1663, %swap3A_1664], %swap3A_1667 {strides = array<i32>} : memref<64x128xf32, #tpu.memory_space<vmem>>, vector<1x16xf32>,
      %lt3A_1668 = arith.constant 63 : i32
      %lt3A_1669 = arith.cmpi slt, %scan3A_427, %lt3A_1668 : i32
      %convert_element_type3A_1670 = arith.extui %lt3A_1669 : i1 to i32
      %cond3A_1671 = arith.constant 0 : i32
      %cond3A_1672 = arith.cmpi ne, %convert_element_type3A_1670, %cond3A_1671 : i32
      scf.if %cond3A_1672 {
        %slice3A_2897 = vector.extract_strided_slice %get3A_434 {offsets = [3], sizes = [1], strides = [1]} : vector<16xi32> to vector<1xi32>
        %squeeze3A_2898 = vector.extract %slice3A_2897[0] : i32 from vector<1xi32>
        %slice3A_2899 = vector.extract_strided_slice %get3A_441 {offsets = [3], sizes = [1], strides = [1]} : vector<16xi32> to vector<1xi32>
        %squeeze3A_2900 = vector.extract %slice3A_2899[0] : i32 from vector<1xi32>
        %shift_right_arithmetic3A_2901 = arith.constant 14 : i32
        %shift_right_arithmetic3A_2902 = arith.shrsi %squeeze3A_2898, %shift_right_arithmetic3A_2901 : i32
        %shift_left3A_2903 = arith.constant 13 : i32
        %shift_left3A_2904 = arith.shli %shift_right_arithmetic3A_2902, %shift_left3A_2903 : i32
        %and3A_2905 = arith.constant 8191 : i32
        %and3A_2906 = arith.andi %squeeze3A_2898, %and3A_2905 : i32
        %or3A_2907 = arith.ori %shift_left3A_2904, %and3A_2906 : i32
        %shift_right_arithmetic3A_2908 = arith.constant 14 : i32
        %shift_right_arithmetic3A_2909 = arith.shrsi %squeeze3A_2900, %shift_right_arithmetic3A_2908 : i32
        %shift_left3A_2910 = arith.constant 13 : i32
        %shift_left3A_2911 = arith.shli %shift_right_arithmetic3A_2909, %shift_left3A_2910 : i32
        %and3A_2912 = arith.constant 8191 : i32
        %and3A_2913 = arith.andi %squeeze3A_2900, %and3A_2912 : i32
        %or3A_2914 = arith.ori %shift_left3A_2911, %and3A_2913 : i32
        %dma_start3A_2915 = arith.constant 3 : i32
        %dma_start3A_2916 = arith.constant 0 : i32
        %dma_start3A_2917 = arith.constant 3 : i32
        %dma_start3A_2918 = arith.constant 0 : i32
        %dma_start3A_2919 = tpu.memref_slice %arg11[%dma_start3A_2915, %dma_start3A_2916, %dma_start3A_2918] : memref<8x3x128xi32, #tpu.memory_space<vmem>> -> memref<1x1x128xi32, #tpu.memory_space<vmem>>
        %dma_start3A_2920 = tpu.memref_squeeze %dma_start3A_2919 : memref<1x1x128xi32, #tpu.memory_space<vmem>> -> memref<128xi32, #tpu.memory_space<vmem>>
        %dma_start3A_2921 = arith.constant 0 : i32
        %dma_start3A_2922 = tpu.memref_slice %arg2[%or3A_2907, %dma_start3A_2921] : memref<507904x128xi32, #tpu.memory_space<hbm>> -> memref<1x128xi32, #tpu.memory_space<hbm>>
        %dma_start3A_2923 = tpu.memref_squeeze %dma_start3A_2922 : memref<1x128xi32, #tpu.memory_space<hbm>> -> memref<128xi32, #tpu.memory_space<hbm>>
        %dma_start3A_2924 = tpu.memref_slice %arg14[%dma_start3A_2917] : memref<8x!tpu.dma_semaphore, #tpu.memory_space<semaphore_mem>> -> memref<1x!tpu.dma_semaphore, #tpu.memory_space<semaphore_mem>>
        %dma_start3A_2925 = tpu.memref_squeeze %dma_start3A_2924 : memref<1x!tpu.dma_semaphore, #tpu.memory_space<semaphore_mem>> -> memref<!tpu.dma_semaphore, #tpu.memory_space<semaphore_mem>>
        %dma_start3A_2926 = arith.constant 0 : i32
        %dma_start3A_2927 = tpu.memref_slice %arg11[%dma_start3A_2915, %dma_start3A_2916, %dma_start3A_2926] : memref<8x3x128xi32, #tpu.memory_space<vmem>> -> memref<1x1x128xi32, #tpu.memory_space<vmem>>
        %dma_start3A_2928 = tpu.memref_squeeze %dma_start3A_2927 : memref<1x1x128xi32, #tpu.memory_space<vmem>> -> memref<128xi32, #tpu.memory_space<vmem>>
        %dma_start3A_2929 = arith.constant 0 : i32
        %dma_start3A_2930 = tpu.memref_slice %arg2[%or3A_2907, %dma_start3A_2929] : memref<507904x128xi32, #tpu.memory_space<hbm>> -> memref<1x128xi32, #tpu.memory_space<hbm>>
        %dma_start3A_2931 = tpu.memref_squeeze %dma_start3A_2930 : memref<1x128xi32, #tpu.memory_space<hbm>> -> memref<128xi32, #tpu.memory_space<hbm>>
        tpu.enqueue_dma source(%dma_start3A_2931 : memref<128xi32, #tpu.memory_space<hbm>>) target(%dma_start3A_2928 : memref<128xi32, #tpu.memory_space<vmem>>) target_semaphore(%dma_start3A_2925 : memref<!tpu.dma_semaphore, #tpu.memory_space<semaphore_mem>>)
        %dma_start3A_2932 = arith.constant 3 : i32
        %dma_start3A_2933 = arith.constant 1 : i32
        %dma_start3A_2934 = arith.constant 3 : i32
        %dma_start3A_2935 = arith.constant 0 : i32
        %dma_start3A_2936 = tpu.memref_slice %arg11[%dma_start3A_2932, %dma_start3A_2933, %dma_start3A_2935] : memref<8x3x128xi32, #tpu.memory_space<vmem>> -> memref<1x1x128xi32, #tpu.memory_space<vmem>>
        %dma_start3A_2937 = tpu.memref_squeeze %dma_start3A_2936 : memref<1x1x128xi32, #tpu.memory_space<vmem>> -> memref<128xi32, #tpu.memory_space<vmem>>
        %dma_start3A_2938 = arith.constant 0 : i32
        %dma_start3A_2939 = tpu.memref_slice %arg2[%or3A_2914, %dma_start3A_2938] : memref<507904x128xi32, #tpu.memory_space<hbm>> -> memref<1x128xi32, #tpu.memory_space<hbm>>
        %dma_start3A_2940 = tpu.memref_squeeze %dma_start3A_2939 : memref<1x128xi32, #tpu.memory_space<hbm>> -> memref<128xi32, #tpu.memory_space<hbm>>
        %dma_start3A_2941 = tpu.memref_slice %arg14[%dma_start3A_2934] : memref<8x!tpu.dma_semaphore, #tpu.memory_space<semaphore_mem>> -> memref<1x!tpu.dma_semaphore, #tpu.memory_space<semaphore_mem>>
        %dma_start3A_2942 = tpu.memref_squeeze %dma_start3A_2941 : memref<1x!tpu.dma_semaphore, #tpu.memory_space<semaphore_mem>> -> memref<!tpu.dma_semaphore, #tpu.memory_space<semaphore_mem>>
        %dma_start3A_2943 = arith.constant 0 : i32
        %dma_start3A_2944 = tpu.memref_slice %arg11[%dma_start3A_2932, %dma_start3A_2933, %dma_start3A_2943] : memref<8x3x128xi32, #tpu.memory_space<vmem>> -> memref<1x1x128xi32, #tpu.memory_space<vmem>>
        %dma_start3A_2945 = tpu.memref_squeeze %dma_start3A_2944 : memref<1x1x128xi32, #tpu.memory_space<vmem>> -> memref<128xi32, #tpu.memory_space<vmem>>
        %dma_start3A_2946 = arith.constant 0 : i32
        %dma_start3A_2947 = tpu.memref_slice %arg2[%or3A_2914, %dma_start3A_2946] : memref<507904x128xi32, #tpu.memory_space<hbm>> -> memref<1x128xi32, #tpu.memory_space<hbm>>
        %dma_start3A_2948 = tpu.memref_squeeze %dma_start3A_2947 : memref<1x128xi32, #tpu.memory_space<hbm>> -> memref<128xi32, #tpu.memory_space<hbm>>
        tpu.enqueue_dma source(%dma_start3A_2948 : memref<128xi32, #tpu.memory_space<hbm>>) target(%dma_start3A_2945 : memref<128xi32, #tpu.memory_space<vmem>>) target_semaphore(%dma_start3A_2942 : memref<!tpu.dma_semaphore, #tpu.memory_space<semaphore_mem>>)
      } else {
      }
      %dma_wait3A_1673 = arith.constant 0 : i32
      %dma_wait3A_1674 = arith.constant 4 : i32
      %dma_wait3A_1675 = arith.constant 0 : i32
      %dma_wait3A_1676 = arith.constant 4 : i32
      %dma_wait3A_1677 = arith.constant 0 : i32
      %dma_wait3A_1678 = tpu.memref_slice %arg11[%dma_wait3A_1674, %dma_wait3A_1675, %dma_wait3A_1677] : memref<8x3x128xi32, #tpu.memory_space<vmem>> -> memref<1x1x128xi32, #tpu.memory_space<vmem>>
      %dma_wait3A_1679 = tpu.memref_squeeze %dma_wait3A_1678 : memref<1x1x128xi32, #tpu.memory_space<vmem>> -> memref<128xi32, #tpu.memory_space<vmem>>
      %dma_wait3A_1680 = arith.constant 0 : i32
      %dma_wait3A_1681 = tpu.memref_slice %arg2[%dma_wait3A_1673, %dma_wait3A_1680] : memref<507904x128xi32, #tpu.memory_space<hbm>> -> memref<1x128xi32, #tpu.memory_space<hbm>>
      %dma_wait3A_1682 = tpu.memref_squeeze %dma_wait3A_1681 : memref<1x128xi32, #tpu.memory_space<hbm>> -> memref<128xi32, #tpu.memory_space<hbm>>
      %dma_wait3A_1683 = tpu.memref_slice %arg14[%dma_wait3A_1676] : memref<8x!tpu.dma_semaphore, #tpu.memory_space<semaphore_mem>> -> memref<1x!tpu.dma_semaphore, #tpu.memory_space<semaphore_mem>>
      %dma_wait3A_1684 = tpu.memref_squeeze %dma_wait3A_1683 : memref<1x!tpu.dma_semaphore, #tpu.memory_space<semaphore_mem>> -> memref<!tpu.dma_semaphore, #tpu.memory_space<semaphore_mem>>
      %dma_wait3A_1685 = arith.constant 0 : i32
      %dma_wait3A_1686 = tpu.memref_slice %arg11[%dma_wait3A_1674, %dma_wait3A_1675, %dma_wait3A_1685] : memref<8x3x128xi32, #tpu.memory_space<vmem>> -> memref<1x1x128xi32, #tpu.memory_space<vmem>>
      %dma_wait3A_1687 = tpu.memref_squeeze %dma_wait3A_1686 : memref<1x1x128xi32, #tpu.memory_space<vmem>> -> memref<128xi32, #tpu.memory_space<vmem>>
      %dma_wait3A_1688 = arith.constant 0 : i32
      %dma_wait3A_1689 = tpu.memref_slice %arg2[%dma_wait3A_1673, %dma_wait3A_1688] : memref<507904x128xi32, #tpu.memory_space<hbm>> -> memref<1x128xi32, #tpu.memory_space<hbm>>
      %dma_wait3A_1690 = tpu.memref_squeeze %dma_wait3A_1689 : memref<1x128xi32, #tpu.memory_space<hbm>> -> memref<128xi32, #tpu.memory_space<hbm>>
      tpu.wait_dma2 semaphore(%dma_wait3A_1684 : memref<!tpu.dma_semaphore, #tpu.memory_space<semaphore_mem>>) src(%dma_wait3A_1690 : memref<128xi32, #tpu.memory_space<hbm>>) dst(%dma_wait3A_1687 : memref<128xi32, #tpu.memory_space<vmem>>)
      %dma_wait3A_1691 = arith.constant 0 : i32
      %dma_wait3A_1692 = arith.constant 4 : i32
      %dma_wait3A_1693 = arith.constant 1 : i32
      %dma_wait3A_1694 = arith.constant 4 : i32
      %dma_wait3A_1695 = arith.constant 0 : i32
      %dma_wait3A_1696 = tpu.memref_slice %arg11[%dma_wait3A_1692, %dma_wait3A_1693, %dma_wait3A_1695] : memref<8x3x128xi32, #tpu.memory_space<vmem>> -> memref<1x1x128xi32, #tpu.memory_space<vmem>>
      %dma_wait3A_1697 = tpu.memref_squeeze %dma_wait3A_1696 : memref<1x1x128xi32, #tpu.memory_space<vmem>> -> memref<128xi32, #tpu.memory_space<vmem>>
      %dma_wait3A_1698 = arith.constant 0 : i32
      %dma_wait3A_1699 = tpu.memref_slice %arg2[%dma_wait3A_1691, %dma_wait3A_1698] : memref<507904x128xi32, #tpu.memory_space<hbm>> -> memref<1x128xi32, #tpu.memory_space<hbm>>
      %dma_wait3A_1700 = tpu.memref_squeeze %dma_wait3A_1699 : memref<1x128xi32, #tpu.memory_space<hbm>> -> memref<128xi32, #tpu.memory_space<hbm>>
      %dma_wait3A_1701 = tpu.memref_slice %arg14[%dma_wait3A_1694] : memref<8x!tpu.dma_semaphore, #tpu.memory_space<semaphore_mem>> -> memref<1x!tpu.dma_semaphore, #tpu.memory_space<semaphore_mem>>
      %dma_wait3A_1702 = tpu.memref_squeeze %dma_wait3A_1701 : memref<1x!tpu.dma_semaphore, #tpu.memory_space<semaphore_mem>> -> memref<!tpu.dma_semaphore, #tpu.memory_space<semaphore_mem>>
      %dma_wait3A_1703 = arith.constant 0 : i32
      %dma_wait3A_1704 = tpu.memref_slice %arg11[%dma_wait3A_1692, %dma_wait3A_1693, %dma_wait3A_1703] : memref<8x3x128xi32, #tpu.memory_space<vmem>> -> memref<1x1x128xi32, #tpu.memory_space<vmem>>
      %dma_wait3A_1705 = tpu.memref_squeeze %dma_wait3A_1704 : memref<1x1x128xi32, #tpu.memory_space<vmem>> -> memref<128xi32, #tpu.memory_space<vmem>>
      %dma_wait3A_1706 = arith.constant 0 : i32
      %dma_wait3A_1707 = tpu.memref_slice %arg2[%dma_wait3A_1691, %dma_wait3A_1706] : memref<507904x128xi32, #tpu.memory_space<hbm>> -> memref<1x128xi32, #tpu.memory_space<hbm>>
      %dma_wait3A_1708 = tpu.memref_squeeze %dma_wait3A_1707 : memref<1x128xi32, #tpu.memory_space<hbm>> -> memref<128xi32, #tpu.memory_space<hbm>>
      tpu.wait_dma2 semaphore(%dma_wait3A_1702 : memref<!tpu.dma_semaphore, #tpu.memory_space<semaphore_mem>>) src(%dma_wait3A_1708 : memref<128xi32, #tpu.memory_space<hbm>>) dst(%dma_wait3A_1705 : memref<128xi32, #tpu.memory_space<vmem>>)
      %slice3A_1709 = vector.extract_strided_slice %get3A_446 {offsets = [4], sizes = [1], strides = [1]} : vector<16xi32> to vector<1xi32>
      %squeeze3A_1710 = vector.extract %slice3A_1709[0] : i32 from vector<1xi32>
      %shift_right_arithmetic3A_1711 = arith.constant 13 : i32
      %shift_right_arithmetic3A_1712 = arith.shrsi %squeeze3A_1710, %shift_right_arithmetic3A_1711 : i32
      %and3A_1713 = arith.constant 1 : i32
      %and3A_1714 = arith.andi %shift_right_arithmetic3A_1712, %and3A_1713 : i32
      %mul3A_1715 = arith.constant 64 : i32
      %mul3A_1716 = arith.muli %and3A_1714, %mul3A_1715 : i32
      %slice3A_1717 = vector.extract_strided_slice %get3A_451 {offsets = [4], sizes = [1], strides = [1]} : vector<16xi32> to vector<1xi32>
      %squeeze3A_1718 = vector.extract %slice3A_1717[0] : i32 from vector<1xi32>
      %shift_right_arithmetic3A_1719 = arith.constant 13 : i32
      %shift_right_arithmetic3A_1720 = arith.shrsi %squeeze3A_1718, %shift_right_arithmetic3A_1719 : i32
      %and3A_1721 = arith.constant 1 : i32
      %and3A_1722 = arith.andi %shift_right_arithmetic3A_1720, %and3A_1721 : i32
      %mul3A_1723 = arith.constant 64 : i32
      %mul3A_1724 = arith.muli %and3A_1722, %mul3A_1723 : i32
      %slice3A_1725 = vector.extract_strided_slice %get3A_456 {offsets = [4], sizes = [1], strides = [1]} : vector<16xi32> to vector<1xi32>
      %squeeze3A_1726 = vector.extract %slice3A_1725[0] : i32 from vector<1xi32>
      %shift_right_arithmetic3A_1727 = arith.constant 1 : i32
      %shift_right_arithmetic3A_1728 = arith.shrsi %squeeze3A_1726, %shift_right_arithmetic3A_1727 : i32
      %slice3A_1729 = vector.extract_strided_slice %get3A_456 {offsets = [4], sizes = [1], strides = [1]} : vector<16xi32> to vector<1xi32>
      %squeeze3A_1730 = vector.extract %slice3A_1729[0] : i32 from vector<1xi32>
      %and3A_1731 = arith.constant 1 : i32
      %and3A_1732 = arith.andi %squeeze3A_1730, %and3A_1731 : i32
      %mul3A_1733 = arith.constant 64 : i32
      %mul3A_1734 = arith.muli %and3A_1732, %mul3A_1733 : i32
      %broadcast_in_dim3A_1735 = arith.constant 0.000000e+00 : f32
      %broadcast_in_dim3A_1736 = vector.broadcast %broadcast_in_dim3A_1735 : f32 to vector<16xf32>
      %add3A_1737 = arith.constant 0 : i32
      %add3A_1738 = arith.addi %mul3A_1716, %add3A_1737 : i32
      %get3A_1739 = arith.constant 4 : i32
      %get3A_1740 = arith.constant 0 : i32
      %get3A_1741 = arith.index_cast %get3A_1739 : i32 to index
      %get3A_1742 = arith.index_cast %get3A_1740 : i32 to index
      %get3A_1743 = arith.index_cast %add3A_1738 : i32 to index
      %get3A_1744 = tpu.vector_load %arg11[%get3A_1741, %get3A_1742, %get3A_1743] {strides = array<i32>} : memref<8x3x128xi32, #tpu.memory_space<vmem>>, vector<1x1x16xi32>,
      %get3A_1745 = vector.shape_cast %get3A_1744 : vector<1x1x16xi32> to vector<16xi32>
      %shift_left3A_1746 = arith.constant 16 : i32
      %shift_left3A_1747 = vector.broadcast %shift_left3A_1746 : i32 to vector<16xi32>
      %shift_left3A_1748 = arith.shli %get3A_1745, %shift_left3A_1747 : vector<16xi32>
      %bitcast_convert_type3A_1749 = tpu.bitcast %shift_left3A_1748 : vector<16xi32> -> vector<16xf32>
      %and3A_1750 = arith.constant -65536 : i32
      %and3A_1751 = vector.broadcast %and3A_1750 : i32 to vector<16xi32>
      %and3A_1752 = arith.andi %get3A_1745, %and3A_1751 : vector<16xi32>
      %bitcast_convert_type3A_1753 = tpu.bitcast %and3A_1752 : vector<16xi32> -> vector<16xf32>
      %add3A_1754 = arith.constant 0 : i32
      %add3A_1755 = arith.addi %mul3A_1724, %add3A_1754 : i32
      %get3A_1756 = arith.constant 4 : i32
      %get3A_1757 = arith.constant 1 : i32
      %get3A_1758 = arith.index_cast %get3A_1756 : i32 to index
      %get3A_1759 = arith.index_cast %get3A_1757 : i32 to index
      %get3A_1760 = arith.index_cast %add3A_1755 : i32 to index
      %get3A_1761 = tpu.vector_load %arg11[%get3A_1758, %get3A_1759, %get3A_1760] {strides = array<i32>} : memref<8x3x128xi32, #tpu.memory_space<vmem>>, vector<1x1x16xi32>,
      %get3A_1762 = vector.shape_cast %get3A_1761 : vector<1x1x16xi32> to vector<16xi32>
      %shift_left3A_1763 = arith.constant 16 : i32
      %shift_left3A_1764 = vector.broadcast %shift_left3A_1763 : i32 to vector<16xi32>
      %shift_left3A_1765 = arith.shli %get3A_1762, %shift_left3A_1764 : vector<16xi32>
      %bitcast_convert_type3A_1766 = tpu.bitcast %shift_left3A_1765 : vector<16xi32> -> vector<16xf32>
      %and3A_1767 = arith.constant -65536 : i32
      %and3A_1768 = vector.broadcast %and3A_1767 : i32 to vector<16xi32>
      %and3A_1769 = arith.andi %get3A_1762, %and3A_1768 : vector<16xi32>
      %bitcast_convert_type3A_1770 = tpu.bitcast %and3A_1769 : vector<16xi32> -> vector<16xf32>
      %add3A_1771 = arith.constant 0 : i32
      %add3A_1772 = arith.addi %mul3A_1734, %add3A_1771 : i32
      %get3A_1773 = arith.index_cast %shift_right_arithmetic3A_1728 : i32 to index
      %get3A_1774 = arith.index_cast %add3A_1772 : i32 to index
      %get3A_1775 = tpu.vector_load %arg12[%get3A_1773, %get3A_1774] {strides = array<i32>} : memref<500x128xi32, #tpu.memory_space<vmem>>, vector<1x16xi32>,
      %get3A_1776 = vector.shape_cast %get3A_1775 : vector<1x16xi32> to vector<16xi32>
      %shift_left3A_1777 = arith.constant 16 : i32
      %shift_left3A_1778 = vector.broadcast %shift_left3A_1777 : i32 to vector<16xi32>
      %shift_left3A_1779 = arith.shli %get3A_1776, %shift_left3A_1778 : vector<16xi32>
      %bitcast_convert_type3A_1780 = tpu.bitcast %shift_left3A_1779 : vector<16xi32> -> vector<16xf32>
      %and3A_1781 = arith.constant -65536 : i32
      %and3A_1782 = vector.broadcast %and3A_1781 : i32 to vector<16xi32>
      %and3A_1783 = arith.andi %get3A_1776, %and3A_1782 : vector<16xi32>
      %bitcast_convert_type3A_1784 = tpu.bitcast %and3A_1783 : vector<16xi32> -> vector<16xf32>
      %mul3A_1785 = arith.mulf %bitcast_convert_type3A_1749, %bitcast_convert_type3A_1780 : vector<16xf32>
      %mul3A_1786 = arith.mulf %bitcast_convert_type3A_1753, %bitcast_convert_type3A_1784 : vector<16xf32>
      %sub3A_1787 = arith.subf %mul3A_1785, %mul3A_1786 : vector<16xf32>
      %mul3A_1788 = arith.mulf %bitcast_convert_type3A_1766, %sub3A_1787 : vector<16xf32>
      %add3A_1789 = arith.addf %broadcast_in_dim3A_1736, %mul3A_1788 : vector<16xf32>
      %mul3A_1790 = arith.mulf %bitcast_convert_type3A_1753, %bitcast_convert_type3A_1780 : vector<16xf32>
      %mul3A_1791 = arith.mulf %bitcast_convert_type3A_1749, %bitcast_convert_type3A_1784 : vector<16xf32>
      %add3A_1792 = arith.addf %mul3A_1790, %mul3A_1791 : vector<16xf32>
      %mul3A_1793 = arith.mulf %bitcast_convert_type3A_1770, %add3A_1792 : vector<16xf32>
      %add3A_1794 = arith.addf %add3A_1789, %mul3A_1793 : vector<16xf32>
      %add3A_1795 = arith.constant 16 : i32
      %add3A_1796 = arith.addi %mul3A_1716, %add3A_1795 : i32
      %get3A_1797 = arith.constant 4 : i32
      %get3A_1798 = arith.constant 0 : i32
      %get3A_1799 = arith.index_cast %get3A_1797 : i32 to index
      %get3A_1800 = arith.index_cast %get3A_1798 : i32 to index
      %get3A_1801 = arith.index_cast %add3A_1796 : i32 to index
      %get3A_1802 = tpu.vector_load %arg11[%get3A_1799, %get3A_1800, %get3A_1801] {strides = array<i32>} : memref<8x3x128xi32, #tpu.memory_space<vmem>>, vector<1x1x16xi32>,
      %get3A_1803 = vector.shape_cast %get3A_1802 : vector<1x1x16xi32> to vector<16xi32>
      %shift_left3A_1804 = arith.constant 16 : i32
      %shift_left3A_1805 = vector.broadcast %shift_left3A_1804 : i32 to vector<16xi32>
      %shift_left3A_1806 = arith.shli %get3A_1803, %shift_left3A_1805 : vector<16xi32>
      %bitcast_convert_type3A_1807 = tpu.bitcast %shift_left3A_1806 : vector<16xi32> -> vector<16xf32>
      %and3A_1808 = arith.constant -65536 : i32
      %and3A_1809 = vector.broadcast %and3A_1808 : i32 to vector<16xi32>
      %and3A_1810 = arith.andi %get3A_1803, %and3A_1809 : vector<16xi32>
      %bitcast_convert_type3A_1811 = tpu.bitcast %and3A_1810 : vector<16xi32> -> vector<16xf32>
      %add3A_1812 = arith.constant 16 : i32
      %add3A_1813 = arith.addi %mul3A_1724, %add3A_1812 : i32
      %get3A_1814 = arith.constant 4 : i32
      %get3A_1815 = arith.constant 1 : i32
      %get3A_1816 = arith.index_cast %get3A_1814 : i32 to index
      %get3A_1817 = arith.index_cast %get3A_1815 : i32 to index
      %get3A_1818 = arith.index_cast %add3A_1813 : i32 to index
      %get3A_1819 = tpu.vector_load %arg11[%get3A_1816, %get3A_1817, %get3A_1818] {strides = array<i32>} : memref<8x3x128xi32, #tpu.memory_space<vmem>>, vector<1x1x16xi32>,
      %get3A_1820 = vector.shape_cast %get3A_1819 : vector<1x1x16xi32> to vector<16xi32>
      %shift_left3A_1821 = arith.constant 16 : i32
      %shift_left3A_1822 = vector.broadcast %shift_left3A_1821 : i32 to vector<16xi32>
      %shift_left3A_1823 = arith.shli %get3A_1820, %shift_left3A_1822 : vector<16xi32>
      %bitcast_convert_type3A_1824 = tpu.bitcast %shift_left3A_1823 : vector<16xi32> -> vector<16xf32>
      %and3A_1825 = arith.constant -65536 : i32
      %and3A_1826 = vector.broadcast %and3A_1825 : i32 to vector<16xi32>
      %and3A_1827 = arith.andi %get3A_1820, %and3A_1826 : vector<16xi32>
      %bitcast_convert_type3A_1828 = tpu.bitcast %and3A_1827 : vector<16xi32> -> vector<16xf32>
      %add3A_1829 = arith.constant 16 : i32
      %add3A_1830 = arith.addi %mul3A_1734, %add3A_1829 : i32
      %get3A_1831 = arith.index_cast %shift_right_arithmetic3A_1728 : i32 to index
      %get3A_1832 = arith.index_cast %add3A_1830 : i32 to index
      %get3A_1833 = tpu.vector_load %arg12[%get3A_1831, %get3A_1832] {strides = array<i32>} : memref<500x128xi32, #tpu.memory_space<vmem>>, vector<1x16xi32>,
      %get3A_1834 = vector.shape_cast %get3A_1833 : vector<1x16xi32> to vector<16xi32>
      %shift_left3A_1835 = arith.constant 16 : i32
      %shift_left3A_1836 = vector.broadcast %shift_left3A_1835 : i32 to vector<16xi32>
      %shift_left3A_1837 = arith.shli %get3A_1834, %shift_left3A_1836 : vector<16xi32>
      %bitcast_convert_type3A_1838 = tpu.bitcast %shift_left3A_1837 : vector<16xi32> -> vector<16xf32>
      %and3A_1839 = arith.constant -65536 : i32
      %and3A_1840 = vector.broadcast %and3A_1839 : i32 to vector<16xi32>
      %and3A_1841 = arith.andi %get3A_1834, %and3A_1840 : vector<16xi32>
      %bitcast_convert_type3A_1842 = tpu.bitcast %and3A_1841 : vector<16xi32> -> vector<16xf32>
      %mul3A_1843 = arith.mulf %bitcast_convert_type3A_1807, %bitcast_convert_type3A_1838 : vector<16xf32>
      %mul3A_1844 = arith.mulf %bitcast_convert_type3A_1811, %bitcast_convert_type3A_1842 : vector<16xf32>
      %sub3A_1845 = arith.subf %mul3A_1843, %mul3A_1844 : vector<16xf32>
      %mul3A_1846 = arith.mulf %bitcast_convert_type3A_1824, %sub3A_1845 : vector<16xf32>
      %add3A_1847 = arith.addf %add3A_1794, %mul3A_1846 : vector<16xf32>
      %mul3A_1848 = arith.mulf %bitcast_convert_type3A_1811, %bitcast_convert_type3A_1838 : vector<16xf32>
      %mul3A_1849 = arith.mulf %bitcast_convert_type3A_1807, %bitcast_convert_type3A_1842 : vector<16xf32>
      %add3A_1850 = arith.addf %mul3A_1848, %mul3A_1849 : vector<16xf32>
      %mul3A_1851 = arith.mulf %bitcast_convert_type3A_1828, %add3A_1850 : vector<16xf32>
      %add3A_1852 = arith.addf %add3A_1847, %mul3A_1851 : vector<16xf32>
      %add3A_1853 = arith.constant 32 : i32
      %add3A_1854 = arith.addi %mul3A_1716, %add3A_1853 : i32
      %get3A_1855 = arith.constant 4 : i32
      %get3A_1856 = arith.constant 0 : i32
      %get3A_1857 = arith.index_cast %get3A_1855 : i32 to index
      %get3A_1858 = arith.index_cast %get3A_1856 : i32 to index
      %get3A_1859 = arith.index_cast %add3A_1854 : i32 to index
      %get3A_1860 = tpu.vector_load %arg11[%get3A_1857, %get3A_1858, %get3A_1859] {strides = array<i32>} : memref<8x3x128xi32, #tpu.memory_space<vmem>>, vector<1x1x16xi32>,
      %get3A_1861 = vector.shape_cast %get3A_1860 : vector<1x1x16xi32> to vector<16xi32>
      %shift_left3A_1862 = arith.constant 16 : i32
      %shift_left3A_1863 = vector.broadcast %shift_left3A_1862 : i32 to vector<16xi32>
      %shift_left3A_1864 = arith.shli %get3A_1861, %shift_left3A_1863 : vector<16xi32>
      %bitcast_convert_type3A_1865 = tpu.bitcast %shift_left3A_1864 : vector<16xi32> -> vector<16xf32>
      %and3A_1866 = arith.constant -65536 : i32
      %and3A_1867 = vector.broadcast %and3A_1866 : i32 to vector<16xi32>
      %and3A_1868 = arith.andi %get3A_1861, %and3A_1867 : vector<16xi32>
      %bitcast_convert_type3A_1869 = tpu.bitcast %and3A_1868 : vector<16xi32> -> vector<16xf32>
      %add3A_1870 = arith.constant 32 : i32
      %add3A_1871 = arith.addi %mul3A_1724, %add3A_1870 : i32
      %get3A_1872 = arith.constant 4 : i32
      %get3A_1873 = arith.constant 1 : i32
      %get3A_1874 = arith.index_cast %get3A_1872 : i32 to index
      %get3A_1875 = arith.index_cast %get3A_1873 : i32 to index
      %get3A_1876 = arith.index_cast %add3A_1871 : i32 to index
      %get3A_1877 = tpu.vector_load %arg11[%get3A_1874, %get3A_1875, %get3A_1876] {strides = array<i32>} : memref<8x3x128xi32, #tpu.memory_space<vmem>>, vector<1x1x16xi32>,
      %get3A_1878 = vector.shape_cast %get3A_1877 : vector<1x1x16xi32> to vector<16xi32>
      %shift_left3A_1879 = arith.constant 16 : i32
      %shift_left3A_1880 = vector.broadcast %shift_left3A_1879 : i32 to vector<16xi32>
      %shift_left3A_1881 = arith.shli %get3A_1878, %shift_left3A_1880 : vector<16xi32>
      %bitcast_convert_type3A_1882 = tpu.bitcast %shift_left3A_1881 : vector<16xi32> -> vector<16xf32>
      %and3A_1883 = arith.constant -65536 : i32
      %and3A_1884 = vector.broadcast %and3A_1883 : i32 to vector<16xi32>
      %and3A_1885 = arith.andi %get3A_1878, %and3A_1884 : vector<16xi32>
      %bitcast_convert_type3A_1886 = tpu.bitcast %and3A_1885 : vector<16xi32> -> vector<16xf32>
      %add3A_1887 = arith.constant 32 : i32
      %add3A_1888 = arith.addi %mul3A_1734, %add3A_1887 : i32
      %get3A_1889 = arith.index_cast %shift_right_arithmetic3A_1728 : i32 to index
      %get3A_1890 = arith.index_cast %add3A_1888 : i32 to index
      %get3A_1891 = tpu.vector_load %arg12[%get3A_1889, %get3A_1890] {strides = array<i32>} : memref<500x128xi32, #tpu.memory_space<vmem>>, vector<1x16xi32>,
      %get3A_1892 = vector.shape_cast %get3A_1891 : vector<1x16xi32> to vector<16xi32>
      %shift_left3A_1893 = arith.constant 16 : i32
      %shift_left3A_1894 = vector.broadcast %shift_left3A_1893 : i32 to vector<16xi32>
      %shift_left3A_1895 = arith.shli %get3A_1892, %shift_left3A_1894 : vector<16xi32>
      %bitcast_convert_type3A_1896 = tpu.bitcast %shift_left3A_1895 : vector<16xi32> -> vector<16xf32>
      %and3A_1897 = arith.constant -65536 : i32
      %and3A_1898 = vector.broadcast %and3A_1897 : i32 to vector<16xi32>
      %and3A_1899 = arith.andi %get3A_1892, %and3A_1898 : vector<16xi32>
      %bitcast_convert_type3A_1900 = tpu.bitcast %and3A_1899 : vector<16xi32> -> vector<16xf32>
      %mul3A_1901 = arith.mulf %bitcast_convert_type3A_1865, %bitcast_convert_type3A_1896 : vector<16xf32>
      %mul3A_1902 = arith.mulf %bitcast_convert_type3A_1869, %bitcast_convert_type3A_1900 : vector<16xf32>
      %sub3A_1903 = arith.subf %mul3A_1901, %mul3A_1902 : vector<16xf32>
      %mul3A_1904 = arith.mulf %bitcast_convert_type3A_1882, %sub3A_1903 : vector<16xf32>
      %add3A_1905 = arith.addf %add3A_1852, %mul3A_1904 : vector<16xf32>
      %mul3A_1906 = arith.mulf %bitcast_convert_type3A_1869, %bitcast_convert_type3A_1896 : vector<16xf32>
      %mul3A_1907 = arith.mulf %bitcast_convert_type3A_1865, %bitcast_convert_type3A_1900 : vector<16xf32>
      %add3A_1908 = arith.addf %mul3A_1906, %mul3A_1907 : vector<16xf32>
      %mul3A_1909 = arith.mulf %bitcast_convert_type3A_1886, %add3A_1908 : vector<16xf32>
      %add3A_1910 = arith.addf %add3A_1905, %mul3A_1909 : vector<16xf32>
      %add3A_1911 = arith.constant 48 : i32
      %add3A_1912 = arith.addi %mul3A_1716, %add3A_1911 : i32
      %get3A_1913 = arith.constant 4 : i32
      %get3A_1914 = arith.constant 0 : i32
      %get3A_1915 = arith.index_cast %get3A_1913 : i32 to index
      %get3A_1916 = arith.index_cast %get3A_1914 : i32 to index
      %get3A_1917 = arith.index_cast %add3A_1912 : i32 to index
      %get3A_1918 = tpu.vector_load %arg11[%get3A_1915, %get3A_1916, %get3A_1917] {strides = array<i32>} : memref<8x3x128xi32, #tpu.memory_space<vmem>>, vector<1x1x16xi32>,
      %get3A_1919 = vector.shape_cast %get3A_1918 : vector<1x1x16xi32> to vector<16xi32>
      %shift_left3A_1920 = arith.constant 16 : i32
      %shift_left3A_1921 = vector.broadcast %shift_left3A_1920 : i32 to vector<16xi32>
      %shift_left3A_1922 = arith.shli %get3A_1919, %shift_left3A_1921 : vector<16xi32>
      %bitcast_convert_type3A_1923 = tpu.bitcast %shift_left3A_1922 : vector<16xi32> -> vector<16xf32>
      %and3A_1924 = arith.constant -65536 : i32
      %and3A_1925 = vector.broadcast %and3A_1924 : i32 to vector<16xi32>
      %and3A_1926 = arith.andi %get3A_1919, %and3A_1925 : vector<16xi32>
      %bitcast_convert_type3A_1927 = tpu.bitcast %and3A_1926 : vector<16xi32> -> vector<16xf32>
      %add3A_1928 = arith.constant 48 : i32
      %add3A_1929 = arith.addi %mul3A_1724, %add3A_1928 : i32
      %get3A_1930 = arith.constant 4 : i32
      %get3A_1931 = arith.constant 1 : i32
      %get3A_1932 = arith.index_cast %get3A_1930 : i32 to index
      %get3A_1933 = arith.index_cast %get3A_1931 : i32 to index
      %get3A_1934 = arith.index_cast %add3A_1929 : i32 to index
      %get3A_1935 = tpu.vector_load %arg11[%get3A_1932, %get3A_1933, %get3A_1934] {strides = array<i32>} : memref<8x3x128xi32, #tpu.memory_space<vmem>>, vector<1x1x16xi32>,
      %get3A_1936 = vector.shape_cast %get3A_1935 : vector<1x1x16xi32> to vector<16xi32>
      %shift_left3A_1937 = arith.constant 16 : i32
      %shift_left3A_1938 = vector.broadcast %shift_left3A_1937 : i32 to vector<16xi32>
      %shift_left3A_1939 = arith.shli %get3A_1936, %shift_left3A_1938 : vector<16xi32>
      %bitcast_convert_type3A_1940 = tpu.bitcast %shift_left3A_1939 : vector<16xi32> -> vector<16xf32>
      %and3A_1941 = arith.constant -65536 : i32
      %and3A_1942 = vector.broadcast %and3A_1941 : i32 to vector<16xi32>
      %and3A_1943 = arith.andi %get3A_1936, %and3A_1942 : vector<16xi32>
      %bitcast_convert_type3A_1944 = tpu.bitcast %and3A_1943 : vector<16xi32> -> vector<16xf32>
      %add3A_1945 = arith.constant 48 : i32
      %add3A_1946 = arith.addi %mul3A_1734, %add3A_1945 : i32
      %get3A_1947 = arith.index_cast %shift_right_arithmetic3A_1728 : i32 to index
      %get3A_1948 = arith.index_cast %add3A_1946 : i32 to index
      %get3A_1949 = tpu.vector_load %arg12[%get3A_1947, %get3A_1948] {strides = array<i32>} : memref<500x128xi32, #tpu.memory_space<vmem>>, vector<1x16xi32>,
      %get3A_1950 = vector.shape_cast %get3A_1949 : vector<1x16xi32> to vector<16xi32>
      %shift_left3A_1951 = arith.constant 16 : i32
      %shift_left3A_1952 = vector.broadcast %shift_left3A_1951 : i32 to vector<16xi32>
      %shift_left3A_1953 = arith.shli %get3A_1950, %shift_left3A_1952 : vector<16xi32>
      %bitcast_convert_type3A_1954 = tpu.bitcast %shift_left3A_1953 : vector<16xi32> -> vector<16xf32>
      %and3A_1955 = arith.constant -65536 : i32
      %and3A_1956 = vector.broadcast %and3A_1955 : i32 to vector<16xi32>
      %and3A_1957 = arith.andi %get3A_1950, %and3A_1956 : vector<16xi32>
      %bitcast_convert_type3A_1958 = tpu.bitcast %and3A_1957 : vector<16xi32> -> vector<16xf32>
      %mul3A_1959 = arith.mulf %bitcast_convert_type3A_1923, %bitcast_convert_type3A_1954 : vector<16xf32>
      %mul3A_1960 = arith.mulf %bitcast_convert_type3A_1927, %bitcast_convert_type3A_1958 : vector<16xf32>
      %sub3A_1961 = arith.subf %mul3A_1959, %mul3A_1960 : vector<16xf32>
      %mul3A_1962 = arith.mulf %bitcast_convert_type3A_1940, %sub3A_1961 : vector<16xf32>
      %add3A_1963 = arith.addf %add3A_1910, %mul3A_1962 : vector<16xf32>
      %mul3A_1964 = arith.mulf %bitcast_convert_type3A_1927, %bitcast_convert_type3A_1954 : vector<16xf32>
      %mul3A_1965 = arith.mulf %bitcast_convert_type3A_1923, %bitcast_convert_type3A_1958 : vector<16xf32>
      %add3A_1966 = arith.addf %mul3A_1964, %mul3A_1965 : vector<16xf32>
      %mul3A_1967 = arith.mulf %bitcast_convert_type3A_1944, %add3A_1966 : vector<16xf32>
      %add3A_1968 = arith.addf %add3A_1963, %mul3A_1967 : vector<16xf32>
      %swap3A_1969 = arith.index_cast %scan3A_427 : i32 to index
      %swap3A_1970 = arith.constant 64 : index
      %swap3A_1971 = tpu.vector_load %arg13[%swap3A_1969, %swap3A_1970] {strides = array<i32>} : memref<64x128xf32, #tpu.memory_space<vmem>>, vector<1x16xf32>,
      %swap3A_1972 = vector.shape_cast %swap3A_1971 : vector<1x16xf32> to vector<16xf32>
      %swap3A_1973 = vector.shape_cast %add3A_1968 : vector<16xf32> to vector<1x16xf32>
      tpu.vector_store %arg13[%swap3A_1969, %swap3A_1970], %swap3A_1973 {strides = array<i32>} : memref<64x128xf32, #tpu.memory_space<vmem>>, vector<1x16xf32>,
      %lt3A_1974 = arith.constant 63 : i32
      %lt3A_1975 = arith.cmpi slt, %scan3A_427, %lt3A_1974 : i32
      %convert_element_type3A_1976 = arith.extui %lt3A_1975 : i1 to i32
      %cond3A_1977 = arith.constant 0 : i32
      %cond3A_1978 = arith.cmpi ne, %convert_element_type3A_1976, %cond3A_1977 : i32
      scf.if %cond3A_1978 {
        %slice3A_2897 = vector.extract_strided_slice %get3A_434 {offsets = [4], sizes = [1], strides = [1]} : vector<16xi32> to vector<1xi32>
        %squeeze3A_2898 = vector.extract %slice3A_2897[0] : i32 from vector<1xi32>
        %slice3A_2899 = vector.extract_strided_slice %get3A_441 {offsets = [4], sizes = [1], strides = [1]} : vector<16xi32> to vector<1xi32>
        %squeeze3A_2900 = vector.extract %slice3A_2899[0] : i32 from vector<1xi32>
        %shift_right_arithmetic3A_2901 = arith.constant 14 : i32
        %shift_right_arithmetic3A_2902 = arith.shrsi %squeeze3A_2898, %shift_right_arithmetic3A_2901 : i32
        %shift_left3A_2903 = arith.constant 13 : i32
        %shift_left3A_2904 = arith.shli %shift_right_arithmetic3A_2902, %shift_left3A_2903 : i32
        %and3A_2905 = arith.constant 8191 : i32
        %and3A_2906 = arith.andi %squeeze3A_2898, %and3A_2905 : i32
        %or3A_2907 = arith.ori %shift_left3A_2904, %and3A_2906 : i32
        %shift_right_arithmetic3A_2908 = arith.constant 14 : i32
        %shift_right_arithmetic3A_2909 = arith.shrsi %squeeze3A_2900, %shift_right_arithmetic3A_2908 : i32
        %shift_left3A_2910 = arith.constant 13 : i32
        %shift_left3A_2911 = arith.shli %shift_right_arithmetic3A_2909, %shift_left3A_2910 : i32
        %and3A_2912 = arith.constant 8191 : i32
        %and3A_2913 = arith.andi %squeeze3A_2900, %and3A_2912 : i32
        %or3A_2914 = arith.ori %shift_left3A_2911, %and3A_2913 : i32
        %dma_start3A_2915 = arith.constant 4 : i32
        %dma_start3A_2916 = arith.constant 0 : i32
        %dma_start3A_2917 = arith.constant 4 : i32
        %dma_start3A_2918 = arith.constant 0 : i32
        %dma_start3A_2919 = tpu.memref_slice %arg11[%dma_start3A_2915, %dma_start3A_2916, %dma_start3A_2918] : memref<8x3x128xi32, #tpu.memory_space<vmem>> -> memref<1x1x128xi32, #tpu.memory_space<vmem>>
        %dma_start3A_2920 = tpu.memref_squeeze %dma_start3A_2919 : memref<1x1x128xi32, #tpu.memory_space<vmem>> -> memref<128xi32, #tpu.memory_space<vmem>>
        %dma_start3A_2921 = arith.constant 0 : i32
        %dma_start3A_2922 = tpu.memref_slice %arg2[%or3A_2907, %dma_start3A_2921] : memref<507904x128xi32, #tpu.memory_space<hbm>> -> memref<1x128xi32, #tpu.memory_space<hbm>>
        %dma_start3A_2923 = tpu.memref_squeeze %dma_start3A_2922 : memref<1x128xi32, #tpu.memory_space<hbm>> -> memref<128xi32, #tpu.memory_space<hbm>>
        %dma_start3A_2924 = tpu.memref_slice %arg14[%dma_start3A_2917] : memref<8x!tpu.dma_semaphore, #tpu.memory_space<semaphore_mem>> -> memref<1x!tpu.dma_semaphore, #tpu.memory_space<semaphore_mem>>
        %dma_start3A_2925 = tpu.memref_squeeze %dma_start3A_2924 : memref<1x!tpu.dma_semaphore, #tpu.memory_space<semaphore_mem>> -> memref<!tpu.dma_semaphore, #tpu.memory_space<semaphore_mem>>
        %dma_start3A_2926 = arith.constant 0 : i32
        %dma_start3A_2927 = tpu.memref_slice %arg11[%dma_start3A_2915, %dma_start3A_2916, %dma_start3A_2926] : memref<8x3x128xi32, #tpu.memory_space<vmem>> -> memref<1x1x128xi32, #tpu.memory_space<vmem>>
        %dma_start3A_2928 = tpu.memref_squeeze %dma_start3A_2927 : memref<1x1x128xi32, #tpu.memory_space<vmem>> -> memref<128xi32, #tpu.memory_space<vmem>>
        %dma_start3A_2929 = arith.constant 0 : i32
        %dma_start3A_2930 = tpu.memref_slice %arg2[%or3A_2907, %dma_start3A_2929] : memref<507904x128xi32, #tpu.memory_space<hbm>> -> memref<1x128xi32, #tpu.memory_space<hbm>>
        %dma_start3A_2931 = tpu.memref_squeeze %dma_start3A_2930 : memref<1x128xi32, #tpu.memory_space<hbm>> -> memref<128xi32, #tpu.memory_space<hbm>>
        tpu.enqueue_dma source(%dma_start3A_2931 : memref<128xi32, #tpu.memory_space<hbm>>) target(%dma_start3A_2928 : memref<128xi32, #tpu.memory_space<vmem>>) target_semaphore(%dma_start3A_2925 : memref<!tpu.dma_semaphore, #tpu.memory_space<semaphore_mem>>)
        %dma_start3A_2932 = arith.constant 4 : i32
        %dma_start3A_2933 = arith.constant 1 : i32
        %dma_start3A_2934 = arith.constant 4 : i32
        %dma_start3A_2935 = arith.constant 0 : i32
        %dma_start3A_2936 = tpu.memref_slice %arg11[%dma_start3A_2932, %dma_start3A_2933, %dma_start3A_2935] : memref<8x3x128xi32, #tpu.memory_space<vmem>> -> memref<1x1x128xi32, #tpu.memory_space<vmem>>
        %dma_start3A_2937 = tpu.memref_squeeze %dma_start3A_2936 : memref<1x1x128xi32, #tpu.memory_space<vmem>> -> memref<128xi32, #tpu.memory_space<vmem>>
        %dma_start3A_2938 = arith.constant 0 : i32
        %dma_start3A_2939 = tpu.memref_slice %arg2[%or3A_2914, %dma_start3A_2938] : memref<507904x128xi32, #tpu.memory_space<hbm>> -> memref<1x128xi32, #tpu.memory_space<hbm>>
        %dma_start3A_2940 = tpu.memref_squeeze %dma_start3A_2939 : memref<1x128xi32, #tpu.memory_space<hbm>> -> memref<128xi32, #tpu.memory_space<hbm>>
        %dma_start3A_2941 = tpu.memref_slice %arg14[%dma_start3A_2934] : memref<8x!tpu.dma_semaphore, #tpu.memory_space<semaphore_mem>> -> memref<1x!tpu.dma_semaphore, #tpu.memory_space<semaphore_mem>>
        %dma_start3A_2942 = tpu.memref_squeeze %dma_start3A_2941 : memref<1x!tpu.dma_semaphore, #tpu.memory_space<semaphore_mem>> -> memref<!tpu.dma_semaphore, #tpu.memory_space<semaphore_mem>>
        %dma_start3A_2943 = arith.constant 0 : i32
        %dma_start3A_2944 = tpu.memref_slice %arg11[%dma_start3A_2932, %dma_start3A_2933, %dma_start3A_2943] : memref<8x3x128xi32, #tpu.memory_space<vmem>> -> memref<1x1x128xi32, #tpu.memory_space<vmem>>
        %dma_start3A_2945 = tpu.memref_squeeze %dma_start3A_2944 : memref<1x1x128xi32, #tpu.memory_space<vmem>> -> memref<128xi32, #tpu.memory_space<vmem>>
        %dma_start3A_2946 = arith.constant 0 : i32
        %dma_start3A_2947 = tpu.memref_slice %arg2[%or3A_2914, %dma_start3A_2946] : memref<507904x128xi32, #tpu.memory_space<hbm>> -> memref<1x128xi32, #tpu.memory_space<hbm>>
        %dma_start3A_2948 = tpu.memref_squeeze %dma_start3A_2947 : memref<1x128xi32, #tpu.memory_space<hbm>> -> memref<128xi32, #tpu.memory_space<hbm>>
        tpu.enqueue_dma source(%dma_start3A_2948 : memref<128xi32, #tpu.memory_space<hbm>>) target(%dma_start3A_2945 : memref<128xi32, #tpu.memory_space<vmem>>) target_semaphore(%dma_start3A_2942 : memref<!tpu.dma_semaphore, #tpu.memory_space<semaphore_mem>>)
      } else {
      }
      %dma_wait3A_1979 = arith.constant 0 : i32
      %dma_wait3A_1980 = arith.constant 5 : i32
      %dma_wait3A_1981 = arith.constant 0 : i32
      %dma_wait3A_1982 = arith.constant 5 : i32
      %dma_wait3A_1983 = arith.constant 0 : i32
      %dma_wait3A_1984 = tpu.memref_slice %arg11[%dma_wait3A_1980, %dma_wait3A_1981, %dma_wait3A_1983] : memref<8x3x128xi32, #tpu.memory_space<vmem>> -> memref<1x1x128xi32, #tpu.memory_space<vmem>>
      %dma_wait3A_1985 = tpu.memref_squeeze %dma_wait3A_1984 : memref<1x1x128xi32, #tpu.memory_space<vmem>> -> memref<128xi32, #tpu.memory_space<vmem>>
      %dma_wait3A_1986 = arith.constant 0 : i32
      %dma_wait3A_1987 = tpu.memref_slice %arg2[%dma_wait3A_1979, %dma_wait3A_1986] : memref<507904x128xi32, #tpu.memory_space<hbm>> -> memref<1x128xi32, #tpu.memory_space<hbm>>
      %dma_wait3A_1988 = tpu.memref_squeeze %dma_wait3A_1987 : memref<1x128xi32, #tpu.memory_space<hbm>> -> memref<128xi32, #tpu.memory_space<hbm>>
      %dma_wait3A_1989 = tpu.memref_slice %arg14[%dma_wait3A_1982] : memref<8x!tpu.dma_semaphore, #tpu.memory_space<semaphore_mem>> -> memref<1x!tpu.dma_semaphore, #tpu.memory_space<semaphore_mem>>
      %dma_wait3A_1990 = tpu.memref_squeeze %dma_wait3A_1989 : memref<1x!tpu.dma_semaphore, #tpu.memory_space<semaphore_mem>> -> memref<!tpu.dma_semaphore, #tpu.memory_space<semaphore_mem>>
      %dma_wait3A_1991 = arith.constant 0 : i32
      %dma_wait3A_1992 = tpu.memref_slice %arg11[%dma_wait3A_1980, %dma_wait3A_1981, %dma_wait3A_1991] : memref<8x3x128xi32, #tpu.memory_space<vmem>> -> memref<1x1x128xi32, #tpu.memory_space<vmem>>
      %dma_wait3A_1993 = tpu.memref_squeeze %dma_wait3A_1992 : memref<1x1x128xi32, #tpu.memory_space<vmem>> -> memref<128xi32, #tpu.memory_space<vmem>>
      %dma_wait3A_1994 = arith.constant 0 : i32
      %dma_wait3A_1995 = tpu.memref_slice %arg2[%dma_wait3A_1979, %dma_wait3A_1994] : memref<507904x128xi32, #tpu.memory_space<hbm>> -> memref<1x128xi32, #tpu.memory_space<hbm>>
      %dma_wait3A_1996 = tpu.memref_squeeze %dma_wait3A_1995 : memref<1x128xi32, #tpu.memory_space<hbm>> -> memref<128xi32, #tpu.memory_space<hbm>>
      tpu.wait_dma2 semaphore(%dma_wait3A_1990 : memref<!tpu.dma_semaphore, #tpu.memory_space<semaphore_mem>>) src(%dma_wait3A_1996 : memref<128xi32, #tpu.memory_space<hbm>>) dst(%dma_wait3A_1993 : memref<128xi32, #tpu.memory_space<vmem>>)
      %dma_wait3A_1997 = arith.constant 0 : i32
      %dma_wait3A_1998 = arith.constant 5 : i32
      %dma_wait3A_1999 = arith.constant 1 : i32
      %dma_wait3A_2000 = arith.constant 5 : i32
      %dma_wait3A_2001 = arith.constant 0 : i32
      %dma_wait3A_2002 = tpu.memref_slice %arg11[%dma_wait3A_1998, %dma_wait3A_1999, %dma_wait3A_2001] : memref<8x3x128xi32, #tpu.memory_space<vmem>> -> memref<1x1x128xi32, #tpu.memory_space<vmem>>
      %dma_wait3A_2003 = tpu.memref_squeeze %dma_wait3A_2002 : memref<1x1x128xi32, #tpu.memory_space<vmem>> -> memref<128xi32, #tpu.memory_space<vmem>>
      %dma_wait3A_2004 = arith.constant 0 : i32
      %dma_wait3A_2005 = tpu.memref_slice %arg2[%dma_wait3A_1997, %dma_wait3A_2004] : memref<507904x128xi32, #tpu.memory_space<hbm>> -> memref<1x128xi32, #tpu.memory_space<hbm>>
      %dma_wait3A_2006 = tpu.memref_squeeze %dma_wait3A_2005 : memref<1x128xi32, #tpu.memory_space<hbm>> -> memref<128xi32, #tpu.memory_space<hbm>>
      %dma_wait3A_2007 = tpu.memref_slice %arg14[%dma_wait3A_2000] : memref<8x!tpu.dma_semaphore, #tpu.memory_space<semaphore_mem>> -> memref<1x!tpu.dma_semaphore, #tpu.memory_space<semaphore_mem>>
      %dma_wait3A_2008 = tpu.memref_squeeze %dma_wait3A_2007 : memref<1x!tpu.dma_semaphore, #tpu.memory_space<semaphore_mem>> -> memref<!tpu.dma_semaphore, #tpu.memory_space<semaphore_mem>>
      %dma_wait3A_2009 = arith.constant 0 : i32
      %dma_wait3A_2010 = tpu.memref_slice %arg11[%dma_wait3A_1998, %dma_wait3A_1999, %dma_wait3A_2009] : memref<8x3x128xi32, #tpu.memory_space<vmem>> -> memref<1x1x128xi32, #tpu.memory_space<vmem>>
      %dma_wait3A_2011 = tpu.memref_squeeze %dma_wait3A_2010 : memref<1x1x128xi32, #tpu.memory_space<vmem>> -> memref<128xi32, #tpu.memory_space<vmem>>
      %dma_wait3A_2012 = arith.constant 0 : i32
      %dma_wait3A_2013 = tpu.memref_slice %arg2[%dma_wait3A_1997, %dma_wait3A_2012] : memref<507904x128xi32, #tpu.memory_space<hbm>> -> memref<1x128xi32, #tpu.memory_space<hbm>>
      %dma_wait3A_2014 = tpu.memref_squeeze %dma_wait3A_2013 : memref<1x128xi32, #tpu.memory_space<hbm>> -> memref<128xi32, #tpu.memory_space<hbm>>
      tpu.wait_dma2 semaphore(%dma_wait3A_2008 : memref<!tpu.dma_semaphore, #tpu.memory_space<semaphore_mem>>) src(%dma_wait3A_2014 : memref<128xi32, #tpu.memory_space<hbm>>) dst(%dma_wait3A_2011 : memref<128xi32, #tpu.memory_space<vmem>>)
      %slice3A_2015 = vector.extract_strided_slice %get3A_446 {offsets = [5], sizes = [1], strides = [1]} : vector<16xi32> to vector<1xi32>
      %squeeze3A_2016 = vector.extract %slice3A_2015[0] : i32 from vector<1xi32>
      %shift_right_arithmetic3A_2017 = arith.constant 13 : i32
      %shift_right_arithmetic3A_2018 = arith.shrsi %squeeze3A_2016, %shift_right_arithmetic3A_2017 : i32
      %and3A_2019 = arith.constant 1 : i32
      %and3A_2020 = arith.andi %shift_right_arithmetic3A_2018, %and3A_2019 : i32
      %mul3A_2021 = arith.constant 64 : i32
      %mul3A_2022 = arith.muli %and3A_2020, %mul3A_2021 : i32
      %slice3A_2023 = vector.extract_strided_slice %get3A_451 {offsets = [5], sizes = [1], strides = [1]} : vector<16xi32> to vector<1xi32>
      %squeeze3A_2024 = vector.extract %slice3A_2023[0] : i32 from vector<1xi32>
      %shift_right_arithmetic3A_2025 = arith.constant 13 : i32
      %shift_right_arithmetic3A_2026 = arith.shrsi %squeeze3A_2024, %shift_right_arithmetic3A_2025 : i32
      %and3A_2027 = arith.constant 1 : i32
      %and3A_2028 = arith.andi %shift_right_arithmetic3A_2026, %and3A_2027 : i32
      %mul3A_2029 = arith.constant 64 : i32
      %mul3A_2030 = arith.muli %and3A_2028, %mul3A_2029 : i32
      %slice3A_2031 = vector.extract_strided_slice %get3A_456 {offsets = [5], sizes = [1], strides = [1]} : vector<16xi32> to vector<1xi32>
      %squeeze3A_2032 = vector.extract %slice3A_2031[0] : i32 from vector<1xi32>
      %shift_right_arithmetic3A_2033 = arith.constant 1 : i32
      %shift_right_arithmetic3A_2034 = arith.shrsi %squeeze3A_2032, %shift_right_arithmetic3A_2033 : i32
      %slice3A_2035 = vector.extract_strided_slice %get3A_456 {offsets = [5], sizes = [1], strides = [1]} : vector<16xi32> to vector<1xi32>
      %squeeze3A_2036 = vector.extract %slice3A_2035[0] : i32 from vector<1xi32>
      %and3A_2037 = arith.constant 1 : i32
      %and3A_2038 = arith.andi %squeeze3A_2036, %and3A_2037 : i32
      %mul3A_2039 = arith.constant 64 : i32
      %mul3A_2040 = arith.muli %and3A_2038, %mul3A_2039 : i32
      %broadcast_in_dim3A_2041 = arith.constant 0.000000e+00 : f32
      %broadcast_in_dim3A_2042 = vector.broadcast %broadcast_in_dim3A_2041 : f32 to vector<16xf32>
      %add3A_2043 = arith.constant 0 : i32
      %add3A_2044 = arith.addi %mul3A_2022, %add3A_2043 : i32
      %get3A_2045 = arith.constant 5 : i32
      %get3A_2046 = arith.constant 0 : i32
      %get3A_2047 = arith.index_cast %get3A_2045 : i32 to index
      %get3A_2048 = arith.index_cast %get3A_2046 : i32 to index
      %get3A_2049 = arith.index_cast %add3A_2044 : i32 to index
      %get3A_2050 = tpu.vector_load %arg11[%get3A_2047, %get3A_2048, %get3A_2049] {strides = array<i32>} : memref<8x3x128xi32, #tpu.memory_space<vmem>>, vector<1x1x16xi32>,
      %get3A_2051 = vector.shape_cast %get3A_2050 : vector<1x1x16xi32> to vector<16xi32>
      %shift_left3A_2052 = arith.constant 16 : i32
      %shift_left3A_2053 = vector.broadcast %shift_left3A_2052 : i32 to vector<16xi32>
      %shift_left3A_2054 = arith.shli %get3A_2051, %shift_left3A_2053 : vector<16xi32>
      %bitcast_convert_type3A_2055 = tpu.bitcast %shift_left3A_2054 : vector<16xi32> -> vector<16xf32>
      %and3A_2056 = arith.constant -65536 : i32
      %and3A_2057 = vector.broadcast %and3A_2056 : i32 to vector<16xi32>
      %and3A_2058 = arith.andi %get3A_2051, %and3A_2057 : vector<16xi32>
      %bitcast_convert_type3A_2059 = tpu.bitcast %and3A_2058 : vector<16xi32> -> vector<16xf32>
      %add3A_2060 = arith.constant 0 : i32
      %add3A_2061 = arith.addi %mul3A_2030, %add3A_2060 : i32
      %get3A_2062 = arith.constant 5 : i32
      %get3A_2063 = arith.constant 1 : i32
      %get3A_2064 = arith.index_cast %get3A_2062 : i32 to index
      %get3A_2065 = arith.index_cast %get3A_2063 : i32 to index
      %get3A_2066 = arith.index_cast %add3A_2061 : i32 to index
      %get3A_2067 = tpu.vector_load %arg11[%get3A_2064, %get3A_2065, %get3A_2066] {strides = array<i32>} : memref<8x3x128xi32, #tpu.memory_space<vmem>>, vector<1x1x16xi32>,
      %get3A_2068 = vector.shape_cast %get3A_2067 : vector<1x1x16xi32> to vector<16xi32>
      %shift_left3A_2069 = arith.constant 16 : i32
      %shift_left3A_2070 = vector.broadcast %shift_left3A_2069 : i32 to vector<16xi32>
      %shift_left3A_2071 = arith.shli %get3A_2068, %shift_left3A_2070 : vector<16xi32>
      %bitcast_convert_type3A_2072 = tpu.bitcast %shift_left3A_2071 : vector<16xi32> -> vector<16xf32>
      %and3A_2073 = arith.constant -65536 : i32
      %and3A_2074 = vector.broadcast %and3A_2073 : i32 to vector<16xi32>
      %and3A_2075 = arith.andi %get3A_2068, %and3A_2074 : vector<16xi32>
      %bitcast_convert_type3A_2076 = tpu.bitcast %and3A_2075 : vector<16xi32> -> vector<16xf32>
      %add3A_2077 = arith.constant 0 : i32
      %add3A_2078 = arith.addi %mul3A_2040, %add3A_2077 : i32
      %get3A_2079 = arith.index_cast %shift_right_arithmetic3A_2034 : i32 to index
      %get3A_2080 = arith.index_cast %add3A_2078 : i32 to index
      %get3A_2081 = tpu.vector_load %arg12[%get3A_2079, %get3A_2080] {strides = array<i32>} : memref<500x128xi32, #tpu.memory_space<vmem>>, vector<1x16xi32>,
      %get3A_2082 = vector.shape_cast %get3A_2081 : vector<1x16xi32> to vector<16xi32>
      %shift_left3A_2083 = arith.constant 16 : i32
      %shift_left3A_2084 = vector.broadcast %shift_left3A_2083 : i32 to vector<16xi32>
      %shift_left3A_2085 = arith.shli %get3A_2082, %shift_left3A_2084 : vector<16xi32>
      %bitcast_convert_type3A_2086 = tpu.bitcast %shift_left3A_2085 : vector<16xi32> -> vector<16xf32>
      %and3A_2087 = arith.constant -65536 : i32
      %and3A_2088 = vector.broadcast %and3A_2087 : i32 to vector<16xi32>
      %and3A_2089 = arith.andi %get3A_2082, %and3A_2088 : vector<16xi32>
      %bitcast_convert_type3A_2090 = tpu.bitcast %and3A_2089 : vector<16xi32> -> vector<16xf32>
      %mul3A_2091 = arith.mulf %bitcast_convert_type3A_2055, %bitcast_convert_type3A_2086 : vector<16xf32>
      %mul3A_2092 = arith.mulf %bitcast_convert_type3A_2059, %bitcast_convert_type3A_2090 : vector<16xf32>
      %sub3A_2093 = arith.subf %mul3A_2091, %mul3A_2092 : vector<16xf32>
      %mul3A_2094 = arith.mulf %bitcast_convert_type3A_2072, %sub3A_2093 : vector<16xf32>
      %add3A_2095 = arith.addf %broadcast_in_dim3A_2042, %mul3A_2094 : vector<16xf32>
      %mul3A_2096 = arith.mulf %bitcast_convert_type3A_2059, %bitcast_convert_type3A_2086 : vector<16xf32>
      %mul3A_2097 = arith.mulf %bitcast_convert_type3A_2055, %bitcast_convert_type3A_2090 : vector<16xf32>
      %add3A_2098 = arith.addf %mul3A_2096, %mul3A_2097 : vector<16xf32>
      %mul3A_2099 = arith.mulf %bitcast_convert_type3A_2076, %add3A_2098 : vector<16xf32>
      %add3A_2100 = arith.addf %add3A_2095, %mul3A_2099 : vector<16xf32>
      %add3A_2101 = arith.constant 16 : i32
      %add3A_2102 = arith.addi %mul3A_2022, %add3A_2101 : i32
      %get3A_2103 = arith.constant 5 : i32
      %get3A_2104 = arith.constant 0 : i32
      %get3A_2105 = arith.index_cast %get3A_2103 : i32 to index
      %get3A_2106 = arith.index_cast %get3A_2104 : i32 to index
      %get3A_2107 = arith.index_cast %add3A_2102 : i32 to index
      %get3A_2108 = tpu.vector_load %arg11[%get3A_2105, %get3A_2106, %get3A_2107] {strides = array<i32>} : memref<8x3x128xi32, #tpu.memory_space<vmem>>, vector<1x1x16xi32>,
      %get3A_2109 = vector.shape_cast %get3A_2108 : vector<1x1x16xi32> to vector<16xi32>
      %shift_left3A_2110 = arith.constant 16 : i32
      %shift_left3A_2111 = vector.broadcast %shift_left3A_2110 : i32 to vector<16xi32>
      %shift_left3A_2112 = arith.shli %get3A_2109, %shift_left3A_2111 : vector<16xi32>
      %bitcast_convert_type3A_2113 = tpu.bitcast %shift_left3A_2112 : vector<16xi32> -> vector<16xf32>
      %and3A_2114 = arith.constant -65536 : i32
      %and3A_2115 = vector.broadcast %and3A_2114 : i32 to vector<16xi32>
      %and3A_2116 = arith.andi %get3A_2109, %and3A_2115 : vector<16xi32>
      %bitcast_convert_type3A_2117 = tpu.bitcast %and3A_2116 : vector<16xi32> -> vector<16xf32>
      %add3A_2118 = arith.constant 16 : i32
      %add3A_2119 = arith.addi %mul3A_2030, %add3A_2118 : i32
      %get3A_2120 = arith.constant 5 : i32
      %get3A_2121 = arith.constant 1 : i32
      %get3A_2122 = arith.index_cast %get3A_2120 : i32 to index
      %get3A_2123 = arith.index_cast %get3A_2121 : i32 to index
      %get3A_2124 = arith.index_cast %add3A_2119 : i32 to index
      %get3A_2125 = tpu.vector_load %arg11[%get3A_2122, %get3A_2123, %get3A_2124] {strides = array<i32>} : memref<8x3x128xi32, #tpu.memory_space<vmem>>, vector<1x1x16xi32>,
      %get3A_2126 = vector.shape_cast %get3A_2125 : vector<1x1x16xi32> to vector<16xi32>
      %shift_left3A_2127 = arith.constant 16 : i32
      %shift_left3A_2128 = vector.broadcast %shift_left3A_2127 : i32 to vector<16xi32>
      %shift_left3A_2129 = arith.shli %get3A_2126, %shift_left3A_2128 : vector<16xi32>
      %bitcast_convert_type3A_2130 = tpu.bitcast %shift_left3A_2129 : vector<16xi32> -> vector<16xf32>
      %and3A_2131 = arith.constant -65536 : i32
      %and3A_2132 = vector.broadcast %and3A_2131 : i32 to vector<16xi32>
      %and3A_2133 = arith.andi %get3A_2126, %and3A_2132 : vector<16xi32>
      %bitcast_convert_type3A_2134 = tpu.bitcast %and3A_2133 : vector<16xi32> -> vector<16xf32>
      %add3A_2135 = arith.constant 16 : i32
      %add3A_2136 = arith.addi %mul3A_2040, %add3A_2135 : i32
      %get3A_2137 = arith.index_cast %shift_right_arithmetic3A_2034 : i32 to index
      %get3A_2138 = arith.index_cast %add3A_2136 : i32 to index
      %get3A_2139 = tpu.vector_load %arg12[%get3A_2137, %get3A_2138] {strides = array<i32>} : memref<500x128xi32, #tpu.memory_space<vmem>>, vector<1x16xi32>,
      %get3A_2140 = vector.shape_cast %get3A_2139 : vector<1x16xi32> to vector<16xi32>
      %shift_left3A_2141 = arith.constant 16 : i32
      %shift_left3A_2142 = vector.broadcast %shift_left3A_2141 : i32 to vector<16xi32>
      %shift_left3A_2143 = arith.shli %get3A_2140, %shift_left3A_2142 : vector<16xi32>
      %bitcast_convert_type3A_2144 = tpu.bitcast %shift_left3A_2143 : vector<16xi32> -> vector<16xf32>
      %and3A_2145 = arith.constant -65536 : i32
      %and3A_2146 = vector.broadcast %and3A_2145 : i32 to vector<16xi32>
      %and3A_2147 = arith.andi %get3A_2140, %and3A_2146 : vector<16xi32>
      %bitcast_convert_type3A_2148 = tpu.bitcast %and3A_2147 : vector<16xi32> -> vector<16xf32>
      %mul3A_2149 = arith.mulf %bitcast_convert_type3A_2113, %bitcast_convert_type3A_2144 : vector<16xf32>
      %mul3A_2150 = arith.mulf %bitcast_convert_type3A_2117, %bitcast_convert_type3A_2148 : vector<16xf32>
      %sub3A_2151 = arith.subf %mul3A_2149, %mul3A_2150 : vector<16xf32>
      %mul3A_2152 = arith.mulf %bitcast_convert_type3A_2130, %sub3A_2151 : vector<16xf32>
      %add3A_2153 = arith.addf %add3A_2100, %mul3A_2152 : vector<16xf32>
      %mul3A_2154 = arith.mulf %bitcast_convert_type3A_2117, %bitcast_convert_type3A_2144 : vector<16xf32>
      %mul3A_2155 = arith.mulf %bitcast_convert_type3A_2113, %bitcast_convert_type3A_2148 : vector<16xf32>
      %add3A_2156 = arith.addf %mul3A_2154, %mul3A_2155 : vector<16xf32>
      %mul3A_2157 = arith.mulf %bitcast_convert_type3A_2134, %add3A_2156 : vector<16xf32>
      %add3A_2158 = arith.addf %add3A_2153, %mul3A_2157 : vector<16xf32>
      %add3A_2159 = arith.constant 32 : i32
      %add3A_2160 = arith.addi %mul3A_2022, %add3A_2159 : i32
      %get3A_2161 = arith.constant 5 : i32
      %get3A_2162 = arith.constant 0 : i32
      %get3A_2163 = arith.index_cast %get3A_2161 : i32 to index
      %get3A_2164 = arith.index_cast %get3A_2162 : i32 to index
      %get3A_2165 = arith.index_cast %add3A_2160 : i32 to index
      %get3A_2166 = tpu.vector_load %arg11[%get3A_2163, %get3A_2164, %get3A_2165] {strides = array<i32>} : memref<8x3x128xi32, #tpu.memory_space<vmem>>, vector<1x1x16xi32>,
      %get3A_2167 = vector.shape_cast %get3A_2166 : vector<1x1x16xi32> to vector<16xi32>
      %shift_left3A_2168 = arith.constant 16 : i32
      %shift_left3A_2169 = vector.broadcast %shift_left3A_2168 : i32 to vector<16xi32>
      %shift_left3A_2170 = arith.shli %get3A_2167, %shift_left3A_2169 : vector<16xi32>
      %bitcast_convert_type3A_2171 = tpu.bitcast %shift_left3A_2170 : vector<16xi32> -> vector<16xf32>
      %and3A_2172 = arith.constant -65536 : i32
      %and3A_2173 = vector.broadcast %and3A_2172 : i32 to vector<16xi32>
      %and3A_2174 = arith.andi %get3A_2167, %and3A_2173 : vector<16xi32>
      %bitcast_convert_type3A_2175 = tpu.bitcast %and3A_2174 : vector<16xi32> -> vector<16xf32>
      %add3A_2176 = arith.constant 32 : i32
      %add3A_2177 = arith.addi %mul3A_2030, %add3A_2176 : i32
      %get3A_2178 = arith.constant 5 : i32
      %get3A_2179 = arith.constant 1 : i32
      %get3A_2180 = arith.index_cast %get3A_2178 : i32 to index
      %get3A_2181 = arith.index_cast %get3A_2179 : i32 to index
      %get3A_2182 = arith.index_cast %add3A_2177 : i32 to index
      %get3A_2183 = tpu.vector_load %arg11[%get3A_2180, %get3A_2181, %get3A_2182] {strides = array<i32>} : memref<8x3x128xi32, #tpu.memory_space<vmem>>, vector<1x1x16xi32>,
      %get3A_2184 = vector.shape_cast %get3A_2183 : vector<1x1x16xi32> to vector<16xi32>
      %shift_left3A_2185 = arith.constant 16 : i32
      %shift_left3A_2186 = vector.broadcast %shift_left3A_2185 : i32 to vector<16xi32>
      %shift_left3A_2187 = arith.shli %get3A_2184, %shift_left3A_2186 : vector<16xi32>
      %bitcast_convert_type3A_2188 = tpu.bitcast %shift_left3A_2187 : vector<16xi32> -> vector<16xf32>
      %and3A_2189 = arith.constant -65536 : i32
      %and3A_2190 = vector.broadcast %and3A_2189 : i32 to vector<16xi32>
      %and3A_2191 = arith.andi %get3A_2184, %and3A_2190 : vector<16xi32>
      %bitcast_convert_type3A_2192 = tpu.bitcast %and3A_2191 : vector<16xi32> -> vector<16xf32>
      %add3A_2193 = arith.constant 32 : i32
      %add3A_2194 = arith.addi %mul3A_2040, %add3A_2193 : i32
      %get3A_2195 = arith.index_cast %shift_right_arithmetic3A_2034 : i32 to index
      %get3A_2196 = arith.index_cast %add3A_2194 : i32 to index
      %get3A_2197 = tpu.vector_load %arg12[%get3A_2195, %get3A_2196] {strides = array<i32>} : memref<500x128xi32, #tpu.memory_space<vmem>>, vector<1x16xi32>,
      %get3A_2198 = vector.shape_cast %get3A_2197 : vector<1x16xi32> to vector<16xi32>
      %shift_left3A_2199 = arith.constant 16 : i32
      %shift_left3A_2200 = vector.broadcast %shift_left3A_2199 : i32 to vector<16xi32>
      %shift_left3A_2201 = arith.shli %get3A_2198, %shift_left3A_2200 : vector<16xi32>
      %bitcast_convert_type3A_2202 = tpu.bitcast %shift_left3A_2201 : vector<16xi32> -> vector<16xf32>
      %and3A_2203 = arith.constant -65536 : i32
      %and3A_2204 = vector.broadcast %and3A_2203 : i32 to vector<16xi32>
      %and3A_2205 = arith.andi %get3A_2198, %and3A_2204 : vector<16xi32>
      %bitcast_convert_type3A_2206 = tpu.bitcast %and3A_2205 : vector<16xi32> -> vector<16xf32>
      %mul3A_2207 = arith.mulf %bitcast_convert_type3A_2171, %bitcast_convert_type3A_2202 : vector<16xf32>
      %mul3A_2208 = arith.mulf %bitcast_convert_type3A_2175, %bitcast_convert_type3A_2206 : vector<16xf32>
      %sub3A_2209 = arith.subf %mul3A_2207, %mul3A_2208 : vector<16xf32>
      %mul3A_2210 = arith.mulf %bitcast_convert_type3A_2188, %sub3A_2209 : vector<16xf32>
      %add3A_2211 = arith.addf %add3A_2158, %mul3A_2210 : vector<16xf32>
      %mul3A_2212 = arith.mulf %bitcast_convert_type3A_2175, %bitcast_convert_type3A_2202 : vector<16xf32>
      %mul3A_2213 = arith.mulf %bitcast_convert_type3A_2171, %bitcast_convert_type3A_2206 : vector<16xf32>
      %add3A_2214 = arith.addf %mul3A_2212, %mul3A_2213 : vector<16xf32>
      %mul3A_2215 = arith.mulf %bitcast_convert_type3A_2192, %add3A_2214 : vector<16xf32>
      %add3A_2216 = arith.addf %add3A_2211, %mul3A_2215 : vector<16xf32>
      %add3A_2217 = arith.constant 48 : i32
      %add3A_2218 = arith.addi %mul3A_2022, %add3A_2217 : i32
      %get3A_2219 = arith.constant 5 : i32
      %get3A_2220 = arith.constant 0 : i32
      %get3A_2221 = arith.index_cast %get3A_2219 : i32 to index
      %get3A_2222 = arith.index_cast %get3A_2220 : i32 to index
      %get3A_2223 = arith.index_cast %add3A_2218 : i32 to index
      %get3A_2224 = tpu.vector_load %arg11[%get3A_2221, %get3A_2222, %get3A_2223] {strides = array<i32>} : memref<8x3x128xi32, #tpu.memory_space<vmem>>, vector<1x1x16xi32>,
      %get3A_2225 = vector.shape_cast %get3A_2224 : vector<1x1x16xi32> to vector<16xi32>
      %shift_left3A_2226 = arith.constant 16 : i32
      %shift_left3A_2227 = vector.broadcast %shift_left3A_2226 : i32 to vector<16xi32>
      %shift_left3A_2228 = arith.shli %get3A_2225, %shift_left3A_2227 : vector<16xi32>
      %bitcast_convert_type3A_2229 = tpu.bitcast %shift_left3A_2228 : vector<16xi32> -> vector<16xf32>
      %and3A_2230 = arith.constant -65536 : i32
      %and3A_2231 = vector.broadcast %and3A_2230 : i32 to vector<16xi32>
      %and3A_2232 = arith.andi %get3A_2225, %and3A_2231 : vector<16xi32>
      %bitcast_convert_type3A_2233 = tpu.bitcast %and3A_2232 : vector<16xi32> -> vector<16xf32>
      %add3A_2234 = arith.constant 48 : i32
      %add3A_2235 = arith.addi %mul3A_2030, %add3A_2234 : i32
      %get3A_2236 = arith.constant 5 : i32
      %get3A_2237 = arith.constant 1 : i32
      %get3A_2238 = arith.index_cast %get3A_2236 : i32 to index
      %get3A_2239 = arith.index_cast %get3A_2237 : i32 to index
      %get3A_2240 = arith.index_cast %add3A_2235 : i32 to index
      %get3A_2241 = tpu.vector_load %arg11[%get3A_2238, %get3A_2239, %get3A_2240] {strides = array<i32>} : memref<8x3x128xi32, #tpu.memory_space<vmem>>, vector<1x1x16xi32>,
      %get3A_2242 = vector.shape_cast %get3A_2241 : vector<1x1x16xi32> to vector<16xi32>
      %shift_left3A_2243 = arith.constant 16 : i32
      %shift_left3A_2244 = vector.broadcast %shift_left3A_2243 : i32 to vector<16xi32>
      %shift_left3A_2245 = arith.shli %get3A_2242, %shift_left3A_2244 : vector<16xi32>
      %bitcast_convert_type3A_2246 = tpu.bitcast %shift_left3A_2245 : vector<16xi32> -> vector<16xf32>
      %and3A_2247 = arith.constant -65536 : i32
      %and3A_2248 = vector.broadcast %and3A_2247 : i32 to vector<16xi32>
      %and3A_2249 = arith.andi %get3A_2242, %and3A_2248 : vector<16xi32>
      %bitcast_convert_type3A_2250 = tpu.bitcast %and3A_2249 : vector<16xi32> -> vector<16xf32>
      %add3A_2251 = arith.constant 48 : i32
      %add3A_2252 = arith.addi %mul3A_2040, %add3A_2251 : i32
      %get3A_2253 = arith.index_cast %shift_right_arithmetic3A_2034 : i32 to index
      %get3A_2254 = arith.index_cast %add3A_2252 : i32 to index
      %get3A_2255 = tpu.vector_load %arg12[%get3A_2253, %get3A_2254] {strides = array<i32>} : memref<500x128xi32, #tpu.memory_space<vmem>>, vector<1x16xi32>,
      %get3A_2256 = vector.shape_cast %get3A_2255 : vector<1x16xi32> to vector<16xi32>
      %shift_left3A_2257 = arith.constant 16 : i32
      %shift_left3A_2258 = vector.broadcast %shift_left3A_2257 : i32 to vector<16xi32>
      %shift_left3A_2259 = arith.shli %get3A_2256, %shift_left3A_2258 : vector<16xi32>
      %bitcast_convert_type3A_2260 = tpu.bitcast %shift_left3A_2259 : vector<16xi32> -> vector<16xf32>
      %and3A_2261 = arith.constant -65536 : i32
      %and3A_2262 = vector.broadcast %and3A_2261 : i32 to vector<16xi32>
      %and3A_2263 = arith.andi %get3A_2256, %and3A_2262 : vector<16xi32>
      %bitcast_convert_type3A_2264 = tpu.bitcast %and3A_2263 : vector<16xi32> -> vector<16xf32>
      %mul3A_2265 = arith.mulf %bitcast_convert_type3A_2229, %bitcast_convert_type3A_2260 : vector<16xf32>
      %mul3A_2266 = arith.mulf %bitcast_convert_type3A_2233, %bitcast_convert_type3A_2264 : vector<16xf32>
      %sub3A_2267 = arith.subf %mul3A_2265, %mul3A_2266 : vector<16xf32>
      %mul3A_2268 = arith.mulf %bitcast_convert_type3A_2246, %sub3A_2267 : vector<16xf32>
      %add3A_2269 = arith.addf %add3A_2216, %mul3A_2268 : vector<16xf32>
      %mul3A_2270 = arith.mulf %bitcast_convert_type3A_2233, %bitcast_convert_type3A_2260 : vector<16xf32>
      %mul3A_2271 = arith.mulf %bitcast_convert_type3A_2229, %bitcast_convert_type3A_2264 : vector<16xf32>
      %add3A_2272 = arith.addf %mul3A_2270, %mul3A_2271 : vector<16xf32>
      %mul3A_2273 = arith.mulf %bitcast_convert_type3A_2250, %add3A_2272 : vector<16xf32>
      %add3A_2274 = arith.addf %add3A_2269, %mul3A_2273 : vector<16xf32>
      %swap3A_2275 = arith.index_cast %scan3A_427 : i32 to index
      %swap3A_2276 = arith.constant 80 : index
      %swap3A_2277 = tpu.vector_load %arg13[%swap3A_2275, %swap3A_2276] {strides = array<i32>} : memref<64x128xf32, #tpu.memory_space<vmem>>, vector<1x16xf32>,
      %swap3A_2278 = vector.shape_cast %swap3A_2277 : vector<1x16xf32> to vector<16xf32>
      %swap3A_2279 = vector.shape_cast %add3A_2274 : vector<16xf32> to vector<1x16xf32>
      tpu.vector_store %arg13[%swap3A_2275, %swap3A_2276], %swap3A_2279 {strides = array<i32>} : memref<64x128xf32, #tpu.memory_space<vmem>>, vector<1x16xf32>,
      %lt3A_2280 = arith.constant 63 : i32
      %lt3A_2281 = arith.cmpi slt, %scan3A_427, %lt3A_2280 : i32
      %convert_element_type3A_2282 = arith.extui %lt3A_2281 : i1 to i32
      %cond3A_2283 = arith.constant 0 : i32
      %cond3A_2284 = arith.cmpi ne, %convert_element_type3A_2282, %cond3A_2283 : i32
      scf.if %cond3A_2284 {
        %slice3A_2897 = vector.extract_strided_slice %get3A_434 {offsets = [5], sizes = [1], strides = [1]} : vector<16xi32> to vector<1xi32>
        %squeeze3A_2898 = vector.extract %slice3A_2897[0] : i32 from vector<1xi32>
        %slice3A_2899 = vector.extract_strided_slice %get3A_441 {offsets = [5], sizes = [1], strides = [1]} : vector<16xi32> to vector<1xi32>
        %squeeze3A_2900 = vector.extract %slice3A_2899[0] : i32 from vector<1xi32>
        %shift_right_arithmetic3A_2901 = arith.constant 14 : i32
        %shift_right_arithmetic3A_2902 = arith.shrsi %squeeze3A_2898, %shift_right_arithmetic3A_2901 : i32
        %shift_left3A_2903 = arith.constant 13 : i32
        %shift_left3A_2904 = arith.shli %shift_right_arithmetic3A_2902, %shift_left3A_2903 : i32
        %and3A_2905 = arith.constant 8191 : i32
        %and3A_2906 = arith.andi %squeeze3A_2898, %and3A_2905 : i32
        %or3A_2907 = arith.ori %shift_left3A_2904, %and3A_2906 : i32
        %shift_right_arithmetic3A_2908 = arith.constant 14 : i32
        %shift_right_arithmetic3A_2909 = arith.shrsi %squeeze3A_2900, %shift_right_arithmetic3A_2908 : i32
        %shift_left3A_2910 = arith.constant 13 : i32
        %shift_left3A_2911 = arith.shli %shift_right_arithmetic3A_2909, %shift_left3A_2910 : i32
        %and3A_2912 = arith.constant 8191 : i32
        %and3A_2913 = arith.andi %squeeze3A_2900, %and3A_2912 : i32
        %or3A_2914 = arith.ori %shift_left3A_2911, %and3A_2913 : i32
        %dma_start3A_2915 = arith.constant 5 : i32
        %dma_start3A_2916 = arith.constant 0 : i32
        %dma_start3A_2917 = arith.constant 5 : i32
        %dma_start3A_2918 = arith.constant 0 : i32
        %dma_start3A_2919 = tpu.memref_slice %arg11[%dma_start3A_2915, %dma_start3A_2916, %dma_start3A_2918] : memref<8x3x128xi32, #tpu.memory_space<vmem>> -> memref<1x1x128xi32, #tpu.memory_space<vmem>>
        %dma_start3A_2920 = tpu.memref_squeeze %dma_start3A_2919 : memref<1x1x128xi32, #tpu.memory_space<vmem>> -> memref<128xi32, #tpu.memory_space<vmem>>
        %dma_start3A_2921 = arith.constant 0 : i32
        %dma_start3A_2922 = tpu.memref_slice %arg2[%or3A_2907, %dma_start3A_2921] : memref<507904x128xi32, #tpu.memory_space<hbm>> -> memref<1x128xi32, #tpu.memory_space<hbm>>
        %dma_start3A_2923 = tpu.memref_squeeze %dma_start3A_2922 : memref<1x128xi32, #tpu.memory_space<hbm>> -> memref<128xi32, #tpu.memory_space<hbm>>
        %dma_start3A_2924 = tpu.memref_slice %arg14[%dma_start3A_2917] : memref<8x!tpu.dma_semaphore, #tpu.memory_space<semaphore_mem>> -> memref<1x!tpu.dma_semaphore, #tpu.memory_space<semaphore_mem>>
        %dma_start3A_2925 = tpu.memref_squeeze %dma_start3A_2924 : memref<1x!tpu.dma_semaphore, #tpu.memory_space<semaphore_mem>> -> memref<!tpu.dma_semaphore, #tpu.memory_space<semaphore_mem>>
        %dma_start3A_2926 = arith.constant 0 : i32
        %dma_start3A_2927 = tpu.memref_slice %arg11[%dma_start3A_2915, %dma_start3A_2916, %dma_start3A_2926] : memref<8x3x128xi32, #tpu.memory_space<vmem>> -> memref<1x1x128xi32, #tpu.memory_space<vmem>>
        %dma_start3A_2928 = tpu.memref_squeeze %dma_start3A_2927 : memref<1x1x128xi32, #tpu.memory_space<vmem>> -> memref<128xi32, #tpu.memory_space<vmem>>
        %dma_start3A_2929 = arith.constant 0 : i32
        %dma_start3A_2930 = tpu.memref_slice %arg2[%or3A_2907, %dma_start3A_2929] : memref<507904x128xi32, #tpu.memory_space<hbm>> -> memref<1x128xi32, #tpu.memory_space<hbm>>
        %dma_start3A_2931 = tpu.memref_squeeze %dma_start3A_2930 : memref<1x128xi32, #tpu.memory_space<hbm>> -> memref<128xi32, #tpu.memory_space<hbm>>
        tpu.enqueue_dma source(%dma_start3A_2931 : memref<128xi32, #tpu.memory_space<hbm>>) target(%dma_start3A_2928 : memref<128xi32, #tpu.memory_space<vmem>>) target_semaphore(%dma_start3A_2925 : memref<!tpu.dma_semaphore, #tpu.memory_space<semaphore_mem>>)
        %dma_start3A_2932 = arith.constant 5 : i32
        %dma_start3A_2933 = arith.constant 1 : i32
        %dma_start3A_2934 = arith.constant 5 : i32
        %dma_start3A_2935 = arith.constant 0 : i32
        %dma_start3A_2936 = tpu.memref_slice %arg11[%dma_start3A_2932, %dma_start3A_2933, %dma_start3A_2935] : memref<8x3x128xi32, #tpu.memory_space<vmem>> -> memref<1x1x128xi32, #tpu.memory_space<vmem>>
        %dma_start3A_2937 = tpu.memref_squeeze %dma_start3A_2936 : memref<1x1x128xi32, #tpu.memory_space<vmem>> -> memref<128xi32, #tpu.memory_space<vmem>>
        %dma_start3A_2938 = arith.constant 0 : i32
        %dma_start3A_2939 = tpu.memref_slice %arg2[%or3A_2914, %dma_start3A_2938] : memref<507904x128xi32, #tpu.memory_space<hbm>> -> memref<1x128xi32, #tpu.memory_space<hbm>>
        %dma_start3A_2940 = tpu.memref_squeeze %dma_start3A_2939 : memref<1x128xi32, #tpu.memory_space<hbm>> -> memref<128xi32, #tpu.memory_space<hbm>>
        %dma_start3A_2941 = tpu.memref_slice %arg14[%dma_start3A_2934] : memref<8x!tpu.dma_semaphore, #tpu.memory_space<semaphore_mem>> -> memref<1x!tpu.dma_semaphore, #tpu.memory_space<semaphore_mem>>
        %dma_start3A_2942 = tpu.memref_squeeze %dma_start3A_2941 : memref<1x!tpu.dma_semaphore, #tpu.memory_space<semaphore_mem>> -> memref<!tpu.dma_semaphore, #tpu.memory_space<semaphore_mem>>
        %dma_start3A_2943 = arith.constant 0 : i32
        %dma_start3A_2944 = tpu.memref_slice %arg11[%dma_start3A_2932, %dma_start3A_2933, %dma_start3A_2943] : memref<8x3x128xi32, #tpu.memory_space<vmem>> -> memref<1x1x128xi32, #tpu.memory_space<vmem>>
        %dma_start3A_2945 = tpu.memref_squeeze %dma_start3A_2944 : memref<1x1x128xi32, #tpu.memory_space<vmem>> -> memref<128xi32, #tpu.memory_space<vmem>>
        %dma_start3A_2946 = arith.constant 0 : i32
        %dma_start3A_2947 = tpu.memref_slice %arg2[%or3A_2914, %dma_start3A_2946] : memref<507904x128xi32, #tpu.memory_space<hbm>> -> memref<1x128xi32, #tpu.memory_space<hbm>>
        %dma_start3A_2948 = tpu.memref_squeeze %dma_start3A_2947 : memref<1x128xi32, #tpu.memory_space<hbm>> -> memref<128xi32, #tpu.memory_space<hbm>>
        tpu.enqueue_dma source(%dma_start3A_2948 : memref<128xi32, #tpu.memory_space<hbm>>) target(%dma_start3A_2945 : memref<128xi32, #tpu.memory_space<vmem>>) target_semaphore(%dma_start3A_2942 : memref<!tpu.dma_semaphore, #tpu.memory_space<semaphore_mem>>)
      } else {
      }
      %dma_wait3A_2285 = arith.constant 0 : i32
      %dma_wait3A_2286 = arith.constant 6 : i32
      %dma_wait3A_2287 = arith.constant 0 : i32
      %dma_wait3A_2288 = arith.constant 6 : i32
      %dma_wait3A_2289 = arith.constant 0 : i32
      %dma_wait3A_2290 = tpu.memref_slice %arg11[%dma_wait3A_2286, %dma_wait3A_2287, %dma_wait3A_2289] : memref<8x3x128xi32, #tpu.memory_space<vmem>> -> memref<1x1x128xi32, #tpu.memory_space<vmem>>
      %dma_wait3A_2291 = tpu.memref_squeeze %dma_wait3A_2290 : memref<1x1x128xi32, #tpu.memory_space<vmem>> -> memref<128xi32, #tpu.memory_space<vmem>>
      %dma_wait3A_2292 = arith.constant 0 : i32
      %dma_wait3A_2293 = tpu.memref_slice %arg2[%dma_wait3A_2285, %dma_wait3A_2292] : memref<507904x128xi32, #tpu.memory_space<hbm>> -> memref<1x128xi32, #tpu.memory_space<hbm>>
      %dma_wait3A_2294 = tpu.memref_squeeze %dma_wait3A_2293 : memref<1x128xi32, #tpu.memory_space<hbm>> -> memref<128xi32, #tpu.memory_space<hbm>>
      %dma_wait3A_2295 = tpu.memref_slice %arg14[%dma_wait3A_2288] : memref<8x!tpu.dma_semaphore, #tpu.memory_space<semaphore_mem>> -> memref<1x!tpu.dma_semaphore, #tpu.memory_space<semaphore_mem>>
      %dma_wait3A_2296 = tpu.memref_squeeze %dma_wait3A_2295 : memref<1x!tpu.dma_semaphore, #tpu.memory_space<semaphore_mem>> -> memref<!tpu.dma_semaphore, #tpu.memory_space<semaphore_mem>>
      %dma_wait3A_2297 = arith.constant 0 : i32
      %dma_wait3A_2298 = tpu.memref_slice %arg11[%dma_wait3A_2286, %dma_wait3A_2287, %dma_wait3A_2297] : memref<8x3x128xi32, #tpu.memory_space<vmem>> -> memref<1x1x128xi32, #tpu.memory_space<vmem>>
      %dma_wait3A_2299 = tpu.memref_squeeze %dma_wait3A_2298 : memref<1x1x128xi32, #tpu.memory_space<vmem>> -> memref<128xi32, #tpu.memory_space<vmem>>
      %dma_wait3A_2300 = arith.constant 0 : i32
      %dma_wait3A_2301 = tpu.memref_slice %arg2[%dma_wait3A_2285, %dma_wait3A_2300] : memref<507904x128xi32, #tpu.memory_space<hbm>> -> memref<1x128xi32, #tpu.memory_space<hbm>>
      %dma_wait3A_2302 = tpu.memref_squeeze %dma_wait3A_2301 : memref<1x128xi32, #tpu.memory_space<hbm>> -> memref<128xi32, #tpu.memory_space<hbm>>
      tpu.wait_dma2 semaphore(%dma_wait3A_2296 : memref<!tpu.dma_semaphore, #tpu.memory_space<semaphore_mem>>) src(%dma_wait3A_2302 : memref<128xi32, #tpu.memory_space<hbm>>) dst(%dma_wait3A_2299 : memref<128xi32, #tpu.memory_space<vmem>>)
      %dma_wait3A_2303 = arith.constant 0 : i32
      %dma_wait3A_2304 = arith.constant 6 : i32
      %dma_wait3A_2305 = arith.constant 1 : i32
      %dma_wait3A_2306 = arith.constant 6 : i32
      %dma_wait3A_2307 = arith.constant 0 : i32
      %dma_wait3A_2308 = tpu.memref_slice %arg11[%dma_wait3A_2304, %dma_wait3A_2305, %dma_wait3A_2307] : memref<8x3x128xi32, #tpu.memory_space<vmem>> -> memref<1x1x128xi32, #tpu.memory_space<vmem>>
      %dma_wait3A_2309 = tpu.memref_squeeze %dma_wait3A_2308 : memref<1x1x128xi32, #tpu.memory_space<vmem>> -> memref<128xi32, #tpu.memory_space<vmem>>
      %dma_wait3A_2310 = arith.constant 0 : i32
      %dma_wait3A_2311 = tpu.memref_slice %arg2[%dma_wait3A_2303, %dma_wait3A_2310] : memref<507904x128xi32, #tpu.memory_space<hbm>> -> memref<1x128xi32, #tpu.memory_space<hbm>>
      %dma_wait3A_2312 = tpu.memref_squeeze %dma_wait3A_2311 : memref<1x128xi32, #tpu.memory_space<hbm>> -> memref<128xi32, #tpu.memory_space<hbm>>
      %dma_wait3A_2313 = tpu.memref_slice %arg14[%dma_wait3A_2306] : memref<8x!tpu.dma_semaphore, #tpu.memory_space<semaphore_mem>> -> memref<1x!tpu.dma_semaphore, #tpu.memory_space<semaphore_mem>>
      %dma_wait3A_2314 = tpu.memref_squeeze %dma_wait3A_2313 : memref<1x!tpu.dma_semaphore, #tpu.memory_space<semaphore_mem>> -> memref<!tpu.dma_semaphore, #tpu.memory_space<semaphore_mem>>
      %dma_wait3A_2315 = arith.constant 0 : i32
      %dma_wait3A_2316 = tpu.memref_slice %arg11[%dma_wait3A_2304, %dma_wait3A_2305, %dma_wait3A_2315] : memref<8x3x128xi32, #tpu.memory_space<vmem>> -> memref<1x1x128xi32, #tpu.memory_space<vmem>>
      %dma_wait3A_2317 = tpu.memref_squeeze %dma_wait3A_2316 : memref<1x1x128xi32, #tpu.memory_space<vmem>> -> memref<128xi32, #tpu.memory_space<vmem>>
      %dma_wait3A_2318 = arith.constant 0 : i32
      %dma_wait3A_2319 = tpu.memref_slice %arg2[%dma_wait3A_2303, %dma_wait3A_2318] : memref<507904x128xi32, #tpu.memory_space<hbm>> -> memref<1x128xi32, #tpu.memory_space<hbm>>
      %dma_wait3A_2320 = tpu.memref_squeeze %dma_wait3A_2319 : memref<1x128xi32, #tpu.memory_space<hbm>> -> memref<128xi32, #tpu.memory_space<hbm>>
      tpu.wait_dma2 semaphore(%dma_wait3A_2314 : memref<!tpu.dma_semaphore, #tpu.memory_space<semaphore_mem>>) src(%dma_wait3A_2320 : memref<128xi32, #tpu.memory_space<hbm>>) dst(%dma_wait3A_2317 : memref<128xi32, #tpu.memory_space<vmem>>)
      %slice3A_2321 = vector.extract_strided_slice %get3A_446 {offsets = [6], sizes = [1], strides = [1]} : vector<16xi32> to vector<1xi32>
      %squeeze3A_2322 = vector.extract %slice3A_2321[0] : i32 from vector<1xi32>
      %shift_right_arithmetic3A_2323 = arith.constant 13 : i32
      %shift_right_arithmetic3A_2324 = arith.shrsi %squeeze3A_2322, %shift_right_arithmetic3A_2323 : i32
      %and3A_2325 = arith.constant 1 : i32
      %and3A_2326 = arith.andi %shift_right_arithmetic3A_2324, %and3A_2325 : i32
      %mul3A_2327 = arith.constant 64 : i32
      %mul3A_2328 = arith.muli %and3A_2326, %mul3A_2327 : i32
      %slice3A_2329 = vector.extract_strided_slice %get3A_451 {offsets = [6], sizes = [1], strides = [1]} : vector<16xi32> to vector<1xi32>
      %squeeze3A_2330 = vector.extract %slice3A_2329[0] : i32 from vector<1xi32>
      %shift_right_arithmetic3A_2331 = arith.constant 13 : i32
      %shift_right_arithmetic3A_2332 = arith.shrsi %squeeze3A_2330, %shift_right_arithmetic3A_2331 : i32
      %and3A_2333 = arith.constant 1 : i32
      %and3A_2334 = arith.andi %shift_right_arithmetic3A_2332, %and3A_2333 : i32
      %mul3A_2335 = arith.constant 64 : i32
      %mul3A_2336 = arith.muli %and3A_2334, %mul3A_2335 : i32
      %slice3A_2337 = vector.extract_strided_slice %get3A_456 {offsets = [6], sizes = [1], strides = [1]} : vector<16xi32> to vector<1xi32>
      %squeeze3A_2338 = vector.extract %slice3A_2337[0] : i32 from vector<1xi32>
      %shift_right_arithmetic3A_2339 = arith.constant 1 : i32
      %shift_right_arithmetic3A_2340 = arith.shrsi %squeeze3A_2338, %shift_right_arithmetic3A_2339 : i32
      %slice3A_2341 = vector.extract_strided_slice %get3A_456 {offsets = [6], sizes = [1], strides = [1]} : vector<16xi32> to vector<1xi32>
      %squeeze3A_2342 = vector.extract %slice3A_2341[0] : i32 from vector<1xi32>
      %and3A_2343 = arith.constant 1 : i32
      %and3A_2344 = arith.andi %squeeze3A_2342, %and3A_2343 : i32
      %mul3A_2345 = arith.constant 64 : i32
      %mul3A_2346 = arith.muli %and3A_2344, %mul3A_2345 : i32
      %broadcast_in_dim3A_2347 = arith.constant 0.000000e+00 : f32
      %broadcast_in_dim3A_2348 = vector.broadcast %broadcast_in_dim3A_2347 : f32 to vector<16xf32>
      %add3A_2349 = arith.constant 0 : i32
      %add3A_2350 = arith.addi %mul3A_2328, %add3A_2349 : i32
      %get3A_2351 = arith.constant 6 : i32
      %get3A_2352 = arith.constant 0 : i32
      %get3A_2353 = arith.index_cast %get3A_2351 : i32 to index
      %get3A_2354 = arith.index_cast %get3A_2352 : i32 to index
      %get3A_2355 = arith.index_cast %add3A_2350 : i32 to index
      %get3A_2356 = tpu.vector_load %arg11[%get3A_2353, %get3A_2354, %get3A_2355] {strides = array<i32>} : memref<8x3x128xi32, #tpu.memory_space<vmem>>, vector<1x1x16xi32>,
      %get3A_2357 = vector.shape_cast %get3A_2356 : vector<1x1x16xi32> to vector<16xi32>
      %shift_left3A_2358 = arith.constant 16 : i32
      %shift_left3A_2359 = vector.broadcast %shift_left3A_2358 : i32 to vector<16xi32>
      %shift_left3A_2360 = arith.shli %get3A_2357, %shift_left3A_2359 : vector<16xi32>
      %bitcast_convert_type3A_2361 = tpu.bitcast %shift_left3A_2360 : vector<16xi32> -> vector<16xf32>
      %and3A_2362 = arith.constant -65536 : i32
      %and3A_2363 = vector.broadcast %and3A_2362 : i32 to vector<16xi32>
      %and3A_2364 = arith.andi %get3A_2357, %and3A_2363 : vector<16xi32>
      %bitcast_convert_type3A_2365 = tpu.bitcast %and3A_2364 : vector<16xi32> -> vector<16xf32>
      %add3A_2366 = arith.constant 0 : i32
      %add3A_2367 = arith.addi %mul3A_2336, %add3A_2366 : i32
      %get3A_2368 = arith.constant 6 : i32
      %get3A_2369 = arith.constant 1 : i32
      %get3A_2370 = arith.index_cast %get3A_2368 : i32 to index
      %get3A_2371 = arith.index_cast %get3A_2369 : i32 to index
      %get3A_2372 = arith.index_cast %add3A_2367 : i32 to index
      %get3A_2373 = tpu.vector_load %arg11[%get3A_2370, %get3A_2371, %get3A_2372] {strides = array<i32>} : memref<8x3x128xi32, #tpu.memory_space<vmem>>, vector<1x1x16xi32>,
      %get3A_2374 = vector.shape_cast %get3A_2373 : vector<1x1x16xi32> to vector<16xi32>
      %shift_left3A_2375 = arith.constant 16 : i32
      %shift_left3A_2376 = vector.broadcast %shift_left3A_2375 : i32 to vector<16xi32>
      %shift_left3A_2377 = arith.shli %get3A_2374, %shift_left3A_2376 : vector<16xi32>
      %bitcast_convert_type3A_2378 = tpu.bitcast %shift_left3A_2377 : vector<16xi32> -> vector<16xf32>
      %and3A_2379 = arith.constant -65536 : i32
      %and3A_2380 = vector.broadcast %and3A_2379 : i32 to vector<16xi32>
      %and3A_2381 = arith.andi %get3A_2374, %and3A_2380 : vector<16xi32>
      %bitcast_convert_type3A_2382 = tpu.bitcast %and3A_2381 : vector<16xi32> -> vector<16xf32>
      %add3A_2383 = arith.constant 0 : i32
      %add3A_2384 = arith.addi %mul3A_2346, %add3A_2383 : i32
      %get3A_2385 = arith.index_cast %shift_right_arithmetic3A_2340 : i32 to index
      %get3A_2386 = arith.index_cast %add3A_2384 : i32 to index
      %get3A_2387 = tpu.vector_load %arg12[%get3A_2385, %get3A_2386] {strides = array<i32>} : memref<500x128xi32, #tpu.memory_space<vmem>>, vector<1x16xi32>,
      %get3A_2388 = vector.shape_cast %get3A_2387 : vector<1x16xi32> to vector<16xi32>
      %shift_left3A_2389 = arith.constant 16 : i32
      %shift_left3A_2390 = vector.broadcast %shift_left3A_2389 : i32 to vector<16xi32>
      %shift_left3A_2391 = arith.shli %get3A_2388, %shift_left3A_2390 : vector<16xi32>
      %bitcast_convert_type3A_2392 = tpu.bitcast %shift_left3A_2391 : vector<16xi32> -> vector<16xf32>
      %and3A_2393 = arith.constant -65536 : i32
      %and3A_2394 = vector.broadcast %and3A_2393 : i32 to vector<16xi32>
      %and3A_2395 = arith.andi %get3A_2388, %and3A_2394 : vector<16xi32>
      %bitcast_convert_type3A_2396 = tpu.bitcast %and3A_2395 : vector<16xi32> -> vector<16xf32>
      %mul3A_2397 = arith.mulf %bitcast_convert_type3A_2361, %bitcast_convert_type3A_2392 : vector<16xf32>
      %mul3A_2398 = arith.mulf %bitcast_convert_type3A_2365, %bitcast_convert_type3A_2396 : vector<16xf32>
      %sub3A_2399 = arith.subf %mul3A_2397, %mul3A_2398 : vector<16xf32>
      %mul3A_2400 = arith.mulf %bitcast_convert_type3A_2378, %sub3A_2399 : vector<16xf32>
      %add3A_2401 = arith.addf %broadcast_in_dim3A_2348, %mul3A_2400 : vector<16xf32>
      %mul3A_2402 = arith.mulf %bitcast_convert_type3A_2365, %bitcast_convert_type3A_2392 : vector<16xf32>
      %mul3A_2403 = arith.mulf %bitcast_convert_type3A_2361, %bitcast_convert_type3A_2396 : vector<16xf32>
      %add3A_2404 = arith.addf %mul3A_2402, %mul3A_2403 : vector<16xf32>
      %mul3A_2405 = arith.mulf %bitcast_convert_type3A_2382, %add3A_2404 : vector<16xf32>
      %add3A_2406 = arith.addf %add3A_2401, %mul3A_2405 : vector<16xf32>
      %add3A_2407 = arith.constant 16 : i32
      %add3A_2408 = arith.addi %mul3A_2328, %add3A_2407 : i32
      %get3A_2409 = arith.constant 6 : i32
      %get3A_2410 = arith.constant 0 : i32
      %get3A_2411 = arith.index_cast %get3A_2409 : i32 to index
      %get3A_2412 = arith.index_cast %get3A_2410 : i32 to index
      %get3A_2413 = arith.index_cast %add3A_2408 : i32 to index
      %get3A_2414 = tpu.vector_load %arg11[%get3A_2411, %get3A_2412, %get3A_2413] {strides = array<i32>} : memref<8x3x128xi32, #tpu.memory_space<vmem>>, vector<1x1x16xi32>,
      %get3A_2415 = vector.shape_cast %get3A_2414 : vector<1x1x16xi32> to vector<16xi32>
      %shift_left3A_2416 = arith.constant 16 : i32
      %shift_left3A_2417 = vector.broadcast %shift_left3A_2416 : i32 to vector<16xi32>
      %shift_left3A_2418 = arith.shli %get3A_2415, %shift_left3A_2417 : vector<16xi32>
      %bitcast_convert_type3A_2419 = tpu.bitcast %shift_left3A_2418 : vector<16xi32> -> vector<16xf32>
      %and3A_2420 = arith.constant -65536 : i32
      %and3A_2421 = vector.broadcast %and3A_2420 : i32 to vector<16xi32>
      %and3A_2422 = arith.andi %get3A_2415, %and3A_2421 : vector<16xi32>
      %bitcast_convert_type3A_2423 = tpu.bitcast %and3A_2422 : vector<16xi32> -> vector<16xf32>
      %add3A_2424 = arith.constant 16 : i32
      %add3A_2425 = arith.addi %mul3A_2336, %add3A_2424 : i32
      %get3A_2426 = arith.constant 6 : i32
      %get3A_2427 = arith.constant 1 : i32
      %get3A_2428 = arith.index_cast %get3A_2426 : i32 to index
      %get3A_2429 = arith.index_cast %get3A_2427 : i32 to index
      %get3A_2430 = arith.index_cast %add3A_2425 : i32 to index
      %get3A_2431 = tpu.vector_load %arg11[%get3A_2428, %get3A_2429, %get3A_2430] {strides = array<i32>} : memref<8x3x128xi32, #tpu.memory_space<vmem>>, vector<1x1x16xi32>,
      %get3A_2432 = vector.shape_cast %get3A_2431 : vector<1x1x16xi32> to vector<16xi32>
      %shift_left3A_2433 = arith.constant 16 : i32
      %shift_left3A_2434 = vector.broadcast %shift_left3A_2433 : i32 to vector<16xi32>
      %shift_left3A_2435 = arith.shli %get3A_2432, %shift_left3A_2434 : vector<16xi32>
      %bitcast_convert_type3A_2436 = tpu.bitcast %shift_left3A_2435 : vector<16xi32> -> vector<16xf32>
      %and3A_2437 = arith.constant -65536 : i32
      %and3A_2438 = vector.broadcast %and3A_2437 : i32 to vector<16xi32>
      %and3A_2439 = arith.andi %get3A_2432, %and3A_2438 : vector<16xi32>
      %bitcast_convert_type3A_2440 = tpu.bitcast %and3A_2439 : vector<16xi32> -> vector<16xf32>
      %add3A_2441 = arith.constant 16 : i32
      %add3A_2442 = arith.addi %mul3A_2346, %add3A_2441 : i32
      %get3A_2443 = arith.index_cast %shift_right_arithmetic3A_2340 : i32 to index
      %get3A_2444 = arith.index_cast %add3A_2442 : i32 to index
      %get3A_2445 = tpu.vector_load %arg12[%get3A_2443, %get3A_2444] {strides = array<i32>} : memref<500x128xi32, #tpu.memory_space<vmem>>, vector<1x16xi32>,
      %get3A_2446 = vector.shape_cast %get3A_2445 : vector<1x16xi32> to vector<16xi32>
      %shift_left3A_2447 = arith.constant 16 : i32
      %shift_left3A_2448 = vector.broadcast %shift_left3A_2447 : i32 to vector<16xi32>
      %shift_left3A_2449 = arith.shli %get3A_2446, %shift_left3A_2448 : vector<16xi32>
      %bitcast_convert_type3A_2450 = tpu.bitcast %shift_left3A_2449 : vector<16xi32> -> vector<16xf32>
      %and3A_2451 = arith.constant -65536 : i32
      %and3A_2452 = vector.broadcast %and3A_2451 : i32 to vector<16xi32>
      %and3A_2453 = arith.andi %get3A_2446, %and3A_2452 : vector<16xi32>
      %bitcast_convert_type3A_2454 = tpu.bitcast %and3A_2453 : vector<16xi32> -> vector<16xf32>
      %mul3A_2455 = arith.mulf %bitcast_convert_type3A_2419, %bitcast_convert_type3A_2450 : vector<16xf32>
      %mul3A_2456 = arith.mulf %bitcast_convert_type3A_2423, %bitcast_convert_type3A_2454 : vector<16xf32>
      %sub3A_2457 = arith.subf %mul3A_2455, %mul3A_2456 : vector<16xf32>
      %mul3A_2458 = arith.mulf %bitcast_convert_type3A_2436, %sub3A_2457 : vector<16xf32>
      %add3A_2459 = arith.addf %add3A_2406, %mul3A_2458 : vector<16xf32>
      %mul3A_2460 = arith.mulf %bitcast_convert_type3A_2423, %bitcast_convert_type3A_2450 : vector<16xf32>
      %mul3A_2461 = arith.mulf %bitcast_convert_type3A_2419, %bitcast_convert_type3A_2454 : vector<16xf32>
      %add3A_2462 = arith.addf %mul3A_2460, %mul3A_2461 : vector<16xf32>
      %mul3A_2463 = arith.mulf %bitcast_convert_type3A_2440, %add3A_2462 : vector<16xf32>
      %add3A_2464 = arith.addf %add3A_2459, %mul3A_2463 : vector<16xf32>
      %add3A_2465 = arith.constant 32 : i32
      %add3A_2466 = arith.addi %mul3A_2328, %add3A_2465 : i32
      %get3A_2467 = arith.constant 6 : i32
      %get3A_2468 = arith.constant 0 : i32
      %get3A_2469 = arith.index_cast %get3A_2467 : i32 to index
      %get3A_2470 = arith.index_cast %get3A_2468 : i32 to index
      %get3A_2471 = arith.index_cast %add3A_2466 : i32 to index
      %get3A_2472 = tpu.vector_load %arg11[%get3A_2469, %get3A_2470, %get3A_2471] {strides = array<i32>} : memref<8x3x128xi32, #tpu.memory_space<vmem>>, vector<1x1x16xi32>,
      %get3A_2473 = vector.shape_cast %get3A_2472 : vector<1x1x16xi32> to vector<16xi32>
      %shift_left3A_2474 = arith.constant 16 : i32
      %shift_left3A_2475 = vector.broadcast %shift_left3A_2474 : i32 to vector<16xi32>
      %shift_left3A_2476 = arith.shli %get3A_2473, %shift_left3A_2475 : vector<16xi32>
      %bitcast_convert_type3A_2477 = tpu.bitcast %shift_left3A_2476 : vector<16xi32> -> vector<16xf32>
      %and3A_2478 = arith.constant -65536 : i32
      %and3A_2479 = vector.broadcast %and3A_2478 : i32 to vector<16xi32>
      %and3A_2480 = arith.andi %get3A_2473, %and3A_2479 : vector<16xi32>
      %bitcast_convert_type3A_2481 = tpu.bitcast %and3A_2480 : vector<16xi32> -> vector<16xf32>
      %add3A_2482 = arith.constant 32 : i32
      %add3A_2483 = arith.addi %mul3A_2336, %add3A_2482 : i32
      %get3A_2484 = arith.constant 6 : i32
      %get3A_2485 = arith.constant 1 : i32
      %get3A_2486 = arith.index_cast %get3A_2484 : i32 to index
      %get3A_2487 = arith.index_cast %get3A_2485 : i32 to index
      %get3A_2488 = arith.index_cast %add3A_2483 : i32 to index
      %get3A_2489 = tpu.vector_load %arg11[%get3A_2486, %get3A_2487, %get3A_2488] {strides = array<i32>} : memref<8x3x128xi32, #tpu.memory_space<vmem>>, vector<1x1x16xi32>,
      %get3A_2490 = vector.shape_cast %get3A_2489 : vector<1x1x16xi32> to vector<16xi32>
      %shift_left3A_2491 = arith.constant 16 : i32
      %shift_left3A_2492 = vector.broadcast %shift_left3A_2491 : i32 to vector<16xi32>
      %shift_left3A_2493 = arith.shli %get3A_2490, %shift_left3A_2492 : vector<16xi32>
      %bitcast_convert_type3A_2494 = tpu.bitcast %shift_left3A_2493 : vector<16xi32> -> vector<16xf32>
      %and3A_2495 = arith.constant -65536 : i32
      %and3A_2496 = vector.broadcast %and3A_2495 : i32 to vector<16xi32>
      %and3A_2497 = arith.andi %get3A_2490, %and3A_2496 : vector<16xi32>
      %bitcast_convert_type3A_2498 = tpu.bitcast %and3A_2497 : vector<16xi32> -> vector<16xf32>
      %add3A_2499 = arith.constant 32 : i32
      %add3A_2500 = arith.addi %mul3A_2346, %add3A_2499 : i32
      %get3A_2501 = arith.index_cast %shift_right_arithmetic3A_2340 : i32 to index
      %get3A_2502 = arith.index_cast %add3A_2500 : i32 to index
      %get3A_2503 = tpu.vector_load %arg12[%get3A_2501, %get3A_2502] {strides = array<i32>} : memref<500x128xi32, #tpu.memory_space<vmem>>, vector<1x16xi32>,
      %get3A_2504 = vector.shape_cast %get3A_2503 : vector<1x16xi32> to vector<16xi32>
      %shift_left3A_2505 = arith.constant 16 : i32
      %shift_left3A_2506 = vector.broadcast %shift_left3A_2505 : i32 to vector<16xi32>
      %shift_left3A_2507 = arith.shli %get3A_2504, %shift_left3A_2506 : vector<16xi32>
      %bitcast_convert_type3A_2508 = tpu.bitcast %shift_left3A_2507 : vector<16xi32> -> vector<16xf32>
      %and3A_2509 = arith.constant -65536 : i32
      %and3A_2510 = vector.broadcast %and3A_2509 : i32 to vector<16xi32>
      %and3A_2511 = arith.andi %get3A_2504, %and3A_2510 : vector<16xi32>
      %bitcast_convert_type3A_2512 = tpu.bitcast %and3A_2511 : vector<16xi32> -> vector<16xf32>
      %mul3A_2513 = arith.mulf %bitcast_convert_type3A_2477, %bitcast_convert_type3A_2508 : vector<16xf32>
      %mul3A_2514 = arith.mulf %bitcast_convert_type3A_2481, %bitcast_convert_type3A_2512 : vector<16xf32>
      %sub3A_2515 = arith.subf %mul3A_2513, %mul3A_2514 : vector<16xf32>
      %mul3A_2516 = arith.mulf %bitcast_convert_type3A_2494, %sub3A_2515 : vector<16xf32>
      %add3A_2517 = arith.addf %add3A_2464, %mul3A_2516 : vector<16xf32>
      %mul3A_2518 = arith.mulf %bitcast_convert_type3A_2481, %bitcast_convert_type3A_2508 : vector<16xf32>
      %mul3A_2519 = arith.mulf %bitcast_convert_type3A_2477, %bitcast_convert_type3A_2512 : vector<16xf32>
      %add3A_2520 = arith.addf %mul3A_2518, %mul3A_2519 : vector<16xf32>
      %mul3A_2521 = arith.mulf %bitcast_convert_type3A_2498, %add3A_2520 : vector<16xf32>
      %add3A_2522 = arith.addf %add3A_2517, %mul3A_2521 : vector<16xf32>
      %add3A_2523 = arith.constant 48 : i32
      %add3A_2524 = arith.addi %mul3A_2328, %add3A_2523 : i32
      %get3A_2525 = arith.constant 6 : i32
      %get3A_2526 = arith.constant 0 : i32
      %get3A_2527 = arith.index_cast %get3A_2525 : i32 to index
      %get3A_2528 = arith.index_cast %get3A_2526 : i32 to index
      %get3A_2529 = arith.index_cast %add3A_2524 : i32 to index
      %get3A_2530 = tpu.vector_load %arg11[%get3A_2527, %get3A_2528, %get3A_2529] {strides = array<i32>} : memref<8x3x128xi32, #tpu.memory_space<vmem>>, vector<1x1x16xi32>,
      %get3A_2531 = vector.shape_cast %get3A_2530 : vector<1x1x16xi32> to vector<16xi32>
      %shift_left3A_2532 = arith.constant 16 : i32
      %shift_left3A_2533 = vector.broadcast %shift_left3A_2532 : i32 to vector<16xi32>
      %shift_left3A_2534 = arith.shli %get3A_2531, %shift_left3A_2533 : vector<16xi32>
      %bitcast_convert_type3A_2535 = tpu.bitcast %shift_left3A_2534 : vector<16xi32> -> vector<16xf32>
      %and3A_2536 = arith.constant -65536 : i32
      %and3A_2537 = vector.broadcast %and3A_2536 : i32 to vector<16xi32>
      %and3A_2538 = arith.andi %get3A_2531, %and3A_2537 : vector<16xi32>
      %bitcast_convert_type3A_2539 = tpu.bitcast %and3A_2538 : vector<16xi32> -> vector<16xf32>
      %add3A_2540 = arith.constant 48 : i32
      %add3A_2541 = arith.addi %mul3A_2336, %add3A_2540 : i32
      %get3A_2542 = arith.constant 6 : i32
      %get3A_2543 = arith.constant 1 : i32
      %get3A_2544 = arith.index_cast %get3A_2542 : i32 to index
      %get3A_2545 = arith.index_cast %get3A_2543 : i32 to index
      %get3A_2546 = arith.index_cast %add3A_2541 : i32 to index
      %get3A_2547 = tpu.vector_load %arg11[%get3A_2544, %get3A_2545, %get3A_2546] {strides = array<i32>} : memref<8x3x128xi32, #tpu.memory_space<vmem>>, vector<1x1x16xi32>,
      %get3A_2548 = vector.shape_cast %get3A_2547 : vector<1x1x16xi32> to vector<16xi32>
      %shift_left3A_2549 = arith.constant 16 : i32
      %shift_left3A_2550 = vector.broadcast %shift_left3A_2549 : i32 to vector<16xi32>
      %shift_left3A_2551 = arith.shli %get3A_2548, %shift_left3A_2550 : vector<16xi32>
      %bitcast_convert_type3A_2552 = tpu.bitcast %shift_left3A_2551 : vector<16xi32> -> vector<16xf32>
      %and3A_2553 = arith.constant -65536 : i32
      %and3A_2554 = vector.broadcast %and3A_2553 : i32 to vector<16xi32>
      %and3A_2555 = arith.andi %get3A_2548, %and3A_2554 : vector<16xi32>
      %bitcast_convert_type3A_2556 = tpu.bitcast %and3A_2555 : vector<16xi32> -> vector<16xf32>
      %add3A_2557 = arith.constant 48 : i32
      %add3A_2558 = arith.addi %mul3A_2346, %add3A_2557 : i32
      %get3A_2559 = arith.index_cast %shift_right_arithmetic3A_2340 : i32 to index
      %get3A_2560 = arith.index_cast %add3A_2558 : i32 to index
      %get3A_2561 = tpu.vector_load %arg12[%get3A_2559, %get3A_2560] {strides = array<i32>} : memref<500x128xi32, #tpu.memory_space<vmem>>, vector<1x16xi32>,
      %get3A_2562 = vector.shape_cast %get3A_2561 : vector<1x16xi32> to vector<16xi32>
      %shift_left3A_2563 = arith.constant 16 : i32
      %shift_left3A_2564 = vector.broadcast %shift_left3A_2563 : i32 to vector<16xi32>
      %shift_left3A_2565 = arith.shli %get3A_2562, %shift_left3A_2564 : vector<16xi32>
      %bitcast_convert_type3A_2566 = tpu.bitcast %shift_left3A_2565 : vector<16xi32> -> vector<16xf32>
      %and3A_2567 = arith.constant -65536 : i32
      %and3A_2568 = vector.broadcast %and3A_2567 : i32 to vector<16xi32>
      %and3A_2569 = arith.andi %get3A_2562, %and3A_2568 : vector<16xi32>
      %bitcast_convert_type3A_2570 = tpu.bitcast %and3A_2569 : vector<16xi32> -> vector<16xf32>
      %mul3A_2571 = arith.mulf %bitcast_convert_type3A_2535, %bitcast_convert_type3A_2566 : vector<16xf32>
      %mul3A_2572 = arith.mulf %bitcast_convert_type3A_2539, %bitcast_convert_type3A_2570 : vector<16xf32>
      %sub3A_2573 = arith.subf %mul3A_2571, %mul3A_2572 : vector<16xf32>
      %mul3A_2574 = arith.mulf %bitcast_convert_type3A_2552, %sub3A_2573 : vector<16xf32>
      %add3A_2575 = arith.addf %add3A_2522, %mul3A_2574 : vector<16xf32>
      %mul3A_2576 = arith.mulf %bitcast_convert_type3A_2539, %bitcast_convert_type3A_2566 : vector<16xf32>
      %mul3A_2577 = arith.mulf %bitcast_convert_type3A_2535, %bitcast_convert_type3A_2570 : vector<16xf32>
      %add3A_2578 = arith.addf %mul3A_2576, %mul3A_2577 : vector<16xf32>
      %mul3A_2579 = arith.mulf %bitcast_convert_type3A_2556, %add3A_2578 : vector<16xf32>
      %add3A_2580 = arith.addf %add3A_2575, %mul3A_2579 : vector<16xf32>
      %swap3A_2581 = arith.index_cast %scan3A_427 : i32 to index
      %swap3A_2582 = arith.constant 96 : index
      %swap3A_2583 = tpu.vector_load %arg13[%swap3A_2581, %swap3A_2582] {strides = array<i32>} : memref<64x128xf32, #tpu.memory_space<vmem>>, vector<1x16xf32>,
      %swap3A_2584 = vector.shape_cast %swap3A_2583 : vector<1x16xf32> to vector<16xf32>
      %swap3A_2585 = vector.shape_cast %add3A_2580 : vector<16xf32> to vector<1x16xf32>
      tpu.vector_store %arg13[%swap3A_2581, %swap3A_2582], %swap3A_2585 {strides = array<i32>} : memref<64x128xf32, #tpu.memory_space<vmem>>, vector<1x16xf32>,
      %lt3A_2586 = arith.constant 63 : i32
      %lt3A_2587 = arith.cmpi slt, %scan3A_427, %lt3A_2586 : i32
      %convert_element_type3A_2588 = arith.extui %lt3A_2587 : i1 to i32
      %cond3A_2589 = arith.constant 0 : i32
      %cond3A_2590 = arith.cmpi ne, %convert_element_type3A_2588, %cond3A_2589 : i32
      scf.if %cond3A_2590 {
        %slice3A_2897 = vector.extract_strided_slice %get3A_434 {offsets = [6], sizes = [1], strides = [1]} : vector<16xi32> to vector<1xi32>
        %squeeze3A_2898 = vector.extract %slice3A_2897[0] : i32 from vector<1xi32>
        %slice3A_2899 = vector.extract_strided_slice %get3A_441 {offsets = [6], sizes = [1], strides = [1]} : vector<16xi32> to vector<1xi32>
        %squeeze3A_2900 = vector.extract %slice3A_2899[0] : i32 from vector<1xi32>
        %shift_right_arithmetic3A_2901 = arith.constant 14 : i32
        %shift_right_arithmetic3A_2902 = arith.shrsi %squeeze3A_2898, %shift_right_arithmetic3A_2901 : i32
        %shift_left3A_2903 = arith.constant 13 : i32
        %shift_left3A_2904 = arith.shli %shift_right_arithmetic3A_2902, %shift_left3A_2903 : i32
        %and3A_2905 = arith.constant 8191 : i32
        %and3A_2906 = arith.andi %squeeze3A_2898, %and3A_2905 : i32
        %or3A_2907 = arith.ori %shift_left3A_2904, %and3A_2906 : i32
        %shift_right_arithmetic3A_2908 = arith.constant 14 : i32
        %shift_right_arithmetic3A_2909 = arith.shrsi %squeeze3A_2900, %shift_right_arithmetic3A_2908 : i32
        %shift_left3A_2910 = arith.constant 13 : i32
        %shift_left3A_2911 = arith.shli %shift_right_arithmetic3A_2909, %shift_left3A_2910 : i32
        %and3A_2912 = arith.constant 8191 : i32
        %and3A_2913 = arith.andi %squeeze3A_2900, %and3A_2912 : i32
        %or3A_2914 = arith.ori %shift_left3A_2911, %and3A_2913 : i32
        %dma_start3A_2915 = arith.constant 6 : i32
        %dma_start3A_2916 = arith.constant 0 : i32
        %dma_start3A_2917 = arith.constant 6 : i32
        %dma_start3A_2918 = arith.constant 0 : i32
        %dma_start3A_2919 = tpu.memref_slice %arg11[%dma_start3A_2915, %dma_start3A_2916, %dma_start3A_2918] : memref<8x3x128xi32, #tpu.memory_space<vmem>> -> memref<1x1x128xi32, #tpu.memory_space<vmem>>
        %dma_start3A_2920 = tpu.memref_squeeze %dma_start3A_2919 : memref<1x1x128xi32, #tpu.memory_space<vmem>> -> memref<128xi32, #tpu.memory_space<vmem>>
        %dma_start3A_2921 = arith.constant 0 : i32
        %dma_start3A_2922 = tpu.memref_slice %arg2[%or3A_2907, %dma_start3A_2921] : memref<507904x128xi32, #tpu.memory_space<hbm>> -> memref<1x128xi32, #tpu.memory_space<hbm>>
        %dma_start3A_2923 = tpu.memref_squeeze %dma_start3A_2922 : memref<1x128xi32, #tpu.memory_space<hbm>> -> memref<128xi32, #tpu.memory_space<hbm>>
        %dma_start3A_2924 = tpu.memref_slice %arg14[%dma_start3A_2917] : memref<8x!tpu.dma_semaphore, #tpu.memory_space<semaphore_mem>> -> memref<1x!tpu.dma_semaphore, #tpu.memory_space<semaphore_mem>>
        %dma_start3A_2925 = tpu.memref_squeeze %dma_start3A_2924 : memref<1x!tpu.dma_semaphore, #tpu.memory_space<semaphore_mem>> -> memref<!tpu.dma_semaphore, #tpu.memory_space<semaphore_mem>>
        %dma_start3A_2926 = arith.constant 0 : i32
        %dma_start3A_2927 = tpu.memref_slice %arg11[%dma_start3A_2915, %dma_start3A_2916, %dma_start3A_2926] : memref<8x3x128xi32, #tpu.memory_space<vmem>> -> memref<1x1x128xi32, #tpu.memory_space<vmem>>
        %dma_start3A_2928 = tpu.memref_squeeze %dma_start3A_2927 : memref<1x1x128xi32, #tpu.memory_space<vmem>> -> memref<128xi32, #tpu.memory_space<vmem>>
        %dma_start3A_2929 = arith.constant 0 : i32
        %dma_start3A_2930 = tpu.memref_slice %arg2[%or3A_2907, %dma_start3A_2929] : memref<507904x128xi32, #tpu.memory_space<hbm>> -> memref<1x128xi32, #tpu.memory_space<hbm>>
        %dma_start3A_2931 = tpu.memref_squeeze %dma_start3A_2930 : memref<1x128xi32, #tpu.memory_space<hbm>> -> memref<128xi32, #tpu.memory_space<hbm>>
        tpu.enqueue_dma source(%dma_start3A_2931 : memref<128xi32, #tpu.memory_space<hbm>>) target(%dma_start3A_2928 : memref<128xi32, #tpu.memory_space<vmem>>) target_semaphore(%dma_start3A_2925 : memref<!tpu.dma_semaphore, #tpu.memory_space<semaphore_mem>>)
        %dma_start3A_2932 = arith.constant 6 : i32
        %dma_start3A_2933 = arith.constant 1 : i32
        %dma_start3A_2934 = arith.constant 6 : i32
        %dma_start3A_2935 = arith.constant 0 : i32
        %dma_start3A_2936 = tpu.memref_slice %arg11[%dma_start3A_2932, %dma_start3A_2933, %dma_start3A_2935] : memref<8x3x128xi32, #tpu.memory_space<vmem>> -> memref<1x1x128xi32, #tpu.memory_space<vmem>>
        %dma_start3A_2937 = tpu.memref_squeeze %dma_start3A_2936 : memref<1x1x128xi32, #tpu.memory_space<vmem>> -> memref<128xi32, #tpu.memory_space<vmem>>
        %dma_start3A_2938 = arith.constant 0 : i32
        %dma_start3A_2939 = tpu.memref_slice %arg2[%or3A_2914, %dma_start3A_2938] : memref<507904x128xi32, #tpu.memory_space<hbm>> -> memref<1x128xi32, #tpu.memory_space<hbm>>
        %dma_start3A_2940 = tpu.memref_squeeze %dma_start3A_2939 : memref<1x128xi32, #tpu.memory_space<hbm>> -> memref<128xi32, #tpu.memory_space<hbm>>
        %dma_start3A_2941 = tpu.memref_slice %arg14[%dma_start3A_2934] : memref<8x!tpu.dma_semaphore, #tpu.memory_space<semaphore_mem>> -> memref<1x!tpu.dma_semaphore, #tpu.memory_space<semaphore_mem>>
        %dma_start3A_2942 = tpu.memref_squeeze %dma_start3A_2941 : memref<1x!tpu.dma_semaphore, #tpu.memory_space<semaphore_mem>> -> memref<!tpu.dma_semaphore, #tpu.memory_space<semaphore_mem>>
        %dma_start3A_2943 = arith.constant 0 : i32
        %dma_start3A_2944 = tpu.memref_slice %arg11[%dma_start3A_2932, %dma_start3A_2933, %dma_start3A_2943] : memref<8x3x128xi32, #tpu.memory_space<vmem>> -> memref<1x1x128xi32, #tpu.memory_space<vmem>>
        %dma_start3A_2945 = tpu.memref_squeeze %dma_start3A_2944 : memref<1x1x128xi32, #tpu.memory_space<vmem>> -> memref<128xi32, #tpu.memory_space<vmem>>
        %dma_start3A_2946 = arith.constant 0 : i32
        %dma_start3A_2947 = tpu.memref_slice %arg2[%or3A_2914, %dma_start3A_2946] : memref<507904x128xi32, #tpu.memory_space<hbm>> -> memref<1x128xi32, #tpu.memory_space<hbm>>
        %dma_start3A_2948 = tpu.memref_squeeze %dma_start3A_2947 : memref<1x128xi32, #tpu.memory_space<hbm>> -> memref<128xi32, #tpu.memory_space<hbm>>
        tpu.enqueue_dma source(%dma_start3A_2948 : memref<128xi32, #tpu.memory_space<hbm>>) target(%dma_start3A_2945 : memref<128xi32, #tpu.memory_space<vmem>>) target_semaphore(%dma_start3A_2942 : memref<!tpu.dma_semaphore, #tpu.memory_space<semaphore_mem>>)
      } else {
      }
      %dma_wait3A_2591 = arith.constant 0 : i32
      %dma_wait3A_2592 = arith.constant 7 : i32
      %dma_wait3A_2593 = arith.constant 0 : i32
      %dma_wait3A_2594 = arith.constant 7 : i32
      %dma_wait3A_2595 = arith.constant 0 : i32
      %dma_wait3A_2596 = tpu.memref_slice %arg11[%dma_wait3A_2592, %dma_wait3A_2593, %dma_wait3A_2595] : memref<8x3x128xi32, #tpu.memory_space<vmem>> -> memref<1x1x128xi32, #tpu.memory_space<vmem>>
      %dma_wait3A_2597 = tpu.memref_squeeze %dma_wait3A_2596 : memref<1x1x128xi32, #tpu.memory_space<vmem>> -> memref<128xi32, #tpu.memory_space<vmem>>
      %dma_wait3A_2598 = arith.constant 0 : i32
      %dma_wait3A_2599 = tpu.memref_slice %arg2[%dma_wait3A_2591, %dma_wait3A_2598] : memref<507904x128xi32, #tpu.memory_space<hbm>> -> memref<1x128xi32, #tpu.memory_space<hbm>>
      %dma_wait3A_2600 = tpu.memref_squeeze %dma_wait3A_2599 : memref<1x128xi32, #tpu.memory_space<hbm>> -> memref<128xi32, #tpu.memory_space<hbm>>
      %dma_wait3A_2601 = tpu.memref_slice %arg14[%dma_wait3A_2594] : memref<8x!tpu.dma_semaphore, #tpu.memory_space<semaphore_mem>> -> memref<1x!tpu.dma_semaphore, #tpu.memory_space<semaphore_mem>>
      %dma_wait3A_2602 = tpu.memref_squeeze %dma_wait3A_2601 : memref<1x!tpu.dma_semaphore, #tpu.memory_space<semaphore_mem>> -> memref<!tpu.dma_semaphore, #tpu.memory_space<semaphore_mem>>
      %dma_wait3A_2603 = arith.constant 0 : i32
      %dma_wait3A_2604 = tpu.memref_slice %arg11[%dma_wait3A_2592, %dma_wait3A_2593, %dma_wait3A_2603] : memref<8x3x128xi32, #tpu.memory_space<vmem>> -> memref<1x1x128xi32, #tpu.memory_space<vmem>>
      %dma_wait3A_2605 = tpu.memref_squeeze %dma_wait3A_2604 : memref<1x1x128xi32, #tpu.memory_space<vmem>> -> memref<128xi32, #tpu.memory_space<vmem>>
      %dma_wait3A_2606 = arith.constant 0 : i32
      %dma_wait3A_2607 = tpu.memref_slice %arg2[%dma_wait3A_2591, %dma_wait3A_2606] : memref<507904x128xi32, #tpu.memory_space<hbm>> -> memref<1x128xi32, #tpu.memory_space<hbm>>
      %dma_wait3A_2608 = tpu.memref_squeeze %dma_wait3A_2607 : memref<1x128xi32, #tpu.memory_space<hbm>> -> memref<128xi32, #tpu.memory_space<hbm>>
      tpu.wait_dma2 semaphore(%dma_wait3A_2602 : memref<!tpu.dma_semaphore, #tpu.memory_space<semaphore_mem>>) src(%dma_wait3A_2608 : memref<128xi32, #tpu.memory_space<hbm>>) dst(%dma_wait3A_2605 : memref<128xi32, #tpu.memory_space<vmem>>)
      %dma_wait3A_2609 = arith.constant 0 : i32
      %dma_wait3A_2610 = arith.constant 7 : i32
      %dma_wait3A_2611 = arith.constant 1 : i32
      %dma_wait3A_2612 = arith.constant 7 : i32
      %dma_wait3A_2613 = arith.constant 0 : i32
      %dma_wait3A_2614 = tpu.memref_slice %arg11[%dma_wait3A_2610, %dma_wait3A_2611, %dma_wait3A_2613] : memref<8x3x128xi32, #tpu.memory_space<vmem>> -> memref<1x1x128xi32, #tpu.memory_space<vmem>>
      %dma_wait3A_2615 = tpu.memref_squeeze %dma_wait3A_2614 : memref<1x1x128xi32, #tpu.memory_space<vmem>> -> memref<128xi32, #tpu.memory_space<vmem>>
      %dma_wait3A_2616 = arith.constant 0 : i32
      %dma_wait3A_2617 = tpu.memref_slice %arg2[%dma_wait3A_2609, %dma_wait3A_2616] : memref<507904x128xi32, #tpu.memory_space<hbm>> -> memref<1x128xi32, #tpu.memory_space<hbm>>
      %dma_wait3A_2618 = tpu.memref_squeeze %dma_wait3A_2617 : memref<1x128xi32, #tpu.memory_space<hbm>> -> memref<128xi32, #tpu.memory_space<hbm>>
      %dma_wait3A_2619 = tpu.memref_slice %arg14[%dma_wait3A_2612] : memref<8x!tpu.dma_semaphore, #tpu.memory_space<semaphore_mem>> -> memref<1x!tpu.dma_semaphore, #tpu.memory_space<semaphore_mem>>
      %dma_wait3A_2620 = tpu.memref_squeeze %dma_wait3A_2619 : memref<1x!tpu.dma_semaphore, #tpu.memory_space<semaphore_mem>> -> memref<!tpu.dma_semaphore, #tpu.memory_space<semaphore_mem>>
      %dma_wait3A_2621 = arith.constant 0 : i32
      %dma_wait3A_2622 = tpu.memref_slice %arg11[%dma_wait3A_2610, %dma_wait3A_2611, %dma_wait3A_2621] : memref<8x3x128xi32, #tpu.memory_space<vmem>> -> memref<1x1x128xi32, #tpu.memory_space<vmem>>
      %dma_wait3A_2623 = tpu.memref_squeeze %dma_wait3A_2622 : memref<1x1x128xi32, #tpu.memory_space<vmem>> -> memref<128xi32, #tpu.memory_space<vmem>>
      %dma_wait3A_2624 = arith.constant 0 : i32
      %dma_wait3A_2625 = tpu.memref_slice %arg2[%dma_wait3A_2609, %dma_wait3A_2624] : memref<507904x128xi32, #tpu.memory_space<hbm>> -> memref<1x128xi32, #tpu.memory_space<hbm>>
      %dma_wait3A_2626 = tpu.memref_squeeze %dma_wait3A_2625 : memref<1x128xi32, #tpu.memory_space<hbm>> -> memref<128xi32, #tpu.memory_space<hbm>>
      tpu.wait_dma2 semaphore(%dma_wait3A_2620 : memref<!tpu.dma_semaphore, #tpu.memory_space<semaphore_mem>>) src(%dma_wait3A_2626 : memref<128xi32, #tpu.memory_space<hbm>>) dst(%dma_wait3A_2623 : memref<128xi32, #tpu.memory_space<vmem>>)
      %slice3A_2627 = vector.extract_strided_slice %get3A_446 {offsets = [7], sizes = [1], strides = [1]} : vector<16xi32> to vector<1xi32>
      %squeeze3A_2628 = vector.extract %slice3A_2627[0] : i32 from vector<1xi32>
      %shift_right_arithmetic3A_2629 = arith.constant 13 : i32
      %shift_right_arithmetic3A_2630 = arith.shrsi %squeeze3A_2628, %shift_right_arithmetic3A_2629 : i32
      %and3A_2631 = arith.constant 1 : i32
      %and3A_2632 = arith.andi %shift_right_arithmetic3A_2630, %and3A_2631 : i32
      %mul3A_2633 = arith.constant 64 : i32
      %mul3A_2634 = arith.muli %and3A_2632, %mul3A_2633 : i32
      %slice3A_2635 = vector.extract_strided_slice %get3A_451 {offsets = [7], sizes = [1], strides = [1]} : vector<16xi32> to vector<1xi32>
      %squeeze3A_2636 = vector.extract %slice3A_2635[0] : i32 from vector<1xi32>
      %shift_right_arithmetic3A_2637 = arith.constant 13 : i32
      %shift_right_arithmetic3A_2638 = arith.shrsi %squeeze3A_2636, %shift_right_arithmetic3A_2637 : i32
      %and3A_2639 = arith.constant 1 : i32
      %and3A_2640 = arith.andi %shift_right_arithmetic3A_2638, %and3A_2639 : i32
      %mul3A_2641 = arith.constant 64 : i32
      %mul3A_2642 = arith.muli %and3A_2640, %mul3A_2641 : i32
      %slice3A_2643 = vector.extract_strided_slice %get3A_456 {offsets = [7], sizes = [1], strides = [1]} : vector<16xi32> to vector<1xi32>
      %squeeze3A_2644 = vector.extract %slice3A_2643[0] : i32 from vector<1xi32>
      %shift_right_arithmetic3A_2645 = arith.constant 1 : i32
      %shift_right_arithmetic3A_2646 = arith.shrsi %squeeze3A_2644, %shift_right_arithmetic3A_2645 : i32
      %slice3A_2647 = vector.extract_strided_slice %get3A_456 {offsets = [7], sizes = [1], strides = [1]} : vector<16xi32> to vector<1xi32>
      %squeeze3A_2648 = vector.extract %slice3A_2647[0] : i32 from vector<1xi32>
      %and3A_2649 = arith.constant 1 : i32
      %and3A_2650 = arith.andi %squeeze3A_2648, %and3A_2649 : i32
      %mul3A_2651 = arith.constant 64 : i32
      %mul3A_2652 = arith.muli %and3A_2650, %mul3A_2651 : i32
      %broadcast_in_dim3A_2653 = arith.constant 0.000000e+00 : f32
      %broadcast_in_dim3A_2654 = vector.broadcast %broadcast_in_dim3A_2653 : f32 to vector<16xf32>
      %add3A_2655 = arith.constant 0 : i32
      %add3A_2656 = arith.addi %mul3A_2634, %add3A_2655 : i32
      %get3A_2657 = arith.constant 7 : i32
      %get3A_2658 = arith.constant 0 : i32
      %get3A_2659 = arith.index_cast %get3A_2657 : i32 to index
      %get3A_2660 = arith.index_cast %get3A_2658 : i32 to index
      %get3A_2661 = arith.index_cast %add3A_2656 : i32 to index
      %get3A_2662 = tpu.vector_load %arg11[%get3A_2659, %get3A_2660, %get3A_2661] {strides = array<i32>} : memref<8x3x128xi32, #tpu.memory_space<vmem>>, vector<1x1x16xi32>,
      %get3A_2663 = vector.shape_cast %get3A_2662 : vector<1x1x16xi32> to vector<16xi32>
      %shift_left3A_2664 = arith.constant 16 : i32
      %shift_left3A_2665 = vector.broadcast %shift_left3A_2664 : i32 to vector<16xi32>
      %shift_left3A_2666 = arith.shli %get3A_2663, %shift_left3A_2665 : vector<16xi32>
      %bitcast_convert_type3A_2667 = tpu.bitcast %shift_left3A_2666 : vector<16xi32> -> vector<16xf32>
      %and3A_2668 = arith.constant -65536 : i32
      %and3A_2669 = vector.broadcast %and3A_2668 : i32 to vector<16xi32>
      %and3A_2670 = arith.andi %get3A_2663, %and3A_2669 : vector<16xi32>
      %bitcast_convert_type3A_2671 = tpu.bitcast %and3A_2670 : vector<16xi32> -> vector<16xf32>
      %add3A_2672 = arith.constant 0 : i32
      %add3A_2673 = arith.addi %mul3A_2642, %add3A_2672 : i32
      %get3A_2674 = arith.constant 7 : i32
      %get3A_2675 = arith.constant 1 : i32
      %get3A_2676 = arith.index_cast %get3A_2674 : i32 to index
      %get3A_2677 = arith.index_cast %get3A_2675 : i32 to index
      %get3A_2678 = arith.index_cast %add3A_2673 : i32 to index
      %get3A_2679 = tpu.vector_load %arg11[%get3A_2676, %get3A_2677, %get3A_2678] {strides = array<i32>} : memref<8x3x128xi32, #tpu.memory_space<vmem>>, vector<1x1x16xi32>,
      %get3A_2680 = vector.shape_cast %get3A_2679 : vector<1x1x16xi32> to vector<16xi32>
      %shift_left3A_2681 = arith.constant 16 : i32
      %shift_left3A_2682 = vector.broadcast %shift_left3A_2681 : i32 to vector<16xi32>
      %shift_left3A_2683 = arith.shli %get3A_2680, %shift_left3A_2682 : vector<16xi32>
      %bitcast_convert_type3A_2684 = tpu.bitcast %shift_left3A_2683 : vector<16xi32> -> vector<16xf32>
      %and3A_2685 = arith.constant -65536 : i32
      %and3A_2686 = vector.broadcast %and3A_2685 : i32 to vector<16xi32>
      %and3A_2687 = arith.andi %get3A_2680, %and3A_2686 : vector<16xi32>
      %bitcast_convert_type3A_2688 = tpu.bitcast %and3A_2687 : vector<16xi32> -> vector<16xf32>
      %add3A_2689 = arith.constant 0 : i32
      %add3A_2690 = arith.addi %mul3A_2652, %add3A_2689 : i32
      %get3A_2691 = arith.index_cast %shift_right_arithmetic3A_2646 : i32 to index
      %get3A_2692 = arith.index_cast %add3A_2690 : i32 to index
      %get3A_2693 = tpu.vector_load %arg12[%get3A_2691, %get3A_2692] {strides = array<i32>} : memref<500x128xi32, #tpu.memory_space<vmem>>, vector<1x16xi32>,
      %get3A_2694 = vector.shape_cast %get3A_2693 : vector<1x16xi32> to vector<16xi32>
      %shift_left3A_2695 = arith.constant 16 : i32
      %shift_left3A_2696 = vector.broadcast %shift_left3A_2695 : i32 to vector<16xi32>
      %shift_left3A_2697 = arith.shli %get3A_2694, %shift_left3A_2696 : vector<16xi32>
      %bitcast_convert_type3A_2698 = tpu.bitcast %shift_left3A_2697 : vector<16xi32> -> vector<16xf32>
      %and3A_2699 = arith.constant -65536 : i32
      %and3A_2700 = vector.broadcast %and3A_2699 : i32 to vector<16xi32>
      %and3A_2701 = arith.andi %get3A_2694, %and3A_2700 : vector<16xi32>
      %bitcast_convert_type3A_2702 = tpu.bitcast %and3A_2701 : vector<16xi32> -> vector<16xf32>
      %mul3A_2703 = arith.mulf %bitcast_convert_type3A_2667, %bitcast_convert_type3A_2698 : vector<16xf32>
      %mul3A_2704 = arith.mulf %bitcast_convert_type3A_2671, %bitcast_convert_type3A_2702 : vector<16xf32>
      %sub3A_2705 = arith.subf %mul3A_2703, %mul3A_2704 : vector<16xf32>
      %mul3A_2706 = arith.mulf %bitcast_convert_type3A_2684, %sub3A_2705 : vector<16xf32>
      %add3A_2707 = arith.addf %broadcast_in_dim3A_2654, %mul3A_2706 : vector<16xf32>
      %mul3A_2708 = arith.mulf %bitcast_convert_type3A_2671, %bitcast_convert_type3A_2698 : vector<16xf32>
      %mul3A_2709 = arith.mulf %bitcast_convert_type3A_2667, %bitcast_convert_type3A_2702 : vector<16xf32>
      %add3A_2710 = arith.addf %mul3A_2708, %mul3A_2709 : vector<16xf32>
      %mul3A_2711 = arith.mulf %bitcast_convert_type3A_2688, %add3A_2710 : vector<16xf32>
      %add3A_2712 = arith.addf %add3A_2707, %mul3A_2711 : vector<16xf32>
      %add3A_2713 = arith.constant 16 : i32
      %add3A_2714 = arith.addi %mul3A_2634, %add3A_2713 : i32
      %get3A_2715 = arith.constant 7 : i32
      %get3A_2716 = arith.constant 0 : i32
      %get3A_2717 = arith.index_cast %get3A_2715 : i32 to index
      %get3A_2718 = arith.index_cast %get3A_2716 : i32 to index
      %get3A_2719 = arith.index_cast %add3A_2714 : i32 to index
      %get3A_2720 = tpu.vector_load %arg11[%get3A_2717, %get3A_2718, %get3A_2719] {strides = array<i32>} : memref<8x3x128xi32, #tpu.memory_space<vmem>>, vector<1x1x16xi32>,
      %get3A_2721 = vector.shape_cast %get3A_2720 : vector<1x1x16xi32> to vector<16xi32>
      %shift_left3A_2722 = arith.constant 16 : i32
      %shift_left3A_2723 = vector.broadcast %shift_left3A_2722 : i32 to vector<16xi32>
      %shift_left3A_2724 = arith.shli %get3A_2721, %shift_left3A_2723 : vector<16xi32>
      %bitcast_convert_type3A_2725 = tpu.bitcast %shift_left3A_2724 : vector<16xi32> -> vector<16xf32>
      %and3A_2726 = arith.constant -65536 : i32
      %and3A_2727 = vector.broadcast %and3A_2726 : i32 to vector<16xi32>
      %and3A_2728 = arith.andi %get3A_2721, %and3A_2727 : vector<16xi32>
      %bitcast_convert_type3A_2729 = tpu.bitcast %and3A_2728 : vector<16xi32> -> vector<16xf32>
      %add3A_2730 = arith.constant 16 : i32
      %add3A_2731 = arith.addi %mul3A_2642, %add3A_2730 : i32
      %get3A_2732 = arith.constant 7 : i32
      %get3A_2733 = arith.constant 1 : i32
      %get3A_2734 = arith.index_cast %get3A_2732 : i32 to index
      %get3A_2735 = arith.index_cast %get3A_2733 : i32 to index
      %get3A_2736 = arith.index_cast %add3A_2731 : i32 to index
      %get3A_2737 = tpu.vector_load %arg11[%get3A_2734, %get3A_2735, %get3A_2736] {strides = array<i32>} : memref<8x3x128xi32, #tpu.memory_space<vmem>>, vector<1x1x16xi32>,
      %get3A_2738 = vector.shape_cast %get3A_2737 : vector<1x1x16xi32> to vector<16xi32>
      %shift_left3A_2739 = arith.constant 16 : i32
      %shift_left3A_2740 = vector.broadcast %shift_left3A_2739 : i32 to vector<16xi32>
      %shift_left3A_2741 = arith.shli %get3A_2738, %shift_left3A_2740 : vector<16xi32>
      %bitcast_convert_type3A_2742 = tpu.bitcast %shift_left3A_2741 : vector<16xi32> -> vector<16xf32>
      %and3A_2743 = arith.constant -65536 : i32
      %and3A_2744 = vector.broadcast %and3A_2743 : i32 to vector<16xi32>
      %and3A_2745 = arith.andi %get3A_2738, %and3A_2744 : vector<16xi32>
      %bitcast_convert_type3A_2746 = tpu.bitcast %and3A_2745 : vector<16xi32> -> vector<16xf32>
      %add3A_2747 = arith.constant 16 : i32
      %add3A_2748 = arith.addi %mul3A_2652, %add3A_2747 : i32
      %get3A_2749 = arith.index_cast %shift_right_arithmetic3A_2646 : i32 to index
      %get3A_2750 = arith.index_cast %add3A_2748 : i32 to index
      %get3A_2751 = tpu.vector_load %arg12[%get3A_2749, %get3A_2750] {strides = array<i32>} : memref<500x128xi32, #tpu.memory_space<vmem>>, vector<1x16xi32>,
      %get3A_2752 = vector.shape_cast %get3A_2751 : vector<1x16xi32> to vector<16xi32>
      %shift_left3A_2753 = arith.constant 16 : i32
      %shift_left3A_2754 = vector.broadcast %shift_left3A_2753 : i32 to vector<16xi32>
      %shift_left3A_2755 = arith.shli %get3A_2752, %shift_left3A_2754 : vector<16xi32>
      %bitcast_convert_type3A_2756 = tpu.bitcast %shift_left3A_2755 : vector<16xi32> -> vector<16xf32>
      %and3A_2757 = arith.constant -65536 : i32
      %and3A_2758 = vector.broadcast %and3A_2757 : i32 to vector<16xi32>
      %and3A_2759 = arith.andi %get3A_2752, %and3A_2758 : vector<16xi32>
      %bitcast_convert_type3A_2760 = tpu.bitcast %and3A_2759 : vector<16xi32> -> vector<16xf32>
      %mul3A_2761 = arith.mulf %bitcast_convert_type3A_2725, %bitcast_convert_type3A_2756 : vector<16xf32>
      %mul3A_2762 = arith.mulf %bitcast_convert_type3A_2729, %bitcast_convert_type3A_2760 : vector<16xf32>
      %sub3A_2763 = arith.subf %mul3A_2761, %mul3A_2762 : vector<16xf32>
      %mul3A_2764 = arith.mulf %bitcast_convert_type3A_2742, %sub3A_2763 : vector<16xf32>
      %add3A_2765 = arith.addf %add3A_2712, %mul3A_2764 : vector<16xf32>
      %mul3A_2766 = arith.mulf %bitcast_convert_type3A_2729, %bitcast_convert_type3A_2756 : vector<16xf32>
      %mul3A_2767 = arith.mulf %bitcast_convert_type3A_2725, %bitcast_convert_type3A_2760 : vector<16xf32>
      %add3A_2768 = arith.addf %mul3A_2766, %mul3A_2767 : vector<16xf32>
      %mul3A_2769 = arith.mulf %bitcast_convert_type3A_2746, %add3A_2768 : vector<16xf32>
      %add3A_2770 = arith.addf %add3A_2765, %mul3A_2769 : vector<16xf32>
      %add3A_2771 = arith.constant 32 : i32
      %add3A_2772 = arith.addi %mul3A_2634, %add3A_2771 : i32
      %get3A_2773 = arith.constant 7 : i32
      %get3A_2774 = arith.constant 0 : i32
      %get3A_2775 = arith.index_cast %get3A_2773 : i32 to index
      %get3A_2776 = arith.index_cast %get3A_2774 : i32 to index
      %get3A_2777 = arith.index_cast %add3A_2772 : i32 to index
      %get3A_2778 = tpu.vector_load %arg11[%get3A_2775, %get3A_2776, %get3A_2777] {strides = array<i32>} : memref<8x3x128xi32, #tpu.memory_space<vmem>>, vector<1x1x16xi32>,
      %get3A_2779 = vector.shape_cast %get3A_2778 : vector<1x1x16xi32> to vector<16xi32>
      %shift_left3A_2780 = arith.constant 16 : i32
      %shift_left3A_2781 = vector.broadcast %shift_left3A_2780 : i32 to vector<16xi32>
      %shift_left3A_2782 = arith.shli %get3A_2779, %shift_left3A_2781 : vector<16xi32>
      %bitcast_convert_type3A_2783 = tpu.bitcast %shift_left3A_2782 : vector<16xi32> -> vector<16xf32>
      %and3A_2784 = arith.constant -65536 : i32
      %and3A_2785 = vector.broadcast %and3A_2784 : i32 to vector<16xi32>
      %and3A_2786 = arith.andi %get3A_2779, %and3A_2785 : vector<16xi32>
      %bitcast_convert_type3A_2787 = tpu.bitcast %and3A_2786 : vector<16xi32> -> vector<16xf32>
      %add3A_2788 = arith.constant 32 : i32
      %add3A_2789 = arith.addi %mul3A_2642, %add3A_2788 : i32
      %get3A_2790 = arith.constant 7 : i32
      %get3A_2791 = arith.constant 1 : i32
      %get3A_2792 = arith.index_cast %get3A_2790 : i32 to index
      %get3A_2793 = arith.index_cast %get3A_2791 : i32 to index
      %get3A_2794 = arith.index_cast %add3A_2789 : i32 to index
      %get3A_2795 = tpu.vector_load %arg11[%get3A_2792, %get3A_2793, %get3A_2794] {strides = array<i32>} : memref<8x3x128xi32, #tpu.memory_space<vmem>>, vector<1x1x16xi32>,
      %get3A_2796 = vector.shape_cast %get3A_2795 : vector<1x1x16xi32> to vector<16xi32>
      %shift_left3A_2797 = arith.constant 16 : i32
      %shift_left3A_2798 = vector.broadcast %shift_left3A_2797 : i32 to vector<16xi32>
      %shift_left3A_2799 = arith.shli %get3A_2796, %shift_left3A_2798 : vector<16xi32>
      %bitcast_convert_type3A_2800 = tpu.bitcast %shift_left3A_2799 : vector<16xi32> -> vector<16xf32>
      %and3A_2801 = arith.constant -65536 : i32
      %and3A_2802 = vector.broadcast %and3A_2801 : i32 to vector<16xi32>
      %and3A_2803 = arith.andi %get3A_2796, %and3A_2802 : vector<16xi32>
      %bitcast_convert_type3A_2804 = tpu.bitcast %and3A_2803 : vector<16xi32> -> vector<16xf32>
      %add3A_2805 = arith.constant 32 : i32
      %add3A_2806 = arith.addi %mul3A_2652, %add3A_2805 : i32
      %get3A_2807 = arith.index_cast %shift_right_arithmetic3A_2646 : i32 to index
      %get3A_2808 = arith.index_cast %add3A_2806 : i32 to index
      %get3A_2809 = tpu.vector_load %arg12[%get3A_2807, %get3A_2808] {strides = array<i32>} : memref<500x128xi32, #tpu.memory_space<vmem>>, vector<1x16xi32>,
      %get3A_2810 = vector.shape_cast %get3A_2809 : vector<1x16xi32> to vector<16xi32>
      %shift_left3A_2811 = arith.constant 16 : i32
      %shift_left3A_2812 = vector.broadcast %shift_left3A_2811 : i32 to vector<16xi32>
      %shift_left3A_2813 = arith.shli %get3A_2810, %shift_left3A_2812 : vector<16xi32>
      %bitcast_convert_type3A_2814 = tpu.bitcast %shift_left3A_2813 : vector<16xi32> -> vector<16xf32>
      %and3A_2815 = arith.constant -65536 : i32
      %and3A_2816 = vector.broadcast %and3A_2815 : i32 to vector<16xi32>
      %and3A_2817 = arith.andi %get3A_2810, %and3A_2816 : vector<16xi32>
      %bitcast_convert_type3A_2818 = tpu.bitcast %and3A_2817 : vector<16xi32> -> vector<16xf32>
      %mul3A_2819 = arith.mulf %bitcast_convert_type3A_2783, %bitcast_convert_type3A_2814 : vector<16xf32>
      %mul3A_2820 = arith.mulf %bitcast_convert_type3A_2787, %bitcast_convert_type3A_2818 : vector<16xf32>
      %sub3A_2821 = arith.subf %mul3A_2819, %mul3A_2820 : vector<16xf32>
      %mul3A_2822 = arith.mulf %bitcast_convert_type3A_2800, %sub3A_2821 : vector<16xf32>
      %add3A_2823 = arith.addf %add3A_2770, %mul3A_2822 : vector<16xf32>
      %mul3A_2824 = arith.mulf %bitcast_convert_type3A_2787, %bitcast_convert_type3A_2814 : vector<16xf32>
      %mul3A_2825 = arith.mulf %bitcast_convert_type3A_2783, %bitcast_convert_type3A_2818 : vector<16xf32>
      %add3A_2826 = arith.addf %mul3A_2824, %mul3A_2825 : vector<16xf32>
      %mul3A_2827 = arith.mulf %bitcast_convert_type3A_2804, %add3A_2826 : vector<16xf32>
      %add3A_2828 = arith.addf %add3A_2823, %mul3A_2827 : vector<16xf32>
      %add3A_2829 = arith.constant 48 : i32
      %add3A_2830 = arith.addi %mul3A_2634, %add3A_2829 : i32
      %get3A_2831 = arith.constant 7 : i32
      %get3A_2832 = arith.constant 0 : i32
      %get3A_2833 = arith.index_cast %get3A_2831 : i32 to index
      %get3A_2834 = arith.index_cast %get3A_2832 : i32 to index
      %get3A_2835 = arith.index_cast %add3A_2830 : i32 to index
      %get3A_2836 = tpu.vector_load %arg11[%get3A_2833, %get3A_2834, %get3A_2835] {strides = array<i32>} : memref<8x3x128xi32, #tpu.memory_space<vmem>>, vector<1x1x16xi32>,
      %get3A_2837 = vector.shape_cast %get3A_2836 : vector<1x1x16xi32> to vector<16xi32>
      %shift_left3A_2838 = arith.constant 16 : i32
      %shift_left3A_2839 = vector.broadcast %shift_left3A_2838 : i32 to vector<16xi32>
      %shift_left3A_2840 = arith.shli %get3A_2837, %shift_left3A_2839 : vector<16xi32>
      %bitcast_convert_type3A_2841 = tpu.bitcast %shift_left3A_2840 : vector<16xi32> -> vector<16xf32>
      %and3A_2842 = arith.constant -65536 : i32
      %and3A_2843 = vector.broadcast %and3A_2842 : i32 to vector<16xi32>
      %and3A_2844 = arith.andi %get3A_2837, %and3A_2843 : vector<16xi32>
      %bitcast_convert_type3A_2845 = tpu.bitcast %and3A_2844 : vector<16xi32> -> vector<16xf32>
      %add3A_2846 = arith.constant 48 : i32
      %add3A_2847 = arith.addi %mul3A_2642, %add3A_2846 : i32
      %get3A_2848 = arith.constant 7 : i32
      %get3A_2849 = arith.constant 1 : i32
      %get3A_2850 = arith.index_cast %get3A_2848 : i32 to index
      %get3A_2851 = arith.index_cast %get3A_2849 : i32 to index
      %get3A_2852 = arith.index_cast %add3A_2847 : i32 to index
      %get3A_2853 = tpu.vector_load %arg11[%get3A_2850, %get3A_2851, %get3A_2852] {strides = array<i32>} : memref<8x3x128xi32, #tpu.memory_space<vmem>>, vector<1x1x16xi32>,
      %get3A_2854 = vector.shape_cast %get3A_2853 : vector<1x1x16xi32> to vector<16xi32>
      %shift_left3A_2855 = arith.constant 16 : i32
      %shift_left3A_2856 = vector.broadcast %shift_left3A_2855 : i32 to vector<16xi32>
      %shift_left3A_2857 = arith.shli %get3A_2854, %shift_left3A_2856 : vector<16xi32>
      %bitcast_convert_type3A_2858 = tpu.bitcast %shift_left3A_2857 : vector<16xi32> -> vector<16xf32>
      %and3A_2859 = arith.constant -65536 : i32
      %and3A_2860 = vector.broadcast %and3A_2859 : i32 to vector<16xi32>
      %and3A_2861 = arith.andi %get3A_2854, %and3A_2860 : vector<16xi32>
      %bitcast_convert_type3A_2862 = tpu.bitcast %and3A_2861 : vector<16xi32> -> vector<16xf32>
      %add3A_2863 = arith.constant 48 : i32
      %add3A_2864 = arith.addi %mul3A_2652, %add3A_2863 : i32
      %get3A_2865 = arith.index_cast %shift_right_arithmetic3A_2646 : i32 to index
      %get3A_2866 = arith.index_cast %add3A_2864 : i32 to index
      %get3A_2867 = tpu.vector_load %arg12[%get3A_2865, %get3A_2866] {strides = array<i32>} : memref<500x128xi32, #tpu.memory_space<vmem>>, vector<1x16xi32>,
      %get3A_2868 = vector.shape_cast %get3A_2867 : vector<1x16xi32> to vector<16xi32>
      %shift_left3A_2869 = arith.constant 16 : i32
      %shift_left3A_2870 = vector.broadcast %shift_left3A_2869 : i32 to vector<16xi32>
      %shift_left3A_2871 = arith.shli %get3A_2868, %shift_left3A_2870 : vector<16xi32>
      %bitcast_convert_type3A_2872 = tpu.bitcast %shift_left3A_2871 : vector<16xi32> -> vector<16xf32>
      %and3A_2873 = arith.constant -65536 : i32
      %and3A_2874 = vector.broadcast %and3A_2873 : i32 to vector<16xi32>
      %and3A_2875 = arith.andi %get3A_2868, %and3A_2874 : vector<16xi32>
      %bitcast_convert_type3A_2876 = tpu.bitcast %and3A_2875 : vector<16xi32> -> vector<16xf32>
      %mul3A_2877 = arith.mulf %bitcast_convert_type3A_2841, %bitcast_convert_type3A_2872 : vector<16xf32>
      %mul3A_2878 = arith.mulf %bitcast_convert_type3A_2845, %bitcast_convert_type3A_2876 : vector<16xf32>
      %sub3A_2879 = arith.subf %mul3A_2877, %mul3A_2878 : vector<16xf32>
      %mul3A_2880 = arith.mulf %bitcast_convert_type3A_2858, %sub3A_2879 : vector<16xf32>
      %add3A_2881 = arith.addf %add3A_2828, %mul3A_2880 : vector<16xf32>
      %mul3A_2882 = arith.mulf %bitcast_convert_type3A_2845, %bitcast_convert_type3A_2872 : vector<16xf32>
      %mul3A_2883 = arith.mulf %bitcast_convert_type3A_2841, %bitcast_convert_type3A_2876 : vector<16xf32>
      %add3A_2884 = arith.addf %mul3A_2882, %mul3A_2883 : vector<16xf32>
      %mul3A_2885 = arith.mulf %bitcast_convert_type3A_2862, %add3A_2884 : vector<16xf32>
      %add3A_2886 = arith.addf %add3A_2881, %mul3A_2885 : vector<16xf32>
      %swap3A_2887 = arith.index_cast %scan3A_427 : i32 to index
      %swap3A_2888 = arith.constant 112 : index
      %swap3A_2889 = tpu.vector_load %arg13[%swap3A_2887, %swap3A_2888] {strides = array<i32>} : memref<64x128xf32, #tpu.memory_space<vmem>>, vector<1x16xf32>,
      %swap3A_2890 = vector.shape_cast %swap3A_2889 : vector<1x16xf32> to vector<16xf32>
      %swap3A_2891 = vector.shape_cast %add3A_2886 : vector<16xf32> to vector<1x16xf32>
      tpu.vector_store %arg13[%swap3A_2887, %swap3A_2888], %swap3A_2891 {strides = array<i32>} : memref<64x128xf32, #tpu.memory_space<vmem>>, vector<1x16xf32>,
      %lt3A_2892 = arith.constant 63 : i32
      %lt3A_2893 = arith.cmpi slt, %scan3A_427, %lt3A_2892 : i32
      %convert_element_type3A_2894 = arith.extui %lt3A_2893 : i1 to i32
      %cond3A_2895 = arith.constant 0 : i32
      %cond3A_2896 = arith.cmpi ne, %convert_element_type3A_2894, %cond3A_2895 : i32
      scf.if %cond3A_2896 {
        %slice3A_2897 = vector.extract_strided_slice %get3A_434 {offsets = [7], sizes = [1], strides = [1]} : vector<16xi32> to vector<1xi32>
        %squeeze3A_2898 = vector.extract %slice3A_2897[0] : i32 from vector<1xi32>
        %slice3A_2899 = vector.extract_strided_slice %get3A_441 {offsets = [7], sizes = [1], strides = [1]} : vector<16xi32> to vector<1xi32>
        %squeeze3A_2900 = vector.extract %slice3A_2899[0] : i32 from vector<1xi32>
        %shift_right_arithmetic3A_2901 = arith.constant 14 : i32
        %shift_right_arithmetic3A_2902 = arith.shrsi %squeeze3A_2898, %shift_right_arithmetic3A_2901 : i32
        %shift_left3A_2903 = arith.constant 13 : i32
        %shift_left3A_2904 = arith.shli %shift_right_arithmetic3A_2902, %shift_left3A_2903 : i32
        %and3A_2905 = arith.constant 8191 : i32
        %and3A_2906 = arith.andi %squeeze3A_2898, %and3A_2905 : i32
        %or3A_2907 = arith.ori %shift_left3A_2904, %and3A_2906 : i32
        %shift_right_arithmetic3A_2908 = arith.constant 14 : i32
        %shift_right_arithmetic3A_2909 = arith.shrsi %squeeze3A_2900, %shift_right_arithmetic3A_2908 : i32
        %shift_left3A_2910 = arith.constant 13 : i32
        %shift_left3A_2911 = arith.shli %shift_right_arithmetic3A_2909, %shift_left3A_2910 : i32
        %and3A_2912 = arith.constant 8191 : i32
        %and3A_2913 = arith.andi %squeeze3A_2900, %and3A_2912 : i32
        %or3A_2914 = arith.ori %shift_left3A_2911, %and3A_2913 : i32
        %dma_start3A_2915 = arith.constant 7 : i32
        %dma_start3A_2916 = arith.constant 0 : i32
        %dma_start3A_2917 = arith.constant 7 : i32
        %dma_start3A_2918 = arith.constant 0 : i32
        %dma_start3A_2919 = tpu.memref_slice %arg11[%dma_start3A_2915, %dma_start3A_2916, %dma_start3A_2918] : memref<8x3x128xi32, #tpu.memory_space<vmem>> -> memref<1x1x128xi32, #tpu.memory_space<vmem>>
        %dma_start3A_2920 = tpu.memref_squeeze %dma_start3A_2919 : memref<1x1x128xi32, #tpu.memory_space<vmem>> -> memref<128xi32, #tpu.memory_space<vmem>>
        %dma_start3A_2921 = arith.constant 0 : i32
        %dma_start3A_2922 = tpu.memref_slice %arg2[%or3A_2907, %dma_start3A_2921] : memref<507904x128xi32, #tpu.memory_space<hbm>> -> memref<1x128xi32, #tpu.memory_space<hbm>>
        %dma_start3A_2923 = tpu.memref_squeeze %dma_start3A_2922 : memref<1x128xi32, #tpu.memory_space<hbm>> -> memref<128xi32, #tpu.memory_space<hbm>>
        %dma_start3A_2924 = tpu.memref_slice %arg14[%dma_start3A_2917] : memref<8x!tpu.dma_semaphore, #tpu.memory_space<semaphore_mem>> -> memref<1x!tpu.dma_semaphore, #tpu.memory_space<semaphore_mem>>
        %dma_start3A_2925 = tpu.memref_squeeze %dma_start3A_2924 : memref<1x!tpu.dma_semaphore, #tpu.memory_space<semaphore_mem>> -> memref<!tpu.dma_semaphore, #tpu.memory_space<semaphore_mem>>
        %dma_start3A_2926 = arith.constant 0 : i32
        %dma_start3A_2927 = tpu.memref_slice %arg11[%dma_start3A_2915, %dma_start3A_2916, %dma_start3A_2926] : memref<8x3x128xi32, #tpu.memory_space<vmem>> -> memref<1x1x128xi32, #tpu.memory_space<vmem>>
        %dma_start3A_2928 = tpu.memref_squeeze %dma_start3A_2927 : memref<1x1x128xi32, #tpu.memory_space<vmem>> -> memref<128xi32, #tpu.memory_space<vmem>>
        %dma_start3A_2929 = arith.constant 0 : i32
        %dma_start3A_2930 = tpu.memref_slice %arg2[%or3A_2907, %dma_start3A_2929] : memref<507904x128xi32, #tpu.memory_space<hbm>> -> memref<1x128xi32, #tpu.memory_space<hbm>>
        %dma_start3A_2931 = tpu.memref_squeeze %dma_start3A_2930 : memref<1x128xi32, #tpu.memory_space<hbm>> -> memref<128xi32, #tpu.memory_space<hbm>>
        tpu.enqueue_dma source(%dma_start3A_2931 : memref<128xi32, #tpu.memory_space<hbm>>) target(%dma_start3A_2928 : memref<128xi32, #tpu.memory_space<vmem>>) target_semaphore(%dma_start3A_2925 : memref<!tpu.dma_semaphore, #tpu.memory_space<semaphore_mem>>)
        %dma_start3A_2932 = arith.constant 7 : i32
        %dma_start3A_2933 = arith.constant 1 : i32
        %dma_start3A_2934 = arith.constant 7 : i32
        %dma_start3A_2935 = arith.constant 0 : i32
        %dma_start3A_2936 = tpu.memref_slice %arg11[%dma_start3A_2932, %dma_start3A_2933, %dma_start3A_2935] : memref<8x3x128xi32, #tpu.memory_space<vmem>> -> memref<1x1x128xi32, #tpu.memory_space<vmem>>
        %dma_start3A_2937 = tpu.memref_squeeze %dma_start3A_2936 : memref<1x1x128xi32, #tpu.memory_space<vmem>> -> memref<128xi32, #tpu.memory_space<vmem>>
        %dma_start3A_2938 = arith.constant 0 : i32
        %dma_start3A_2939 = tpu.memref_slice %arg2[%or3A_2914, %dma_start3A_2938] : memref<507904x128xi32, #tpu.memory_space<hbm>> -> memref<1x128xi32, #tpu.memory_space<hbm>>
        %dma_start3A_2940 = tpu.memref_squeeze %dma_start3A_2939 : memref<1x128xi32, #tpu.memory_space<hbm>> -> memref<128xi32, #tpu.memory_space<hbm>>
        %dma_start3A_2941 = tpu.memref_slice %arg14[%dma_start3A_2934] : memref<8x!tpu.dma_semaphore, #tpu.memory_space<semaphore_mem>> -> memref<1x!tpu.dma_semaphore, #tpu.memory_space<semaphore_mem>>
        %dma_start3A_2942 = tpu.memref_squeeze %dma_start3A_2941 : memref<1x!tpu.dma_semaphore, #tpu.memory_space<semaphore_mem>> -> memref<!tpu.dma_semaphore, #tpu.memory_space<semaphore_mem>>
        %dma_start3A_2943 = arith.constant 0 : i32
        %dma_start3A_2944 = tpu.memref_slice %arg11[%dma_start3A_2932, %dma_start3A_2933, %dma_start3A_2943] : memref<8x3x128xi32, #tpu.memory_space<vmem>> -> memref<1x1x128xi32, #tpu.memory_space<vmem>>
        %dma_start3A_2945 = tpu.memref_squeeze %dma_start3A_2944 : memref<1x1x128xi32, #tpu.memory_space<vmem>> -> memref<128xi32, #tpu.memory_space<vmem>>
        %dma_start3A_2946 = arith.constant 0 : i32
        %dma_start3A_2947 = tpu.memref_slice %arg2[%or3A_2914, %dma_start3A_2946] : memref<507904x128xi32, #tpu.memory_space<hbm>> -> memref<1x128xi32, #tpu.memory_space<hbm>>
        %dma_start3A_2948 = tpu.memref_squeeze %dma_start3A_2947 : memref<1x128xi32, #tpu.memory_space<hbm>> -> memref<128xi32, #tpu.memory_space<hbm>>
        tpu.enqueue_dma source(%dma_start3A_2948 : memref<128xi32, #tpu.memory_space<hbm>>) target(%dma_start3A_2945 : memref<128xi32, #tpu.memory_space<vmem>>) target_semaphore(%dma_start3A_2942 : memref<!tpu.dma_semaphore, #tpu.memory_space<semaphore_mem>>)
      } else {
      }
    }
    %scan3A_424 = arith.constant 64 : i32
    %mul3A_425 = arith.constant 64 : i32
    %mul3A_426 = arith.muli %add3A, %mul3A_425 : i32
    "tpu.region"() ({
      %run_scoped3A = tpu.sem_alloc : memref<!tpu.dma_semaphore, #tpu.memory_space<semaphore_mem>>
      %dma_start3A_427 = arith.constant 0 : i32
      %dma_start3A_428 = tpu.memref_slice %arg7[%mul3A_426, %dma_start3A_427] : memref<2048x128xf32, #tpu.memory_space<hbm>> -> memref<64x128xf32, #tpu.memory_space<hbm>>
      %dma_start3A_429 = arith.constant 0 : i32
      %dma_start3A_430 = tpu.memref_slice %arg7[%mul3A_426, %dma_start3A_429] : memref<2048x128xf32, #tpu.memory_space<hbm>> -> memref<64x128xf32, #tpu.memory_space<hbm>>
      tpu.enqueue_dma source(%arg13 : memref<64x128xf32, #tpu.memory_space<vmem>>) target(%dma_start3A_430 : memref<64x128xf32, #tpu.memory_space<hbm>>) target_semaphore(%run_scoped3A : memref<!tpu.dma_semaphore, #tpu.memory_space<semaphore_mem>>)
      %dma_wait3A = arith.constant 0 : i32
      %dma_wait3A_431 = tpu.memref_slice %arg7[%mul3A_426, %dma_wait3A] : memref<2048x128xf32, #tpu.memory_space<hbm>> -> memref<64x128xf32, #tpu.memory_space<hbm>>
      %dma_wait3A_432 = arith.constant 0 : i32
      %dma_wait3A_433 = tpu.memref_slice %arg7[%mul3A_426, %dma_wait3A_432] : memref<2048x128xf32, #tpu.memory_space<hbm>> -> memref<64x128xf32, #tpu.memory_space<hbm>>
      tpu.wait_dma2 semaphore(%run_scoped3A : memref<!tpu.dma_semaphore, #tpu.memory_space<semaphore_mem>>) src(%arg13 : memref<64x128xf32, #tpu.memory_space<vmem>>) dst(%dma_wait3A_433 : memref<64x128xf32, #tpu.memory_space<hbm>>)
      tpu.yield
    }) : () -> ()
    return
  }
}

module attributes {stable_mosaic.version = 14 : i64} {
  func.func @prep_kernel(%arg0: i32, %arg1: memref<64x16384xf32, #tpu.memory_space<vmem>>, %arg2: memref<64x16384xf32, #tpu.memory_space<vmem>>, %arg3: memref<8192x128xi32, #tpu.memory_space<vmem>>) attributes {dimension_semantics = [#tpu.dimension_semantics<arbitrary>], iteration_bounds = array<i64: 62>, scalar_prefetch = 0 : i64, scratch_operands = 0 : i64, tpu.core_type = #tpu.core_type<tc>, window_params = [{transform_indices = @transform_0, window_bounds = array<i64: 64, 16384>}, {transform_indices = @transform_1, window_bounds = array<i64: 64, 16384>}, {transform_indices = @transform_2, window_bounds = array<i64: 8192, 128>}]} {
    %get3A = arith.constant 0 : index
    %get3A_0 = arith.constant 0 : index
    %get3A_1 = vector.load %arg1[%get3A, %get3A_0] : memref<64x16384xf32, #tpu.memory_space<vmem>>, vector<64x16384xf32>
    %bitcast_convert_type3A = tpu.bitcast %get3A_1 : vector<64x16384xf32> -> vector<64x16384xi32>
    %get3A_2 = arith.constant 0 : index
    %get3A_3 = arith.constant 0 : index
    %get3A_4 = vector.load %arg2[%get3A_2, %get3A_3] : memref<64x16384xf32, #tpu.memory_space<vmem>>, vector<64x16384xf32>
    %bitcast_convert_type3A_5 = tpu.bitcast %get3A_4 : vector<64x16384xf32> -> vector<64x16384xi32>
    %add3A = arith.constant 32768 : i32
    %add3A_6 = vector.broadcast %add3A : i32 to vector<64x16384xi32>
    %add3A_7 = arith.addi %bitcast_convert_type3A_5, %add3A_6 : vector<64x16384xi32>
    %and3A = arith.constant -65536 : i32
    %and3A_8 = vector.broadcast %and3A : i32 to vector<64x16384xi32>
    %and3A_9 = arith.andi %add3A_7, %and3A_8 : vector<64x16384xi32>
    %add3A_10 = arith.constant 32768 : i32
    %add3A_11 = vector.broadcast %add3A_10 : i32 to vector<64x16384xi32>
    %add3A_12 = arith.addi %bitcast_convert_type3A, %add3A_11 : vector<64x16384xi32>
    %shift_right_logical3A = arith.constant 16 : i32
    %shift_right_logical3A_13 = vector.broadcast %shift_right_logical3A : i32 to vector<64x16384xi32>
    %shift_right_logical3A_14 = arith.shrui %add3A_12, %shift_right_logical3A_13 : vector<64x16384xi32>
    %or3A = arith.ori %and3A_9, %shift_right_logical3A_14 : vector<64x16384xi32>
    %slice3A = vector.extract_strided_slice %or3A {offsets = [0, 0], sizes = [64, 8192], strides = [1, 1]} : vector<64x16384xi32> to vector<64x8192xi32>
    %transpose3A = tpu.transpose %slice3A, [1, 0] : vector<64x8192xi32> -> vector<8192x64xi32>
    %slice3A_15 = vector.extract_strided_slice %or3A {offsets = [0, 8192], sizes = [64, 8192], strides = [1, 1]} : vector<64x16384xi32> to vector<64x8192xi32>
    %transpose3A_16 = tpu.transpose %slice3A_15, [1, 0] : vector<64x8192xi32> -> vector<8192x64xi32>
    %concatenate3A = tpu.concatenate %transpose3A, %transpose3A_16 in 1 : vector<8192x64xi32>, vector<8192x64xi32> -> vector<8192x128xi32>
    %swap3A = arith.constant 0 : index
    %swap3A_17 = arith.constant 0 : index
    %swap3A_18 = vector.load %arg3[%swap3A, %swap3A_17] : memref<8192x128xi32, #tpu.memory_space<vmem>>, vector<8192x128xi32>
    tpu.vector_store %arg3[%swap3A, %swap3A_17], %concatenate3A {strides = array<i32>} : memref<8192x128xi32, #tpu.memory_space<vmem>>, vector<8192x128xi32>,
    return
  }
  func.func @transform_0(%arg0: i32) -> (i32, i32) {
    %c0_i32 = arith.constant 0 : i32
    %c0_i32_0 = arith.constant 0 : i32
    return %c0_i32, %arg0 : i32, i32
  }
  func.func @transform_1(%arg0: i32) -> (i32, i32) {
    %c0_i32 = arith.constant 0 : i32
    %c0_i32_0 = arith.constant 0 : i32
    return %c0_i32, %arg0 : i32, i32
  }
  func.func @transform_2(%arg0: i32) -> (i32, i32) {
    %c0_i32 = arith.constant 0 : i32
    %c0_i32_0 = arith.constant 0 : i32
    return %arg0, %c0_i32 : i32, i32
  }
}

module attributes {stable_mosaic.version = 14 : i64} {
  func.func @tc_kernel(%arg0: memref<2048x128xf32, #tpu.memory_space<vmem>>, %arg1: memref<2048x128xf32, #tpu.memory_space<vmem>>, %arg2: memref<1x1xf32, #tpu.memory_space<smem>>) attributes {dimension_semantics = [], scalar_prefetch = 0 : i64, scratch_operands = 0 : i64, tpu.core_type = #tpu.core_type<tc>} {
    %get3A = arith.constant 0 : index
    %get3A_0 = arith.constant 0 : index
    %get3A_1 = vector.load %arg0[%get3A, %get3A_0] : memref<2048x128xf32, #tpu.memory_space<vmem>>, vector<2048x128xf32>
    %get3A_2 = arith.constant 0 : index
    %get3A_3 = arith.constant 0 : index
    %get3A_4 = vector.load %arg1[%get3A_2, %get3A_3] : memref<2048x128xf32, #tpu.memory_space<vmem>>, vector<2048x128xf32>
    %mul3A = arith.mulf %get3A_1, %get3A_4 : vector<2048x128xf32>
    %iota3A = tpu.iota {dimensions = array<i32: 0>} : vector<128x128xi32>
    %iota3A_5 = tpu.iota {dimensions = array<i32: 1>} : vector<128x128xi32>
    %jit3A = arith.constant 16 : i32
    %div3A = vector.broadcast %jit3A : i32 to vector<128x128xi32>
    %div3A_6 = arith.divsi %iota3A, %div3A : vector<128x128xi32>
    %sign3A = arith.constant 0 : i32
    %sign3A_7 = vector.broadcast %sign3A : i32 to vector<128x128xi32>
    %sign3A_8 = arith.cmpi sgt, %iota3A, %sign3A_7 : vector<128x128xi32>
    %sign3A_9 = arith.extui %sign3A_8 : vector<128x128xi1> to vector<128x128xi32>
    %sign3A_10 = arith.constant 0 : i32
    %sign3A_11 = vector.broadcast %sign3A_10 : i32 to vector<128x128xi32>
    %sign3A_12 = arith.cmpi slt, %iota3A, %sign3A_11 : vector<128x128xi32>
    %sign3A_13 = arith.extui %sign3A_12 : vector<128x128xi1> to vector<128x128xi32>
    %sign3A_14 = arith.subi %sign3A_9, %sign3A_13 : vector<128x128xi32>
    %sign3A_15 = arith.constant 0 : i32
    %sign3A_16 = arith.cmpi sgt, %jit3A, %sign3A_15 : i32
    %sign3A_17 = arith.extui %sign3A_16 : i1 to i32
    %sign3A_18 = arith.constant 0 : i32
    %sign3A_19 = arith.cmpi slt, %jit3A, %sign3A_18 : i32
    %sign3A_20 = arith.extui %sign3A_19 : i1 to i32
    %sign3A_21 = arith.subi %sign3A_17, %sign3A_20 : i32
    %ne3A = vector.broadcast %sign3A_21 : i32 to vector<128x128xi32>
    %ne3A_22 = arith.cmpi ne, %sign3A_14, %ne3A : vector<128x128xi32>
    %rem3A = vector.broadcast %jit3A : i32 to vector<128x128xi32>
    %rem3A_23 = arith.remsi %iota3A, %rem3A : vector<128x128xi32>
    %ne3A_24 = arith.constant 0 : i32
    %ne3A_25 = vector.broadcast %ne3A_24 : i32 to vector<128x128xi32>
    %ne3A_26 = arith.cmpi ne, %rem3A_23, %ne3A_25 : vector<128x128xi32>
    %and3A = arith.andi %ne3A_22, %ne3A_26 : vector<128x128xi1>
    %sub3A = arith.constant 1 : i32
    %sub3A_27 = vector.broadcast %sub3A : i32 to vector<128x128xi32>
    %sub3A_28 = arith.subi %div3A_6, %sub3A_27 : vector<128x128xi32>
    %select_n3A = arith.select %and3A, %sub3A_28, %div3A_6 : vector<128x128xi1>, vector<128x128xi32>
    %jit3A_29 = arith.constant 16 : i32
    %div3A_30 = vector.broadcast %jit3A_29 : i32 to vector<128x128xi32>
    %div3A_31 = arith.divsi %iota3A_5, %div3A_30 : vector<128x128xi32>
    %sign3A_32 = arith.constant 0 : i32
    %sign3A_33 = vector.broadcast %sign3A_32 : i32 to vector<128x128xi32>
    %sign3A_34 = arith.cmpi sgt, %iota3A_5, %sign3A_33 : vector<128x128xi32>
    %sign3A_35 = arith.extui %sign3A_34 : vector<128x128xi1> to vector<128x128xi32>
    %sign3A_36 = arith.constant 0 : i32
    %sign3A_37 = vector.broadcast %sign3A_36 : i32 to vector<128x128xi32>
    %sign3A_38 = arith.cmpi slt, %iota3A_5, %sign3A_37 : vector<128x128xi32>
    %sign3A_39 = arith.extui %sign3A_38 : vector<128x128xi1> to vector<128x128xi32>
    %sign3A_40 = arith.subi %sign3A_35, %sign3A_39 : vector<128x128xi32>
    %sign3A_41 = arith.constant 0 : i32
    %sign3A_42 = arith.cmpi sgt, %jit3A_29, %sign3A_41 : i32
    %sign3A_43 = arith.extui %sign3A_42 : i1 to i32
    %sign3A_44 = arith.constant 0 : i32
    %sign3A_45 = arith.cmpi slt, %jit3A_29, %sign3A_44 : i32
    %sign3A_46 = arith.extui %sign3A_45 : i1 to i32
    %sign3A_47 = arith.subi %sign3A_43, %sign3A_46 : i32
    %ne3A_48 = vector.broadcast %sign3A_47 : i32 to vector<128x128xi32>
    %ne3A_49 = arith.cmpi ne, %sign3A_40, %ne3A_48 : vector<128x128xi32>
    %rem3A_50 = vector.broadcast %jit3A_29 : i32 to vector<128x128xi32>
    %rem3A_51 = arith.remsi %iota3A_5, %rem3A_50 : vector<128x128xi32>
    %ne3A_52 = arith.constant 0 : i32
    %ne3A_53 = vector.broadcast %ne3A_52 : i32 to vector<128x128xi32>
    %ne3A_54 = arith.cmpi ne, %rem3A_51, %ne3A_53 : vector<128x128xi32>
    %and3A_55 = arith.andi %ne3A_49, %ne3A_54 : vector<128x128xi1>
    %sub3A_56 = arith.constant 1 : i32
    %sub3A_57 = vector.broadcast %sub3A_56 : i32 to vector<128x128xi32>
    %sub3A_58 = arith.subi %div3A_31, %sub3A_57 : vector<128x128xi32>
    %select_n3A_59 = arith.select %and3A_55, %sub3A_58, %div3A_31 : vector<128x128xi1>, vector<128x128xi32>
    %eq3A = arith.cmpi eq, %select_n3A, %select_n3A_59 : vector<128x128xi32>
    %convert_element_type3A = arith.extui %eq3A : vector<128x128xi1> to vector<128x128xi32>
    %convert_element_type3A_60 = arith.sitofp %convert_element_type3A : vector<128x128xi32> to vector<128x128xf32>
    %dot_general3A = arith.constant dense<0.000000e+00> : vector<2048x128xf32>
    %dot_general3A_61 = tpu.matmul %mul3A, %convert_element_type3A_60, %dot_general3A {dimension_numbers = #tpu.dot_dimension_numbers<[1], [0], [0], [1], [0, 0, 1, 1], [], []>, transpose_lhs_hint = false} : vector<2048x128xf32>, vector<128x128xf32>, vector<2048x128xf32> -> vector<2048x128xf32>
    %max3A = arith.constant 0.000000e+00 : f32
    %max3A_62 = vector.broadcast %max3A : f32 to vector<2048x128xf32>
    %max3A_63 = arith.maximumf %dot_general3A_61, %max3A_62 : vector<2048x128xf32>
    %abs3A = math.absf %dot_general3A_61 : vector<2048x128xf32>
    %neg3A = arith.constant 0.000000e+00 : f32
    %neg3A_64 = vector.broadcast %neg3A : f32 to vector<2048x128xf32>
    %neg3A_65 = arith.subf %neg3A_64, %abs3A : vector<2048x128xf32>
    %exp3A = math.exp %neg3A_65 : vector<2048x128xf32>
    %log1p3A = math.log1p %exp3A : vector<2048x128xf32>
    %add3A = arith.addf %max3A_63, %log1p3A : vector<2048x128xf32>
    %reduce_sum3A = vector.shape_cast %add3A : vector<2048x128xf32> to vector<1x2048x128xf32>
    %reduce_sum3A_66 = arith.constant dense<0.000000e+00> : vector<1xf32>
    %reduce_sum3A_67 = vector.multi_reduction <add>, %reduce_sum3A, %reduce_sum3A_66 [1, 2] : vector<1x2048x128xf32> to vector<1xf32>
    %reduce_sum3A_68 = vector.shape_cast %reduce_sum3A_67 : vector<1xf32> to vector<1x1x1xf32>
    %reduce_sum3A_69 = vector.extract %reduce_sum3A_68[0, 0, 0] : f32 from vector<1x1x1xf32>
    %mul3A_70 = arith.constant 3.81469727E-6 : f32
    %mul3A_71 = arith.mulf %reduce_sum3A_69, %mul3A_70 : f32
    %swap3A = arith.constant 0 : index
    %swap3A_72 = arith.constant 0 : index
    %swap3A_73 = memref.load %arg2[%swap3A, %swap3A_72] : memref<1x1xf32, #tpu.memory_space<smem>>
    memref.store %mul3A_71, %arg2[%swap3A, %swap3A_72] : memref<1x1xf32, #tpu.memory_space<smem>>
    return
  }
}

</mosaic_0001>

<sc_bundles>
// kernel: kernel.5.cloned.1.call-start
scs
__scs_entry_jumppad:
0x0: {  	(pc) =	sbr.rel $0x88, $3  }
0x1: {  	(tag) =	ssettag $0x0;
	lr =	simm.s32 $0x1  }
0x2: {  	[smem:$0x3F99] =	sst lr;
	_ =	strace $0xD0000000  }
0x3: {  	_ = 	snop  }
0x4: {  	_ = 	snop  }
0x5: {  	_ = 	snop  }
0x6: {  	_ = 	snop  }
0x7: {  	_ = 	snop  }
__scs_overlays_trampoline_lowered:
0x8: {  	[smem:$0x3FA8] =	sst s0  }
0x9: {  	[smem:$0x3FA9] =	sst s1  }
0xa: {  	[smem:$0x3FAA] =	sst s2  }
0xb: {  	[smem:$0x3FAB] =	sst s3  }
0xc: {  	[smem:$0x3FAC] =	sst s4  }
0xd: {  	[smem:$0x3FAD] =	sst s5  }
0xe: {  	[smem:$0x3FAE] =	sst s6  }
0xf: {  	[smem:$0x3FAF] =	sst s7  }
0x10: {  	[smem:$0x3FB0] =	sst s8  }
0x11: {  	[smem:$0x3FB1] =	sst s9;
	s0 =	simm.s32 @!p0 $0x0  }
0x12: {  	s1 =	sld [smem:$0x3F97];
	s0 =	simm.s32 @p0 $0x1  }
0x13: {  	[smem:$0x3FB2] =	sst s0;
	s0 =	simm.s32 @!p1 $0x0  }
0x14: {  	s2 =	sld [smem:$0x3F96];
	s0 =	simm.s32 @p1 $0x1  }
0x15: {  	[smem:$0x3FB3] =	sst s0;
	s0 =	simm.s32 @!p2 $0x0  }
0x16: {  	s3 =	sld [smem:$0x3FDB];
	s0 =	simm.s32 @p2 $0x1  }
0x17: {  	s4 =	simm.s32 $0x1BF5;
	[smem:$0x3FB5] =	sst s0  }
0x18: {  	s0 =	sld [smem:$0x3F98];
	_ =	swait.ge [sflag:s4], $0x0  }
0x19: {  	s7 =	sld [smem:$0x3F99]  }
0x1a: {  	s8 =	sadd.s32 $0xFFFFE003, lr  }
0x1b: {  	s9 =	sadd.s32 $0xFFFFFEF7, lr;
	s5 =	simm.s32 $0xFFFFFFFF;
	p2 =	slt.u32 s8, $0xFFFFF086  }
0x1c: {  	p1 =	slt.u32 s9, $0xF7A;
	s5 =	simm.s32 @!p2 $0x0  }
0x1d: {  	s5 =	simm.s32 @p1 $0x1;
	p0 =	seq.s32 s7, s2  }
0x1e: {  	s7 =	smul.u32 @!p0 $0xF7A, s2;
	p2 =	seq.s32 @!p0 s5, $0x0  }
0x1f: {  	s9 =	smul.u32 $0xF7A, s1;
	s8 =	simm.s32 @!p0 $0x1BF5;
	p2 =	por !p2, p0  }
0x20: {  	[sflag:s8] =	ssyncset.s32 @!p0 $0xFFFFF086;
	s6 =	sadd.s32 @!p0 s3, s7;
	s7 =	simm.s32 @!p0 $0x108  }
0x21: {  	s3 =	sadd.s32 s3, s9;
	s6 =	sadd.s32 @!p0 $0x88, s6;
	s7 =	simm.s32 @p2 $0x1082  }
0x22: {  	[simem:s7], [sflag:s8] =	dma.local @!p0 [hbm:s6], $0xF7A  }
0x23: {  	s9 =	sor.u32 $0xD0000000, s2;
	s6 =	simm.s32 $0x108;
	_ =	swait.ge @!p0 [sflag:s8], $0x0  }
0x24: {  	s3 =	sadd.s32 $0x88, s3;
	s6 =	simm.s32 @!p1 $0x1082;
	[sflag:s4] =	ssyncset.s32 $0xFFFFF086  }
0x25: {  	[simem:s6], [sflag:s4] =	dma.local [hbm:s3], $0xF7A  }
0x26: {  	[smem:$0x3F99] =	sst s1;
	(tag) =	ssettag s2;
	_ =	strace s9  }
0x27: {  	s1 =	sld [smem:$0x3FA9]  }
0x28: {  	s2 =	sld [smem:$0x3FAA]  }
0x29: {  	s4 =	sld [smem:$0x3FAC]  }
0x2a: {  	p0 =	seq.s32 s5, $0x0;
	s5 =	sld [smem:$0x3FAD]  }
0x2b: {  	s6 =	sld [smem:$0x3FAE]  }
0x2c: {  	s7 =	sld [smem:$0x3FAF]  }
0x2d: {  	s3 =	simm.s32 $0x108;
	s8 =	sld [smem:$0x3FB0]  }
0x2e: {  	s3 =	simm.s32 @!p0 $0x1082;
	s9 =	sld [smem:$0x3FB1]  }
0x2f: {  	lr =	sadd.s32 s0, s3;
	s0 =	sld [smem:$0x3FA8]  }
0x30: {  	s3 =	sld [smem:$0x3FAB]  }
0x31: {  	[smem:$0x3FB4] =	sst s10  }
0x32: {  	s10 =	sld [smem:$0x3FB2];
	_ =	sdelay $0x3  }
0x33: {  	p0 =	seq.s32 s10, $0x1;
	s10 =	sld [smem:$0x3FB4];
	_ =	sdelay $0x3  }
0x34: {  	[smem:$0x3FB4] =	sst s10  }
0x35: {  	s10 =	sld [smem:$0x3FB3];
	_ =	sdelay $0x3  }
0x36: {  	p1 =	seq.s32 s10, $0x1;
	s10 =	sld [smem:$0x3FB4];
	_ =	sdelay $0x3  }
0x37: {  	[smem:$0x3FB4] =	sst s10  }
0x38: {  	s10 =	sld [smem:$0x3FB5]  }
0x39: {  	_ = 	snop;
	(pc) =	sbr.ind lr, $3  }
0x3a: {  	_ = 	snop  }
0x3b: {  	_ = 	snop  }
0x3c: {  	p2 =	seq.s32 s10, $0x1;
	s10 =	sld [smem:$0x3FB4]  }
0x3d: {  	_ =	shalt  }
0x3e: {  	_ =	shalt  }
0x3f: {  	_ =	shalt  }
0x40: {  	_ =	shalt  }
0x41: {  	_ =	shalt  }
0x42: {  	_ =	shalt  }
0x43: {  	_ =	shalt  }
0x44: {  	_ =	shalt  }
0x45: {  	_ =	shalt  }
0x46: {  	_ =	shalt  }
0x47: {  	_ =	shalt  }
0x48: {  	_ =	shalt  }
0x49: {  	_ =	shalt  }
0x4a: {  	_ =	shalt  }
0x4b: {  	_ =	shalt  }
0x4c: {  	_ =	shalt  }
0x4d: {  	_ =	shalt  }
0x4e: {  	_ =	shalt  }
0x4f: {  	_ =	shalt  }
0x50: {  	_ =	shalt  }
0x51: {  	_ =	shalt  }
0x52: {  	_ =	shalt  }
0x53: {  	_ =	shalt  }
0x54: {  	_ =	shalt  }
0x55: {  	_ =	shalt  }
0x56: {  	_ =	shalt  }
0x57: {  	_ =	shalt  }
0x58: {  	_ =	shalt  }
0x59: {  	_ =	shalt  }
0x5a: {  	_ =	shalt  }
0x5b: {  	_ =	shalt  }
0x5c: {  	_ =	shalt  }
0x5d: {  	_ =	shalt  }
0x5e: {  	_ =	shalt  }
0x5f: {  	_ =	shalt  }
0x60: {  	_ =	shalt  }
0x61: {  	_ =	shalt  }
0x62: {  	_ =	shalt  }
0x63: {  	_ =	shalt  }
0x64: {  	_ =	shalt  }
0x65: {  	_ =	shalt  }
0x66: {  	_ =	shalt  }
0x67: {  	_ =	shalt  }
0x68: {  	_ =	shalt  }
0x69: {  	_ =	shalt  }
0x6a: {  	_ =	shalt  }
0x6b: {  	_ =	shalt  }
0x6c: {  	_ =	shalt  }
0x6d: {  	_ =	shalt  }
0x6e: {  	_ =	shalt  }
0x6f: {  	_ =	shalt  }
0x70: {  	_ =	shalt  }
0x71: {  	_ =	shalt  }
0x72: {  	_ =	shalt  }
0x73: {  	_ =	shalt  }
0x74: {  	_ =	shalt  }
0x75: {  	_ =	shalt  }
0x76: {  	_ =	shalt  }
0x77: {  	_ =	shalt  }
0x78: {  	_ =	shalt  }
0x79: {  	_ =	shalt  }
0x7a: {  	_ =	shalt  }
0x7b: {  	_ =	shalt  }
0x7c: {  	_ =	shalt  }
0x7d: {  	_ =	shalt  }
0x7e: {  	_ =	shalt  }
0x7f: {  	_ =	shalt  }
0x80: {  	_ =	shalt  }
0x81: {  	_ =	shalt  }
0x82: {  	_ =	shalt  }
0x83: {  	_ =	shalt  }
0x84: {  	_ =	shalt  }
0x85: {  	_ =	shalt  }
0x86: {  	_ =	shalt  }
0x87: {  	_ =	shalt  }
.Lfunc_end0:
.L_simem_size_0:
called_computation_lowered:
.L_overlay_start_0:
0x88: {  	s2 =	sld [smem:$0x3FD9]  }
0x89: {  	s3 =	sld [smem:$0x3FFE];
	_ =	sdelay $0x1  }
0x8a: {  	s1 =	srdreg.scid  }
0x8b: {  	s0 =	sand.u32 $0x1, s1  }
0x8c: {  	s17 =	sshll.u32 s0, $0xA;
	s2 =	sadd.s32 s3, s2  }
0x8d: {  	s2 =	sadd.s32 s2, s17  }
0x8e: {  	[smem:$0x3FC0] =	sst s2  }
0x8f: {  	_ = 	snop  }
0x90: {  	s2 =	sld [smem:$0x3FC5]  }
0x91: {  	s18 =	sld [smem:$0x3FC4]  }
0x92: {  	s4 =	sld [smem:$0x3FC3];
	(tm) =	ssettm $0x1  }
0x93: {  	s5 =	sld [smem:$0x3FFB];
	_ =	sdelay $0x3  }
0x94: {  	_ =	strace s5  }
0x95: {  	s5 =	sld [smem:$0x3FFC];
	_ =	sdelay $0x3  }
0x96: {  	_ =	strace s5  }
0x97: {  	s5 =	sld [smem:$0x3FFD];
	_ =	sdelay $0x3  }
0x98: {  	_ =	strace s5  }
0x99: {  	_ =	strace $0x8FFFFFFF  }
0x9a: {  	s19 =	sld [smem:$0x3FDB];
	_ =	sdelay $0x1  }
0x9b: {  	s6 =	simm.s32 $_scs_section_size  }
0x9c: {  	s7 =	simm.s32 $_size__tile_overlayer_lowered;
	s8 =	simm.s32 $_tile_overlayer_lowered  }
0x9d: {  	s22 =	simm.s32 $0x1BFF;
	s21 =	sshll.u32 s8, $0x1;
	s5 =	sadd.s32 s6, s19  }
0x9e: {  	s9 =	simm.s32 $0x0;
	s20 =	sshll.u32 s7, $0x1;
	s7 =	sadd.s32 s21, s5  }
0x9f: {  	[timem:s9], [sflag:s22] =	dma.local [hbm:s7], s20  }
0xa0: {  	_ =	swait.ge [sflag:s22], s20  }
0xa1: {  	s6 =	ssub.s32 $0x0, s20;
	[sflag:s22] =	ssyncset.done $0x0  }
0xa2: {  	[sflag:s22] =	ssyncadd.s32 s6;
	_ =	sdelay $0x1  }
0xa3: {  	s23 =	simm.s32 $0x1B8B  }
0xa4: {  	_ =	swait.ge [sflag:s23], $0x1  }
0xa5: {  	[sflag:s23] =	ssyncset.done $0x0  }
0xa6: {  	s25 =	simm.s32 $0x1B8E;
	s24 =	sld [smem:$0x3FFE];
	[sflag:s23] =	ssyncadd.s32 $0xFFFFFFFF  }
0xa7: {  	s26 =	simm.s32 $execute0_lowered;
	[smem:$0x3FD2] =	sst s25  }
0xa8: {  	s7 =	sshll.u32 s26, $0x1;
	_ =	strace $0x80000046;
	[dreg:$0x1] =	wrdreg $0xFFFFFFFF  }
0xa9: {  	s28 =	simm.s32 $_size_execute0_lowered;
	s5 =	sadd.s32 s5, s7;
	[dreg:$0x0] =	wrdreg $0x0  }
0xaa: {  	s7 =	sshll.u32 s28, $0x1;
	[dreg:$0x2] =	wrdreg s5  }
0xab: {  	[dreg:$0x3] =	wrdreg s7  }
0xac: {  	[dreg:$0x4] =	wrdreg $0xC0  }
0xad: {  	_ =	task [dreg:s9], $0x5FFFF  }
0xae: {  	[dreg:$0x1] =	wrdreg $0xFFFFFFFF  }
0xaf: {  	[dreg:$0x0] =	wrdreg $0x60  }
0xb0: {  	[dreg:$0x2] =	wrdreg s24  }
0xb1: {  	[dreg:$0x3] =	wrdreg s2  }
0xb2: {  	[dreg:$0x4] =	wrdreg s18  }
0xb3: {  	[dreg:$0x5] =	wrdreg s4  }
0xb4: {  	[dreg:$0x6] =	wrdreg $0x9  }
0xb5: {  	_ =	task.clear_ibuf [dreg:s9], $0x7FFFF;
	_ =	strace $0x90000046  }
0xb6: {  	s29 =	simm.s32 $0x9;
	_ =	strace $0x80000048  }
0xb7: {  	_ =	swait.ge [sflag:s29], $0x1  }
0xb8: {  	[sflag:s29] =	ssyncadd.s32 $0xFFFFFFFF  }
0xb9: {  	_ =	strace $0x90000048  }
0xba: {  	_ =	sfence  }
0xbb: {  	s30 =	sld [smem:$0x0];
	_ =	sdelay $0x2  }
0xbc: {  	s31 =	sshll.u32 s1, $0xD;
	s1 =	sshrl.u32 s1, $0x2  }
0xbd: {  	s3 =	sand.u32 $0x4000, s31;
	s1 =	sadd.s32 s1, s30  }
0xbe: {  	s0 =	sor.u32 s3, s0;
	s1 =	sshll.u32 s1, $0x11  }
0xbf: {  	s0 =	sor.u32 s1, s0  }
0xc0: {  	s0 =	sadd.s32 $0x8F2B, s0  }
0xc1: {  	[sflag:s0] =	ssyncadd.remote.s32 $0x1  }
0xc2: {  	_ =	sfence.sel $0xFFFF  }
0xc3: {  	[dreg:$0x0] =	wrdreg $0xFFFFFFFF;
	(pc) =	sbr.abs _section_cstart, $3  }
0xc4: {  	[dreg:$0x1] =	wrdreg $0xFFFFFFFF  }
0xc5: {  	_ =	task.clear_ibuf [dreg:s9], $0x2FFFF;
	_ =	strace $0x9FFFFFFF  }
0xc6: {  	(tm) =	ssettm $0x7FFFFFFF  }
0xc7: {  	_ =	shalt  }
tec
execute0_lowered:
.L_overlay_start_1:
0x0: {  	(tag) =	ssettag $0x1  }
0x1: {  	s0 =	rddreg [dreg:$0x0]  }
0x2: {  	s1 =	rddreg [dreg:$0x1]  }
0x3: {  	s6 =	rddreg [dreg:$0x2]  }
0x4: {  	s7 =	rddreg [dreg:$0x3];
	s2 =	simm.s32 $0x0;
	s3 =	srdreg.scid  }
0x5: {  	s4 =	stileid.u32;
	s10 =	simm.s32 $0x9;
	s24 =	simm.s32 $0x1180  }
0x6: {  	s25 =	simm.s32 $0x1200;
	s28 =	simm.s32 $0x1400;
	s29 =	simm.s32 $0x1580  }
0x7: {  	s30 =	simm.s32 $0x1600;
	s31 =	simm.s32 $0x1;
	s11 =	simm.s32 $0x4  }
0x8: {  	s12 =	simm.s32 $0x5;
	s13 =	simm.s32 $0x6;
	s14 =	simm.s32 $0x7  }
0x9: {  	s15 =	simm.s32 $0x8;
	s16 =	simm.s32 $0x11380;
	s17 =	simm.s32 $0x0  }
0xa: {  	[smem:$0x7FF] =	sst s2;
	s5 =	sand.u32 $0x1, s3;
	s4 =	sshll.u32 s4, $0x1  }
0xb: {  	s3 =	sadd.s32 $0x2800, s0;
	_ =	strace $0x80000047;
	s8 =	sor.u32 s5, s4  }
0xc: {  	s4 =	sadd.s32 $0x800, s0;
	s5 =	ssub.s32 $0x2, s5;
	s9 =	sshll.u32 s8, $0xA  }
0xd: {  	s26 =	sshrl.u32 s5, $0x1;
	s8 =	sshll.u32 s8, $0x6;
	s0 =	sadd.s32 s9, s0  }
0xe: {  	s9 =	ssub.s32 s5, s26;
	s5 =	sadd.s32 s1, s8;
	s6 =	sadd.s32 s6, s8  }
0xf: {  	s7 =	sadd.s32 s7, s8;
	s26 =	simm.s32 $0x1380;
	s1 =	simm.s32 $0x3  }
0x10: {  	s8 =	sadd.s32 $0x7C2800, s0;
	s9 =	smax.u32 s9, $0x1;
	s0 =	simm.s32 $0x2  }
.LBB2_1:
0x11: {  	[tilespmem:s2], [sflag:$0x9] =	stream.linear.gather [hbm4b:s5+s2], $0x200, $0x38;
	[tilespmem:$0x13380] =	vst v63  }
0x12: {  	_ =	swait.ge [sflag:s10], $0x200  }
0x13: {  	[sflag:s10] =	ssyncset.done $0x0  }
0x14: {  	s18 =	simm.s32 $0x280;
	[sflag:s10] =	ssyncadd.s32 $0xFFFFFE00  }
0x15: {  	[tilespmem:s18], [sflag:$0x9] =	stream.linear.gather [hbm4b:s6+s2], $0x200, $0x38;
	[tilespmem:$0x13380] =	vst v63  }
0x16: {  	_ =	swait.ge [sflag:s10], $0x200  }
0x17: {  	[sflag:s10] =	ssyncset.done $0x0  }
0x18: {  	s21 =	simm.s32 $0x500;
	[sflag:s10] =	ssyncadd.s32 $0xFFFFFE00  }
0x19: {  	[tilespmem:s21], [sflag:$0x9] =	stream.linear.gather [hbm4b:s7+s2], $0x200, $0x38;
	[tilespmem:$0x13380] =	vst v63  }
0x1a: {  	_ =	swait.ge [sflag:s10], $0x200  }
0x1b: {  	[sflag:s10] =	ssyncset.done $0x0  }
0x1c: {  	s22 =	simm.s32 $0x1780;
	[sflag:s10] =	ssyncadd.s32 $0xFFFFFE00  }
0x1d: {  	[tilespmem:s22], [sflag:$0x9] =	stream.linear.gather [hbm4b:s4+s2], $0xFA00, $0x38;
	[tilespmem:$0x13380] =	vst v63  }
0x1e: {  	_ =	swait.ge [sflag:s10], $0xFA00  }
0x1f: {  	[sflag:s10] =	ssyncset.done $0x0  }
0x20: {  	[sflag:s10] =	ssyncadd.s32 $0xFFFF0600  }
0x21: {  	v0 =	vld [tilespmem:$0x0];
	_ =	sdelay $0x3  }
0x22: {  	v1 =	vld [tilespmem:$0x280]  }
0x23: {  	(v2sf) =	vpush v0, $0x0;
	_ =	sdelay $0x3  }
0x24: {  	(v2sf) =	vpush v1, $0x0;
	_ =	sdelay $0x4  }
0x25: {  	(v2sf) =	vpush v0, $0x1;
	_ =	sdelay $0x5  }
0x26: {  	s23 =	spop (v2sf)  }
0x27: {  	s19 =	sshrl.u32 s23, $0x1  }
0x28: {  	(v2sf) =	vpush v1, $0x1;
	s18 =	sand.u32 $0x1FFF, s23;
	s19 =	sand.u32 $0x1FFE000, s19  }
0x29: {  	s18 =	sor.u32 s18, s19  }
0x2a: {  	s21 =	spop (v2sf);
	s18 =	sshll.u32 s18, $0x4  }
0x2b: {  	s20 =	simm.s32 $0x780;
	s22 =	sshrl.u32 s21, $0x1;
	s18 =	sadd.s32 s3, s18  }
0x2c: {  	(v2sf) =	vpush v0, $0x2;
	[tilespmem:s20], [sflag:$0x1] =	stream.linear.gather [hbm4b:s18+s2], $0x80, $0x38;
	[tilespmem:$0x13380] =	vst v63  }
0x2d: {  	s19 =	sand.u32 $0x1FFE000, s22;
	s18 =	sand.u32 $0x1FFF, s21  }
0x2e: {  	s18 =	sor.u32 s18, s19  }
0x2f: {  	s20 =	spop (v2sf);
	s18 =	sshll.u32 s18, $0x4  }
0x30: {  	s23 =	simm.s32 $0x800;
	s21 =	sshrl.u32 s20, $0x1;
	s18 =	sadd.s32 s3, s18  }
0x31: {  	(v2sf) =	vpush v1, $0x2;
	[tilespmem:s23], [sflag:$0x1] =	stream.linear.gather [hbm4b:s18+s2], $0x80, $0x38;
	[tilespmem:$0x13380] =	vst v63  }
0x32: {  	s19 =	sand.u32 $0x1FFE000, s21;
	s18 =	sand.u32 $0x1FFF, s20  }
0x33: {  	s18 =	sor.u32 s18, s19  }
0x34: {  	s18 =	sshll.u32 s18, $0x4  }
0x35: {  	s22 =	simm.s32 $0x980;
	s18 =	sadd.s32 s3, s18  }
0x36: {  	[tilespmem:s22], [sflag:$0x2] =	stream.linear.gather [hbm4b:s18+s2], $0x80, $0x38;
	[tilespmem:$0x13380] =	vst v63  }
0x37: {  	s23 =	spop (v2sf)  }
0x38: {  	s20 =	sshrl.u32 s23, $0x1  }
0x39: {  	(v2sf) =	vpush v0, $0x3;
	s18 =	sand.u32 $0x1FFF, s23;
	s19 =	sand.u32 $0x1FFE000, s20  }
0x3a: {  	s18 =	sor.u32 s18, s19  }
0x3b: {  	s22 =	spop (v2sf);
	s18 =	sshll.u32 s18, $0x4  }
0x3c: {  	s21 =	simm.s32 $0xA00;
	s23 =	sshrl.u32 s22, $0x1;
	s18 =	sadd.s32 s3, s18  }
0x3d: {  	(v2sf) =	vpush v1, $0x3;
	[tilespmem:s21], [sflag:$0x2] =	stream.linear.gather [hbm4b:s18+s2], $0x80, $0x38;
	[tilespmem:$0x13380] =	vst v63  }
0x3e: {  	s19 =	sand.u32 $0x1FFE000, s23;
	s18 =	sand.u32 $0x1FFF, s22  }
0x3f: {  	s18 =	sor.u32 s18, s19  }
0x40: {  	s21 =	spop (v2sf);
	s18 =	sshll.u32 s18, $0x4  }
0x41: {  	s20 =	simm.s32 $0xB80;
	s22 =	sshrl.u32 s21, $0x1;
	s18 =	sadd.s32 s3, s18  }
0x42: {  	(v2sf) =	vpush v0, $0x4;
	[tilespmem:s20], [sflag:$0x3] =	stream.linear.gather [hbm4b:s18+s2], $0x80, $0x38;
	[tilespmem:$0x13380] =	vst v63  }
0x43: {  	s19 =	sand.u32 $0x1FFE000, s22;
	s18 =	sand.u32 $0x1FFF, s21  }
0x44: {  	s18 =	sor.u32 s18, s19  }
0x45: {  	s18 =	sshll.u32 s18, $0x4  }
0x46: {  	s23 =	simm.s32 $0xC00;
	s18 =	sadd.s32 s3, s18  }
0x47: {  	[tilespmem:s23], [sflag:$0x3] =	stream.linear.gather [hbm4b:s18+s2], $0x80, $0x38;
	[tilespmem:$0x13380] =	vst v63  }
0x48: {  	s20 =	spop (v2sf)  }
0x49: {  	s21 =	sshrl.u32 s20, $0x1  }
0x4a: {  	(v2sf) =	vpush v1, $0x4;
	s18 =	sand.u32 $0x1FFF, s20;
	s19 =	sand.u32 $0x1FFE000, s21  }
0x4b: {  	s18 =	sor.u32 s18, s19  }
0x4c: {  	s23 =	spop (v2sf);
	s18 =	sshll.u32 s18, $0x4  }
0x4d: {  	s22 =	simm.s32 $0xD80;
	s20 =	sshrl.u32 s23, $0x1;
	s18 =	sadd.s32 s3, s18  }
0x4e: {  	(v2sf) =	vpush v0, $0x5;
	[tilespmem:s22], [sflag:$0x4] =	stream.linear.gather [hbm4b:s18+s2], $0x80, $0x38;
	[tilespmem:$0x13380] =	vst v63  }
0x4f: {  	s19 =	sand.u32 $0x1FFE000, s20;
	s18 =	sand.u32 $0x1FFF, s23  }
0x50: {  	s18 =	sor.u32 s18, s19  }
0x51: {  	s22 =	spop (v2sf);
	s18 =	sshll.u32 s18, $0x4  }
0x52: {  	s21 =	simm.s32 $0xE00;
	s23 =	sshrl.u32 s22, $0x1;
	s18 =	sadd.s32 s3, s18  }
0x53: {  	(v2sf) =	vpush v1, $0x5;
	[tilespmem:s21], [sflag:$0x4] =	stream.linear.gather [hbm4b:s18+s2], $0x80, $0x38;
	[tilespmem:$0x13380] =	vst v63  }
0x54: {  	s19 =	sand.u32 $0x1FFE000, s23;
	s18 =	sand.u32 $0x1FFF, s22  }
0x55: {  	s18 =	sor.u32 s18, s19  }
0x56: {  	s18 =	sshll.u32 s18, $0x4  }
0x57: {  	s20 =	simm.s32 $0xF80;
	s18 =	sadd.s32 s3, s18  }
0x58: {  	[tilespmem:s20], [sflag:$0x5] =	stream.linear.gather [hbm4b:s18+s2], $0x80, $0x38;
	[tilespmem:$0x13380] =	vst v63  }
0x59: {  	s21 =	spop (v2sf)  }
0x5a: {  	s22 =	sshrl.u32 s21, $0x1  }
0x5b: {  	(v2sf) =	vpush v0, $0x6;
	s18 =	sand.u32 $0x1FFF, s21;
	s19 =	sand.u32 $0x1FFE000, s22  }
0x5c: {  	s18 =	sor.u32 s18, s19  }
0x5d: {  	s20 =	spop (v2sf);
	s18 =	sshll.u32 s18, $0x4  }
0x5e: {  	s23 =	simm.s32 $0x1000;
	s21 =	sshrl.u32 s20, $0x1;
	s18 =	sadd.s32 s3, s18  }
0x5f: {  	(v2sf) =	vpush v1, $0x6;
	[tilespmem:s23], [sflag:$0x5] =	stream.linear.gather [hbm4b:s18+s2], $0x80, $0x38;
	[tilespmem:$0x13380] =	vst v63  }
0x60: {  	s19 =	sand.u32 $0x1FFE000, s21;
	s18 =	sand.u32 $0x1FFF, s20  }
0x61: {  	s18 =	sor.u32 s18, s19  }
0x62: {  	s22 =	spop (v2sf);
	s18 =	sshll.u32 s18, $0x4  }
0x63: {  	s23 =	sshrl.u32 s22, $0x1;
	s18 =	sadd.s32 s3, s18  }
0x64: {  	(v2sf) =	vpush v0, $0x7;
	[tilespmem:s24], [sflag:$0x6] =	stream.linear.gather [hbm4b:s18+s2], $0x80, $0x38;
	[tilespmem:$0x13380] =	vst v63  }
0x65: {  	s19 =	sand.u32 $0x1FFE000, s23;
	s18 =	sand.u32 $0x1FFF, s22  }
0x66: {  	s18 =	sor.u32 s18, s19  }
0x67: {  	s18 =	sshll.u32 s18, $0x4  }
0x68: {  	s18 =	sadd.s32 s3, s18  }
0x69: {  	[tilespmem:s25], [sflag:$0x6] =	stream.linear.gather [hbm4b:s18+s2], $0x80, $0x38;
	[tilespmem:$0x13380] =	vst v63  }
0x6a: {  	s20 =	spop (v2sf)  }
0x6b: {  	s21 =	sshrl.u32 s20, $0x1  }
0x6c: {  	(v2sf) =	vpush v1, $0x7;
	s18 =	sand.u32 $0x1FFF, s20;
	s19 =	sand.u32 $0x1FFE000, s21  }
0x6d: {  	s18 =	sor.u32 s18, s19  }
0x6e: {  	s22 =	spop (v2sf);
	s18 =	sshll.u32 s18, $0x4  }
0x6f: {  	s23 =	sshrl.u32 s22, $0x1;
	s18 =	sadd.s32 s3, s18  }
0x70: {  	[tilespmem:s26], [sflag:$0x7] =	stream.linear.gather [hbm4b:s18+s2], $0x80, $0x38;
	[tilespmem:$0x13380] =	vst v63  }
0x71: {  	s19 =	sand.u32 $0x1FFF, s22;
	s18 =	sand.u32 $0x1FFE000, s23  }
0x72: {  	s18 =	sor.u32 s19, s18  }
0x73: {  	s20 =	spop (v2sf);
	s18 =	sshll.u32 s18, $0x4  }
0x74: {  	s21 =	sshrl.u32 s20, $0x1;
	s18 =	sadd.s32 s3, s18  }
0x75: {  	[tilespmem:s28], [sflag:$0x7] =	stream.linear.gather [hbm4b:s18+s2], $0x80, $0x38;
	[tilespmem:$0x13380] =	vst v63  }
0x76: {  	s19 =	sand.u32 $0x1FFF, s20;
	s18 =	sand.u32 $0x1FFE000, s21  }
0x77: {  	s18 =	sor.u32 s19, s18  }
0x78: {  	s18 =	sshll.u32 s18, $0x4  }
0x79: {  	s18 =	sadd.s32 s3, s18  }
0x7a: {  	[tilespmem:s29], [sflag:$0x8] =	stream.linear.gather [hbm4b:s18+s2], $0x80, $0x38;
	[tilespmem:$0x13380] =	vst v63  }
0x7b: {  	s22 =	spop (v2sf)  }
0x7c: {  	s23 =	sshrl.u32 s22, $0x1  }
0x7d: {  	s18 =	sand.u32 $0x1FFF, s22;
	s19 =	sand.u32 $0x1FFE000, s23  }
0x7e: {  	s18 =	sor.u32 s18, s19  }
0x7f: {  	s18 =	sshll.u32 s18, $0x4  }
0x80: {  	s18 =	sadd.s32 s3, s18  }
0x81: {  	[tilespmem:s30], [sflag:$0x8] =	stream.linear.gather [hbm4b:s18+s2], $0x80, $0x38;
	[tilespmem:$0x13380] =	vst v63  }
0x82: {  	s19 =	simm.s32 $0x0;
	s18 =	simm.s32 $0x113C0  }
.LBB2_2:
0x83: {  	s20 =	sshra.s32 s19, $0x2  }
0x84: {  	v1 =	vld [tilespmem:s20+$0x8]  }
0x85: {  	v0 =	vld [tilespmem:s20+$0x288]  }
0x86: {  	v2 =	vld [tilespmem:s20+$0x0]  }
0x87: {  	v3 =	vld [tilespmem:s20+$0x280]  }
0x88: {  	v4 =	vld [tilespmem:s20+$0x500];
	_ =	swait.ge [sflag:s31], $0x80  }
0x89: {  	[sflag:s31] =	ssyncset.done $0x0  }
0x8a: {  	[sflag:s31] =	ssyncadd.s32 $0xFFFFFF80  }
0x8b: {  	_ =	swait.ge [sflag:s31], $0x80  }
0x8c: {  	(v2sf) =	vpush v2, $0x0;
	_ =	sdelay $0x3  }
0x8d: {  	(v2sf) =	vpush v3, $0x0  }
0x8e: {  	(v2sf) =	vpush v4, $0x0;
	_ =	sdelay $0x9  }
0x8f: {  	s22 =	spop (v2sf)  }
0x90: {  	[sflag:s31] =	ssyncset.done $0x0;
	s20 =	sshrl.u32 s22, $0x7  }
0x91: {  	[sflag:s31] =	ssyncadd.s32 $0xFFFFFF80;
	s20 =	sand.u32 $0x40, s20  }
0x92: {  	v5 =	vld [tilespmem:s20+$0x780]  }
0x93: {  	s21 =	spop (v2sf);
	v12 =	vld [tilespmem:s20+$0x790]  }
0x94: {  	s22 =	spop (v2sf);
	v15 =	vld [tilespmem:s20+$0x7A0]  }
0x95: {  	s21 =	sshrl.u32 s21, $0x7;
	s22 =	sshll.u32 s22, $0x6;
	v51 =	vld [tilespmem:s20+$0x7B0]  }
0x96: {  	s21 =	sand.u32 $0x40, s21;
	v6 =	vld [tilespmem:s22+$0x1780]  }
0x97: {  	p0 =	seq.s32 s19, $0x7E0;
	v8 =	vld [tilespmem:s21+$0x800]  }
0x98: {  	(v2sf) =	vpush @!p0 v1, $0x0;
	v13 =	vld [tilespmem:s22+$0x1790]  }
0x99: {  	(v2sf) =	vpush @!p0 v0, $0x0;
	v41 =	vld [tilespmem:s21+$0x810];
	v7 =	vshll.u32 v5, $0x10;
	v5 =	vand.u32 $0xFFFF0000, v5  }
0x9a: {  	v39 =	vshll.u32 v12, $0x10;
	v40 =	vand.u32 $0xFFFF0000, v12;
	v46 =	vshll.u32 v15, $0x10  }
0x9b: {  	v16 =	vld [tilespmem:s22+$0x17A0];
	v48 =	vand.u32 $0xFFFF0000, v15;
	v57 =	vshll.u32 v51, $0x10;
	v59 =	vand.u32 $0xFFFF0000, v51  }
0x9c: {  	v9 =	vshll.u32 v6, $0x10;
	v6 =	vand.u32 $0xFFFF0000, v6;
	v38 =	vshll.u32 v8, $0x10  }
0x9d: {  	v17 =	vld [tilespmem:s22+$0x17B0];
	v42 =	vshll.u32 v13, $0x10;
	v10 =	vmul.f32 v9, v7;
	v11 =	vmul.f32 v6, v5  }
0x9e: {  	v13 =	vand.u32 $0xFFFF0000, v13;
	v8 =	vand.u32 $0xFFFF0000, v8;
	v45 =	vshll.u32 v41, $0x10  }
0x9f: {  	v5 =	vmul.f32 v9, v5;
	v6 =	vmul.f32 v6, v7;
	v10 =	vsub.f32 v10, v11  }
0xa0: {  	v49 =	vshll.u32 v16, $0x10;
	v50 =	vand.u32 $0xFFFF0000, v16;
	v43 =	vmul.f32 v42, v39  }
0xa1: {  	v14 =	vmul.f32 v13, v40;
	v5 =	vadd.f32 v6, v5;
	v10 =	vmul.f32 v38, v10  }
0xa2: {  	v60 =	vshll.u32 v17, $0x10;
	v44 =	vmul.f32 v42, v40;
	v7 =	vmul.f32 v13, v39  }
0xa3: {  	v47 =	vld [tilespmem:s21+$0x820];
	v6 =	vsub.f32 v43, v14;
	v5 =	vmul.f32 v8, v5;
	v10 =	vadd.f32 $0.0e+00, v10  }
0xa4: {  	v52 =	vmul.f32 v49, v46;
	v16 =	vmul.f32 v50, v48;
	v7 =	vadd.f32 v7, v44  }
0xa5: {  	v11 =	vand.u32 $0xFFFF0000, v41;
	v6 =	vmul.f32 v45, v6;
	v5 =	vadd.f32 v10, v5  }
0xa6: {  	v61 =	vand.u32 $0xFFFF0000, v17;
	v54 =	vsub.f32 v52, v16;
	v53 =	vmul.f32 v11, v7  }
0xa7: {  	v58 =	vld [tilespmem:s21+$0x830];
	v8 =	vmul.f32 v50, v46;
	v10 =	vmul.f32 v49, v48;
	v5 =	vadd.f32 v6, v5  }
0xa8: {  	v55 =	vshll.u32 v47, $0x10;
	v62 =	vmul.f32 v60, v57;
	v63 =	vmul.f32 v61, v59  }
0xa9: {  	v6 =	vmul.f32 v55, v54;
	v56 =	vadd.f32 v8, v10;
	v5 =	vadd.f32 v5, v53  }
0xaa: {  	v9 =	vand.u32 $0xFFFF0000, v47;
	v19 =	vmul.f32 v60, v59;
	v18 =	vsub.f32 v62, v63  }
0xab: {  	v8 =	vmul.f32 v61, v57;
	v17 =	vmul.f32 v9, v56;
	v5 =	vadd.f32 v6, v5  }
0xac: {  	v20 =	vshll.u32 v58, $0x10  }
0xad: {  	v21 =	vmul.f32 v20, v18;
	v22 =	vadd.f32 v8, v19;
	v5 =	vadd.f32 v5, v17  }
0xae: {  	v23 =	vand.u32 $0xFFFF0000, v58;
	s20 =	spop @!p0 (v2sf)  }
0xaf: {  	s21 =	sshrl.u32 @!p0 s20, $0x1;
	v24 =	vmul.f32 v23, v22;
	v5 =	vadd.f32 v21, v5  }
0xb0: {  	s20 =	sand.u32 @!p0 $0x1FFF, s20;
	s21 =	sand.u32 @!p0 $0x1FFE000, s21  }
0xb1: {  	s20 =	sor.u32 @!p0 s20, s21;
	v5 =	vadd.f32 v5, v24  }
0xb2: {  	s20 =	sshll.u32 @!p0 s20, $0x4  }
0xb3: {  	s22 =	simm.s32 @!p0 $0x780;
	s21 =	sadd.s32 @!p0 s3, s20;
	s20 =	simm.s32 @!p0 $0x0;
	[tilespmem:s18+$0xFFFFFFC0] =	vst v5  }
0xb4: {  	[tilespmem:s22], [sflag:$0x1] =	stream.linear.gather @!p0 [hbm4b:s21+s20], $0x80, $0x38;
	[tilespmem:$0x13380] =	vst v63  }
0xb5: {  	s21 =	spop @!p0 (v2sf)  }
0xb6: {  	s22 =	sshrl.u32 @!p0 s21, $0x1  }
0xb7: {  	s21 =	sand.u32 @!p0 $0x1FFF, s21;
	s22 =	sand.u32 @!p0 $0x1FFE000, s22  }
0xb8: {  	s21 =	sor.u32 @!p0 s21, s22  }
0xb9: {  	s21 =	sshll.u32 @!p0 s21, $0x4  }
0xba: {  	s22 =	simm.s32 @!p0 $0x800;
	s21 =	sadd.s32 @!p0 s3, s21  }
0xbb: {  	[tilespmem:s22], [sflag:$0x1] =	stream.linear.gather @!p0 [hbm4b:s21+s20], $0x80, $0x38;
	[tilespmem:$0x13380] =	vst v63  }
0xbc: {  	_ =	swait.ge [sflag:s0], $0x80  }
0xbd: {  	[sflag:s0] =	ssyncset.done $0x0  }
0xbe: {  	[sflag:s0] =	ssyncadd.s32 $0xFFFFFF80  }
0xbf: {  	_ =	swait.ge [sflag:s0], $0x80  }
0xc0: {  	(v2sf) =	vpush v2, $0x1;
	_ =	sdelay $0x3  }
0xc1: {  	(v2sf) =	vpush v3, $0x1  }
0xc2: {  	(v2sf) =	vpush v4, $0x1;
	_ =	sdelay $0x9  }
0xc3: {  	s23 =	spop (v2sf)  }
0xc4: {  	[sflag:s0] =	ssyncset.done $0x0;
	s21 =	sshrl.u32 s23, $0x7  }
0xc5: {  	[sflag:s0] =	ssyncadd.s32 $0xFFFFFF80;
	s21 =	sand.u32 $0x40, s21  }
0xc6: {  	v25 =	vld [tilespmem:s21+$0x980]  }
0xc7: {  	s22 =	spop (v2sf);
	v32 =	vld [tilespmem:s21+$0x990]  }
0xc8: {  	s23 =	spop (v2sf);
	v41 =	vld [tilespmem:s21+$0x9A0]  }
0xc9: {  	s22 =	sshrl.u32 s22, $0x7;
	s23 =	sshll.u32 s23, $0x6;
	v50 =	vld [tilespmem:s21+$0x9B0]  }
0xca: {  	s22 =	sand.u32 $0x40, s22;
	v26 =	vld [tilespmem:s23+$0x1780]  }
0xcb: {  	v28 =	vld [tilespmem:s22+$0xA00]  }
0xcc: {  	(v2sf) =	vpush @!p0 v1, $0x1;
	v33 =	vld [tilespmem:s23+$0x1790]  }
0xcd: {  	(v2sf) =	vpush @!p0 v0, $0x1;
	v37 =	vld [tilespmem:s22+$0xA10];
	v27 =	vshll.u32 v25, $0x10;
	v5 =	vand.u32 $0xFFFF0000, v25  }
0xce: {  	v35 =	vshll.u32 v32, $0x10;
	v36 =	vand.u32 $0xFFFF0000, v32;
	v45 =	vshll.u32 v41, $0x10  }
0xcf: {  	v42 =	vld [tilespmem:s23+$0x17A0];
	v47 =	vand.u32 $0xFFFF0000, v41;
	v57 =	vshll.u32 v50, $0x10;
	v59 =	vand.u32 $0xFFFF0000, v50  }
0xd0: {  	v29 =	vshll.u32 v26, $0x10;
	v6 =	vand.u32 $0xFFFF0000, v26;
	v34 =	vshll.u32 v28, $0x10  }
0xd1: {  	v38 =	vshll.u32 v33, $0x10;
	v30 =	vmul.f32 v29, v27;
	v31 =	vmul.f32 v6, v5  }
0xd2: {  	v13 =	vand.u32 $0xFFFF0000, v33;
	v8 =	vand.u32 $0xFFFF0000, v28;
	v44 =	vshll.u32 v37, $0x10  }
0xd3: {  	v5 =	vmul.f32 v29, v5;
	v6 =	vmul.f32 v6, v27;
	v10 =	vsub.f32 v30, v31  }
0xd4: {  	v52 =	vld [tilespmem:s23+$0x17B0];
	v48 =	vshll.u32 v42, $0x10;
	v49 =	vand.u32 $0xFFFF0000, v42;
	v39 =	vmul.f32 v38, v35  }
0xd5: {  	v40 =	vmul.f32 v13, v36;
	v5 =	vadd.f32 v6, v5;
	v10 =	vmul.f32 v34, v10  }
0xd6: {  	v11 =	vand.u32 $0xFFFF0000, v37;
	v43 =	vmul.f32 v38, v36;
	v7 =	vmul.f32 v13, v35  }
0xd7: {  	v46 =	vld [tilespmem:s22+$0xA20];
	v6 =	vsub.f32 v39, v40;
	v5 =	vmul.f32 v8, v5;
	v10 =	vadd.f32 $0.0e+00, v10  }
0xd8: {  	v51 =	vmul.f32 v48, v45;
	v16 =	vmul.f32 v49, v47;
	v7 =	vadd.f32 v7, v43  }
0xd9: {  	v60 =	vshll.u32 v52, $0x10;
	v6 =	vmul.f32 v44, v6;
	v5 =	vadd.f32 v10, v5  }
0xda: {  	v61 =	vand.u32 $0xFFFF0000, v52;
	v54 =	vsub.f32 v51, v16;
	v53 =	vmul.f32 v11, v7  }
0xdb: {  	v58 =	vld [tilespmem:s22+$0xA30];
	v8 =	vmul.f32 v49, v45;
	v10 =	vmul.f32 v48, v47;
	v5 =	vadd.f32 v6, v5  }
0xdc: {  	v55 =	vshll.u32 v46, $0x10;
	v62 =	vmul.f32 v60, v57;
	v63 =	vmul.f32 v61, v59  }
0xdd: {  	v6 =	vmul.f32 v55, v54;
	v56 =	vadd.f32 v8, v10;
	v5 =	vadd.f32 v5, v53  }
0xde: {  	v9 =	vand.u32 $0xFFFF0000, v46;
	v19 =	vmul.f32 v60, v59;
	v18 =	vsub.f32 v62, v63  }
0xdf: {  	v8 =	vmul.f32 v61, v57;
	v17 =	vmul.f32 v9, v56;
	v5 =	vadd.f32 v6, v5  }
0xe0: {  	v20 =	vshll.u32 v58, $0x10  }
0xe1: {  	v21 =	vmul.f32 v20, v18;
	v22 =	vadd.f32 v8, v19;
	v5 =	vadd.f32 v5, v17  }
0xe2: {  	v23 =	vand.u32 $0xFFFF0000, v58;
	s21 =	spop @!p0 (v2sf)  }
0xe3: {  	s22 =	sshrl.u32 @!p0 s21, $0x1;
	v24 =	vmul.f32 v23, v22;
	v5 =	vadd.f32 v21, v5  }
0xe4: {  	s21 =	sand.u32 @!p0 $0x1FFF, s21;
	s22 =	sand.u32 @!p0 $0x1FFE000, s22  }
0xe5: {  	s21 =	sor.u32 @!p0 s21, s22;
	v5 =	vadd.f32 v5, v24  }
0xe6: {  	s21 =	sshll.u32 @!p0 s21, $0x4  }
0xe7: {  	s22 =	simm.s32 @!p0 $0x980;
	s21 =	sadd.s32 @!p0 s3, s21;
	[tilespmem:s18+$0xFFFFFFD0] =	vst v5  }
0xe8: {  	[tilespmem:s22], [sflag:$0x2] =	stream.linear.gather @!p0 [hbm4b:s21+s20], $0x80, $0x38;
	[tilespmem:$0x13380] =	vst v63  }
0xe9: {  	s21 =	spop @!p0 (v2sf)  }
0xea: {  	s22 =	sshrl.u32 @!p0 s21, $0x1  }
0xeb: {  	s21 =	sand.u32 @!p0 $0x1FFF, s21;
	s22 =	sand.u32 @!p0 $0x1FFE000, s22  }
0xec: {  	s21 =	sor.u32 @!p0 s21, s22  }
0xed: {  	s21 =	sshll.u32 @!p0 s21, $0x4  }
0xee: {  	s22 =	simm.s32 @!p0 $0xA00;
	s21 =	sadd.s32 @!p0 s3, s21  }
0xef: {  	[tilespmem:s22], [sflag:$0x2] =	stream.linear.gather @!p0 [hbm4b:s21+s20], $0x80, $0x38;
	[tilespmem:$0x13380] =	vst v63  }
0xf0: {  	_ =	swait.ge [sflag:s1], $0x80  }
0xf1: {  	[sflag:s1] =	ssyncset.done $0x0  }
0xf2: {  	[sflag:s1] =	ssyncadd.s32 $0xFFFFFF80  }
0xf3: {  	_ =	swait.ge [sflag:s1], $0x80  }
0xf4: {  	(v2sf) =	vpush v2, $0x2;
	_ =	sdelay $0x3  }
0xf5: {  	(v2sf) =	vpush v3, $0x2  }
0xf6: {  	(v2sf) =	vpush v4, $0x2;
	_ =	sdelay $0x9  }
0xf7: {  	s22 =	spop (v2sf)  }
0xf8: {  	[sflag:s1] =	ssyncset.done $0x0;
	s21 =	sshrl.u32 s22, $0x7  }
0xf9: {  	[sflag:s1] =	ssyncadd.s32 $0xFFFFFF80;
	s21 =	sand.u32 $0x40, s21  }
0xfa: {  	v25 =	vld [tilespmem:s21+$0xB80]  }
0xfb: {  	s22 =	spop (v2sf);
	v32 =	vld [tilespmem:s21+$0xB90]  }
0xfc: {  	s23 =	spop (v2sf);
	v41 =	vld [tilespmem:s21+$0xBA0]  }
0xfd: {  	s22 =	sshrl.u32 s22, $0x7;
	s23 =	sshll.u32 s23, $0x6;
	v50 =	vld [tilespmem:s21+$0xBB0]  }
0xfe: {  	s22 =	sand.u32 $0x40, s22;
	v26 =	vld [tilespmem:s23+$0x1780]  }
0xff: {  	v28 =	vld [tilespmem:s22+$0xC00]  }
0x100: {  	(v2sf) =	vpush @!p0 v1, $0x2;
	v33 =	vld [tilespmem:s23+$0x1790]  }
0x101: {  	(v2sf) =	vpush @!p0 v0, $0x2;
	v37 =	vld [tilespmem:s22+$0xC10];
	v27 =	vshll.u32 v25, $0x10;
	v5 =	vand.u32 $0xFFFF0000, v25  }
0x102: {  	v35 =	vshll.u32 v32, $0x10;
	v36 =	vand.u32 $0xFFFF0000, v32;
	v45 =	vshll.u32 v41, $0x10  }
0x103: {  	v42 =	vld [tilespmem:s23+$0x17A0];
	v47 =	vand.u32 $0xFFFF0000, v41;
	v57 =	vshll.u32 v50, $0x10;
	v59 =	vand.u32 $0xFFFF0000, v50  }
0x104: {  	v29 =	vshll.u32 v26, $0x10;
	v6 =	vand.u32 $0xFFFF0000, v26;
	v34 =	vshll.u32 v28, $0x10  }
0x105: {  	v38 =	vshll.u32 v33, $0x10;
	v30 =	vmul.f32 v29, v27;
	v31 =	vmul.f32 v6, v5  }
0x106: {  	v13 =	vand.u32 $0xFFFF0000, v33;
	v8 =	vand.u32 $0xFFFF0000, v28;
	v44 =	vshll.u32 v37, $0x10  }
0x107: {  	v5 =	vmul.f32 v29, v5;
	v6 =	vmul.f32 v6, v27;
	v10 =	vsub.f32 v30, v31  }
0x108: {  	v52 =	vld [tilespmem:s23+$0x17B0];
	v48 =	vshll.u32 v42, $0x10;
	v49 =	vand.u32 $0xFFFF0000, v42;
	v39 =	vmul.f32 v38, v35  }
0x109: {  	v40 =	vmul.f32 v13, v36;
	v5 =	vadd.f32 v6, v5;
	v10 =	vmul.f32 v34, v10  }
0x10a: {  	v11 =	vand.u32 $0xFFFF0000, v37;
	v43 =	vmul.f32 v38, v36;
	v7 =	vmul.f32 v13, v35  }
0x10b: {  	v46 =	vld [tilespmem:s22+$0xC20];
	v6 =	vsub.f32 v39, v40;
	v5 =	vmul.f32 v8, v5;
	v10 =	vadd.f32 $0.0e+00, v10  }
0x10c: {  	v51 =	vmul.f32 v48, v45;
	v16 =	vmul.f32 v49, v47;
	v7 =	vadd.f32 v7, v43  }
0x10d: {  	v60 =	vshll.u32 v52, $0x10;
	v6 =	vmul.f32 v44, v6;
	v5 =	vadd.f32 v10, v5  }
0x10e: {  	v61 =	vand.u32 $0xFFFF0000, v52;
	v54 =	vsub.f32 v51, v16;
	v53 =	vmul.f32 v11, v7  }
0x10f: {  	v58 =	vld [tilespmem:s22+$0xC30];
	v8 =	vmul.f32 v49, v45;
	v10 =	vmul.f32 v48, v47;
	v5 =	vadd.f32 v6, v5  }
0x110: {  	v55 =	vshll.u32 v46, $0x10;
	v62 =	vmul.f32 v60, v57;
	v63 =	vmul.f32 v61, v59  }
0x111: {  	v6 =	vmul.f32 v55, v54;
	v56 =	vadd.f32 v8, v10;
	v5 =	vadd.f32 v5, v53  }
0x112: {  	v9 =	vand.u32 $0xFFFF0000, v46;
	v19 =	vmul.f32 v60, v59;
	v18 =	vsub.f32 v62, v63  }
0x113: {  	v8 =	vmul.f32 v61, v57;
	v17 =	vmul.f32 v9, v56;
	v5 =	vadd.f32 v6, v5  }
0x114: {  	v20 =	vshll.u32 v58, $0x10  }
0x115: {  	v21 =	vmul.f32 v20, v18;
	v22 =	vadd.f32 v8, v19;
	v5 =	vadd.f32 v5, v17  }
0x116: {  	v23 =	vand.u32 $0xFFFF0000, v58;
	s21 =	spop @!p0 (v2sf)  }
0x117: {  	s22 =	sshrl.u32 @!p0 s21, $0x1;
	v24 =	vmul.f32 v23, v22;
	v5 =	vadd.f32 v21, v5  }
0x118: {  	s21 =	sand.u32 @!p0 $0x1FFF, s21;
	s22 =	sand.u32 @!p0 $0x1FFE000, s22  }
0x119: {  	s21 =	sor.u32 @!p0 s21, s22;
	v5 =	vadd.f32 v5, v24  }
0x11a: {  	s21 =	sshll.u32 @!p0 s21, $0x4  }
0x11b: {  	s22 =	simm.s32 @!p0 $0xB80;
	s21 =	sadd.s32 @!p0 s3, s21;
	[tilespmem:s18+$0xFFFFFFE0] =	vst v5  }
0x11c: {  	[tilespmem:s22], [sflag:$0x3] =	stream.linear.gather @!p0 [hbm4b:s21+s20], $0x80, $0x38;
	[tilespmem:$0x13380] =	vst v63  }
0x11d: {  	s21 =	spop @!p0 (v2sf)  }
0x11e: {  	s22 =	sshrl.u32 @!p0 s21, $0x1  }
0x11f: {  	s21 =	sand.u32 @!p0 $0x1FFF, s21;
	s22 =	sand.u32 @!p0 $0x1FFE000, s22  }
0x120: {  	s21 =	sor.u32 @!p0 s21, s22  }
0x121: {  	s21 =	sshll.u32 @!p0 s21, $0x4  }
0x122: {  	s22 =	simm.s32 @!p0 $0xC00;
	s21 =	sadd.s32 @!p0 s3, s21  }
0x123: {  	[tilespmem:s22], [sflag:$0x3] =	stream.linear.gather @!p0 [hbm4b:s21+s20], $0x80, $0x38;
	[tilespmem:$0x13380] =	vst v63  }
0x124: {  	_ =	swait.ge [sflag:s11], $0x80  }
0x125: {  	[sflag:s11] =	ssyncset.done $0x0  }
0x126: {  	[sflag:s11] =	ssyncadd.s32 $0xFFFFFF80  }
0x127: {  	_ =	swait.ge [sflag:s11], $0x80  }
0x128: {  	(v2sf) =	vpush v2, $0x3;
	_ =	sdelay $0x3  }
0x129: {  	(v2sf) =	vpush v3, $0x3  }
0x12a: {  	(v2sf) =	vpush v4, $0x3;
	_ =	sdelay $0x9  }
0x12b: {  	s23 =	spop (v2sf)  }
0x12c: {  	[sflag:s11] =	ssyncset.done $0x0;
	s21 =	sshrl.u32 s23, $0x7  }
0x12d: {  	[sflag:s11] =	ssyncadd.s32 $0xFFFFFF80;
	s21 =	sand.u32 $0x40, s21  }
0x12e: {  	v25 =	vld [tilespmem:s21+$0xD80]  }
0x12f: {  	s22 =	spop (v2sf);
	v32 =	vld [tilespmem:s21+$0xD90]  }
0x130: {  	s23 =	spop (v2sf);
	v41 =	vld [tilespmem:s21+$0xDA0]  }
0x131: {  	s22 =	sshrl.u32 s22, $0x7;
	s23 =	sshll.u32 s23, $0x6;
	v50 =	vld [tilespmem:s21+$0xDB0]  }
0x132: {  	s22 =	sand.u32 $0x40, s22;
	v26 =	vld [tilespmem:s23+$0x1780]  }
0x133: {  	v28 =	vld [tilespmem:s22+$0xE00]  }
0x134: {  	(v2sf) =	vpush @!p0 v1, $0x3;
	v33 =	vld [tilespmem:s23+$0x1790]  }
0x135: {  	(v2sf) =	vpush @!p0 v0, $0x3;
	v37 =	vld [tilespmem:s22+$0xE10];
	v27 =	vshll.u32 v25, $0x10;
	v5 =	vand.u32 $0xFFFF0000, v25  }
0x136: {  	v35 =	vshll.u32 v32, $0x10;
	v36 =	vand.u32 $0xFFFF0000, v32;
	v45 =	vshll.u32 v41, $0x10  }
0x137: {  	v42 =	vld [tilespmem:s23+$0x17A0];
	v47 =	vand.u32 $0xFFFF0000, v41;
	v57 =	vshll.u32 v50, $0x10;
	v59 =	vand.u32 $0xFFFF0000, v50  }
0x138: {  	v29 =	vshll.u32 v26, $0x10;
	v6 =	vand.u32 $0xFFFF0000, v26;
	v34 =	vshll.u32 v28, $0x10  }
0x139: {  	v38 =	vshll.u32 v33, $0x10;
	v30 =	vmul.f32 v29, v27;
	v31 =	vmul.f32 v6, v5  }
0x13a: {  	v13 =	vand.u32 $0xFFFF0000, v33;
	v8 =	vand.u32 $0xFFFF0000, v28;
	v44 =	vshll.u32 v37, $0x10  }
0x13b: {  	v5 =	vmul.f32 v29, v5;
	v6 =	vmul.f32 v6, v27;
	v10 =	vsub.f32 v30, v31  }
0x13c: {  	v52 =	vld [tilespmem:s23+$0x17B0];
	v48 =	vshll.u32 v42, $0x10;
	v49 =	vand.u32 $0xFFFF0000, v42;
	v39 =	vmul.f32 v38, v35  }
0x13d: {  	v40 =	vmul.f32 v13, v36;
	v5 =	vadd.f32 v6, v5;
	v10 =	vmul.f32 v34, v10  }
0x13e: {  	v11 =	vand.u32 $0xFFFF0000, v37;
	v43 =	vmul.f32 v38, v36;
	v7 =	vmul.f32 v13, v35  }
0x13f: {  	v46 =	vld [tilespmem:s22+$0xE20];
	v6 =	vsub.f32 v39, v40;
	v5 =	vmul.f32 v8, v5;
	v10 =	vadd.f32 $0.0e+00, v10  }
0x140: {  	v51 =	vmul.f32 v48, v45;
	v16 =	vmul.f32 v49, v47;
	v7 =	vadd.f32 v7, v43  }
0x141: {  	v60 =	vshll.u32 v52, $0x10;
	v6 =	vmul.f32 v44, v6;
	v5 =	vadd.f32 v10, v5  }
0x142: {  	v61 =	vand.u32 $0xFFFF0000, v52;
	v54 =	vsub.f32 v51, v16;
	v53 =	vmul.f32 v11, v7  }
0x143: {  	v58 =	vld [tilespmem:s22+$0xE30];
	v8 =	vmul.f32 v49, v45;
	v10 =	vmul.f32 v48, v47;
	v5 =	vadd.f32 v6, v5  }
0x144: {  	v55 =	vshll.u32 v46, $0x10;
	v62 =	vmul.f32 v60, v57;
	v63 =	vmul.f32 v61, v59  }
0x145: {  	v6 =	vmul.f32 v55, v54;
	v56 =	vadd.f32 v8, v10;
	v5 =	vadd.f32 v5, v53  }
0x146: {  	v9 =	vand.u32 $0xFFFF0000, v46;
	v18 =	vmul.f32 v60, v59;
	v17 =	vsub.f32 v62, v63  }
0x147: {  	v8 =	vmul.f32 v61, v57;
	v16 =	vmul.f32 v9, v56;
	v5 =	vadd.f32 v6, v5  }
0x148: {  	v19 =	vshll.u32 v58, $0x10  }
0x149: {  	v20 =	vmul.f32 v19, v17;
	v21 =	vadd.f32 v8, v18;
	v5 =	vadd.f32 v5, v16  }
0x14a: {  	v22 =	vand.u32 $0xFFFF0000, v58;
	s21 =	spop @!p0 (v2sf)  }
0x14b: {  	s22 =	sshrl.u32 @!p0 s21, $0x1;
	v23 =	vmul.f32 v22, v21;
	v5 =	vadd.f32 v20, v5  }
0x14c: {  	s21 =	sand.u32 @!p0 $0x1FFF, s21;
	s22 =	sand.u32 @!p0 $0x1FFE000, s22  }
0x14d: {  	s21 =	sor.u32 @!p0 s21, s22;
	v5 =	vadd.f32 v5, v23  }
0x14e: {  	s21 =	sshll.u32 @!p0 s21, $0x4  }
0x14f: {  	s22 =	simm.s32 @!p0 $0xD80;
	s21 =	sadd.s32 @!p0 s3, s21;
	[tilespmem:s18+$0xFFFFFFF0] =	vst v5  }
0x150: {  	[tilespmem:s22], [sflag:$0x4] =	stream.linear.gather @!p0 [hbm4b:s21+s20], $0x80, $0x38;
	[tilespmem:$0x13380] =	vst v63  }
0x151: {  	s21 =	spop @!p0 (v2sf)  }
0x152: {  	s22 =	sshrl.u32 @!p0 s21, $0x1  }
0x153: {  	s21 =	sand.u32 @!p0 $0x1FFF, s21;
	s22 =	sand.u32 @!p0 $0x1FFE000, s22  }
0x154: {  	s21 =	sor.u32 @!p0 s21, s22  }
0x155: {  	s21 =	sshll.u32 @!p0 s21, $0x4  }
0x156: {  	s22 =	simm.s32 @!p0 $0xE00;
	s21 =	sadd.s32 @!p0 s3, s21  }
0x157: {  	[tilespmem:s22], [sflag:$0x4] =	stream.linear.gather @!p0 [hbm4b:s21+s20], $0x80, $0x38;
	[tilespmem:$0x13380] =	vst v63  }
0x158: {  	_ =	swait.ge [sflag:s12], $0x80  }
0x159: {  	[sflag:s12] =	ssyncset.done $0x0  }
0x15a: {  	[sflag:s12] =	ssyncadd.s32 $0xFFFFFF80  }
0x15b: {  	_ =	swait.ge [sflag:s12], $0x80  }
0x15c: {  	(v2sf) =	vpush v2, $0x4;
	_ =	sdelay $0x3  }
0x15d: {  	(v2sf) =	vpush v3, $0x4  }
0x15e: {  	(v2sf) =	vpush v4, $0x4;
	_ =	sdelay $0x9  }
0x15f: {  	s22 =	spop (v2sf)  }
0x160: {  	[sflag:s12] =	ssyncset.done $0x0;
	s21 =	sshrl.u32 s22, $0x7  }
0x161: {  	[sflag:s12] =	ssyncadd.s32 $0xFFFFFF80;
	s21 =	sand.u32 $0x40, s21  }
0x162: {  	v24 =	vld [tilespmem:s21+$0xF80]  }
0x163: {  	s22 =	spop (v2sf);
	v31 =	vld [tilespmem:s21+$0xF90]  }
0x164: {  	s23 =	spop (v2sf);
	v40 =	vld [tilespmem:s21+$0xFA0]  }
0x165: {  	s22 =	sshrl.u32 s22, $0x7;
	s23 =	sshll.u32 s23, $0x6;
	v49 =	vld [tilespmem:s21+$0xFB0]  }
0x166: {  	s22 =	sand.u32 $0x40, s22;
	v25 =	vld [tilespmem:s23+$0x1780]  }
0x167: {  	v27 =	vld [tilespmem:s22+$0x1000]  }
0x168: {  	(v2sf) =	vpush @!p0 v1, $0x4;
	v32 =	vld [tilespmem:s23+$0x1790]  }
0x169: {  	(v2sf) =	vpush @!p0 v0, $0x4;
	v36 =	vld [tilespmem:s22+$0x1010];
	v26 =	vshll.u32 v24, $0x10;
	v5 =	vand.u32 $0xFFFF0000, v24  }
0x16a: {  	v34 =	vshll.u32 v31, $0x10;
	v35 =	vand.u32 $0xFFFF0000, v31;
	v44 =	vshll.u32 v40, $0x10  }
0x16b: {  	v41 =	vld [tilespmem:s23+$0x17A0];
	v46 =	vand.u32 $0xFFFF0000, v40;
	v56 =	vshll.u32 v49, $0x10;
	v58 =	vand.u32 $0xFFFF0000, v49  }
0x16c: {  	v28 =	vshll.u32 v25, $0x10;
	v6 =	vand.u32 $0xFFFF0000, v25;
	v33 =	vshll.u32 v27, $0x10  }
0x16d: {  	v37 =	vshll.u32 v32, $0x10;
	v29 =	vmul.f32 v28, v26;
	v30 =	vmul.f32 v6, v5  }
0x16e: {  	v13 =	vand.u32 $0xFFFF0000, v32;
	v8 =	vand.u32 $0xFFFF0000, v27;
	v43 =	vshll.u32 v36, $0x10  }
0x16f: {  	v5 =	vmul.f32 v28, v5;
	v6 =	vmul.f32 v6, v26;
	v10 =	vsub.f32 v29, v30  }
0x170: {  	v51 =	vld [tilespmem:s23+$0x17B0];
	v47 =	vshll.u32 v41, $0x10;
	v48 =	vand.u32 $0xFFFF0000, v41;
	v38 =	vmul.f32 v37, v34  }
0x171: {  	v39 =	vmul.f32 v13, v35;
	v5 =	vadd.f32 v6, v5;
	v10 =	vmul.f32 v33, v10  }
0x172: {  	v11 =	vand.u32 $0xFFFF0000, v36;
	v42 =	vmul.f32 v37, v35;
	v7 =	vmul.f32 v13, v34  }
0x173: {  	v45 =	vld [tilespmem:s22+$0x1020];
	v6 =	vsub.f32 v38, v39;
	v5 =	vmul.f32 v8, v5;
	v10 =	vadd.f32 $0.0e+00, v10  }
0x174: {  	v50 =	vmul.f32 v47, v44;
	v16 =	vmul.f32 v48, v46;
	v7 =	vadd.f32 v7, v42  }
0x175: {  	v59 =	vshll.u32 v51, $0x10;
	v6 =	vmul.f32 v43, v6;
	v5 =	vadd.f32 v10, v5  }
0x176: {  	v60 =	vand.u32 $0xFFFF0000, v51;
	v53 =	vsub.f32 v50, v16;
	v52 =	vmul.f32 v11, v7  }
0x177: {  	v57 =	vld [tilespmem:s22+$0x1030];
	v8 =	vmul.f32 v48, v44;
	v10 =	vmul.f32 v47, v46;
	v5 =	vadd.f32 v6, v5  }
0x178: {  	v54 =	vshll.u32 v45, $0x10;
	v61 =	vmul.f32 v59, v56;
	v62 =	vmul.f32 v60, v58  }
0x179: {  	v6 =	vmul.f32 v54, v53;
	v55 =	vadd.f32 v8, v10;
	v5 =	vadd.f32 v5, v52  }
0x17a: {  	v9 =	vand.u32 $0xFFFF0000, v45;
	v17 =	vmul.f32 v59, v58;
	v16 =	vsub.f32 v61, v62  }
0x17b: {  	v8 =	vmul.f32 v60, v56;
	v63 =	vmul.f32 v9, v55;
	v5 =	vadd.f32 v6, v5  }
0x17c: {  	v18 =	vshll.u32 v57, $0x10  }
0x17d: {  	v19 =	vmul.f32 v18, v16;
	v20 =	vadd.f32 v8, v17;
	v5 =	vadd.f32 v5, v63  }
0x17e: {  	v21 =	vand.u32 $0xFFFF0000, v57;
	s21 =	spop @!p0 (v2sf)  }
0x17f: {  	s22 =	sshrl.u32 @!p0 s21, $0x1;
	v22 =	vmul.f32 v21, v20;
	v5 =	vadd.f32 v19, v5  }
0x180: {  	s21 =	sand.u32 @!p0 $0x1FFF, s21;
	s22 =	sand.u32 @!p0 $0x1FFE000, s22  }
0x181: {  	s21 =	sor.u32 @!p0 s21, s22;
	v5 =	vadd.f32 v5, v22  }
0x182: {  	s21 =	sshll.u32 @!p0 s21, $0x4  }
0x183: {  	s22 =	simm.s32 @!p0 $0xF80;
	s21 =	sadd.s32 @!p0 s3, s21;
	[tilespmem:s18+$0x0] =	vst v5  }
0x184: {  	[tilespmem:s22], [sflag:$0x5] =	stream.linear.gather @!p0 [hbm4b:s21+s20], $0x80, $0x38;
	[tilespmem:$0x13380] =	vst v63  }
0x185: {  	s21 =	spop @!p0 (v2sf)  }
0x186: {  	s22 =	sshrl.u32 @!p0 s21, $0x1  }
0x187: {  	s21 =	sand.u32 @!p0 $0x1FFF, s21;
	s22 =	sand.u32 @!p0 $0x1FFE000, s22  }
0x188: {  	s21 =	sor.u32 @!p0 s21, s22  }
0x189: {  	s21 =	sshll.u32 @!p0 s21, $0x4  }
0x18a: {  	s22 =	simm.s32 @!p0 $0x1000;
	s21 =	sadd.s32 @!p0 s3, s21  }
0x18b: {  	[tilespmem:s22], [sflag:$0x5] =	stream.linear.gather @!p0 [hbm4b:s21+s20], $0x80, $0x38;
	[tilespmem:$0x13380] =	vst v63  }
0x18c: {  	_ =	swait.ge [sflag:s13], $0x80  }
0x18d: {  	[sflag:s13] =	ssyncset.done $0x0  }
0x18e: {  	[sflag:s13] =	ssyncadd.s32 $0xFFFFFF80  }
0x18f: {  	_ =	swait.ge [sflag:s13], $0x80  }
0x190: {  	(v2sf) =	vpush v2, $0x5;
	_ =	sdelay $0x3  }
0x191: {  	(v2sf) =	vpush v3, $0x5  }
0x192: {  	(v2sf) =	vpush v4, $0x5;
	_ =	sdelay $0x9  }
0x193: {  	s23 =	spop (v2sf)  }
0x194: {  	[sflag:s13] =	ssyncset.done $0x0;
	s21 =	sshrl.u32 s23, $0x7  }
0x195: {  	[sflag:s13] =	ssyncadd.s32 $0xFFFFFF80;
	s21 =	sand.u32 $0x40, s21  }
0x196: {  	v23 =	vld [tilespmem:s21+$0x1180]  }
0x197: {  	s22 =	spop (v2sf);
	v30 =	vld [tilespmem:s21+$0x1190]  }
0x198: {  	s23 =	spop (v2sf);
	v39 =	vld [tilespmem:s21+$0x11A0]  }
0x199: {  	s22 =	sshrl.u32 s22, $0x7;
	s23 =	sshll.u32 s23, $0x6;
	v48 =	vld [tilespmem:s21+$0x11B0]  }
0x19a: {  	s22 =	sand.u32 $0x40, s22;
	v24 =	vld [tilespmem:s23+$0x1780]  }
0x19b: {  	v26 =	vld [tilespmem:s22+$0x1200]  }
0x19c: {  	(v2sf) =	vpush @!p0 v1, $0x5;
	v31 =	vld [tilespmem:s23+$0x1790]  }
0x19d: {  	(v2sf) =	vpush @!p0 v0, $0x5;
	v35 =	vld [tilespmem:s22+$0x1210];
	v25 =	vshll.u32 v23, $0x10;
	v5 =	vand.u32 $0xFFFF0000, v23  }
0x19e: {  	v33 =	vshll.u32 v30, $0x10;
	v34 =	vand.u32 $0xFFFF0000, v30;
	v43 =	vshll.u32 v39, $0x10  }
0x19f: {  	v40 =	vld [tilespmem:s23+$0x17A0];
	v45 =	vand.u32 $0xFFFF0000, v39;
	v55 =	vshll.u32 v48, $0x10;
	v57 =	vand.u32 $0xFFFF0000, v48  }
0x1a0: {  	v27 =	vshll.u32 v24, $0x10;
	v6 =	vand.u32 $0xFFFF0000, v24;
	v32 =	vshll.u32 v26, $0x10  }
0x1a1: {  	v36 =	vshll.u32 v31, $0x10;
	v28 =	vmul.f32 v27, v25;
	v29 =	vmul.f32 v6, v5  }
0x1a2: {  	v13 =	vand.u32 $0xFFFF0000, v31;
	v8 =	vand.u32 $0xFFFF0000, v26;
	v42 =	vshll.u32 v35, $0x10  }
0x1a3: {  	v5 =	vmul.f32 v27, v5;
	v6 =	vmul.f32 v6, v25;
	v10 =	vsub.f32 v28, v29  }
0x1a4: {  	v50 =	vld [tilespmem:s23+$0x17B0];
	v46 =	vshll.u32 v40, $0x10;
	v47 =	vand.u32 $0xFFFF0000, v40;
	v37 =	vmul.f32 v36, v33  }
0x1a5: {  	v38 =	vmul.f32 v13, v34;
	v5 =	vadd.f32 v6, v5;
	v10 =	vmul.f32 v32, v10  }
0x1a6: {  	v11 =	vand.u32 $0xFFFF0000, v35;
	v41 =	vmul.f32 v36, v34;
	v7 =	vmul.f32 v13, v33  }
0x1a7: {  	v44 =	vld [tilespmem:s22+$0x1220];
	v6 =	vsub.f32 v37, v38;
	v5 =	vmul.f32 v8, v5;
	v10 =	vadd.f32 $0.0e+00, v10  }
0x1a8: {  	v49 =	vmul.f32 v46, v43;
	v16 =	vmul.f32 v47, v45;
	v7 =	vadd.f32 v7, v41  }
0x1a9: {  	v58 =	vshll.u32 v50, $0x10;
	v6 =	vmul.f32 v42, v6;
	v5 =	vadd.f32 v10, v5  }
0x1aa: {  	v59 =	vand.u32 $0xFFFF0000, v50;
	v52 =	vsub.f32 v49, v16;
	v51 =	vmul.f32 v11, v7  }
0x1ab: {  	v56 =	vld [tilespmem:s22+$0x1230];
	v8 =	vmul.f32 v47, v43;
	v10 =	vmul.f32 v46, v45;
	v5 =	vadd.f32 v6, v5  }
0x1ac: {  	v53 =	vshll.u32 v44, $0x10;
	v60 =	vmul.f32 v58, v55;
	v61 =	vmul.f32 v59, v57  }
0x1ad: {  	v6 =	vmul.f32 v53, v52;
	v54 =	vadd.f32 v8, v10;
	v5 =	vadd.f32 v5, v51  }
0x1ae: {  	v9 =	vand.u32 $0xFFFF0000, v44;
	v14 =	vmul.f32 v58, v57;
	v63 =	vsub.f32 v60, v61  }
0x1af: {  	v8 =	vmul.f32 v59, v55;
	v62 =	vmul.f32 v9, v54;
	v5 =	vadd.f32 v6, v5  }
0x1b0: {  	v15 =	vshll.u32 v56, $0x10  }
0x1b1: {  	v16 =	vmul.f32 v15, v63;
	v17 =	vadd.f32 v8, v14;
	v5 =	vadd.f32 v5, v62  }
0x1b2: {  	v18 =	vand.u32 $0xFFFF0000, v56;
	s21 =	spop @!p0 (v2sf)  }
0x1b3: {  	s22 =	sshrl.u32 @!p0 s21, $0x1;
	v19 =	vmul.f32 v18, v17;
	v5 =	vadd.f32 v16, v5  }
0x1b4: {  	s21 =	sand.u32 @!p0 $0x1FFF, s21;
	s22 =	sand.u32 @!p0 $0x1FFE000, s22  }
0x1b5: {  	s21 =	sor.u32 @!p0 s21, s22;
	v5 =	vadd.f32 v5, v19  }
0x1b6: {  	s21 =	sshll.u32 @!p0 s21, $0x4  }
0x1b7: {  	s22 =	simm.s32 @!p0 $0x1180;
	s21 =	sadd.s32 @!p0 s3, s21;
	[tilespmem:s18+$0x10] =	vst v5  }
0x1b8: {  	[tilespmem:s22], [sflag:$0x6] =	stream.linear.gather @!p0 [hbm4b:s21+s20], $0x80, $0x38;
	[tilespmem:$0x13380] =	vst v63  }
0x1b9: {  	s21 =	spop @!p0 (v2sf)  }
0x1ba: {  	s22 =	sshrl.u32 @!p0 s21, $0x1  }
0x1bb: {  	s21 =	sand.u32 @!p0 $0x1FFF, s21;
	s22 =	sand.u32 @!p0 $0x1FFE000, s22  }
0x1bc: {  	s21 =	sor.u32 @!p0 s21, s22  }
0x1bd: {  	s21 =	sshll.u32 @!p0 s21, $0x4  }
0x1be: {  	s22 =	simm.s32 @!p0 $0x1200;
	s21 =	sadd.s32 @!p0 s3, s21  }
0x1bf: {  	[tilespmem:s22], [sflag:$0x6] =	stream.linear.gather @!p0 [hbm4b:s21+s20], $0x80, $0x38;
	[tilespmem:$0x13380] =	vst v63  }
0x1c0: {  	_ =	swait.ge [sflag:s14], $0x80  }
0x1c1: {  	[sflag:s14] =	ssyncset.done $0x0  }
0x1c2: {  	[sflag:s14] =	ssyncadd.s32 $0xFFFFFF80  }
0x1c3: {  	_ =	swait.ge [sflag:s14], $0x80  }
0x1c4: {  	(v2sf) =	vpush v2, $0x6;
	_ =	sdelay $0x3  }
0x1c5: {  	(v2sf) =	vpush v3, $0x6  }
0x1c6: {  	(v2sf) =	vpush v4, $0x6;
	_ =	sdelay $0x9  }
0x1c7: {  	s22 =	spop (v2sf)  }
0x1c8: {  	[sflag:s14] =	ssyncset.done $0x0;
	s21 =	sshrl.u32 s22, $0x7  }
0x1c9: {  	[sflag:s14] =	ssyncadd.s32 $0xFFFFFF80;
	s21 =	sand.u32 $0x40, s21  }
0x1ca: {  	v20 =	vld [tilespmem:s21+$0x1380]  }
0x1cb: {  	s22 =	spop (v2sf);
	v27 =	vld [tilespmem:s21+$0x1390]  }
0x1cc: {  	s23 =	spop (v2sf);
	v36 =	vld [tilespmem:s21+$0x13A0]  }
0x1cd: {  	s22 =	sshrl.u32 s22, $0x7;
	s23 =	sshll.u32 s23, $0x6;
	v45 =	vld [tilespmem:s21+$0x13B0]  }
0x1ce: {  	s22 =	sand.u32 $0x40, s22;
	v21 =	vld [tilespmem:s23+$0x1780]  }
0x1cf: {  	v23 =	vld [tilespmem:s22+$0x1400]  }
0x1d0: {  	(v2sf) =	vpush @!p0 v1, $0x6;
	v28 =	vld [tilespmem:s23+$0x1790]  }
0x1d1: {  	(v2sf) =	vpush @!p0 v0, $0x6;
	v32 =	vld [tilespmem:s22+$0x1410];
	v22 =	vshll.u32 v20, $0x10;
	v5 =	vand.u32 $0xFFFF0000, v20  }
0x1d2: {  	v30 =	vshll.u32 v27, $0x10;
	v31 =	vand.u32 $0xFFFF0000, v27;
	v40 =	vshll.u32 v36, $0x10  }
0x1d3: {  	v37 =	vld [tilespmem:s23+$0x17A0];
	v42 =	vand.u32 $0xFFFF0000, v36;
	v52 =	vshll.u32 v45, $0x10;
	v54 =	vand.u32 $0xFFFF0000, v45  }
0x1d4: {  	v24 =	vshll.u32 v21, $0x10;
	v6 =	vand.u32 $0xFFFF0000, v21;
	v29 =	vshll.u32 v23, $0x10  }
0x1d5: {  	v33 =	vshll.u32 v28, $0x10;
	v25 =	vmul.f32 v24, v22;
	v26 =	vmul.f32 v6, v5  }
0x1d6: {  	v13 =	vand.u32 $0xFFFF0000, v28;
	v8 =	vand.u32 $0xFFFF0000, v23;
	v39 =	vshll.u32 v32, $0x10  }
0x1d7: {  	v5 =	vmul.f32 v24, v5;
	v6 =	vmul.f32 v6, v22;
	v10 =	vsub.f32 v25, v26  }
0x1d8: {  	v47 =	vld [tilespmem:s23+$0x17B0];
	v43 =	vshll.u32 v37, $0x10;
	v44 =	vand.u32 $0xFFFF0000, v37;
	v34 =	vmul.f32 v33, v30  }
0x1d9: {  	v35 =	vmul.f32 v13, v31;
	v5 =	vadd.f32 v6, v5;
	v10 =	vmul.f32 v29, v10  }
0x1da: {  	v11 =	vand.u32 $0xFFFF0000, v32;
	v38 =	vmul.f32 v33, v31;
	v7 =	vmul.f32 v13, v30  }
0x1db: {  	v41 =	vld [tilespmem:s22+$0x1420];
	v6 =	vsub.f32 v34, v35;
	v5 =	vmul.f32 v8, v5;
	v10 =	vadd.f32 $0.0e+00, v10  }
0x1dc: {  	v46 =	vmul.f32 v43, v40;
	v16 =	vmul.f32 v44, v42;
	v7 =	vadd.f32 v7, v38  }
0x1dd: {  	v55 =	vshll.u32 v47, $0x10;
	v6 =	vmul.f32 v39, v6;
	v5 =	vadd.f32 v10, v5  }
0x1de: {  	v56 =	vand.u32 $0xFFFF0000, v47;
	v49 =	vsub.f32 v46, v16;
	v48 =	vmul.f32 v11, v7  }
0x1df: {  	v53 =	vld [tilespmem:s22+$0x1430];
	v8 =	vmul.f32 v44, v40;
	v10 =	vmul.f32 v43, v42;
	v5 =	vadd.f32 v6, v5  }
0x1e0: {  	v50 =	vshll.u32 v41, $0x10;
	v57 =	vmul.f32 v55, v52;
	v58 =	vmul.f32 v56, v54  }
0x1e1: {  	v6 =	vmul.f32 v50, v49;
	v51 =	vadd.f32 v8, v10;
	v5 =	vadd.f32 v5, v48  }
0x1e2: {  	v9 =	vand.u32 $0xFFFF0000, v41;
	v61 =	vmul.f32 v55, v54;
	v60 =	vsub.f32 v57, v58  }
0x1e3: {  	v8 =	vmul.f32 v56, v52;
	v59 =	vmul.f32 v9, v51;
	v5 =	vadd.f32 v6, v5  }
0x1e4: {  	v62 =	vshll.u32 v53, $0x10  }
0x1e5: {  	v63 =	vmul.f32 v62, v60;
	v12 =	vadd.f32 v8, v61;
	v5 =	vadd.f32 v5, v59  }
0x1e6: {  	v13 =	vand.u32 $0xFFFF0000, v53;
	s21 =	spop @!p0 (v2sf)  }
0x1e7: {  	s22 =	sshrl.u32 @!p0 s21, $0x1;
	v14 =	vmul.f32 v13, v12;
	v5 =	vadd.f32 v63, v5  }
0x1e8: {  	s21 =	sand.u32 @!p0 $0x1FFF, s21;
	s22 =	sand.u32 @!p0 $0x1FFE000, s22  }
0x1e9: {  	s21 =	sor.u32 @!p0 s21, s22;
	v5 =	vadd.f32 v5, v14  }
0x1ea: {  	s21 =	sshll.u32 @!p0 s21, $0x4  }
0x1eb: {  	s22 =	simm.s32 @!p0 $0x1380;
	s21 =	sadd.s32 @!p0 s3, s21;
	[tilespmem:s18+$0x20] =	vst v5  }
0x1ec: {  	[tilespmem:s22], [sflag:$0x7] =	stream.linear.gather @!p0 [hbm4b:s21+s20], $0x80, $0x38;
	[tilespmem:$0x13380] =	vst v63  }
0x1ed: {  	s21 =	spop @!p0 (v2sf)  }
0x1ee: {  	s22 =	sshrl.u32 @!p0 s21, $0x1  }
0x1ef: {  	s21 =	sand.u32 @!p0 $0x1FFF, s21;
	s22 =	sand.u32 @!p0 $0x1FFE000, s22  }
0x1f0: {  	s21 =	sor.u32 @!p0 s21, s22  }
0x1f1: {  	s21 =	sshll.u32 @!p0 s21, $0x4  }
0x1f2: {  	s22 =	simm.s32 @!p0 $0x1400;
	s21 =	sadd.s32 @!p0 s3, s21  }
0x1f3: {  	[tilespmem:s22], [sflag:$0x7] =	stream.linear.gather @!p0 [hbm4b:s21+s20], $0x80, $0x38;
	[tilespmem:$0x13380] =	vst v63  }
0x1f4: {  	_ =	swait.ge [sflag:s15], $0x80  }
0x1f5: {  	[sflag:s15] =	ssyncset.done $0x0  }
0x1f6: {  	[sflag:s15] =	ssyncadd.s32 $0xFFFFFF80  }
0x1f7: {  	_ =	swait.ge [sflag:s15], $0x80  }
0x1f8: {  	(v2sf) =	vpush v2, $0x7;
	_ =	sdelay $0x3  }
0x1f9: {  	(v2sf) =	vpush v3, $0x7  }
0x1fa: {  	(v2sf) =	vpush v4, $0x7;
	_ =	sdelay $0x9  }
0x1fb: {  	s23 =	spop (v2sf)  }
0x1fc: {  	[sflag:s15] =	ssyncset.done $0x0;
	s21 =	sshrl.u32 s23, $0x7  }
0x1fd: {  	[sflag:s15] =	ssyncadd.s32 $0xFFFFFF80;
	s21 =	sand.u32 $0x40, s21  }
0x1fe: {  	v15 =	vld [tilespmem:s21+$0x1580]  }
0x1ff: {  	s22 =	spop (v2sf);
	v22 =	vld [tilespmem:s21+$0x1590]  }
0x200: {  	s23 =	spop (v2sf);
	v31 =	vld [tilespmem:s21+$0x15A0]  }
0x201: {  	s22 =	sshrl.u32 s22, $0x7;
	s23 =	sshll.u32 s23, $0x6;
	v42 =	vld [tilespmem:s21+$0x15B0]  }
0x202: {  	s22 =	sand.u32 $0x40, s22;
	v16 =	vld [tilespmem:s23+$0x1780]  }
0x203: {  	v18 =	vld [tilespmem:s22+$0x1600]  }
0x204: {  	(v2sf) =	vpush @!p0 v1, $0x7;
	v23 =	vld [tilespmem:s23+$0x1790]  }
0x205: {  	(v2sf) =	vpush @!p0 v0, $0x7;
	v27 =	vld [tilespmem:s22+$0x1610];
	v17 =	vshll.u32 v15, $0x10;
	v2 =	vand.u32 $0xFFFF0000, v15  }
0x206: {  	v25 =	vshll.u32 v22, $0x10;
	v26 =	vand.u32 $0xFFFF0000, v22;
	v37 =	vshll.u32 v31, $0x10  }
0x207: {  	v32 =	vld [tilespmem:s23+$0x17A0];
	v39 =	vand.u32 $0xFFFF0000, v31;
	v50 =	vshll.u32 v42, $0x10;
	v52 =	vand.u32 $0xFFFF0000, v42  }
0x208: {  	v19 =	vshll.u32 v16, $0x10;
	v3 =	vand.u32 $0xFFFF0000, v16;
	v24 =	vshll.u32 v18, $0x10  }
0x209: {  	v28 =	vshll.u32 v23, $0x10;
	v20 =	vmul.f32 v19, v17;
	v21 =	vmul.f32 v3, v2  }
0x20a: {  	v10 =	vand.u32 $0xFFFF0000, v23;
	v5 =	vand.u32 $0xFFFF0000, v18;
	v35 =	vshll.u32 v27, $0x10  }
0x20b: {  	v44 =	vld [tilespmem:s23+$0x17B0];
	v2 =	vmul.f32 v19, v2;
	v3 =	vmul.f32 v3, v17;
	v7 =	vsub.f32 v20, v21  }
0x20c: {  	v40 =	vshll.u32 v32, $0x10;
	v41 =	vand.u32 $0xFFFF0000, v32;
	v29 =	vmul.f32 v28, v25  }
0x20d: {  	v30 =	vmul.f32 v10, v26;
	v2 =	vadd.f32 v3, v2;
	v7 =	vmul.f32 v24, v7  }
0x20e: {  	v8 =	vand.u32 $0xFFFF0000, v27;
	v33 =	vmul.f32 v28, v26;
	v4 =	vmul.f32 v10, v25  }
0x20f: {  	v38 =	vld [tilespmem:s22+$0x1620];
	v3 =	vsub.f32 v29, v30;
	v2 =	vmul.f32 v5, v2;
	v7 =	vadd.f32 $0.0e+00, v7  }
0x210: {  	v53 =	vshll.u32 v44, $0x10;
	v43 =	vmul.f32 v40, v37;
	v12 =	vmul.f32 v41, v39  }
0x211: {  	v36 =	vadd.f32 v4, v33;
	v34 =	vadd.f32 v7, v2;
	v2 =	vmul.f32 v35, v3  }
0x212: {  	v54 =	vand.u32 $0xFFFF0000, v44;
	v6 =	vmul.f32 v40, v39;
	v46 =	vsub.f32 v43, v12  }
0x213: {  	v51 =	vld [tilespmem:s22+$0x1630];
	v4 =	vmul.f32 v41, v37;
	v45 =	vmul.f32 v8, v36;
	v1 =	vadd.f32 v2, v34  }
0x214: {  	v47 =	vshll.u32 v38, $0x10;
	v55 =	vmul.f32 v53, v50;
	v10 =	vmul.f32 v54, v52  }
0x215: {  	v48 =	vmul.f32 v47, v46;
	v49 =	vadd.f32 v4, v6;
	v1 =	vadd.f32 v1, v45  }
0x216: {  	v58 =	vmul.f32 v53, v52;
	v57 =	vsub.f32 v55, v10;
	v5 =	vand.u32 $0xFFFF0000, v38  }
0x217: {  	v56 =	vmul.f32 v5, v49;
	v3 =	vmul.f32 v54, v50;
	v0 =	vadd.f32 v48, v1  }
0x218: {  	v59 =	vshll.u32 v51, $0x10  }
0x219: {  	v60 =	vmul.f32 v59, v57;
	v61 =	vadd.f32 v3, v58;
	v0 =	vadd.f32 v0, v56  }
0x21a: {  	v62 =	vand.u32 $0xFFFF0000, v51;
	s21 =	spop @!p0 (v2sf)  }
0x21b: {  	s22 =	sshrl.u32 @!p0 s21, $0x1;
	v63 =	vmul.f32 v62, v61;
	v0 =	vadd.f32 v60, v0  }
0x21c: {  	s21 =	sand.u32 @!p0 $0x1FFF, s21;
	s22 =	sand.u32 @!p0 $0x1FFE000, s22  }
0x21d: {  	s21 =	sor.u32 @!p0 s21, s22;
	v0 =	vadd.f32 v0, v63  }
0x21e: {  	s21 =	sshll.u32 @!p0 s21, $0x4  }
0x21f: {  	s19 =	sadd.s32 @!p0 $0x20, s19;
	s22 =	simm.s32 @!p0 $0x1580;
	s21 =	sadd.s32 @!p0 s3, s21;
	[tilespmem:s18+$0x30] =	vst v0  }
0x220: {  	[tilespmem:s22], [sflag:$0x8] =	stream.linear.gather @!p0 [hbm4b:s21+s20], $0x80, $0x38;
	[tilespmem:$0x13380] =	vst v63  }
0x221: {  	p1 =	sne.s32 @!p0 s19, $0x800;
	s21 =	spop @!p0 (v2sf)  }
0x222: {  	p1 =	por p0, !p1;
	s22 =	sshrl.u32 @!p0 s21, $0x1  }
.Ltmp0:
0x223: {  	s21 =	sand.u32 @!p0 $0x1FFF, s21;
	s22 =	sand.u32 @!p0 $0x1FFE000, s22;
	(pc) =	sbr.rel @!p1 .LBB2_2-.Ltmp0, $4  }
0x224: {  	s21 =	sor.u32 @!p0 s21, s22  }
0x225: {  	s21 =	sshll.u32 @!p0 s21, $0x4  }
0x226: {  	s18 =	sadd.s32 @!p0 $0x80, s18;
	s22 =	simm.s32 @!p0 $0x1600;
	s21 =	sadd.s32 @!p0 s3, s21  }
0x227: {  	[tilespmem:s22], [sflag:$0x8] =	stream.linear.gather @!p0 [hbm4b:s21+s20], $0x80, $0x38;
	[tilespmem:$0x13380] =	vst v63  }
0x228: {  	s17 =	sadd.s32 $0x1, s17  }
0x229: {  	p0 =	sne.s32 s17, s9  }
.Ltmp1:
0x22a: {  	_ = 	snop;
	(pc) =	sbr.rel @p0 .LBB2_1-.Ltmp1, $4  }
0x22b: {  	[hbm4b:s8+s2] =	stream.linear.scatter [tilespmem:s16], [sflag:$0x9], $0x2000, $0x38;
	[tilespmem:$0x13380] =	vst v63  }
0x22c: {  	_ =	swait.ge [sflag:s10], $0x2000  }
0x22d: {  	[sflag:s10] =	ssyncset.done $0x0  }
0x22e: {  	[sflag:s10] =	ssyncadd.s32 $0xFFFFE000  }
0x22f: {  	_ =	sfence.sel $0x180000  }
0x230: {  	[bflag:$0x0] =	sbarrier.arrive $0xFFFF  }
0x231: {  	_ =	strace $0x90000047  }
0x232: {  	s0 =	stileid.u32;
	[bflag:$0x2] =	sbarrier.arrive $0xFFFF  }
0x233: {  	p0 =	sne.s32 s0, $0x0;
	s0 =	rddreg [dreg:$0x4]  }
0x234: {  	s0 =	sadd.s32 @!p0 $0x100000, s0  }
0x235: {  	[sflag:s0] =	ssyncadd.tile.s32 @!p0 $0x1;
	_ =	shalt  }
.Lfunc_end2:
_tile_overlayer_lowered:
.L_overlay_start_2:
0x236: {  	(tag) =	ssettag $0x2  }
0x237: {  	s0 =	rddreg [dreg:$0x0];
	s2 =	stileid.u32  }
0x238: {  	s1 =	rddreg [dreg:$0x1];
	p0 =	sne.s32 s2, $0x0  }
0x239: {  	s3 =	rddreg [dreg:$0x2];
	[bflag:$0x3] =	sbarrier.arrive $0xFFFF;
	s2 =	simm.s32 @!p0 $0x1C09  }
0x23a: {  	[timem:s3], [sflag:s2] =	dma.local @!p0 [hbm:s0], s1  }
0x23b: {  	s0 =	simm.s32 @!p0 $0x9  }
0x23c: {  	_ =	swait.ge @!p0 [sflag:s0], s1  }
0x23d: {  	s1 =	ssub.s32 @!p0 $0x0, s1;
	[sflag:s0] =	ssyncset.done @!p0 $0x0  }
0x23e: {  	[sflag:s0] =	ssyncadd.s32 @!p0 s1  }
0x23f: {  	[bflag:$0x3] =	sbarrier.arrive $0xFFFF  }
0x240: {  	_ =	shalt  }

</sc_bundles>
